<compile_context>
chip_gen: v7x
topology: tpu7x:2x2x1
jax: 0.10.2.dev20260603
libtpu: 0.0.44.dev20260713+nightly
codegen_flags: <defaults>
</compile_context>

<pallas_src>
import jax
import jax.numpy as jnp
from jax import lax
from jax.experimental import pallas as pl
from jax.experimental.pallas import tpu as pltpu
from jax.experimental.pallas import tpu_sc as plsc

N_NODES = 50000
N_PAD = 50176
N_EDGES = 800000
D_FEAT = 64
DC = 16
NUM_CHUNKS = D_FEAT // DC
NUM_SUBCORES = 16
EDGES_PER_TILE = N_EDGES // NUM_SUBCORES
B = 80
NUM_BATCHES = EDGES_PER_TILE // B
ZROWS = 392
ROWS_PER_TILE = N_PAD // NUM_SUBCORES
NZ = ROWS_PER_TILE // ZROWS


def _sc_spmm_kernel(ebs_cat, rows_hbm, cols_hbm, vl_hbm, vli_hbm, out_hbm,
                    cols_v, rows_v, vl_v, vli_v, g_v, staged, zero_v,
                    acc, sem):
    c = lax.axis_index("c")
    s = lax.axis_index("s")
    row_base = s * ROWS_PER_TILE

    z16 = jnp.zeros((16,), jnp.float32)

    def zbody(i, carry):
        zero_v[i, pl.ds(0, 16)] = z16
        zero_v[i, pl.ds(16, 16)] = z16
        return carry
    lax.fori_loop(0, ZROWS, zbody, 0)

    for j in range(2):
        k = 2 * c + j

        def zero_body(i, carry):
            pltpu.sync_copy(zero_v, acc.at[pl.ds(row_base + i * ZROWS, ZROWS)])
            return carry
        lax.fori_loop(0, NZ, zero_body, 0)
        plsc.subcore_barrier()

        col_off = k * N_NODES

        def batch_body(b, carry):
            eb = s * EDGES_PER_TILE + b * B
            pltpu.sync_copy(cols_hbm.at[pl.ds(eb, B)], cols_v)
            pltpu.sync_copy(rows_hbm.at[pl.ds(eb, B)], rows_v)
            pltpu.sync_copy(vl_hbm.at[pl.ds(eb, B)], vl_v)
            pltpu.sync_copy(vli_hbm.at[pl.ds(eb, B)], vli_v)
            for t in range(B // 16):
                cols_v[pl.ds(t * 16, 16)] = cols_v[pl.ds(t * 16, 16)] + col_off
            pltpu.async_copy(ebs_cat.at[cols_v], g_v, sem).wait()
            for e in range(B):
                idx16 = jnp.full((16,), e, jnp.int32)
                bvli = plsc.load_gather(vli_v, [idx16])
                bvl = plsc.load_gather(vl_v, [idx16])
                g = g_v[e, :]
                staged[e, pl.ds(0, 16)] = bvli * g
                staged[e, pl.ds(16, 16)] = bvl * g
            pltpu.sync_copy(staged, acc.at[rows_v], add=True)
            return carry
        lax.fori_loop(0, NUM_BATCHES, batch_body, 0)
        plsc.subcore_barrier()

        def dump_body(i, carry):
            r0 = row_base + i * ZROWS
            pltpu.sync_copy(acc.at[pl.ds(r0, ZROWS)],
                            out_hbm.at[k, pl.ds(r0, ZROWS)])
            return carry
        lax.fori_loop(0, NZ, dump_body, 0)
        plsc.subcore_barrier()


def _sc_spmm(ebs_cat, rows, cols, vals_L, vals_LI):
    mesh = plsc.VectorSubcoreMesh(core_axis_name="c", subcore_axis_name="s")
    f = pl.kernel(
        _sc_spmm_kernel,
        out_type=jax.ShapeDtypeStruct((NUM_CHUNKS, N_PAD, 2 * DC),
                                      jnp.float32),
        mesh=mesh,
        compiler_params=pltpu.CompilerParams(
            needs_layout_passes=False, use_tc_tiling_on_sc=False),
        scratch_types=[
            pltpu.VMEM((B,), jnp.int32),
            pltpu.VMEM((B,), jnp.int32),
            pltpu.VMEM((B,), jnp.float32),
            pltpu.VMEM((B,), jnp.float32),
            pltpu.VMEM((B, DC), jnp.float32),
            pltpu.VMEM((B, 2 * DC), jnp.float32),
            pltpu.VMEM((ZROWS, 2 * DC), jnp.float32),
            pltpu.VMEM_SHARED((N_PAD, 2 * DC), jnp.float32),
            pltpu.SemaphoreType.DMA,
        ],
    )
    return f(ebs_cat, rows, cols, vals_L, vals_LI)


def _combine_kernel(planes_ref, ent_ref, ws_ref, wd_ref, out_ref):
    p = planes_ref[...]
    li = jnp.concatenate([p[i, :, 0:DC] for i in range(NUM_CHUNKS)], axis=1)
    l_ = jnp.concatenate([p[i, :, DC:2 * DC] for i in range(NUM_CHUNKS)],
                         axis=1)
    acc = jnp.dot(li, ws_ref[...], preferred_element_type=jnp.float32)
    acc += jnp.dot(l_ * ent_ref[...], wd_ref[...],
                   preferred_element_type=jnp.float32)
    out_ref[...] = jnp.where(acc >= 0, acc, 0.2 * acc)


def _combine_tc(planes, entity_ebs, W_side, W_dot):
    BN = 400
    grid = (N_NODES // BN,)
    return pl.pallas_call(
        _combine_kernel,
        grid=grid,
        in_specs=[
            pl.BlockSpec((NUM_CHUNKS, BN, 2 * DC), lambda i: (0, i, 0)),
            pl.BlockSpec((BN, D_FEAT), lambda i: (i, 0)),
            pl.BlockSpec((D_FEAT, D_FEAT), lambda i: (0, 0)),
            pl.BlockSpec((D_FEAT, D_FEAT), lambda i: (0, 0)),
        ],
        out_specs=pl.BlockSpec((BN, D_FEAT), lambda i: (i, 0)),
        out_shape=jax.ShapeDtypeStruct((N_NODES, D_FEAT), jnp.float32),
    )(planes, entity_ebs, W_side, W_dot)


@jax.jit
def kernel(ebs, entity_ebs, vals_L, vals_LI, W_side, W_dot, edge_index):
    rows = edge_index[0]
    cols = edge_index[1]
    ebs_cat = jnp.concatenate(
        [ebs[:, k * DC:(k + 1) * DC] for k in range(NUM_CHUNKS)], axis=0)
    planes = _sc_spmm(ebs_cat, rows, cols, vals_L, vals_LI)
    return _combine_tc(planes, entity_ebs, W_side, W_dot)

# --- scband reference (transcript-rebuilt; emitter-appended) ---
"""Pipeline reference for scband-cluster-model-7121055776890 (READ-ONLY COPY).

The authoritative reference and input builder live on the scoring server;
editing this copy changes nothing except your own understanding.
"""

import jax, jax.numpy as jnp
import numpy as np

N = 50000
E = 800000
D = 64


def _spmm(rows, cols, vals, x, n):
    # sparse (n x n) @ dense (n x d) via gather + segment-sum scatter-add
    msgs = vals[:, None] * jnp.take(x, cols, axis=0)
    return jax.ops.segment_sum(msgs, rows, num_segments=n)


def setup_inputs(seed: int = 0):
    key = jax.random.key(seed)
    ks = jax.random.split(key, 7)
    ebs = jax.random.normal(ks[0], (N, D), dtype=jnp.float32)
    entity_ebs = jax.random.normal(ks[1], (N, D), dtype=jnp.float32)
    vals_L = jax.random.uniform(ks[2], (E,), dtype=jnp.float32)
    vals_LI = jax.random.uniform(ks[3], (E,), dtype=jnp.float32)
    W_side = jax.random.normal(ks[4], (D, D), dtype=jnp.float32) * 0.05
    W_dot = jax.random.normal(ks[5], (D, D), dtype=jnp.float32) * 0.05
    edge_index = jax.random.randint(ks[6], (2, E), 0, N, dtype=jnp.int32)
    return {
        "ebs": ebs,
        "entity_ebs": entity_ebs,
        "vals_L": vals_L,
        "vals_LI": vals_LI,
        "W_side": W_side,
        "W_dot": W_dot,
        "edge_index": edge_index,
    }


def reference(ebs, entity_ebs, vals_L, vals_LI, W_side, W_dot, edge_index):
    # Faithful translation of ClusterModel.__build_weight_graph:
    #   LI_side_embed = sparse(LI) @ ebs
    #   L_side_embed  = sparse(L)  @ ebs
    #   sum_embed = LI_side_embed @ W_side
    #   dot_embed = (L_side_embed * entity_ebs) @ W_dot
    #   out = leaky_relu(sum_embed + dot_embed)   (tf default alpha=0.2)
    rows = edge_index[0]
    cols = edge_index[1]
    n = ebs.shape[0]
    LI_side_embed = _spmm(rows, cols, vals_LI, ebs, n)
    L_side_embed = _spmm(rows, cols, vals_L, ebs, n)
    sum_embed = LI_side_embed @ W_side
    dot_embed = (L_side_embed * entity_ebs) @ W_dot
    return jax.nn.leaky_relu(sum_embed + dot_embed, negative_slope=0.2)

if __name__ == "__main__":
    import jax
    _d = setup_inputs()
    print(jax.jit(kernel)(*tuple(_d.values())))

</pallas_src>

<mosaic_0001>
#map = affine_map<(d0, d1) -> (0, 0)>
#map1 = affine_map<(d0, d1) -> (0)>
#map2 = affine_map<(d0, d1) -> (0, 0, 0)>
module attributes {stable_mosaic.version = 14 : i64} {
  func.func @_sc_spmm_kernel(%arg0: i32, %arg1: i32, %arg2: memref<200000x16xf32, #tpu.memory_space<hbm>>, %arg3: memref<800000xi32, #tpu.memory_space<hbm>>, %arg4: memref<800000xi32, #tpu.memory_space<hbm>>, %arg5: memref<800000xf32, #tpu.memory_space<hbm>>, %arg6: memref<800000xf32, #tpu.memory_space<hbm>>, %arg7: memref<4x50176x32xf32, #tpu.memory_space<hbm>>, %arg8: memref<80xi32, #tpu.memory_space<vmem>>, %arg9: memref<80xi32, #tpu.memory_space<vmem>>, %arg10: memref<80xf32, #tpu.memory_space<vmem>>, %arg11: memref<80xf32, #tpu.memory_space<vmem>>, %arg12: memref<80x16xf32, #tpu.memory_space<vmem>>, %arg13: memref<80x32xf32, #tpu.memory_space<vmem>>, %arg14: memref<392x32xf32, #tpu.memory_space<vmem>>, %arg15: memref<50176x32xf32, #tpu.memory_space<vmem_shared>>, %arg16: memref<!tpu.dma_semaphore, #tpu.memory_space<semaphore_mem>>) attributes {dimension_semantics = [#tpu.dimension_semantics<core_parallel>, #tpu.dimension_semantics<subcore_parallel>], iteration_bounds = array<i64: 2, 16>, scalar_prefetch = 0 : i64, scratch_operands = 9 : i64, tpu.core_type = #tpu.core_type<sc_vector_subcore>, window_params = [{transform_indices = #map}, {transform_indices = #map1}, {transform_indices = #map1}, {transform_indices = #map1}, {transform_indices = #map1}, {transform_indices = #map2}]} {
    %mul3A = arith.constant 3136 : i32
    %mul3A_0 = arith.muli %arg1, %mul3A : i32
    %broadcast_in_dim3A = arith.constant 0.000000e+00 : f32
    %broadcast_in_dim3A_1 = vector.broadcast %broadcast_in_dim3A : f32 to vector<16xf32>
    %scan3A = arith.constant 0 : i32
    %scan3A_2 = arith.constant 0 : i32
    %scan3A_3 = arith.constant 392 : i32
    %scan3A_4 = arith.addi %scan3A_2, %scan3A_3 : i32
    %scan3A_5 = arith.constant 1 : i32
    scf.for %scan3A_59 = %scan3A_2 to %scan3A_4 step %scan3A_5  : i32 {
      %swap3A = arith.index_cast %scan3A_59 : i32 to index
      %swap3A_60 = arith.constant 0 : index
      %swap3A_61 = tpu.vector_load %arg14[%swap3A, %swap3A_60] {strides = array<i32>} : memref<392x32xf32, #tpu.memory_space<vmem>>, vector<16xf32>,
      tpu.vector_store %arg14[%swap3A, %swap3A_60], %broadcast_in_dim3A_1 {strides = array<i32>} : memref<392x32xf32, #tpu.memory_space<vmem>>, vector<16xf32>,
      %swap3A_62 = arith.index_cast %scan3A_59 : i32 to index
      %swap3A_63 = arith.constant 16 : index
      %swap3A_64 = tpu.vector_load %arg14[%swap3A_62, %swap3A_63] {strides = array<i32>} : memref<392x32xf32, #tpu.memory_space<vmem>>, vector<16xf32>,
      tpu.vector_store %arg14[%swap3A_62, %swap3A_63], %broadcast_in_dim3A_1 {strides = array<i32>} : memref<392x32xf32, #tpu.memory_space<vmem>>, vector<16xf32>,
    }
    %scan3A_6 = arith.constant 392 : i32
    %mul3A_7 = arith.constant 2 : i32
    %mul3A_8 = arith.muli %mul3A_7, %arg0 : i32
    %add3A = arith.constant 0 : i32
    %add3A_9 = arith.addi %mul3A_8, %add3A : i32
    %scan3A_10 = arith.constant 0 : i32
    %scan3A_11 = arith.constant 0 : i32
    %scan3A_12 = arith.constant 8 : i32
    %scan3A_13 = arith.addi %scan3A_11, %scan3A_12 : i32
    %scan3A_14 = arith.constant 1 : i32
    scf.for %scan3A_59 = %scan3A_11 to %scan3A_13 step %scan3A_14  : i32 {
      %mul3A_60 = arith.constant 392 : i32
      %mul3A_61 = arith.muli %scan3A_59, %mul3A_60 : i32
      %add3A_62 = arith.addi %mul3A_0, %mul3A_61 : i32
      "tpu.region"() ({
        %run_scoped3A = tpu.sem_alloc : memref<!tpu.dma_semaphore, #tpu.memory_space<semaphore_mem>>
        %dma_start3A = arith.constant 0 : i32
        %dma_start3A_63 = tpu.memref_slice %arg15[%add3A_62, %dma_start3A] : memref<50176x32xf32, #tpu.memory_space<vmem_shared>> -> memref<392x32xf32, #tpu.memory_space<vmem_shared>>
        %dma_start3A_64 = arith.constant 0 : i32
        %dma_start3A_65 = tpu.memref_slice %arg15[%add3A_62, %dma_start3A_64] : memref<50176x32xf32, #tpu.memory_space<vmem_shared>> -> memref<392x32xf32, #tpu.memory_space<vmem_shared>>
        tpu.enqueue_dma source(%arg14 : memref<392x32xf32, #tpu.memory_space<vmem>>) target(%dma_start3A_65 : memref<392x32xf32, #tpu.memory_space<vmem_shared>>) target_semaphore(%run_scoped3A : memref<!tpu.dma_semaphore, #tpu.memory_space<semaphore_mem>>)
        %dma_wait3A = arith.constant 0 : i32
        %dma_wait3A_66 = tpu.memref_slice %arg15[%add3A_62, %dma_wait3A] : memref<50176x32xf32, #tpu.memory_space<vmem_shared>> -> memref<392x32xf32, #tpu.memory_space<vmem_shared>>
        %dma_wait3A_67 = arith.constant 0 : i32
        %dma_wait3A_68 = tpu.memref_slice %arg15[%add3A_62, %dma_wait3A_67] : memref<50176x32xf32, #tpu.memory_space<vmem_shared>> -> memref<392x32xf32, #tpu.memory_space<vmem_shared>>
        tpu.wait_dma2 semaphore(%run_scoped3A : memref<!tpu.dma_semaphore, #tpu.memory_space<semaphore_mem>>) src(%arg14 : memref<392x32xf32, #tpu.memory_space<vmem>>) dst(%dma_wait3A_68 : memref<392x32xf32, #tpu.memory_space<vmem_shared>>)
        tpu.yield
      }) : () -> ()
    }
    %scan3A_15 = arith.constant 8 : i32
    %barrier3A = arith.constant 0 : index
    tpu.barrier barrier_id(%barrier3A)
    %mul3A_16 = arith.constant 50000 : i32
    %mul3A_17 = arith.muli %add3A_9, %mul3A_16 : i32
    %scan3A_18 = arith.constant 0 : i32
    %scan3A_19 = arith.constant 0 : i32
    %scan3A_20 = arith.constant 625 : i32
    %scan3A_21 = arith.addi %scan3A_19, %scan3A_20 : i32
    %scan3A_22 = arith.constant 1 : i32
    scf.for %scan3A_59 = %scan3A_19 to %scan3A_21 step %scan3A_22  : i32 {
      %mul3A_60 = arith.constant 50000 : i32
      %mul3A_61 = arith.muli %arg1, %mul3A_60 : i32
      %mul3A_62 = arith.constant 80 : i32
      %mul3A_63 = arith.muli %scan3A_59, %mul3A_62 : i32
      %add3A_64 = arith.addi %mul3A_61, %mul3A_63 : i32
      "tpu.region"() ({
        %run_scoped3A = tpu.sem_alloc : memref<!tpu.dma_semaphore, #tpu.memory_space<semaphore_mem>>
        %dma_start3A_1536 = tpu.memref_slice %arg4[%add3A_64] : memref<800000xi32, #tpu.memory_space<hbm>> -> memref<80xi32, #tpu.memory_space<hbm>>
        %dma_start3A_1537 = tpu.memref_slice %arg4[%add3A_64] : memref<800000xi32, #tpu.memory_space<hbm>> -> memref<80xi32, #tpu.memory_space<hbm>>
        tpu.enqueue_dma source(%dma_start3A_1537 : memref<80xi32, #tpu.memory_space<hbm>>) target(%arg8 : memref<80xi32, #tpu.memory_space<vmem>>) target_semaphore(%run_scoped3A : memref<!tpu.dma_semaphore, #tpu.memory_space<semaphore_mem>>)
        %dma_wait3A_1538 = tpu.memref_slice %arg4[%add3A_64] : memref<800000xi32, #tpu.memory_space<hbm>> -> memref<80xi32, #tpu.memory_space<hbm>>
        %dma_wait3A_1539 = tpu.memref_slice %arg4[%add3A_64] : memref<800000xi32, #tpu.memory_space<hbm>> -> memref<80xi32, #tpu.memory_space<hbm>>
        tpu.wait_dma2 semaphore(%run_scoped3A : memref<!tpu.dma_semaphore, #tpu.memory_space<semaphore_mem>>) src(%dma_wait3A_1539 : memref<80xi32, #tpu.memory_space<hbm>>) dst(%arg8 : memref<80xi32, #tpu.memory_space<vmem>>)
        tpu.yield
      }) : () -> ()
      "tpu.region"() ({
        %run_scoped3A = tpu.sem_alloc : memref<!tpu.dma_semaphore, #tpu.memory_space<semaphore_mem>>
        %dma_start3A_1536 = tpu.memref_slice %arg3[%add3A_64] : memref<800000xi32, #tpu.memory_space<hbm>> -> memref<80xi32, #tpu.memory_space<hbm>>
        %dma_start3A_1537 = tpu.memref_slice %arg3[%add3A_64] : memref<800000xi32, #tpu.memory_space<hbm>> -> memref<80xi32, #tpu.memory_space<hbm>>
        tpu.enqueue_dma source(%dma_start3A_1537 : memref<80xi32, #tpu.memory_space<hbm>>) target(%arg9 : memref<80xi32, #tpu.memory_space<vmem>>) target_semaphore(%run_scoped3A : memref<!tpu.dma_semaphore, #tpu.memory_space<semaphore_mem>>)
        %dma_wait3A_1538 = tpu.memref_slice %arg3[%add3A_64] : memref<800000xi32, #tpu.memory_space<hbm>> -> memref<80xi32, #tpu.memory_space<hbm>>
        %dma_wait3A_1539 = tpu.memref_slice %arg3[%add3A_64] : memref<800000xi32, #tpu.memory_space<hbm>> -> memref<80xi32, #tpu.memory_space<hbm>>
        tpu.wait_dma2 semaphore(%run_scoped3A : memref<!tpu.dma_semaphore, #tpu.memory_space<semaphore_mem>>) src(%dma_wait3A_1539 : memref<80xi32, #tpu.memory_space<hbm>>) dst(%arg9 : memref<80xi32, #tpu.memory_space<vmem>>)
        tpu.yield
      }) : () -> ()
      "tpu.region"() ({
        %run_scoped3A = tpu.sem_alloc : memref<!tpu.dma_semaphore, #tpu.memory_space<semaphore_mem>>
        %dma_start3A_1536 = tpu.memref_slice %arg5[%add3A_64] : memref<800000xf32, #tpu.memory_space<hbm>> -> memref<80xf32, #tpu.memory_space<hbm>>
        %dma_start3A_1537 = tpu.memref_slice %arg5[%add3A_64] : memref<800000xf32, #tpu.memory_space<hbm>> -> memref<80xf32, #tpu.memory_space<hbm>>
        tpu.enqueue_dma source(%dma_start3A_1537 : memref<80xf32, #tpu.memory_space<hbm>>) target(%arg10 : memref<80xf32, #tpu.memory_space<vmem>>) target_semaphore(%run_scoped3A : memref<!tpu.dma_semaphore, #tpu.memory_space<semaphore_mem>>)
        %dma_wait3A_1538 = tpu.memref_slice %arg5[%add3A_64] : memref<800000xf32, #tpu.memory_space<hbm>> -> memref<80xf32, #tpu.memory_space<hbm>>
        %dma_wait3A_1539 = tpu.memref_slice %arg5[%add3A_64] : memref<800000xf32, #tpu.memory_space<hbm>> -> memref<80xf32, #tpu.memory_space<hbm>>
        tpu.wait_dma2 semaphore(%run_scoped3A : memref<!tpu.dma_semaphore, #tpu.memory_space<semaphore_mem>>) src(%dma_wait3A_1539 : memref<80xf32, #tpu.memory_space<hbm>>) dst(%arg10 : memref<80xf32, #tpu.memory_space<vmem>>)
        tpu.yield
      }) : () -> ()
      "tpu.region"() ({
        %run_scoped3A = tpu.sem_alloc : memref<!tpu.dma_semaphore, #tpu.memory_space<semaphore_mem>>
        %dma_start3A_1536 = tpu.memref_slice %arg6[%add3A_64] : memref<800000xf32, #tpu.memory_space<hbm>> -> memref<80xf32, #tpu.memory_space<hbm>>
        %dma_start3A_1537 = tpu.memref_slice %arg6[%add3A_64] : memref<800000xf32, #tpu.memory_space<hbm>> -> memref<80xf32, #tpu.memory_space<hbm>>
        tpu.enqueue_dma source(%dma_start3A_1537 : memref<80xf32, #tpu.memory_space<hbm>>) target(%arg11 : memref<80xf32, #tpu.memory_space<vmem>>) target_semaphore(%run_scoped3A : memref<!tpu.dma_semaphore, #tpu.memory_space<semaphore_mem>>)
        %dma_wait3A_1538 = tpu.memref_slice %arg6[%add3A_64] : memref<800000xf32, #tpu.memory_space<hbm>> -> memref<80xf32, #tpu.memory_space<hbm>>
        %dma_wait3A_1539 = tpu.memref_slice %arg6[%add3A_64] : memref<800000xf32, #tpu.memory_space<hbm>> -> memref<80xf32, #tpu.memory_space<hbm>>
        tpu.wait_dma2 semaphore(%run_scoped3A : memref<!tpu.dma_semaphore, #tpu.memory_space<semaphore_mem>>) src(%dma_wait3A_1539 : memref<80xf32, #tpu.memory_space<hbm>>) dst(%arg11 : memref<80xf32, #tpu.memory_space<vmem>>)
        tpu.yield
      }) : () -> ()
      %get3A = arith.constant 0 : index
      %get3A_65 = tpu.vector_load %arg8[%get3A] {strides = array<i32>} : memref<80xi32, #tpu.memory_space<vmem>>, vector<16xi32>,
      %add3A_66 = vector.broadcast %mul3A_17 : i32 to vector<16xi32>
      %add3A_67 = arith.addi %get3A_65, %add3A_66 : vector<16xi32>
      %swap3A = arith.constant 0 : index
      %swap3A_68 = tpu.vector_load %arg8[%swap3A] {strides = array<i32>} : memref<80xi32, #tpu.memory_space<vmem>>, vector<16xi32>,
      tpu.vector_store %arg8[%swap3A], %add3A_67 {strides = array<i32>} : memref<80xi32, #tpu.memory_space<vmem>>, vector<16xi32>,
      %get3A_69 = arith.constant 16 : index
      %get3A_70 = tpu.vector_load %arg8[%get3A_69] {strides = array<i32>} : memref<80xi32, #tpu.memory_space<vmem>>, vector<16xi32>,
      %add3A_71 = vector.broadcast %mul3A_17 : i32 to vector<16xi32>
      %add3A_72 = arith.addi %get3A_70, %add3A_71 : vector<16xi32>
      %swap3A_73 = arith.constant 16 : index
      %swap3A_74 = tpu.vector_load %arg8[%swap3A_73] {strides = array<i32>} : memref<80xi32, #tpu.memory_space<vmem>>, vector<16xi32>,
      tpu.vector_store %arg8[%swap3A_73], %add3A_72 {strides = array<i32>} : memref<80xi32, #tpu.memory_space<vmem>>, vector<16xi32>,
      %get3A_75 = arith.constant 32 : index
      %get3A_76 = tpu.vector_load %arg8[%get3A_75] {strides = array<i32>} : memref<80xi32, #tpu.memory_space<vmem>>, vector<16xi32>,
      %add3A_77 = vector.broadcast %mul3A_17 : i32 to vector<16xi32>
      %add3A_78 = arith.addi %get3A_76, %add3A_77 : vector<16xi32>
      %swap3A_79 = arith.constant 32 : index
      %swap3A_80 = tpu.vector_load %arg8[%swap3A_79] {strides = array<i32>} : memref<80xi32, #tpu.memory_space<vmem>>, vector<16xi32>,
      tpu.vector_store %arg8[%swap3A_79], %add3A_78 {strides = array<i32>} : memref<80xi32, #tpu.memory_space<vmem>>, vector<16xi32>,
      %get3A_81 = arith.constant 48 : index
      %get3A_82 = tpu.vector_load %arg8[%get3A_81] {strides = array<i32>} : memref<80xi32, #tpu.memory_space<vmem>>, vector<16xi32>,
      %add3A_83 = vector.broadcast %mul3A_17 : i32 to vector<16xi32>
      %add3A_84 = arith.addi %get3A_82, %add3A_83 : vector<16xi32>
      %swap3A_85 = arith.constant 48 : index
      %swap3A_86 = tpu.vector_load %arg8[%swap3A_85] {strides = array<i32>} : memref<80xi32, #tpu.memory_space<vmem>>, vector<16xi32>,
      tpu.vector_store %arg8[%swap3A_85], %add3A_84 {strides = array<i32>} : memref<80xi32, #tpu.memory_space<vmem>>, vector<16xi32>,
      %get3A_87 = arith.constant 64 : index
      %get3A_88 = tpu.vector_load %arg8[%get3A_87] {strides = array<i32>} : memref<80xi32, #tpu.memory_space<vmem>>, vector<16xi32>,
      %add3A_89 = vector.broadcast %mul3A_17 : i32 to vector<16xi32>
      %add3A_90 = arith.addi %get3A_88, %add3A_89 : vector<16xi32>
      %swap3A_91 = arith.constant 64 : index
      %swap3A_92 = tpu.vector_load %arg8[%swap3A_91] {strides = array<i32>} : memref<80xi32, #tpu.memory_space<vmem>>, vector<16xi32>,
      tpu.vector_store %arg8[%swap3A_91], %add3A_90 {strides = array<i32>} : memref<80xi32, #tpu.memory_space<vmem>>, vector<16xi32>,
      %dma_start3A = arith.constant 0 : i32
      %dma_start3A_93 = arith.constant 0 : i32
      %dma_start3A_94 = tpu.memref_slice %arg2[%dma_start3A, %dma_start3A_93] : memref<200000x16xf32, #tpu.memory_space<hbm>> -> memref<200000x16xf32, #tpu.memory_space<hbm>>
      tpu.enqueue_indirect_dma source(%dma_start3A_94 : memref<200000x16xf32, #tpu.memory_space<hbm>>) target(%arg12 : memref<80x16xf32, #tpu.memory_space<vmem>>) offsets(%arg8 : memref<80xi32, #tpu.memory_space<vmem>>) semaphore(%arg16 : memref<!tpu.dma_semaphore, #tpu.memory_space<semaphore_mem>>)
      %dma_wait3A = arith.constant 0 : i32
      %dma_wait3A_95 = arith.constant 0 : i32
      %dma_wait3A_96 = tpu.memref_slice %arg2[%dma_wait3A, %dma_wait3A_95] : memref<200000x16xf32, #tpu.memory_space<hbm>> -> memref<200000x16xf32, #tpu.memory_space<hbm>>
      tpu.wait_indirect_dma semaphore(%arg16 : memref<!tpu.dma_semaphore, #tpu.memory_space<semaphore_mem>>) src(%dma_wait3A_96 : memref<200000x16xf32, #tpu.memory_space<hbm>>) dst(%arg12 : memref<80x16xf32, #tpu.memory_space<vmem>>)
      %broadcast_in_dim3A_97 = arith.constant 0 : i32
      %broadcast_in_dim3A_98 = vector.broadcast %broadcast_in_dim3A_97 : i32 to vector<16xi32>
      %gather3A = tpu.vector_load_idx %arg11[%broadcast_in_dim3A_98] : memref<80xf32, #tpu.memory_space<vmem>>[vector<16xi32>], vector<16xf32>,
      %gather3A_99 = tpu.vector_load_idx %arg10[%broadcast_in_dim3A_98] : memref<80xf32, #tpu.memory_space<vmem>>[vector<16xi32>], vector<16xf32>,
      %get3A_100 = arith.constant 0 : i32
      %get3A_101 = arith.index_cast %get3A_100 : i32 to index
      %get3A_102 = arith.constant 0 : index
      %get3A_103 = tpu.vector_load %arg12[%get3A_101, %get3A_102] {strides = array<i32>} : memref<80x16xf32, #tpu.memory_space<vmem>>, vector<16xf32>,
      %mul3A_104 = arith.mulf %gather3A, %get3A_103 : vector<16xf32>
      %swap3A_105 = arith.constant 0 : i32
      %swap3A_106 = arith.index_cast %swap3A_105 : i32 to index
      %swap3A_107 = arith.constant 0 : index
      %swap3A_108 = tpu.vector_load %arg13[%swap3A_106, %swap3A_107] {strides = array<i32>} : memref<80x32xf32, #tpu.memory_space<vmem>>, vector<16xf32>,
      tpu.vector_store %arg13[%swap3A_106, %swap3A_107], %mul3A_104 {strides = array<i32>} : memref<80x32xf32, #tpu.memory_space<vmem>>, vector<16xf32>,
      %mul3A_109 = arith.mulf %gather3A_99, %get3A_103 : vector<16xf32>
      %swap3A_110 = arith.constant 0 : i32
      %swap3A_111 = arith.index_cast %swap3A_110 : i32 to index
      %swap3A_112 = arith.constant 16 : index
      %swap3A_113 = tpu.vector_load %arg13[%swap3A_111, %swap3A_112] {strides = array<i32>} : memref<80x32xf32, #tpu.memory_space<vmem>>, vector<16xf32>,
      tpu.vector_store %arg13[%swap3A_111, %swap3A_112], %mul3A_109 {strides = array<i32>} : memref<80x32xf32, #tpu.memory_space<vmem>>, vector<16xf32>,
      %broadcast_in_dim3A_114 = arith.constant 1 : i32
      %broadcast_in_dim3A_115 = vector.broadcast %broadcast_in_dim3A_114 : i32 to vector<16xi32>
      %gather3A_116 = tpu.vector_load_idx %arg11[%broadcast_in_dim3A_115] : memref<80xf32, #tpu.memory_space<vmem>>[vector<16xi32>], vector<16xf32>,
      %gather3A_117 = tpu.vector_load_idx %arg10[%broadcast_in_dim3A_115] : memref<80xf32, #tpu.memory_space<vmem>>[vector<16xi32>], vector<16xf32>,
      %get3A_118 = arith.constant 1 : i32
      %get3A_119 = arith.index_cast %get3A_118 : i32 to index
      %get3A_120 = arith.constant 0 : index
      %get3A_121 = tpu.vector_load %arg12[%get3A_119, %get3A_120] {strides = array<i32>} : memref<80x16xf32, #tpu.memory_space<vmem>>, vector<16xf32>,
      %mul3A_122 = arith.mulf %gather3A_116, %get3A_121 : vector<16xf32>
      %swap3A_123 = arith.constant 1 : i32
      %swap3A_124 = arith.index_cast %swap3A_123 : i32 to index
      %swap3A_125 = arith.constant 0 : index
      %swap3A_126 = tpu.vector_load %arg13[%swap3A_124, %swap3A_125] {strides = array<i32>} : memref<80x32xf32, #tpu.memory_space<vmem>>, vector<16xf32>,
      tpu.vector_store %arg13[%swap3A_124, %swap3A_125], %mul3A_122 {strides = array<i32>} : memref<80x32xf32, #tpu.memory_space<vmem>>, vector<16xf32>,
      %mul3A_127 = arith.mulf %gather3A_117, %get3A_121 : vector<16xf32>
      %swap3A_128 = arith.constant 1 : i32
      %swap3A_129 = arith.index_cast %swap3A_128 : i32 to index
      %swap3A_130 = arith.constant 16 : index
      %swap3A_131 = tpu.vector_load %arg13[%swap3A_129, %swap3A_130] {strides = array<i32>} : memref<80x32xf32, #tpu.memory_space<vmem>>, vector<16xf32>,
      tpu.vector_store %arg13[%swap3A_129, %swap3A_130], %mul3A_127 {strides = array<i32>} : memref<80x32xf32, #tpu.memory_space<vmem>>, vector<16xf32>,
      %broadcast_in_dim3A_132 = arith.constant 2 : i32
      %broadcast_in_dim3A_133 = vector.broadcast %broadcast_in_dim3A_132 : i32 to vector<16xi32>
      %gather3A_134 = tpu.vector_load_idx %arg11[%broadcast_in_dim3A_133] : memref<80xf32, #tpu.memory_space<vmem>>[vector<16xi32>], vector<16xf32>,
      %gather3A_135 = tpu.vector_load_idx %arg10[%broadcast_in_dim3A_133] : memref<80xf32, #tpu.memory_space<vmem>>[vector<16xi32>], vector<16xf32>,
      %get3A_136 = arith.constant 2 : i32
      %get3A_137 = arith.index_cast %get3A_136 : i32 to index
      %get3A_138 = arith.constant 0 : index
      %get3A_139 = tpu.vector_load %arg12[%get3A_137, %get3A_138] {strides = array<i32>} : memref<80x16xf32, #tpu.memory_space<vmem>>, vector<16xf32>,
      %mul3A_140 = arith.mulf %gather3A_134, %get3A_139 : vector<16xf32>
      %swap3A_141 = arith.constant 2 : i32
      %swap3A_142 = arith.index_cast %swap3A_141 : i32 to index
      %swap3A_143 = arith.constant 0 : index
      %swap3A_144 = tpu.vector_load %arg13[%swap3A_142, %swap3A_143] {strides = array<i32>} : memref<80x32xf32, #tpu.memory_space<vmem>>, vector<16xf32>,
      tpu.vector_store %arg13[%swap3A_142, %swap3A_143], %mul3A_140 {strides = array<i32>} : memref<80x32xf32, #tpu.memory_space<vmem>>, vector<16xf32>,
      %mul3A_145 = arith.mulf %gather3A_135, %get3A_139 : vector<16xf32>
      %swap3A_146 = arith.constant 2 : i32
      %swap3A_147 = arith.index_cast %swap3A_146 : i32 to index
      %swap3A_148 = arith.constant 16 : index
      %swap3A_149 = tpu.vector_load %arg13[%swap3A_147, %swap3A_148] {strides = array<i32>} : memref<80x32xf32, #tpu.memory_space<vmem>>, vector<16xf32>,
      tpu.vector_store %arg13[%swap3A_147, %swap3A_148], %mul3A_145 {strides = array<i32>} : memref<80x32xf32, #tpu.memory_space<vmem>>, vector<16xf32>,
      %broadcast_in_dim3A_150 = arith.constant 3 : i32
      %broadcast_in_dim3A_151 = vector.broadcast %broadcast_in_dim3A_150 : i32 to vector<16xi32>
      %gather3A_152 = tpu.vector_load_idx %arg11[%broadcast_in_dim3A_151] : memref<80xf32, #tpu.memory_space<vmem>>[vector<16xi32>], vector<16xf32>,
      %gather3A_153 = tpu.vector_load_idx %arg10[%broadcast_in_dim3A_151] : memref<80xf32, #tpu.memory_space<vmem>>[vector<16xi32>], vector<16xf32>,
      %get3A_154 = arith.constant 3 : i32
      %get3A_155 = arith.index_cast %get3A_154 : i32 to index
      %get3A_156 = arith.constant 0 : index
      %get3A_157 = tpu.vector_load %arg12[%get3A_155, %get3A_156] {strides = array<i32>} : memref<80x16xf32, #tpu.memory_space<vmem>>, vector<16xf32>,
      %mul3A_158 = arith.mulf %gather3A_152, %get3A_157 : vector<16xf32>
      %swap3A_159 = arith.constant 3 : i32
      %swap3A_160 = arith.index_cast %swap3A_159 : i32 to index
      %swap3A_161 = arith.constant 0 : index
      %swap3A_162 = tpu.vector_load %arg13[%swap3A_160, %swap3A_161] {strides = array<i32>} : memref<80x32xf32, #tpu.memory_space<vmem>>, vector<16xf32>,
      tpu.vector_store %arg13[%swap3A_160, %swap3A_161], %mul3A_158 {strides = array<i32>} : memref<80x32xf32, #tpu.memory_space<vmem>>, vector<16xf32>,
      %mul3A_163 = arith.mulf %gather3A_153, %get3A_157 : vector<16xf32>
      %swap3A_164 = arith.constant 3 : i32
      %swap3A_165 = arith.index_cast %swap3A_164 : i32 to index
      %swap3A_166 = arith.constant 16 : index
      %swap3A_167 = tpu.vector_load %arg13[%swap3A_165, %swap3A_166] {strides = array<i32>} : memref<80x32xf32, #tpu.memory_space<vmem>>, vector<16xf32>,
      tpu.vector_store %arg13[%swap3A_165, %swap3A_166], %mul3A_163 {strides = array<i32>} : memref<80x32xf32, #tpu.memory_space<vmem>>, vector<16xf32>,
      %broadcast_in_dim3A_168 = arith.constant 4 : i32
      %broadcast_in_dim3A_169 = vector.broadcast %broadcast_in_dim3A_168 : i32 to vector<16xi32>
      %gather3A_170 = tpu.vector_load_idx %arg11[%broadcast_in_dim3A_169] : memref<80xf32, #tpu.memory_space<vmem>>[vector<16xi32>], vector<16xf32>,
      %gather3A_171 = tpu.vector_load_idx %arg10[%broadcast_in_dim3A_169] : memref<80xf32, #tpu.memory_space<vmem>>[vector<16xi32>], vector<16xf32>,
      %get3A_172 = arith.constant 4 : i32
      %get3A_173 = arith.index_cast %get3A_172 : i32 to index
      %get3A_174 = arith.constant 0 : index
      %get3A_175 = tpu.vector_load %arg12[%get3A_173, %get3A_174] {strides = array<i32>} : memref<80x16xf32, #tpu.memory_space<vmem>>, vector<16xf32>,
      %mul3A_176 = arith.mulf %gather3A_170, %get3A_175 : vector<16xf32>
      %swap3A_177 = arith.constant 4 : i32
      %swap3A_178 = arith.index_cast %swap3A_177 : i32 to index
      %swap3A_179 = arith.constant 0 : index
      %swap3A_180 = tpu.vector_load %arg13[%swap3A_178, %swap3A_179] {strides = array<i32>} : memref<80x32xf32, #tpu.memory_space<vmem>>, vector<16xf32>,
      tpu.vector_store %arg13[%swap3A_178, %swap3A_179], %mul3A_176 {strides = array<i32>} : memref<80x32xf32, #tpu.memory_space<vmem>>, vector<16xf32>,
      %mul3A_181 = arith.mulf %gather3A_171, %get3A_175 : vector<16xf32>
      %swap3A_182 = arith.constant 4 : i32
      %swap3A_183 = arith.index_cast %swap3A_182 : i32 to index
      %swap3A_184 = arith.constant 16 : index
      %swap3A_185 = tpu.vector_load %arg13[%swap3A_183, %swap3A_184] {strides = array<i32>} : memref<80x32xf32, #tpu.memory_space<vmem>>, vector<16xf32>,
      tpu.vector_store %arg13[%swap3A_183, %swap3A_184], %mul3A_181 {strides = array<i32>} : memref<80x32xf32, #tpu.memory_space<vmem>>, vector<16xf32>,
      %broadcast_in_dim3A_186 = arith.constant 5 : i32
      %broadcast_in_dim3A_187 = vector.broadcast %broadcast_in_dim3A_186 : i32 to vector<16xi32>
      %gather3A_188 = tpu.vector_load_idx %arg11[%broadcast_in_dim3A_187] : memref<80xf32, #tpu.memory_space<vmem>>[vector<16xi32>], vector<16xf32>,
      %gather3A_189 = tpu.vector_load_idx %arg10[%broadcast_in_dim3A_187] : memref<80xf32, #tpu.memory_space<vmem>>[vector<16xi32>], vector<16xf32>,
      %get3A_190 = arith.constant 5 : i32
      %get3A_191 = arith.index_cast %get3A_190 : i32 to index
      %get3A_192 = arith.constant 0 : index
      %get3A_193 = tpu.vector_load %arg12[%get3A_191, %get3A_192] {strides = array<i32>} : memref<80x16xf32, #tpu.memory_space<vmem>>, vector<16xf32>,
      %mul3A_194 = arith.mulf %gather3A_188, %get3A_193 : vector<16xf32>
      %swap3A_195 = arith.constant 5 : i32
      %swap3A_196 = arith.index_cast %swap3A_195 : i32 to index
      %swap3A_197 = arith.constant 0 : index
      %swap3A_198 = tpu.vector_load %arg13[%swap3A_196, %swap3A_197] {strides = array<i32>} : memref<80x32xf32, #tpu.memory_space<vmem>>, vector<16xf32>,
      tpu.vector_store %arg13[%swap3A_196, %swap3A_197], %mul3A_194 {strides = array<i32>} : memref<80x32xf32, #tpu.memory_space<vmem>>, vector<16xf32>,
      %mul3A_199 = arith.mulf %gather3A_189, %get3A_193 : vector<16xf32>
      %swap3A_200 = arith.constant 5 : i32
      %swap3A_201 = arith.index_cast %swap3A_200 : i32 to index
      %swap3A_202 = arith.constant 16 : index
      %swap3A_203 = tpu.vector_load %arg13[%swap3A_201, %swap3A_202] {strides = array<i32>} : memref<80x32xf32, #tpu.memory_space<vmem>>, vector<16xf32>,
      tpu.vector_store %arg13[%swap3A_201, %swap3A_202], %mul3A_199 {strides = array<i32>} : memref<80x32xf32, #tpu.memory_space<vmem>>, vector<16xf32>,
      %broadcast_in_dim3A_204 = arith.constant 6 : i32
      %broadcast_in_dim3A_205 = vector.broadcast %broadcast_in_dim3A_204 : i32 to vector<16xi32>
      %gather3A_206 = tpu.vector_load_idx %arg11[%broadcast_in_dim3A_205] : memref<80xf32, #tpu.memory_space<vmem>>[vector<16xi32>], vector<16xf32>,
      %gather3A_207 = tpu.vector_load_idx %arg10[%broadcast_in_dim3A_205] : memref<80xf32, #tpu.memory_space<vmem>>[vector<16xi32>], vector<16xf32>,
      %get3A_208 = arith.constant 6 : i32
      %get3A_209 = arith.index_cast %get3A_208 : i32 to index
      %get3A_210 = arith.constant 0 : index
      %get3A_211 = tpu.vector_load %arg12[%get3A_209, %get3A_210] {strides = array<i32>} : memref<80x16xf32, #tpu.memory_space<vmem>>, vector<16xf32>,
      %mul3A_212 = arith.mulf %gather3A_206, %get3A_211 : vector<16xf32>
      %swap3A_213 = arith.constant 6 : i32
      %swap3A_214 = arith.index_cast %swap3A_213 : i32 to index
      %swap3A_215 = arith.constant 0 : index
      %swap3A_216 = tpu.vector_load %arg13[%swap3A_214, %swap3A_215] {strides = array<i32>} : memref<80x32xf32, #tpu.memory_space<vmem>>, vector<16xf32>,
      tpu.vector_store %arg13[%swap3A_214, %swap3A_215], %mul3A_212 {strides = array<i32>} : memref<80x32xf32, #tpu.memory_space<vmem>>, vector<16xf32>,
      %mul3A_217 = arith.mulf %gather3A_207, %get3A_211 : vector<16xf32>
      %swap3A_218 = arith.constant 6 : i32
      %swap3A_219 = arith.index_cast %swap3A_218 : i32 to index
      %swap3A_220 = arith.constant 16 : index
      %swap3A_221 = tpu.vector_load %arg13[%swap3A_219, %swap3A_220] {strides = array<i32>} : memref<80x32xf32, #tpu.memory_space<vmem>>, vector<16xf32>,
      tpu.vector_store %arg13[%swap3A_219, %swap3A_220], %mul3A_217 {strides = array<i32>} : memref<80x32xf32, #tpu.memory_space<vmem>>, vector<16xf32>,
      %broadcast_in_dim3A_222 = arith.constant 7 : i32
      %broadcast_in_dim3A_223 = vector.broadcast %broadcast_in_dim3A_222 : i32 to vector<16xi32>
      %gather3A_224 = tpu.vector_load_idx %arg11[%broadcast_in_dim3A_223] : memref<80xf32, #tpu.memory_space<vmem>>[vector<16xi32>], vector<16xf32>,
      %gather3A_225 = tpu.vector_load_idx %arg10[%broadcast_in_dim3A_223] : memref<80xf32, #tpu.memory_space<vmem>>[vector<16xi32>], vector<16xf32>,
      %get3A_226 = arith.constant 7 : i32
      %get3A_227 = arith.index_cast %get3A_226 : i32 to index
      %get3A_228 = arith.constant 0 : index
      %get3A_229 = tpu.vector_load %arg12[%get3A_227, %get3A_228] {strides = array<i32>} : memref<80x16xf32, #tpu.memory_space<vmem>>, vector<16xf32>,
      %mul3A_230 = arith.mulf %gather3A_224, %get3A_229 : vector<16xf32>
      %swap3A_231 = arith.constant 7 : i32
      %swap3A_232 = arith.index_cast %swap3A_231 : i32 to index
      %swap3A_233 = arith.constant 0 : index
      %swap3A_234 = tpu.vector_load %arg13[%swap3A_232, %swap3A_233] {strides = array<i32>} : memref<80x32xf32, #tpu.memory_space<vmem>>, vector<16xf32>,
      tpu.vector_store %arg13[%swap3A_232, %swap3A_233], %mul3A_230 {strides = array<i32>} : memref<80x32xf32, #tpu.memory_space<vmem>>, vector<16xf32>,
      %mul3A_235 = arith.mulf %gather3A_225, %get3A_229 : vector<16xf32>
      %swap3A_236 = arith.constant 7 : i32
      %swap3A_237 = arith.index_cast %swap3A_236 : i32 to index
      %swap3A_238 = arith.constant 16 : index
      %swap3A_239 = tpu.vector_load %arg13[%swap3A_237, %swap3A_238] {strides = array<i32>} : memref<80x32xf32, #tpu.memory_space<vmem>>, vector<16xf32>,
      tpu.vector_store %arg13[%swap3A_237, %swap3A_238], %mul3A_235 {strides = array<i32>} : memref<80x32xf32, #tpu.memory_space<vmem>>, vector<16xf32>,
      %broadcast_in_dim3A_240 = arith.constant 8 : i32
      %broadcast_in_dim3A_241 = vector.broadcast %broadcast_in_dim3A_240 : i32 to vector<16xi32>
      %gather3A_242 = tpu.vector_load_idx %arg11[%broadcast_in_dim3A_241] : memref<80xf32, #tpu.memory_space<vmem>>[vector<16xi32>], vector<16xf32>,
      %gather3A_243 = tpu.vector_load_idx %arg10[%broadcast_in_dim3A_241] : memref<80xf32, #tpu.memory_space<vmem>>[vector<16xi32>], vector<16xf32>,
      %get3A_244 = arith.constant 8 : i32
      %get3A_245 = arith.index_cast %get3A_244 : i32 to index
      %get3A_246 = arith.constant 0 : index
      %get3A_247 = tpu.vector_load %arg12[%get3A_245, %get3A_246] {strides = array<i32>} : memref<80x16xf32, #tpu.memory_space<vmem>>, vector<16xf32>,
      %mul3A_248 = arith.mulf %gather3A_242, %get3A_247 : vector<16xf32>
      %swap3A_249 = arith.constant 8 : i32
      %swap3A_250 = arith.index_cast %swap3A_249 : i32 to index
      %swap3A_251 = arith.constant 0 : index
      %swap3A_252 = tpu.vector_load %arg13[%swap3A_250, %swap3A_251] {strides = array<i32>} : memref<80x32xf32, #tpu.memory_space<vmem>>, vector<16xf32>,
      tpu.vector_store %arg13[%swap3A_250, %swap3A_251], %mul3A_248 {strides = array<i32>} : memref<80x32xf32, #tpu.memory_space<vmem>>, vector<16xf32>,
      %mul3A_253 = arith.mulf %gather3A_243, %get3A_247 : vector<16xf32>
      %swap3A_254 = arith.constant 8 : i32
      %swap3A_255 = arith.index_cast %swap3A_254 : i32 to index
      %swap3A_256 = arith.constant 16 : index
      %swap3A_257 = tpu.vector_load %arg13[%swap3A_255, %swap3A_256] {strides = array<i32>} : memref<80x32xf32, #tpu.memory_space<vmem>>, vector<16xf32>,
      tpu.vector_store %arg13[%swap3A_255, %swap3A_256], %mul3A_253 {strides = array<i32>} : memref<80x32xf32, #tpu.memory_space<vmem>>, vector<16xf32>,
      %broadcast_in_dim3A_258 = arith.constant 9 : i32
      %broadcast_in_dim3A_259 = vector.broadcast %broadcast_in_dim3A_258 : i32 to vector<16xi32>
      %gather3A_260 = tpu.vector_load_idx %arg11[%broadcast_in_dim3A_259] : memref<80xf32, #tpu.memory_space<vmem>>[vector<16xi32>], vector<16xf32>,
      %gather3A_261 = tpu.vector_load_idx %arg10[%broadcast_in_dim3A_259] : memref<80xf32, #tpu.memory_space<vmem>>[vector<16xi32>], vector<16xf32>,
      %get3A_262 = arith.constant 9 : i32
      %get3A_263 = arith.index_cast %get3A_262 : i32 to index
      %get3A_264 = arith.constant 0 : index
      %get3A_265 = tpu.vector_load %arg12[%get3A_263, %get3A_264] {strides = array<i32>} : memref<80x16xf32, #tpu.memory_space<vmem>>, vector<16xf32>,
      %mul3A_266 = arith.mulf %gather3A_260, %get3A_265 : vector<16xf32>
      %swap3A_267 = arith.constant 9 : i32
      %swap3A_268 = arith.index_cast %swap3A_267 : i32 to index
      %swap3A_269 = arith.constant 0 : index
      %swap3A_270 = tpu.vector_load %arg13[%swap3A_268, %swap3A_269] {strides = array<i32>} : memref<80x32xf32, #tpu.memory_space<vmem>>, vector<16xf32>,
      tpu.vector_store %arg13[%swap3A_268, %swap3A_269], %mul3A_266 {strides = array<i32>} : memref<80x32xf32, #tpu.memory_space<vmem>>, vector<16xf32>,
      %mul3A_271 = arith.mulf %gather3A_261, %get3A_265 : vector<16xf32>
      %swap3A_272 = arith.constant 9 : i32
      %swap3A_273 = arith.index_cast %swap3A_272 : i32 to index
      %swap3A_274 = arith.constant 16 : index
      %swap3A_275 = tpu.vector_load %arg13[%swap3A_273, %swap3A_274] {strides = array<i32>} : memref<80x32xf32, #tpu.memory_space<vmem>>, vector<16xf32>,
      tpu.vector_store %arg13[%swap3A_273, %swap3A_274], %mul3A_271 {strides = array<i32>} : memref<80x32xf32, #tpu.memory_space<vmem>>, vector<16xf32>,
      %broadcast_in_dim3A_276 = arith.constant 10 : i32
      %broadcast_in_dim3A_277 = vector.broadcast %broadcast_in_dim3A_276 : i32 to vector<16xi32>
      %gather3A_278 = tpu.vector_load_idx %arg11[%broadcast_in_dim3A_277] : memref<80xf32, #tpu.memory_space<vmem>>[vector<16xi32>], vector<16xf32>,
      %gather3A_279 = tpu.vector_load_idx %arg10[%broadcast_in_dim3A_277] : memref<80xf32, #tpu.memory_space<vmem>>[vector<16xi32>], vector<16xf32>,
      %get3A_280 = arith.constant 10 : i32
      %get3A_281 = arith.index_cast %get3A_280 : i32 to index
      %get3A_282 = arith.constant 0 : index
      %get3A_283 = tpu.vector_load %arg12[%get3A_281, %get3A_282] {strides = array<i32>} : memref<80x16xf32, #tpu.memory_space<vmem>>, vector<16xf32>,
      %mul3A_284 = arith.mulf %gather3A_278, %get3A_283 : vector<16xf32>
      %swap3A_285 = arith.constant 10 : i32
      %swap3A_286 = arith.index_cast %swap3A_285 : i32 to index
      %swap3A_287 = arith.constant 0 : index
      %swap3A_288 = tpu.vector_load %arg13[%swap3A_286, %swap3A_287] {strides = array<i32>} : memref<80x32xf32, #tpu.memory_space<vmem>>, vector<16xf32>,
      tpu.vector_store %arg13[%swap3A_286, %swap3A_287], %mul3A_284 {strides = array<i32>} : memref<80x32xf32, #tpu.memory_space<vmem>>, vector<16xf32>,
      %mul3A_289 = arith.mulf %gather3A_279, %get3A_283 : vector<16xf32>
      %swap3A_290 = arith.constant 10 : i32
      %swap3A_291 = arith.index_cast %swap3A_290 : i32 to index
      %swap3A_292 = arith.constant 16 : index
      %swap3A_293 = tpu.vector_load %arg13[%swap3A_291, %swap3A_292] {strides = array<i32>} : memref<80x32xf32, #tpu.memory_space<vmem>>, vector<16xf32>,
      tpu.vector_store %arg13[%swap3A_291, %swap3A_292], %mul3A_289 {strides = array<i32>} : memref<80x32xf32, #tpu.memory_space<vmem>>, vector<16xf32>,
      %broadcast_in_dim3A_294 = arith.constant 11 : i32
      %broadcast_in_dim3A_295 = vector.broadcast %broadcast_in_dim3A_294 : i32 to vector<16xi32>
      %gather3A_296 = tpu.vector_load_idx %arg11[%broadcast_in_dim3A_295] : memref<80xf32, #tpu.memory_space<vmem>>[vector<16xi32>], vector<16xf32>,
      %gather3A_297 = tpu.vector_load_idx %arg10[%broadcast_in_dim3A_295] : memref<80xf32, #tpu.memory_space<vmem>>[vector<16xi32>], vector<16xf32>,
      %get3A_298 = arith.constant 11 : i32
      %get3A_299 = arith.index_cast %get3A_298 : i32 to index
      %get3A_300 = arith.constant 0 : index
      %get3A_301 = tpu.vector_load %arg12[%get3A_299, %get3A_300] {strides = array<i32>} : memref<80x16xf32, #tpu.memory_space<vmem>>, vector<16xf32>,
      %mul3A_302 = arith.mulf %gather3A_296, %get3A_301 : vector<16xf32>
      %swap3A_303 = arith.constant 11 : i32
      %swap3A_304 = arith.index_cast %swap3A_303 : i32 to index
      %swap3A_305 = arith.constant 0 : index
      %swap3A_306 = tpu.vector_load %arg13[%swap3A_304, %swap3A_305] {strides = array<i32>} : memref<80x32xf32, #tpu.memory_space<vmem>>, vector<16xf32>,
      tpu.vector_store %arg13[%swap3A_304, %swap3A_305], %mul3A_302 {strides = array<i32>} : memref<80x32xf32, #tpu.memory_space<vmem>>, vector<16xf32>,
      %mul3A_307 = arith.mulf %gather3A_297, %get3A_301 : vector<16xf32>
      %swap3A_308 = arith.constant 11 : i32
      %swap3A_309 = arith.index_cast %swap3A_308 : i32 to index
      %swap3A_310 = arith.constant 16 : index
      %swap3A_311 = tpu.vector_load %arg13[%swap3A_309, %swap3A_310] {strides = array<i32>} : memref<80x32xf32, #tpu.memory_space<vmem>>, vector<16xf32>,
      tpu.vector_store %arg13[%swap3A_309, %swap3A_310], %mul3A_307 {strides = array<i32>} : memref<80x32xf32, #tpu.memory_space<vmem>>, vector<16xf32>,
      %broadcast_in_dim3A_312 = arith.constant 12 : i32
      %broadcast_in_dim3A_313 = vector.broadcast %broadcast_in_dim3A_312 : i32 to vector<16xi32>
      %gather3A_314 = tpu.vector_load_idx %arg11[%broadcast_in_dim3A_313] : memref<80xf32, #tpu.memory_space<vmem>>[vector<16xi32>], vector<16xf32>,
      %gather3A_315 = tpu.vector_load_idx %arg10[%broadcast_in_dim3A_313] : memref<80xf32, #tpu.memory_space<vmem>>[vector<16xi32>], vector<16xf32>,
      %get3A_316 = arith.constant 12 : i32
      %get3A_317 = arith.index_cast %get3A_316 : i32 to index
      %get3A_318 = arith.constant 0 : index
      %get3A_319 = tpu.vector_load %arg12[%get3A_317, %get3A_318] {strides = array<i32>} : memref<80x16xf32, #tpu.memory_space<vmem>>, vector<16xf32>,
      %mul3A_320 = arith.mulf %gather3A_314, %get3A_319 : vector<16xf32>
      %swap3A_321 = arith.constant 12 : i32
      %swap3A_322 = arith.index_cast %swap3A_321 : i32 to index
      %swap3A_323 = arith.constant 0 : index
      %swap3A_324 = tpu.vector_load %arg13[%swap3A_322, %swap3A_323] {strides = array<i32>} : memref<80x32xf32, #tpu.memory_space<vmem>>, vector<16xf32>,
      tpu.vector_store %arg13[%swap3A_322, %swap3A_323], %mul3A_320 {strides = array<i32>} : memref<80x32xf32, #tpu.memory_space<vmem>>, vector<16xf32>,
      %mul3A_325 = arith.mulf %gather3A_315, %get3A_319 : vector<16xf32>
      %swap3A_326 = arith.constant 12 : i32
      %swap3A_327 = arith.index_cast %swap3A_326 : i32 to index
      %swap3A_328 = arith.constant 16 : index
      %swap3A_329 = tpu.vector_load %arg13[%swap3A_327, %swap3A_328] {strides = array<i32>} : memref<80x32xf32, #tpu.memory_space<vmem>>, vector<16xf32>,
      tpu.vector_store %arg13[%swap3A_327, %swap3A_328], %mul3A_325 {strides = array<i32>} : memref<80x32xf32, #tpu.memory_space<vmem>>, vector<16xf32>,
      %broadcast_in_dim3A_330 = arith.constant 13 : i32
      %broadcast_in_dim3A_331 = vector.broadcast %broadcast_in_dim3A_330 : i32 to vector<16xi32>
      %gather3A_332 = tpu.vector_load_idx %arg11[%broadcast_in_dim3A_331] : memref<80xf32, #tpu.memory_space<vmem>>[vector<16xi32>], vector<16xf32>,
      %gather3A_333 = tpu.vector_load_idx %arg10[%broadcast_in_dim3A_331] : memref<80xf32, #tpu.memory_space<vmem>>[vector<16xi32>], vector<16xf32>,
      %get3A_334 = arith.constant 13 : i32
      %get3A_335 = arith.index_cast %get3A_334 : i32 to index
      %get3A_336 = arith.constant 0 : index
      %get3A_337 = tpu.vector_load %arg12[%get3A_335, %get3A_336] {strides = array<i32>} : memref<80x16xf32, #tpu.memory_space<vmem>>, vector<16xf32>,
      %mul3A_338 = arith.mulf %gather3A_332, %get3A_337 : vector<16xf32>
      %swap3A_339 = arith.constant 13 : i32
      %swap3A_340 = arith.index_cast %swap3A_339 : i32 to index
      %swap3A_341 = arith.constant 0 : index
      %swap3A_342 = tpu.vector_load %arg13[%swap3A_340, %swap3A_341] {strides = array<i32>} : memref<80x32xf32, #tpu.memory_space<vmem>>, vector<16xf32>,
      tpu.vector_store %arg13[%swap3A_340, %swap3A_341], %mul3A_338 {strides = array<i32>} : memref<80x32xf32, #tpu.memory_space<vmem>>, vector<16xf32>,
      %mul3A_343 = arith.mulf %gather3A_333, %get3A_337 : vector<16xf32>
      %swap3A_344 = arith.constant 13 : i32
      %swap3A_345 = arith.index_cast %swap3A_344 : i32 to index
      %swap3A_346 = arith.constant 16 : index
      %swap3A_347 = tpu.vector_load %arg13[%swap3A_345, %swap3A_346] {strides = array<i32>} : memref<80x32xf32, #tpu.memory_space<vmem>>, vector<16xf32>,
      tpu.vector_store %arg13[%swap3A_345, %swap3A_346], %mul3A_343 {strides = array<i32>} : memref<80x32xf32, #tpu.memory_space<vmem>>, vector<16xf32>,
      %broadcast_in_dim3A_348 = arith.constant 14 : i32
      %broadcast_in_dim3A_349 = vector.broadcast %broadcast_in_dim3A_348 : i32 to vector<16xi32>
      %gather3A_350 = tpu.vector_load_idx %arg11[%broadcast_in_dim3A_349] : memref<80xf32, #tpu.memory_space<vmem>>[vector<16xi32>], vector<16xf32>,
      %gather3A_351 = tpu.vector_load_idx %arg10[%broadcast_in_dim3A_349] : memref<80xf32, #tpu.memory_space<vmem>>[vector<16xi32>], vector<16xf32>,
      %get3A_352 = arith.constant 14 : i32
      %get3A_353 = arith.index_cast %get3A_352 : i32 to index
      %get3A_354 = arith.constant 0 : index
      %get3A_355 = tpu.vector_load %arg12[%get3A_353, %get3A_354] {strides = array<i32>} : memref<80x16xf32, #tpu.memory_space<vmem>>, vector<16xf32>,
      %mul3A_356 = arith.mulf %gather3A_350, %get3A_355 : vector<16xf32>
      %swap3A_357 = arith.constant 14 : i32
      %swap3A_358 = arith.index_cast %swap3A_357 : i32 to index
      %swap3A_359 = arith.constant 0 : index
      %swap3A_360 = tpu.vector_load %arg13[%swap3A_358, %swap3A_359] {strides = array<i32>} : memref<80x32xf32, #tpu.memory_space<vmem>>, vector<16xf32>,
      tpu.vector_store %arg13[%swap3A_358, %swap3A_359], %mul3A_356 {strides = array<i32>} : memref<80x32xf32, #tpu.memory_space<vmem>>, vector<16xf32>,
      %mul3A_361 = arith.mulf %gather3A_351, %get3A_355 : vector<16xf32>
      %swap3A_362 = arith.constant 14 : i32
      %swap3A_363 = arith.index_cast %swap3A_362 : i32 to index
      %swap3A_364 = arith.constant 16 : index
      %swap3A_365 = tpu.vector_load %arg13[%swap3A_363, %swap3A_364] {strides = array<i32>} : memref<80x32xf32, #tpu.memory_space<vmem>>, vector<16xf32>,
      tpu.vector_store %arg13[%swap3A_363, %swap3A_364], %mul3A_361 {strides = array<i32>} : memref<80x32xf32, #tpu.memory_space<vmem>>, vector<16xf32>,
      %broadcast_in_dim3A_366 = arith.constant 15 : i32
      %broadcast_in_dim3A_367 = vector.broadcast %broadcast_in_dim3A_366 : i32 to vector<16xi32>
      %gather3A_368 = tpu.vector_load_idx %arg11[%broadcast_in_dim3A_367] : memref<80xf32, #tpu.memory_space<vmem>>[vector<16xi32>], vector<16xf32>,
      %gather3A_369 = tpu.vector_load_idx %arg10[%broadcast_in_dim3A_367] : memref<80xf32, #tpu.memory_space<vmem>>[vector<16xi32>], vector<16xf32>,
      %get3A_370 = arith.constant 15 : i32
      %get3A_371 = arith.index_cast %get3A_370 : i32 to index
      %get3A_372 = arith.constant 0 : index
      %get3A_373 = tpu.vector_load %arg12[%get3A_371, %get3A_372] {strides = array<i32>} : memref<80x16xf32, #tpu.memory_space<vmem>>, vector<16xf32>,
      %mul3A_374 = arith.mulf %gather3A_368, %get3A_373 : vector<16xf32>
      %swap3A_375 = arith.constant 15 : i32
      %swap3A_376 = arith.index_cast %swap3A_375 : i32 to index
      %swap3A_377 = arith.constant 0 : index
      %swap3A_378 = tpu.vector_load %arg13[%swap3A_376, %swap3A_377] {strides = array<i32>} : memref<80x32xf32, #tpu.memory_space<vmem>>, vector<16xf32>,
      tpu.vector_store %arg13[%swap3A_376, %swap3A_377], %mul3A_374 {strides = array<i32>} : memref<80x32xf32, #tpu.memory_space<vmem>>, vector<16xf32>,
      %mul3A_379 = arith.mulf %gather3A_369, %get3A_373 : vector<16xf32>
      %swap3A_380 = arith.constant 15 : i32
      %swap3A_381 = arith.index_cast %swap3A_380 : i32 to index
      %swap3A_382 = arith.constant 16 : index
      %swap3A_383 = tpu.vector_load %arg13[%swap3A_381, %swap3A_382] {strides = array<i32>} : memref<80x32xf32, #tpu.memory_space<vmem>>, vector<16xf32>,
      tpu.vector_store %arg13[%swap3A_381, %swap3A_382], %mul3A_379 {strides = array<i32>} : memref<80x32xf32, #tpu.memory_space<vmem>>, vector<16xf32>,
      %broadcast_in_dim3A_384 = arith.constant 16 : i32
      %broadcast_in_dim3A_385 = vector.broadcast %broadcast_in_dim3A_384 : i32 to vector<16xi32>
      %gather3A_386 = tpu.vector_load_idx %arg11[%broadcast_in_dim3A_385] : memref<80xf32, #tpu.memory_space<vmem>>[vector<16xi32>], vector<16xf32>,
      %gather3A_387 = tpu.vector_load_idx %arg10[%broadcast_in_dim3A_385] : memref<80xf32, #tpu.memory_space<vmem>>[vector<16xi32>], vector<16xf32>,
      %get3A_388 = arith.constant 16 : i32
      %get3A_389 = arith.index_cast %get3A_388 : i32 to index
      %get3A_390 = arith.constant 0 : index
      %get3A_391 = tpu.vector_load %arg12[%get3A_389, %get3A_390] {strides = array<i32>} : memref<80x16xf32, #tpu.memory_space<vmem>>, vector<16xf32>,
      %mul3A_392 = arith.mulf %gather3A_386, %get3A_391 : vector<16xf32>
      %swap3A_393 = arith.constant 16 : i32
      %swap3A_394 = arith.index_cast %swap3A_393 : i32 to index
      %swap3A_395 = arith.constant 0 : index
      %swap3A_396 = tpu.vector_load %arg13[%swap3A_394, %swap3A_395] {strides = array<i32>} : memref<80x32xf32, #tpu.memory_space<vmem>>, vector<16xf32>,
      tpu.vector_store %arg13[%swap3A_394, %swap3A_395], %mul3A_392 {strides = array<i32>} : memref<80x32xf32, #tpu.memory_space<vmem>>, vector<16xf32>,
      %mul3A_397 = arith.mulf %gather3A_387, %get3A_391 : vector<16xf32>
      %swap3A_398 = arith.constant 16 : i32
      %swap3A_399 = arith.index_cast %swap3A_398 : i32 to index
      %swap3A_400 = arith.constant 16 : index
      %swap3A_401 = tpu.vector_load %arg13[%swap3A_399, %swap3A_400] {strides = array<i32>} : memref<80x32xf32, #tpu.memory_space<vmem>>, vector<16xf32>,
      tpu.vector_store %arg13[%swap3A_399, %swap3A_400], %mul3A_397 {strides = array<i32>} : memref<80x32xf32, #tpu.memory_space<vmem>>, vector<16xf32>,
      %broadcast_in_dim3A_402 = arith.constant 17 : i32
      %broadcast_in_dim3A_403 = vector.broadcast %broadcast_in_dim3A_402 : i32 to vector<16xi32>
      %gather3A_404 = tpu.vector_load_idx %arg11[%broadcast_in_dim3A_403] : memref<80xf32, #tpu.memory_space<vmem>>[vector<16xi32>], vector<16xf32>,
      %gather3A_405 = tpu.vector_load_idx %arg10[%broadcast_in_dim3A_403] : memref<80xf32, #tpu.memory_space<vmem>>[vector<16xi32>], vector<16xf32>,
      %get3A_406 = arith.constant 17 : i32
      %get3A_407 = arith.index_cast %get3A_406 : i32 to index
      %get3A_408 = arith.constant 0 : index
      %get3A_409 = tpu.vector_load %arg12[%get3A_407, %get3A_408] {strides = array<i32>} : memref<80x16xf32, #tpu.memory_space<vmem>>, vector<16xf32>,
      %mul3A_410 = arith.mulf %gather3A_404, %get3A_409 : vector<16xf32>
      %swap3A_411 = arith.constant 17 : i32
      %swap3A_412 = arith.index_cast %swap3A_411 : i32 to index
      %swap3A_413 = arith.constant 0 : index
      %swap3A_414 = tpu.vector_load %arg13[%swap3A_412, %swap3A_413] {strides = array<i32>} : memref<80x32xf32, #tpu.memory_space<vmem>>, vector<16xf32>,
      tpu.vector_store %arg13[%swap3A_412, %swap3A_413], %mul3A_410 {strides = array<i32>} : memref<80x32xf32, #tpu.memory_space<vmem>>, vector<16xf32>,
      %mul3A_415 = arith.mulf %gather3A_405, %get3A_409 : vector<16xf32>
      %swap3A_416 = arith.constant 17 : i32
      %swap3A_417 = arith.index_cast %swap3A_416 : i32 to index
      %swap3A_418 = arith.constant 16 : index
      %swap3A_419 = tpu.vector_load %arg13[%swap3A_417, %swap3A_418] {strides = array<i32>} : memref<80x32xf32, #tpu.memory_space<vmem>>, vector<16xf32>,
      tpu.vector_store %arg13[%swap3A_417, %swap3A_418], %mul3A_415 {strides = array<i32>} : memref<80x32xf32, #tpu.memory_space<vmem>>, vector<16xf32>,
      %broadcast_in_dim3A_420 = arith.constant 18 : i32
      %broadcast_in_dim3A_421 = vector.broadcast %broadcast_in_dim3A_420 : i32 to vector<16xi32>
      %gather3A_422 = tpu.vector_load_idx %arg11[%broadcast_in_dim3A_421] : memref<80xf32, #tpu.memory_space<vmem>>[vector<16xi32>], vector<16xf32>,
      %gather3A_423 = tpu.vector_load_idx %arg10[%broadcast_in_dim3A_421] : memref<80xf32, #tpu.memory_space<vmem>>[vector<16xi32>], vector<16xf32>,
      %get3A_424 = arith.constant 18 : i32
      %get3A_425 = arith.index_cast %get3A_424 : i32 to index
      %get3A_426 = arith.constant 0 : index
      %get3A_427 = tpu.vector_load %arg12[%get3A_425, %get3A_426] {strides = array<i32>} : memref<80x16xf32, #tpu.memory_space<vmem>>, vector<16xf32>,
      %mul3A_428 = arith.mulf %gather3A_422, %get3A_427 : vector<16xf32>
      %swap3A_429 = arith.constant 18 : i32
      %swap3A_430 = arith.index_cast %swap3A_429 : i32 to index
      %swap3A_431 = arith.constant 0 : index
      %swap3A_432 = tpu.vector_load %arg13[%swap3A_430, %swap3A_431] {strides = array<i32>} : memref<80x32xf32, #tpu.memory_space<vmem>>, vector<16xf32>,
      tpu.vector_store %arg13[%swap3A_430, %swap3A_431], %mul3A_428 {strides = array<i32>} : memref<80x32xf32, #tpu.memory_space<vmem>>, vector<16xf32>,
      %mul3A_433 = arith.mulf %gather3A_423, %get3A_427 : vector<16xf32>
      %swap3A_434 = arith.constant 18 : i32
      %swap3A_435 = arith.index_cast %swap3A_434 : i32 to index
      %swap3A_436 = arith.constant 16 : index
      %swap3A_437 = tpu.vector_load %arg13[%swap3A_435, %swap3A_436] {strides = array<i32>} : memref<80x32xf32, #tpu.memory_space<vmem>>, vector<16xf32>,
      tpu.vector_store %arg13[%swap3A_435, %swap3A_436], %mul3A_433 {strides = array<i32>} : memref<80x32xf32, #tpu.memory_space<vmem>>, vector<16xf32>,
      %broadcast_in_dim3A_438 = arith.constant 19 : i32
      %broadcast_in_dim3A_439 = vector.broadcast %broadcast_in_dim3A_438 : i32 to vector<16xi32>
      %gather3A_440 = tpu.vector_load_idx %arg11[%broadcast_in_dim3A_439] : memref<80xf32, #tpu.memory_space<vmem>>[vector<16xi32>], vector<16xf32>,
      %gather3A_441 = tpu.vector_load_idx %arg10[%broadcast_in_dim3A_439] : memref<80xf32, #tpu.memory_space<vmem>>[vector<16xi32>], vector<16xf32>,
      %get3A_442 = arith.constant 19 : i32
      %get3A_443 = arith.index_cast %get3A_442 : i32 to index
      %get3A_444 = arith.constant 0 : index
      %get3A_445 = tpu.vector_load %arg12[%get3A_443, %get3A_444] {strides = array<i32>} : memref<80x16xf32, #tpu.memory_space<vmem>>, vector<16xf32>,
      %mul3A_446 = arith.mulf %gather3A_440, %get3A_445 : vector<16xf32>
      %swap3A_447 = arith.constant 19 : i32
      %swap3A_448 = arith.index_cast %swap3A_447 : i32 to index
      %swap3A_449 = arith.constant 0 : index
      %swap3A_450 = tpu.vector_load %arg13[%swap3A_448, %swap3A_449] {strides = array<i32>} : memref<80x32xf32, #tpu.memory_space<vmem>>, vector<16xf32>,
      tpu.vector_store %arg13[%swap3A_448, %swap3A_449], %mul3A_446 {strides = array<i32>} : memref<80x32xf32, #tpu.memory_space<vmem>>, vector<16xf32>,
      %mul3A_451 = arith.mulf %gather3A_441, %get3A_445 : vector<16xf32>
      %swap3A_452 = arith.constant 19 : i32
      %swap3A_453 = arith.index_cast %swap3A_452 : i32 to index
      %swap3A_454 = arith.constant 16 : index
      %swap3A_455 = tpu.vector_load %arg13[%swap3A_453, %swap3A_454] {strides = array<i32>} : memref<80x32xf32, #tpu.memory_space<vmem>>, vector<16xf32>,
      tpu.vector_store %arg13[%swap3A_453, %swap3A_454], %mul3A_451 {strides = array<i32>} : memref<80x32xf32, #tpu.memory_space<vmem>>, vector<16xf32>,
      %broadcast_in_dim3A_456 = arith.constant 20 : i32
      %broadcast_in_dim3A_457 = vector.broadcast %broadcast_in_dim3A_456 : i32 to vector<16xi32>
      %gather3A_458 = tpu.vector_load_idx %arg11[%broadcast_in_dim3A_457] : memref<80xf32, #tpu.memory_space<vmem>>[vector<16xi32>], vector<16xf32>,
      %gather3A_459 = tpu.vector_load_idx %arg10[%broadcast_in_dim3A_457] : memref<80xf32, #tpu.memory_space<vmem>>[vector<16xi32>], vector<16xf32>,
      %get3A_460 = arith.constant 20 : i32
      %get3A_461 = arith.index_cast %get3A_460 : i32 to index
      %get3A_462 = arith.constant 0 : index
      %get3A_463 = tpu.vector_load %arg12[%get3A_461, %get3A_462] {strides = array<i32>} : memref<80x16xf32, #tpu.memory_space<vmem>>, vector<16xf32>,
      %mul3A_464 = arith.mulf %gather3A_458, %get3A_463 : vector<16xf32>
      %swap3A_465 = arith.constant 20 : i32
      %swap3A_466 = arith.index_cast %swap3A_465 : i32 to index
      %swap3A_467 = arith.constant 0 : index
      %swap3A_468 = tpu.vector_load %arg13[%swap3A_466, %swap3A_467] {strides = array<i32>} : memref<80x32xf32, #tpu.memory_space<vmem>>, vector<16xf32>,
      tpu.vector_store %arg13[%swap3A_466, %swap3A_467], %mul3A_464 {strides = array<i32>} : memref<80x32xf32, #tpu.memory_space<vmem>>, vector<16xf32>,
      %mul3A_469 = arith.mulf %gather3A_459, %get3A_463 : vector<16xf32>
      %swap3A_470 = arith.constant 20 : i32
      %swap3A_471 = arith.index_cast %swap3A_470 : i32 to index
      %swap3A_472 = arith.constant 16 : index
      %swap3A_473 = tpu.vector_load %arg13[%swap3A_471, %swap3A_472] {strides = array<i32>} : memref<80x32xf32, #tpu.memory_space<vmem>>, vector<16xf32>,
      tpu.vector_store %arg13[%swap3A_471, %swap3A_472], %mul3A_469 {strides = array<i32>} : memref<80x32xf32, #tpu.memory_space<vmem>>, vector<16xf32>,
      %broadcast_in_dim3A_474 = arith.constant 21 : i32
      %broadcast_in_dim3A_475 = vector.broadcast %broadcast_in_dim3A_474 : i32 to vector<16xi32>
      %gather3A_476 = tpu.vector_load_idx %arg11[%broadcast_in_dim3A_475] : memref<80xf32, #tpu.memory_space<vmem>>[vector<16xi32>], vector<16xf32>,
      %gather3A_477 = tpu.vector_load_idx %arg10[%broadcast_in_dim3A_475] : memref<80xf32, #tpu.memory_space<vmem>>[vector<16xi32>], vector<16xf32>,
      %get3A_478 = arith.constant 21 : i32
      %get3A_479 = arith.index_cast %get3A_478 : i32 to index
      %get3A_480 = arith.constant 0 : index
      %get3A_481 = tpu.vector_load %arg12[%get3A_479, %get3A_480] {strides = array<i32>} : memref<80x16xf32, #tpu.memory_space<vmem>>, vector<16xf32>,
      %mul3A_482 = arith.mulf %gather3A_476, %get3A_481 : vector<16xf32>
      %swap3A_483 = arith.constant 21 : i32
      %swap3A_484 = arith.index_cast %swap3A_483 : i32 to index
      %swap3A_485 = arith.constant 0 : index
      %swap3A_486 = tpu.vector_load %arg13[%swap3A_484, %swap3A_485] {strides = array<i32>} : memref<80x32xf32, #tpu.memory_space<vmem>>, vector<16xf32>,
      tpu.vector_store %arg13[%swap3A_484, %swap3A_485], %mul3A_482 {strides = array<i32>} : memref<80x32xf32, #tpu.memory_space<vmem>>, vector<16xf32>,
      %mul3A_487 = arith.mulf %gather3A_477, %get3A_481 : vector<16xf32>
      %swap3A_488 = arith.constant 21 : i32
      %swap3A_489 = arith.index_cast %swap3A_488 : i32 to index
      %swap3A_490 = arith.constant 16 : index
      %swap3A_491 = tpu.vector_load %arg13[%swap3A_489, %swap3A_490] {strides = array<i32>} : memref<80x32xf32, #tpu.memory_space<vmem>>, vector<16xf32>,
      tpu.vector_store %arg13[%swap3A_489, %swap3A_490], %mul3A_487 {strides = array<i32>} : memref<80x32xf32, #tpu.memory_space<vmem>>, vector<16xf32>,
      %broadcast_in_dim3A_492 = arith.constant 22 : i32
      %broadcast_in_dim3A_493 = vector.broadcast %broadcast_in_dim3A_492 : i32 to vector<16xi32>
      %gather3A_494 = tpu.vector_load_idx %arg11[%broadcast_in_dim3A_493] : memref<80xf32, #tpu.memory_space<vmem>>[vector<16xi32>], vector<16xf32>,
      %gather3A_495 = tpu.vector_load_idx %arg10[%broadcast_in_dim3A_493] : memref<80xf32, #tpu.memory_space<vmem>>[vector<16xi32>], vector<16xf32>,
      %get3A_496 = arith.constant 22 : i32
      %get3A_497 = arith.index_cast %get3A_496 : i32 to index
      %get3A_498 = arith.constant 0 : index
      %get3A_499 = tpu.vector_load %arg12[%get3A_497, %get3A_498] {strides = array<i32>} : memref<80x16xf32, #tpu.memory_space<vmem>>, vector<16xf32>,
      %mul3A_500 = arith.mulf %gather3A_494, %get3A_499 : vector<16xf32>
      %swap3A_501 = arith.constant 22 : i32
      %swap3A_502 = arith.index_cast %swap3A_501 : i32 to index
      %swap3A_503 = arith.constant 0 : index
      %swap3A_504 = tpu.vector_load %arg13[%swap3A_502, %swap3A_503] {strides = array<i32>} : memref<80x32xf32, #tpu.memory_space<vmem>>, vector<16xf32>,
      tpu.vector_store %arg13[%swap3A_502, %swap3A_503], %mul3A_500 {strides = array<i32>} : memref<80x32xf32, #tpu.memory_space<vmem>>, vector<16xf32>,
      %mul3A_505 = arith.mulf %gather3A_495, %get3A_499 : vector<16xf32>
      %swap3A_506 = arith.constant 22 : i32
      %swap3A_507 = arith.index_cast %swap3A_506 : i32 to index
      %swap3A_508 = arith.constant 16 : index
      %swap3A_509 = tpu.vector_load %arg13[%swap3A_507, %swap3A_508] {strides = array<i32>} : memref<80x32xf32, #tpu.memory_space<vmem>>, vector<16xf32>,
      tpu.vector_store %arg13[%swap3A_507, %swap3A_508], %mul3A_505 {strides = array<i32>} : memref<80x32xf32, #tpu.memory_space<vmem>>, vector<16xf32>,
      %broadcast_in_dim3A_510 = arith.constant 23 : i32
      %broadcast_in_dim3A_511 = vector.broadcast %broadcast_in_dim3A_510 : i32 to vector<16xi32>
      %gather3A_512 = tpu.vector_load_idx %arg11[%broadcast_in_dim3A_511] : memref<80xf32, #tpu.memory_space<vmem>>[vector<16xi32>], vector<16xf32>,
      %gather3A_513 = tpu.vector_load_idx %arg10[%broadcast_in_dim3A_511] : memref<80xf32, #tpu.memory_space<vmem>>[vector<16xi32>], vector<16xf32>,
      %get3A_514 = arith.constant 23 : i32
      %get3A_515 = arith.index_cast %get3A_514 : i32 to index
      %get3A_516 = arith.constant 0 : index
      %get3A_517 = tpu.vector_load %arg12[%get3A_515, %get3A_516] {strides = array<i32>} : memref<80x16xf32, #tpu.memory_space<vmem>>, vector<16xf32>,
      %mul3A_518 = arith.mulf %gather3A_512, %get3A_517 : vector<16xf32>
      %swap3A_519 = arith.constant 23 : i32
      %swap3A_520 = arith.index_cast %swap3A_519 : i32 to index
      %swap3A_521 = arith.constant 0 : index
      %swap3A_522 = tpu.vector_load %arg13[%swap3A_520, %swap3A_521] {strides = array<i32>} : memref<80x32xf32, #tpu.memory_space<vmem>>, vector<16xf32>,
      tpu.vector_store %arg13[%swap3A_520, %swap3A_521], %mul3A_518 {strides = array<i32>} : memref<80x32xf32, #tpu.memory_space<vmem>>, vector<16xf32>,
      %mul3A_523 = arith.mulf %gather3A_513, %get3A_517 : vector<16xf32>
      %swap3A_524 = arith.constant 23 : i32
      %swap3A_525 = arith.index_cast %swap3A_524 : i32 to index
      %swap3A_526 = arith.constant 16 : index
      %swap3A_527 = tpu.vector_load %arg13[%swap3A_525, %swap3A_526] {strides = array<i32>} : memref<80x32xf32, #tpu.memory_space<vmem>>, vector<16xf32>,
      tpu.vector_store %arg13[%swap3A_525, %swap3A_526], %mul3A_523 {strides = array<i32>} : memref<80x32xf32, #tpu.memory_space<vmem>>, vector<16xf32>,
      %broadcast_in_dim3A_528 = arith.constant 24 : i32
      %broadcast_in_dim3A_529 = vector.broadcast %broadcast_in_dim3A_528 : i32 to vector<16xi32>
      %gather3A_530 = tpu.vector_load_idx %arg11[%broadcast_in_dim3A_529] : memref<80xf32, #tpu.memory_space<vmem>>[vector<16xi32>], vector<16xf32>,
      %gather3A_531 = tpu.vector_load_idx %arg10[%broadcast_in_dim3A_529] : memref<80xf32, #tpu.memory_space<vmem>>[vector<16xi32>], vector<16xf32>,
      %get3A_532 = arith.constant 24 : i32
      %get3A_533 = arith.index_cast %get3A_532 : i32 to index
      %get3A_534 = arith.constant 0 : index
      %get3A_535 = tpu.vector_load %arg12[%get3A_533, %get3A_534] {strides = array<i32>} : memref<80x16xf32, #tpu.memory_space<vmem>>, vector<16xf32>,
      %mul3A_536 = arith.mulf %gather3A_530, %get3A_535 : vector<16xf32>
      %swap3A_537 = arith.constant 24 : i32
      %swap3A_538 = arith.index_cast %swap3A_537 : i32 to index
      %swap3A_539 = arith.constant 0 : index
      %swap3A_540 = tpu.vector_load %arg13[%swap3A_538, %swap3A_539] {strides = array<i32>} : memref<80x32xf32, #tpu.memory_space<vmem>>, vector<16xf32>,
      tpu.vector_store %arg13[%swap3A_538, %swap3A_539], %mul3A_536 {strides = array<i32>} : memref<80x32xf32, #tpu.memory_space<vmem>>, vector<16xf32>,
      %mul3A_541 = arith.mulf %gather3A_531, %get3A_535 : vector<16xf32>
      %swap3A_542 = arith.constant 24 : i32
      %swap3A_543 = arith.index_cast %swap3A_542 : i32 to index
      %swap3A_544 = arith.constant 16 : index
      %swap3A_545 = tpu.vector_load %arg13[%swap3A_543, %swap3A_544] {strides = array<i32>} : memref<80x32xf32, #tpu.memory_space<vmem>>, vector<16xf32>,
      tpu.vector_store %arg13[%swap3A_543, %swap3A_544], %mul3A_541 {strides = array<i32>} : memref<80x32xf32, #tpu.memory_space<vmem>>, vector<16xf32>,
      %broadcast_in_dim3A_546 = arith.constant 25 : i32
      %broadcast_in_dim3A_547 = vector.broadcast %broadcast_in_dim3A_546 : i32 to vector<16xi32>
      %gather3A_548 = tpu.vector_load_idx %arg11[%broadcast_in_dim3A_547] : memref<80xf32, #tpu.memory_space<vmem>>[vector<16xi32>], vector<16xf32>,
      %gather3A_549 = tpu.vector_load_idx %arg10[%broadcast_in_dim3A_547] : memref<80xf32, #tpu.memory_space<vmem>>[vector<16xi32>], vector<16xf32>,
      %get3A_550 = arith.constant 25 : i32
      %get3A_551 = arith.index_cast %get3A_550 : i32 to index
      %get3A_552 = arith.constant 0 : index
      %get3A_553 = tpu.vector_load %arg12[%get3A_551, %get3A_552] {strides = array<i32>} : memref<80x16xf32, #tpu.memory_space<vmem>>, vector<16xf32>,
      %mul3A_554 = arith.mulf %gather3A_548, %get3A_553 : vector<16xf32>
      %swap3A_555 = arith.constant 25 : i32
      %swap3A_556 = arith.index_cast %swap3A_555 : i32 to index
      %swap3A_557 = arith.constant 0 : index
      %swap3A_558 = tpu.vector_load %arg13[%swap3A_556, %swap3A_557] {strides = array<i32>} : memref<80x32xf32, #tpu.memory_space<vmem>>, vector<16xf32>,
      tpu.vector_store %arg13[%swap3A_556, %swap3A_557], %mul3A_554 {strides = array<i32>} : memref<80x32xf32, #tpu.memory_space<vmem>>, vector<16xf32>,
      %mul3A_559 = arith.mulf %gather3A_549, %get3A_553 : vector<16xf32>
      %swap3A_560 = arith.constant 25 : i32
      %swap3A_561 = arith.index_cast %swap3A_560 : i32 to index
      %swap3A_562 = arith.constant 16 : index
      %swap3A_563 = tpu.vector_load %arg13[%swap3A_561, %swap3A_562] {strides = array<i32>} : memref<80x32xf32, #tpu.memory_space<vmem>>, vector<16xf32>,
      tpu.vector_store %arg13[%swap3A_561, %swap3A_562], %mul3A_559 {strides = array<i32>} : memref<80x32xf32, #tpu.memory_space<vmem>>, vector<16xf32>,
      %broadcast_in_dim3A_564 = arith.constant 26 : i32
      %broadcast_in_dim3A_565 = vector.broadcast %broadcast_in_dim3A_564 : i32 to vector<16xi32>
      %gather3A_566 = tpu.vector_load_idx %arg11[%broadcast_in_dim3A_565] : memref<80xf32, #tpu.memory_space<vmem>>[vector<16xi32>], vector<16xf32>,
      %gather3A_567 = tpu.vector_load_idx %arg10[%broadcast_in_dim3A_565] : memref<80xf32, #tpu.memory_space<vmem>>[vector<16xi32>], vector<16xf32>,
      %get3A_568 = arith.constant 26 : i32
      %get3A_569 = arith.index_cast %get3A_568 : i32 to index
      %get3A_570 = arith.constant 0 : index
      %get3A_571 = tpu.vector_load %arg12[%get3A_569, %get3A_570] {strides = array<i32>} : memref<80x16xf32, #tpu.memory_space<vmem>>, vector<16xf32>,
      %mul3A_572 = arith.mulf %gather3A_566, %get3A_571 : vector<16xf32>
      %swap3A_573 = arith.constant 26 : i32
      %swap3A_574 = arith.index_cast %swap3A_573 : i32 to index
      %swap3A_575 = arith.constant 0 : index
      %swap3A_576 = tpu.vector_load %arg13[%swap3A_574, %swap3A_575] {strides = array<i32>} : memref<80x32xf32, #tpu.memory_space<vmem>>, vector<16xf32>,
      tpu.vector_store %arg13[%swap3A_574, %swap3A_575], %mul3A_572 {strides = array<i32>} : memref<80x32xf32, #tpu.memory_space<vmem>>, vector<16xf32>,
      %mul3A_577 = arith.mulf %gather3A_567, %get3A_571 : vector<16xf32>
      %swap3A_578 = arith.constant 26 : i32
      %swap3A_579 = arith.index_cast %swap3A_578 : i32 to index
      %swap3A_580 = arith.constant 16 : index
      %swap3A_581 = tpu.vector_load %arg13[%swap3A_579, %swap3A_580] {strides = array<i32>} : memref<80x32xf32, #tpu.memory_space<vmem>>, vector<16xf32>,
      tpu.vector_store %arg13[%swap3A_579, %swap3A_580], %mul3A_577 {strides = array<i32>} : memref<80x32xf32, #tpu.memory_space<vmem>>, vector<16xf32>,
      %broadcast_in_dim3A_582 = arith.constant 27 : i32
      %broadcast_in_dim3A_583 = vector.broadcast %broadcast_in_dim3A_582 : i32 to vector<16xi32>
      %gather3A_584 = tpu.vector_load_idx %arg11[%broadcast_in_dim3A_583] : memref<80xf32, #tpu.memory_space<vmem>>[vector<16xi32>], vector<16xf32>,
      %gather3A_585 = tpu.vector_load_idx %arg10[%broadcast_in_dim3A_583] : memref<80xf32, #tpu.memory_space<vmem>>[vector<16xi32>], vector<16xf32>,
      %get3A_586 = arith.constant 27 : i32
      %get3A_587 = arith.index_cast %get3A_586 : i32 to index
      %get3A_588 = arith.constant 0 : index
      %get3A_589 = tpu.vector_load %arg12[%get3A_587, %get3A_588] {strides = array<i32>} : memref<80x16xf32, #tpu.memory_space<vmem>>, vector<16xf32>,
      %mul3A_590 = arith.mulf %gather3A_584, %get3A_589 : vector<16xf32>
      %swap3A_591 = arith.constant 27 : i32
      %swap3A_592 = arith.index_cast %swap3A_591 : i32 to index
      %swap3A_593 = arith.constant 0 : index
      %swap3A_594 = tpu.vector_load %arg13[%swap3A_592, %swap3A_593] {strides = array<i32>} : memref<80x32xf32, #tpu.memory_space<vmem>>, vector<16xf32>,
      tpu.vector_store %arg13[%swap3A_592, %swap3A_593], %mul3A_590 {strides = array<i32>} : memref<80x32xf32, #tpu.memory_space<vmem>>, vector<16xf32>,
      %mul3A_595 = arith.mulf %gather3A_585, %get3A_589 : vector<16xf32>
      %swap3A_596 = arith.constant 27 : i32
      %swap3A_597 = arith.index_cast %swap3A_596 : i32 to index
      %swap3A_598 = arith.constant 16 : index
      %swap3A_599 = tpu.vector_load %arg13[%swap3A_597, %swap3A_598] {strides = array<i32>} : memref<80x32xf32, #tpu.memory_space<vmem>>, vector<16xf32>,
      tpu.vector_store %arg13[%swap3A_597, %swap3A_598], %mul3A_595 {strides = array<i32>} : memref<80x32xf32, #tpu.memory_space<vmem>>, vector<16xf32>,
      %broadcast_in_dim3A_600 = arith.constant 28 : i32
      %broadcast_in_dim3A_601 = vector.broadcast %broadcast_in_dim3A_600 : i32 to vector<16xi32>
      %gather3A_602 = tpu.vector_load_idx %arg11[%broadcast_in_dim3A_601] : memref<80xf32, #tpu.memory_space<vmem>>[vector<16xi32>], vector<16xf32>,
      %gather3A_603 = tpu.vector_load_idx %arg10[%broadcast_in_dim3A_601] : memref<80xf32, #tpu.memory_space<vmem>>[vector<16xi32>], vector<16xf32>,
      %get3A_604 = arith.constant 28 : i32
      %get3A_605 = arith.index_cast %get3A_604 : i32 to index
      %get3A_606 = arith.constant 0 : index
      %get3A_607 = tpu.vector_load %arg12[%get3A_605, %get3A_606] {strides = array<i32>} : memref<80x16xf32, #tpu.memory_space<vmem>>, vector<16xf32>,
      %mul3A_608 = arith.mulf %gather3A_602, %get3A_607 : vector<16xf32>
      %swap3A_609 = arith.constant 28 : i32
      %swap3A_610 = arith.index_cast %swap3A_609 : i32 to index
      %swap3A_611 = arith.constant 0 : index
      %swap3A_612 = tpu.vector_load %arg13[%swap3A_610, %swap3A_611] {strides = array<i32>} : memref<80x32xf32, #tpu.memory_space<vmem>>, vector<16xf32>,
      tpu.vector_store %arg13[%swap3A_610, %swap3A_611], %mul3A_608 {strides = array<i32>} : memref<80x32xf32, #tpu.memory_space<vmem>>, vector<16xf32>,
      %mul3A_613 = arith.mulf %gather3A_603, %get3A_607 : vector<16xf32>
      %swap3A_614 = arith.constant 28 : i32
      %swap3A_615 = arith.index_cast %swap3A_614 : i32 to index
      %swap3A_616 = arith.constant 16 : index
      %swap3A_617 = tpu.vector_load %arg13[%swap3A_615, %swap3A_616] {strides = array<i32>} : memref<80x32xf32, #tpu.memory_space<vmem>>, vector<16xf32>,
      tpu.vector_store %arg13[%swap3A_615, %swap3A_616], %mul3A_613 {strides = array<i32>} : memref<80x32xf32, #tpu.memory_space<vmem>>, vector<16xf32>,
      %broadcast_in_dim3A_618 = arith.constant 29 : i32
      %broadcast_in_dim3A_619 = vector.broadcast %broadcast_in_dim3A_618 : i32 to vector<16xi32>
      %gather3A_620 = tpu.vector_load_idx %arg11[%broadcast_in_dim3A_619] : memref<80xf32, #tpu.memory_space<vmem>>[vector<16xi32>], vector<16xf32>,
      %gather3A_621 = tpu.vector_load_idx %arg10[%broadcast_in_dim3A_619] : memref<80xf32, #tpu.memory_space<vmem>>[vector<16xi32>], vector<16xf32>,
      %get3A_622 = arith.constant 29 : i32
      %get3A_623 = arith.index_cast %get3A_622 : i32 to index
      %get3A_624 = arith.constant 0 : index
      %get3A_625 = tpu.vector_load %arg12[%get3A_623, %get3A_624] {strides = array<i32>} : memref<80x16xf32, #tpu.memory_space<vmem>>, vector<16xf32>,
      %mul3A_626 = arith.mulf %gather3A_620, %get3A_625 : vector<16xf32>
      %swap3A_627 = arith.constant 29 : i32
      %swap3A_628 = arith.index_cast %swap3A_627 : i32 to index
      %swap3A_629 = arith.constant 0 : index
      %swap3A_630 = tpu.vector_load %arg13[%swap3A_628, %swap3A_629] {strides = array<i32>} : memref<80x32xf32, #tpu.memory_space<vmem>>, vector<16xf32>,
      tpu.vector_store %arg13[%swap3A_628, %swap3A_629], %mul3A_626 {strides = array<i32>} : memref<80x32xf32, #tpu.memory_space<vmem>>, vector<16xf32>,
      %mul3A_631 = arith.mulf %gather3A_621, %get3A_625 : vector<16xf32>
      %swap3A_632 = arith.constant 29 : i32
      %swap3A_633 = arith.index_cast %swap3A_632 : i32 to index
      %swap3A_634 = arith.constant 16 : index
      %swap3A_635 = tpu.vector_load %arg13[%swap3A_633, %swap3A_634] {strides = array<i32>} : memref<80x32xf32, #tpu.memory_space<vmem>>, vector<16xf32>,
      tpu.vector_store %arg13[%swap3A_633, %swap3A_634], %mul3A_631 {strides = array<i32>} : memref<80x32xf32, #tpu.memory_space<vmem>>, vector<16xf32>,
      %broadcast_in_dim3A_636 = arith.constant 30 : i32
      %broadcast_in_dim3A_637 = vector.broadcast %broadcast_in_dim3A_636 : i32 to vector<16xi32>
      %gather3A_638 = tpu.vector_load_idx %arg11[%broadcast_in_dim3A_637] : memref<80xf32, #tpu.memory_space<vmem>>[vector<16xi32>], vector<16xf32>,
      %gather3A_639 = tpu.vector_load_idx %arg10[%broadcast_in_dim3A_637] : memref<80xf32, #tpu.memory_space<vmem>>[vector<16xi32>], vector<16xf32>,
      %get3A_640 = arith.constant 30 : i32
      %get3A_641 = arith.index_cast %get3A_640 : i32 to index
      %get3A_642 = arith.constant 0 : index
      %get3A_643 = tpu.vector_load %arg12[%get3A_641, %get3A_642] {strides = array<i32>} : memref<80x16xf32, #tpu.memory_space<vmem>>, vector<16xf32>,
      %mul3A_644 = arith.mulf %gather3A_638, %get3A_643 : vector<16xf32>
      %swap3A_645 = arith.constant 30 : i32
      %swap3A_646 = arith.index_cast %swap3A_645 : i32 to index
      %swap3A_647 = arith.constant 0 : index
      %swap3A_648 = tpu.vector_load %arg13[%swap3A_646, %swap3A_647] {strides = array<i32>} : memref<80x32xf32, #tpu.memory_space<vmem>>, vector<16xf32>,
      tpu.vector_store %arg13[%swap3A_646, %swap3A_647], %mul3A_644 {strides = array<i32>} : memref<80x32xf32, #tpu.memory_space<vmem>>, vector<16xf32>,
      %mul3A_649 = arith.mulf %gather3A_639, %get3A_643 : vector<16xf32>
      %swap3A_650 = arith.constant 30 : i32
      %swap3A_651 = arith.index_cast %swap3A_650 : i32 to index
      %swap3A_652 = arith.constant 16 : index
      %swap3A_653 = tpu.vector_load %arg13[%swap3A_651, %swap3A_652] {strides = array<i32>} : memref<80x32xf32, #tpu.memory_space<vmem>>, vector<16xf32>,
      tpu.vector_store %arg13[%swap3A_651, %swap3A_652], %mul3A_649 {strides = array<i32>} : memref<80x32xf32, #tpu.memory_space<vmem>>, vector<16xf32>,
      %broadcast_in_dim3A_654 = arith.constant 31 : i32
      %broadcast_in_dim3A_655 = vector.broadcast %broadcast_in_dim3A_654 : i32 to vector<16xi32>
      %gather3A_656 = tpu.vector_load_idx %arg11[%broadcast_in_dim3A_655] : memref<80xf32, #tpu.memory_space<vmem>>[vector<16xi32>], vector<16xf32>,
      %gather3A_657 = tpu.vector_load_idx %arg10[%broadcast_in_dim3A_655] : memref<80xf32, #tpu.memory_space<vmem>>[vector<16xi32>], vector<16xf32>,
      %get3A_658 = arith.constant 31 : i32
      %get3A_659 = arith.index_cast %get3A_658 : i32 to index
      %get3A_660 = arith.constant 0 : index
      %get3A_661 = tpu.vector_load %arg12[%get3A_659, %get3A_660] {strides = array<i32>} : memref<80x16xf32, #tpu.memory_space<vmem>>, vector<16xf32>,
      %mul3A_662 = arith.mulf %gather3A_656, %get3A_661 : vector<16xf32>
      %swap3A_663 = arith.constant 31 : i32
      %swap3A_664 = arith.index_cast %swap3A_663 : i32 to index
      %swap3A_665 = arith.constant 0 : index
      %swap3A_666 = tpu.vector_load %arg13[%swap3A_664, %swap3A_665] {strides = array<i32>} : memref<80x32xf32, #tpu.memory_space<vmem>>, vector<16xf32>,
      tpu.vector_store %arg13[%swap3A_664, %swap3A_665], %mul3A_662 {strides = array<i32>} : memref<80x32xf32, #tpu.memory_space<vmem>>, vector<16xf32>,
      %mul3A_667 = arith.mulf %gather3A_657, %get3A_661 : vector<16xf32>
      %swap3A_668 = arith.constant 31 : i32
      %swap3A_669 = arith.index_cast %swap3A_668 : i32 to index
      %swap3A_670 = arith.constant 16 : index
      %swap3A_671 = tpu.vector_load %arg13[%swap3A_669, %swap3A_670] {strides = array<i32>} : memref<80x32xf32, #tpu.memory_space<vmem>>, vector<16xf32>,
      tpu.vector_store %arg13[%swap3A_669, %swap3A_670], %mul3A_667 {strides = array<i32>} : memref<80x32xf32, #tpu.memory_space<vmem>>, vector<16xf32>,
      %broadcast_in_dim3A_672 = arith.constant 32 : i32
      %broadcast_in_dim3A_673 = vector.broadcast %broadcast_in_dim3A_672 : i32 to vector<16xi32>
      %gather3A_674 = tpu.vector_load_idx %arg11[%broadcast_in_dim3A_673] : memref<80xf32, #tpu.memory_space<vmem>>[vector<16xi32>], vector<16xf32>,
      %gather3A_675 = tpu.vector_load_idx %arg10[%broadcast_in_dim3A_673] : memref<80xf32, #tpu.memory_space<vmem>>[vector<16xi32>], vector<16xf32>,
      %get3A_676 = arith.constant 32 : i32
      %get3A_677 = arith.index_cast %get3A_676 : i32 to index
      %get3A_678 = arith.constant 0 : index
      %get3A_679 = tpu.vector_load %arg12[%get3A_677, %get3A_678] {strides = array<i32>} : memref<80x16xf32, #tpu.memory_space<vmem>>, vector<16xf32>,
      %mul3A_680 = arith.mulf %gather3A_674, %get3A_679 : vector<16xf32>
      %swap3A_681 = arith.constant 32 : i32
      %swap3A_682 = arith.index_cast %swap3A_681 : i32 to index
      %swap3A_683 = arith.constant 0 : index
      %swap3A_684 = tpu.vector_load %arg13[%swap3A_682, %swap3A_683] {strides = array<i32>} : memref<80x32xf32, #tpu.memory_space<vmem>>, vector<16xf32>,
      tpu.vector_store %arg13[%swap3A_682, %swap3A_683], %mul3A_680 {strides = array<i32>} : memref<80x32xf32, #tpu.memory_space<vmem>>, vector<16xf32>,
      %mul3A_685 = arith.mulf %gather3A_675, %get3A_679 : vector<16xf32>
      %swap3A_686 = arith.constant 32 : i32
      %swap3A_687 = arith.index_cast %swap3A_686 : i32 to index
      %swap3A_688 = arith.constant 16 : index
      %swap3A_689 = tpu.vector_load %arg13[%swap3A_687, %swap3A_688] {strides = array<i32>} : memref<80x32xf32, #tpu.memory_space<vmem>>, vector<16xf32>,
      tpu.vector_store %arg13[%swap3A_687, %swap3A_688], %mul3A_685 {strides = array<i32>} : memref<80x32xf32, #tpu.memory_space<vmem>>, vector<16xf32>,
      %broadcast_in_dim3A_690 = arith.constant 33 : i32
      %broadcast_in_dim3A_691 = vector.broadcast %broadcast_in_dim3A_690 : i32 to vector<16xi32>
      %gather3A_692 = tpu.vector_load_idx %arg11[%broadcast_in_dim3A_691] : memref<80xf32, #tpu.memory_space<vmem>>[vector<16xi32>], vector<16xf32>,
      %gather3A_693 = tpu.vector_load_idx %arg10[%broadcast_in_dim3A_691] : memref<80xf32, #tpu.memory_space<vmem>>[vector<16xi32>], vector<16xf32>,
      %get3A_694 = arith.constant 33 : i32
      %get3A_695 = arith.index_cast %get3A_694 : i32 to index
      %get3A_696 = arith.constant 0 : index
      %get3A_697 = tpu.vector_load %arg12[%get3A_695, %get3A_696] {strides = array<i32>} : memref<80x16xf32, #tpu.memory_space<vmem>>, vector<16xf32>,
      %mul3A_698 = arith.mulf %gather3A_692, %get3A_697 : vector<16xf32>
      %swap3A_699 = arith.constant 33 : i32
      %swap3A_700 = arith.index_cast %swap3A_699 : i32 to index
      %swap3A_701 = arith.constant 0 : index
      %swap3A_702 = tpu.vector_load %arg13[%swap3A_700, %swap3A_701] {strides = array<i32>} : memref<80x32xf32, #tpu.memory_space<vmem>>, vector<16xf32>,
      tpu.vector_store %arg13[%swap3A_700, %swap3A_701], %mul3A_698 {strides = array<i32>} : memref<80x32xf32, #tpu.memory_space<vmem>>, vector<16xf32>,
      %mul3A_703 = arith.mulf %gather3A_693, %get3A_697 : vector<16xf32>
      %swap3A_704 = arith.constant 33 : i32
      %swap3A_705 = arith.index_cast %swap3A_704 : i32 to index
      %swap3A_706 = arith.constant 16 : index
      %swap3A_707 = tpu.vector_load %arg13[%swap3A_705, %swap3A_706] {strides = array<i32>} : memref<80x32xf32, #tpu.memory_space<vmem>>, vector<16xf32>,
      tpu.vector_store %arg13[%swap3A_705, %swap3A_706], %mul3A_703 {strides = array<i32>} : memref<80x32xf32, #tpu.memory_space<vmem>>, vector<16xf32>,
      %broadcast_in_dim3A_708 = arith.constant 34 : i32
      %broadcast_in_dim3A_709 = vector.broadcast %broadcast_in_dim3A_708 : i32 to vector<16xi32>
      %gather3A_710 = tpu.vector_load_idx %arg11[%broadcast_in_dim3A_709] : memref<80xf32, #tpu.memory_space<vmem>>[vector<16xi32>], vector<16xf32>,
      %gather3A_711 = tpu.vector_load_idx %arg10[%broadcast_in_dim3A_709] : memref<80xf32, #tpu.memory_space<vmem>>[vector<16xi32>], vector<16xf32>,
      %get3A_712 = arith.constant 34 : i32
      %get3A_713 = arith.index_cast %get3A_712 : i32 to index
      %get3A_714 = arith.constant 0 : index
      %get3A_715 = tpu.vector_load %arg12[%get3A_713, %get3A_714] {strides = array<i32>} : memref<80x16xf32, #tpu.memory_space<vmem>>, vector<16xf32>,
      %mul3A_716 = arith.mulf %gather3A_710, %get3A_715 : vector<16xf32>
      %swap3A_717 = arith.constant 34 : i32
      %swap3A_718 = arith.index_cast %swap3A_717 : i32 to index
      %swap3A_719 = arith.constant 0 : index
      %swap3A_720 = tpu.vector_load %arg13[%swap3A_718, %swap3A_719] {strides = array<i32>} : memref<80x32xf32, #tpu.memory_space<vmem>>, vector<16xf32>,
      tpu.vector_store %arg13[%swap3A_718, %swap3A_719], %mul3A_716 {strides = array<i32>} : memref<80x32xf32, #tpu.memory_space<vmem>>, vector<16xf32>,
      %mul3A_721 = arith.mulf %gather3A_711, %get3A_715 : vector<16xf32>
      %swap3A_722 = arith.constant 34 : i32
      %swap3A_723 = arith.index_cast %swap3A_722 : i32 to index
      %swap3A_724 = arith.constant 16 : index
      %swap3A_725 = tpu.vector_load %arg13[%swap3A_723, %swap3A_724] {strides = array<i32>} : memref<80x32xf32, #tpu.memory_space<vmem>>, vector<16xf32>,
      tpu.vector_store %arg13[%swap3A_723, %swap3A_724], %mul3A_721 {strides = array<i32>} : memref<80x32xf32, #tpu.memory_space<vmem>>, vector<16xf32>,
      %broadcast_in_dim3A_726 = arith.constant 35 : i32
      %broadcast_in_dim3A_727 = vector.broadcast %broadcast_in_dim3A_726 : i32 to vector<16xi32>
      %gather3A_728 = tpu.vector_load_idx %arg11[%broadcast_in_dim3A_727] : memref<80xf32, #tpu.memory_space<vmem>>[vector<16xi32>], vector<16xf32>,
      %gather3A_729 = tpu.vector_load_idx %arg10[%broadcast_in_dim3A_727] : memref<80xf32, #tpu.memory_space<vmem>>[vector<16xi32>], vector<16xf32>,
      %get3A_730 = arith.constant 35 : i32
      %get3A_731 = arith.index_cast %get3A_730 : i32 to index
      %get3A_732 = arith.constant 0 : index
      %get3A_733 = tpu.vector_load %arg12[%get3A_731, %get3A_732] {strides = array<i32>} : memref<80x16xf32, #tpu.memory_space<vmem>>, vector<16xf32>,
      %mul3A_734 = arith.mulf %gather3A_728, %get3A_733 : vector<16xf32>
      %swap3A_735 = arith.constant 35 : i32
      %swap3A_736 = arith.index_cast %swap3A_735 : i32 to index
      %swap3A_737 = arith.constant 0 : index
      %swap3A_738 = tpu.vector_load %arg13[%swap3A_736, %swap3A_737] {strides = array<i32>} : memref<80x32xf32, #tpu.memory_space<vmem>>, vector<16xf32>,
      tpu.vector_store %arg13[%swap3A_736, %swap3A_737], %mul3A_734 {strides = array<i32>} : memref<80x32xf32, #tpu.memory_space<vmem>>, vector<16xf32>,
      %mul3A_739 = arith.mulf %gather3A_729, %get3A_733 : vector<16xf32>
      %swap3A_740 = arith.constant 35 : i32
      %swap3A_741 = arith.index_cast %swap3A_740 : i32 to index
      %swap3A_742 = arith.constant 16 : index
      %swap3A_743 = tpu.vector_load %arg13[%swap3A_741, %swap3A_742] {strides = array<i32>} : memref<80x32xf32, #tpu.memory_space<vmem>>, vector<16xf32>,
      tpu.vector_store %arg13[%swap3A_741, %swap3A_742], %mul3A_739 {strides = array<i32>} : memref<80x32xf32, #tpu.memory_space<vmem>>, vector<16xf32>,
      %broadcast_in_dim3A_744 = arith.constant 36 : i32
      %broadcast_in_dim3A_745 = vector.broadcast %broadcast_in_dim3A_744 : i32 to vector<16xi32>
      %gather3A_746 = tpu.vector_load_idx %arg11[%broadcast_in_dim3A_745] : memref<80xf32, #tpu.memory_space<vmem>>[vector<16xi32>], vector<16xf32>,
      %gather3A_747 = tpu.vector_load_idx %arg10[%broadcast_in_dim3A_745] : memref<80xf32, #tpu.memory_space<vmem>>[vector<16xi32>], vector<16xf32>,
      %get3A_748 = arith.constant 36 : i32
      %get3A_749 = arith.index_cast %get3A_748 : i32 to index
      %get3A_750 = arith.constant 0 : index
      %get3A_751 = tpu.vector_load %arg12[%get3A_749, %get3A_750] {strides = array<i32>} : memref<80x16xf32, #tpu.memory_space<vmem>>, vector<16xf32>,
      %mul3A_752 = arith.mulf %gather3A_746, %get3A_751 : vector<16xf32>
      %swap3A_753 = arith.constant 36 : i32
      %swap3A_754 = arith.index_cast %swap3A_753 : i32 to index
      %swap3A_755 = arith.constant 0 : index
      %swap3A_756 = tpu.vector_load %arg13[%swap3A_754, %swap3A_755] {strides = array<i32>} : memref<80x32xf32, #tpu.memory_space<vmem>>, vector<16xf32>,
      tpu.vector_store %arg13[%swap3A_754, %swap3A_755], %mul3A_752 {strides = array<i32>} : memref<80x32xf32, #tpu.memory_space<vmem>>, vector<16xf32>,
      %mul3A_757 = arith.mulf %gather3A_747, %get3A_751 : vector<16xf32>
      %swap3A_758 = arith.constant 36 : i32
      %swap3A_759 = arith.index_cast %swap3A_758 : i32 to index
      %swap3A_760 = arith.constant 16 : index
      %swap3A_761 = tpu.vector_load %arg13[%swap3A_759, %swap3A_760] {strides = array<i32>} : memref<80x32xf32, #tpu.memory_space<vmem>>, vector<16xf32>,
      tpu.vector_store %arg13[%swap3A_759, %swap3A_760], %mul3A_757 {strides = array<i32>} : memref<80x32xf32, #tpu.memory_space<vmem>>, vector<16xf32>,
      %broadcast_in_dim3A_762 = arith.constant 37 : i32
      %broadcast_in_dim3A_763 = vector.broadcast %broadcast_in_dim3A_762 : i32 to vector<16xi32>
      %gather3A_764 = tpu.vector_load_idx %arg11[%broadcast_in_dim3A_763] : memref<80xf32, #tpu.memory_space<vmem>>[vector<16xi32>], vector<16xf32>,
      %gather3A_765 = tpu.vector_load_idx %arg10[%broadcast_in_dim3A_763] : memref<80xf32, #tpu.memory_space<vmem>>[vector<16xi32>], vector<16xf32>,
      %get3A_766 = arith.constant 37 : i32
      %get3A_767 = arith.index_cast %get3A_766 : i32 to index
      %get3A_768 = arith.constant 0 : index
      %get3A_769 = tpu.vector_load %arg12[%get3A_767, %get3A_768] {strides = array<i32>} : memref<80x16xf32, #tpu.memory_space<vmem>>, vector<16xf32>,
      %mul3A_770 = arith.mulf %gather3A_764, %get3A_769 : vector<16xf32>
      %swap3A_771 = arith.constant 37 : i32
      %swap3A_772 = arith.index_cast %swap3A_771 : i32 to index
      %swap3A_773 = arith.constant 0 : index
      %swap3A_774 = tpu.vector_load %arg13[%swap3A_772, %swap3A_773] {strides = array<i32>} : memref<80x32xf32, #tpu.memory_space<vmem>>, vector<16xf32>,
      tpu.vector_store %arg13[%swap3A_772, %swap3A_773], %mul3A_770 {strides = array<i32>} : memref<80x32xf32, #tpu.memory_space<vmem>>, vector<16xf32>,
      %mul3A_775 = arith.mulf %gather3A_765, %get3A_769 : vector<16xf32>
      %swap3A_776 = arith.constant 37 : i32
      %swap3A_777 = arith.index_cast %swap3A_776 : i32 to index
      %swap3A_778 = arith.constant 16 : index
      %swap3A_779 = tpu.vector_load %arg13[%swap3A_777, %swap3A_778] {strides = array<i32>} : memref<80x32xf32, #tpu.memory_space<vmem>>, vector<16xf32>,
      tpu.vector_store %arg13[%swap3A_777, %swap3A_778], %mul3A_775 {strides = array<i32>} : memref<80x32xf32, #tpu.memory_space<vmem>>, vector<16xf32>,
      %broadcast_in_dim3A_780 = arith.constant 38 : i32
      %broadcast_in_dim3A_781 = vector.broadcast %broadcast_in_dim3A_780 : i32 to vector<16xi32>
      %gather3A_782 = tpu.vector_load_idx %arg11[%broadcast_in_dim3A_781] : memref<80xf32, #tpu.memory_space<vmem>>[vector<16xi32>], vector<16xf32>,
      %gather3A_783 = tpu.vector_load_idx %arg10[%broadcast_in_dim3A_781] : memref<80xf32, #tpu.memory_space<vmem>>[vector<16xi32>], vector<16xf32>,
      %get3A_784 = arith.constant 38 : i32
      %get3A_785 = arith.index_cast %get3A_784 : i32 to index
      %get3A_786 = arith.constant 0 : index
      %get3A_787 = tpu.vector_load %arg12[%get3A_785, %get3A_786] {strides = array<i32>} : memref<80x16xf32, #tpu.memory_space<vmem>>, vector<16xf32>,
      %mul3A_788 = arith.mulf %gather3A_782, %get3A_787 : vector<16xf32>
      %swap3A_789 = arith.constant 38 : i32
      %swap3A_790 = arith.index_cast %swap3A_789 : i32 to index
      %swap3A_791 = arith.constant 0 : index
      %swap3A_792 = tpu.vector_load %arg13[%swap3A_790, %swap3A_791] {strides = array<i32>} : memref<80x32xf32, #tpu.memory_space<vmem>>, vector<16xf32>,
      tpu.vector_store %arg13[%swap3A_790, %swap3A_791], %mul3A_788 {strides = array<i32>} : memref<80x32xf32, #tpu.memory_space<vmem>>, vector<16xf32>,
      %mul3A_793 = arith.mulf %gather3A_783, %get3A_787 : vector<16xf32>
      %swap3A_794 = arith.constant 38 : i32
      %swap3A_795 = arith.index_cast %swap3A_794 : i32 to index
      %swap3A_796 = arith.constant 16 : index
      %swap3A_797 = tpu.vector_load %arg13[%swap3A_795, %swap3A_796] {strides = array<i32>} : memref<80x32xf32, #tpu.memory_space<vmem>>, vector<16xf32>,
      tpu.vector_store %arg13[%swap3A_795, %swap3A_796], %mul3A_793 {strides = array<i32>} : memref<80x32xf32, #tpu.memory_space<vmem>>, vector<16xf32>,
      %broadcast_in_dim3A_798 = arith.constant 39 : i32
      %broadcast_in_dim3A_799 = vector.broadcast %broadcast_in_dim3A_798 : i32 to vector<16xi32>
      %gather3A_800 = tpu.vector_load_idx %arg11[%broadcast_in_dim3A_799] : memref<80xf32, #tpu.memory_space<vmem>>[vector<16xi32>], vector<16xf32>,
      %gather3A_801 = tpu.vector_load_idx %arg10[%broadcast_in_dim3A_799] : memref<80xf32, #tpu.memory_space<vmem>>[vector<16xi32>], vector<16xf32>,
      %get3A_802 = arith.constant 39 : i32
      %get3A_803 = arith.index_cast %get3A_802 : i32 to index
      %get3A_804 = arith.constant 0 : index
      %get3A_805 = tpu.vector_load %arg12[%get3A_803, %get3A_804] {strides = array<i32>} : memref<80x16xf32, #tpu.memory_space<vmem>>, vector<16xf32>,
      %mul3A_806 = arith.mulf %gather3A_800, %get3A_805 : vector<16xf32>
      %swap3A_807 = arith.constant 39 : i32
      %swap3A_808 = arith.index_cast %swap3A_807 : i32 to index
      %swap3A_809 = arith.constant 0 : index
      %swap3A_810 = tpu.vector_load %arg13[%swap3A_808, %swap3A_809] {strides = array<i32>} : memref<80x32xf32, #tpu.memory_space<vmem>>, vector<16xf32>,
      tpu.vector_store %arg13[%swap3A_808, %swap3A_809], %mul3A_806 {strides = array<i32>} : memref<80x32xf32, #tpu.memory_space<vmem>>, vector<16xf32>,
      %mul3A_811 = arith.mulf %gather3A_801, %get3A_805 : vector<16xf32>
      %swap3A_812 = arith.constant 39 : i32
      %swap3A_813 = arith.index_cast %swap3A_812 : i32 to index
      %swap3A_814 = arith.constant 16 : index
      %swap3A_815 = tpu.vector_load %arg13[%swap3A_813, %swap3A_814] {strides = array<i32>} : memref<80x32xf32, #tpu.memory_space<vmem>>, vector<16xf32>,
      tpu.vector_store %arg13[%swap3A_813, %swap3A_814], %mul3A_811 {strides = array<i32>} : memref<80x32xf32, #tpu.memory_space<vmem>>, vector<16xf32>,
      %broadcast_in_dim3A_816 = arith.constant 40 : i32
      %broadcast_in_dim3A_817 = vector.broadcast %broadcast_in_dim3A_816 : i32 to vector<16xi32>
      %gather3A_818 = tpu.vector_load_idx %arg11[%broadcast_in_dim3A_817] : memref<80xf32, #tpu.memory_space<vmem>>[vector<16xi32>], vector<16xf32>,
      %gather3A_819 = tpu.vector_load_idx %arg10[%broadcast_in_dim3A_817] : memref<80xf32, #tpu.memory_space<vmem>>[vector<16xi32>], vector<16xf32>,
      %get3A_820 = arith.constant 40 : i32
      %get3A_821 = arith.index_cast %get3A_820 : i32 to index
      %get3A_822 = arith.constant 0 : index
      %get3A_823 = tpu.vector_load %arg12[%get3A_821, %get3A_822] {strides = array<i32>} : memref<80x16xf32, #tpu.memory_space<vmem>>, vector<16xf32>,
      %mul3A_824 = arith.mulf %gather3A_818, %get3A_823 : vector<16xf32>
      %swap3A_825 = arith.constant 40 : i32
      %swap3A_826 = arith.index_cast %swap3A_825 : i32 to index
      %swap3A_827 = arith.constant 0 : index
      %swap3A_828 = tpu.vector_load %arg13[%swap3A_826, %swap3A_827] {strides = array<i32>} : memref<80x32xf32, #tpu.memory_space<vmem>>, vector<16xf32>,
      tpu.vector_store %arg13[%swap3A_826, %swap3A_827], %mul3A_824 {strides = array<i32>} : memref<80x32xf32, #tpu.memory_space<vmem>>, vector<16xf32>,
      %mul3A_829 = arith.mulf %gather3A_819, %get3A_823 : vector<16xf32>
      %swap3A_830 = arith.constant 40 : i32
      %swap3A_831 = arith.index_cast %swap3A_830 : i32 to index
      %swap3A_832 = arith.constant 16 : index
      %swap3A_833 = tpu.vector_load %arg13[%swap3A_831, %swap3A_832] {strides = array<i32>} : memref<80x32xf32, #tpu.memory_space<vmem>>, vector<16xf32>,
      tpu.vector_store %arg13[%swap3A_831, %swap3A_832], %mul3A_829 {strides = array<i32>} : memref<80x32xf32, #tpu.memory_space<vmem>>, vector<16xf32>,
      %broadcast_in_dim3A_834 = arith.constant 41 : i32
      %broadcast_in_dim3A_835 = vector.broadcast %broadcast_in_dim3A_834 : i32 to vector<16xi32>
      %gather3A_836 = tpu.vector_load_idx %arg11[%broadcast_in_dim3A_835] : memref<80xf32, #tpu.memory_space<vmem>>[vector<16xi32>], vector<16xf32>,
      %gather3A_837 = tpu.vector_load_idx %arg10[%broadcast_in_dim3A_835] : memref<80xf32, #tpu.memory_space<vmem>>[vector<16xi32>], vector<16xf32>,
      %get3A_838 = arith.constant 41 : i32
      %get3A_839 = arith.index_cast %get3A_838 : i32 to index
      %get3A_840 = arith.constant 0 : index
      %get3A_841 = tpu.vector_load %arg12[%get3A_839, %get3A_840] {strides = array<i32>} : memref<80x16xf32, #tpu.memory_space<vmem>>, vector<16xf32>,
      %mul3A_842 = arith.mulf %gather3A_836, %get3A_841 : vector<16xf32>
      %swap3A_843 = arith.constant 41 : i32
      %swap3A_844 = arith.index_cast %swap3A_843 : i32 to index
      %swap3A_845 = arith.constant 0 : index
      %swap3A_846 = tpu.vector_load %arg13[%swap3A_844, %swap3A_845] {strides = array<i32>} : memref<80x32xf32, #tpu.memory_space<vmem>>, vector<16xf32>,
      tpu.vector_store %arg13[%swap3A_844, %swap3A_845], %mul3A_842 {strides = array<i32>} : memref<80x32xf32, #tpu.memory_space<vmem>>, vector<16xf32>,
      %mul3A_847 = arith.mulf %gather3A_837, %get3A_841 : vector<16xf32>
      %swap3A_848 = arith.constant 41 : i32
      %swap3A_849 = arith.index_cast %swap3A_848 : i32 to index
      %swap3A_850 = arith.constant 16 : index
      %swap3A_851 = tpu.vector_load %arg13[%swap3A_849, %swap3A_850] {strides = array<i32>} : memref<80x32xf32, #tpu.memory_space<vmem>>, vector<16xf32>,
      tpu.vector_store %arg13[%swap3A_849, %swap3A_850], %mul3A_847 {strides = array<i32>} : memref<80x32xf32, #tpu.memory_space<vmem>>, vector<16xf32>,
      %broadcast_in_dim3A_852 = arith.constant 42 : i32
      %broadcast_in_dim3A_853 = vector.broadcast %broadcast_in_dim3A_852 : i32 to vector<16xi32>
      %gather3A_854 = tpu.vector_load_idx %arg11[%broadcast_in_dim3A_853] : memref<80xf32, #tpu.memory_space<vmem>>[vector<16xi32>], vector<16xf32>,
      %gather3A_855 = tpu.vector_load_idx %arg10[%broadcast_in_dim3A_853] : memref<80xf32, #tpu.memory_space<vmem>>[vector<16xi32>], vector<16xf32>,
      %get3A_856 = arith.constant 42 : i32
      %get3A_857 = arith.index_cast %get3A_856 : i32 to index
      %get3A_858 = arith.constant 0 : index
      %get3A_859 = tpu.vector_load %arg12[%get3A_857, %get3A_858] {strides = array<i32>} : memref<80x16xf32, #tpu.memory_space<vmem>>, vector<16xf32>,
      %mul3A_860 = arith.mulf %gather3A_854, %get3A_859 : vector<16xf32>
      %swap3A_861 = arith.constant 42 : i32
      %swap3A_862 = arith.index_cast %swap3A_861 : i32 to index
      %swap3A_863 = arith.constant 0 : index
      %swap3A_864 = tpu.vector_load %arg13[%swap3A_862, %swap3A_863] {strides = array<i32>} : memref<80x32xf32, #tpu.memory_space<vmem>>, vector<16xf32>,
      tpu.vector_store %arg13[%swap3A_862, %swap3A_863], %mul3A_860 {strides = array<i32>} : memref<80x32xf32, #tpu.memory_space<vmem>>, vector<16xf32>,
      %mul3A_865 = arith.mulf %gather3A_855, %get3A_859 : vector<16xf32>
      %swap3A_866 = arith.constant 42 : i32
      %swap3A_867 = arith.index_cast %swap3A_866 : i32 to index
      %swap3A_868 = arith.constant 16 : index
      %swap3A_869 = tpu.vector_load %arg13[%swap3A_867, %swap3A_868] {strides = array<i32>} : memref<80x32xf32, #tpu.memory_space<vmem>>, vector<16xf32>,
      tpu.vector_store %arg13[%swap3A_867, %swap3A_868], %mul3A_865 {strides = array<i32>} : memref<80x32xf32, #tpu.memory_space<vmem>>, vector<16xf32>,
      %broadcast_in_dim3A_870 = arith.constant 43 : i32
      %broadcast_in_dim3A_871 = vector.broadcast %broadcast_in_dim3A_870 : i32 to vector<16xi32>
      %gather3A_872 = tpu.vector_load_idx %arg11[%broadcast_in_dim3A_871] : memref<80xf32, #tpu.memory_space<vmem>>[vector<16xi32>], vector<16xf32>,
      %gather3A_873 = tpu.vector_load_idx %arg10[%broadcast_in_dim3A_871] : memref<80xf32, #tpu.memory_space<vmem>>[vector<16xi32>], vector<16xf32>,
      %get3A_874 = arith.constant 43 : i32
      %get3A_875 = arith.index_cast %get3A_874 : i32 to index
      %get3A_876 = arith.constant 0 : index
      %get3A_877 = tpu.vector_load %arg12[%get3A_875, %get3A_876] {strides = array<i32>} : memref<80x16xf32, #tpu.memory_space<vmem>>, vector<16xf32>,
      %mul3A_878 = arith.mulf %gather3A_872, %get3A_877 : vector<16xf32>
      %swap3A_879 = arith.constant 43 : i32
      %swap3A_880 = arith.index_cast %swap3A_879 : i32 to index
      %swap3A_881 = arith.constant 0 : index
      %swap3A_882 = tpu.vector_load %arg13[%swap3A_880, %swap3A_881] {strides = array<i32>} : memref<80x32xf32, #tpu.memory_space<vmem>>, vector<16xf32>,
      tpu.vector_store %arg13[%swap3A_880, %swap3A_881], %mul3A_878 {strides = array<i32>} : memref<80x32xf32, #tpu.memory_space<vmem>>, vector<16xf32>,
      %mul3A_883 = arith.mulf %gather3A_873, %get3A_877 : vector<16xf32>
      %swap3A_884 = arith.constant 43 : i32
      %swap3A_885 = arith.index_cast %swap3A_884 : i32 to index
      %swap3A_886 = arith.constant 16 : index
      %swap3A_887 = tpu.vector_load %arg13[%swap3A_885, %swap3A_886] {strides = array<i32>} : memref<80x32xf32, #tpu.memory_space<vmem>>, vector<16xf32>,
      tpu.vector_store %arg13[%swap3A_885, %swap3A_886], %mul3A_883 {strides = array<i32>} : memref<80x32xf32, #tpu.memory_space<vmem>>, vector<16xf32>,
      %broadcast_in_dim3A_888 = arith.constant 44 : i32
      %broadcast_in_dim3A_889 = vector.broadcast %broadcast_in_dim3A_888 : i32 to vector<16xi32>
      %gather3A_890 = tpu.vector_load_idx %arg11[%broadcast_in_dim3A_889] : memref<80xf32, #tpu.memory_space<vmem>>[vector<16xi32>], vector<16xf32>,
      %gather3A_891 = tpu.vector_load_idx %arg10[%broadcast_in_dim3A_889] : memref<80xf32, #tpu.memory_space<vmem>>[vector<16xi32>], vector<16xf32>,
      %get3A_892 = arith.constant 44 : i32
      %get3A_893 = arith.index_cast %get3A_892 : i32 to index
      %get3A_894 = arith.constant 0 : index
      %get3A_895 = tpu.vector_load %arg12[%get3A_893, %get3A_894] {strides = array<i32>} : memref<80x16xf32, #tpu.memory_space<vmem>>, vector<16xf32>,
      %mul3A_896 = arith.mulf %gather3A_890, %get3A_895 : vector<16xf32>
      %swap3A_897 = arith.constant 44 : i32
      %swap3A_898 = arith.index_cast %swap3A_897 : i32 to index
      %swap3A_899 = arith.constant 0 : index
      %swap3A_900 = tpu.vector_load %arg13[%swap3A_898, %swap3A_899] {strides = array<i32>} : memref<80x32xf32, #tpu.memory_space<vmem>>, vector<16xf32>,
      tpu.vector_store %arg13[%swap3A_898, %swap3A_899], %mul3A_896 {strides = array<i32>} : memref<80x32xf32, #tpu.memory_space<vmem>>, vector<16xf32>,
      %mul3A_901 = arith.mulf %gather3A_891, %get3A_895 : vector<16xf32>
      %swap3A_902 = arith.constant 44 : i32
      %swap3A_903 = arith.index_cast %swap3A_902 : i32 to index
      %swap3A_904 = arith.constant 16 : index
      %swap3A_905 = tpu.vector_load %arg13[%swap3A_903, %swap3A_904] {strides = array<i32>} : memref<80x32xf32, #tpu.memory_space<vmem>>, vector<16xf32>,
      tpu.vector_store %arg13[%swap3A_903, %swap3A_904], %mul3A_901 {strides = array<i32>} : memref<80x32xf32, #tpu.memory_space<vmem>>, vector<16xf32>,
      %broadcast_in_dim3A_906 = arith.constant 45 : i32
      %broadcast_in_dim3A_907 = vector.broadcast %broadcast_in_dim3A_906 : i32 to vector<16xi32>
      %gather3A_908 = tpu.vector_load_idx %arg11[%broadcast_in_dim3A_907] : memref<80xf32, #tpu.memory_space<vmem>>[vector<16xi32>], vector<16xf32>,
      %gather3A_909 = tpu.vector_load_idx %arg10[%broadcast_in_dim3A_907] : memref<80xf32, #tpu.memory_space<vmem>>[vector<16xi32>], vector<16xf32>,
      %get3A_910 = arith.constant 45 : i32
      %get3A_911 = arith.index_cast %get3A_910 : i32 to index
      %get3A_912 = arith.constant 0 : index
      %get3A_913 = tpu.vector_load %arg12[%get3A_911, %get3A_912] {strides = array<i32>} : memref<80x16xf32, #tpu.memory_space<vmem>>, vector<16xf32>,
      %mul3A_914 = arith.mulf %gather3A_908, %get3A_913 : vector<16xf32>
      %swap3A_915 = arith.constant 45 : i32
      %swap3A_916 = arith.index_cast %swap3A_915 : i32 to index
      %swap3A_917 = arith.constant 0 : index
      %swap3A_918 = tpu.vector_load %arg13[%swap3A_916, %swap3A_917] {strides = array<i32>} : memref<80x32xf32, #tpu.memory_space<vmem>>, vector<16xf32>,
      tpu.vector_store %arg13[%swap3A_916, %swap3A_917], %mul3A_914 {strides = array<i32>} : memref<80x32xf32, #tpu.memory_space<vmem>>, vector<16xf32>,
      %mul3A_919 = arith.mulf %gather3A_909, %get3A_913 : vector<16xf32>
      %swap3A_920 = arith.constant 45 : i32
      %swap3A_921 = arith.index_cast %swap3A_920 : i32 to index
      %swap3A_922 = arith.constant 16 : index
      %swap3A_923 = tpu.vector_load %arg13[%swap3A_921, %swap3A_922] {strides = array<i32>} : memref<80x32xf32, #tpu.memory_space<vmem>>, vector<16xf32>,
      tpu.vector_store %arg13[%swap3A_921, %swap3A_922], %mul3A_919 {strides = array<i32>} : memref<80x32xf32, #tpu.memory_space<vmem>>, vector<16xf32>,
      %broadcast_in_dim3A_924 = arith.constant 46 : i32
      %broadcast_in_dim3A_925 = vector.broadcast %broadcast_in_dim3A_924 : i32 to vector<16xi32>
      %gather3A_926 = tpu.vector_load_idx %arg11[%broadcast_in_dim3A_925] : memref<80xf32, #tpu.memory_space<vmem>>[vector<16xi32>], vector<16xf32>,
      %gather3A_927 = tpu.vector_load_idx %arg10[%broadcast_in_dim3A_925] : memref<80xf32, #tpu.memory_space<vmem>>[vector<16xi32>], vector<16xf32>,
      %get3A_928 = arith.constant 46 : i32
      %get3A_929 = arith.index_cast %get3A_928 : i32 to index
      %get3A_930 = arith.constant 0 : index
      %get3A_931 = tpu.vector_load %arg12[%get3A_929, %get3A_930] {strides = array<i32>} : memref<80x16xf32, #tpu.memory_space<vmem>>, vector<16xf32>,
      %mul3A_932 = arith.mulf %gather3A_926, %get3A_931 : vector<16xf32>
      %swap3A_933 = arith.constant 46 : i32
      %swap3A_934 = arith.index_cast %swap3A_933 : i32 to index
      %swap3A_935 = arith.constant 0 : index
      %swap3A_936 = tpu.vector_load %arg13[%swap3A_934, %swap3A_935] {strides = array<i32>} : memref<80x32xf32, #tpu.memory_space<vmem>>, vector<16xf32>,
      tpu.vector_store %arg13[%swap3A_934, %swap3A_935], %mul3A_932 {strides = array<i32>} : memref<80x32xf32, #tpu.memory_space<vmem>>, vector<16xf32>,
      %mul3A_937 = arith.mulf %gather3A_927, %get3A_931 : vector<16xf32>
      %swap3A_938 = arith.constant 46 : i32
      %swap3A_939 = arith.index_cast %swap3A_938 : i32 to index
      %swap3A_940 = arith.constant 16 : index
      %swap3A_941 = tpu.vector_load %arg13[%swap3A_939, %swap3A_940] {strides = array<i32>} : memref<80x32xf32, #tpu.memory_space<vmem>>, vector<16xf32>,
      tpu.vector_store %arg13[%swap3A_939, %swap3A_940], %mul3A_937 {strides = array<i32>} : memref<80x32xf32, #tpu.memory_space<vmem>>, vector<16xf32>,
      %broadcast_in_dim3A_942 = arith.constant 47 : i32
      %broadcast_in_dim3A_943 = vector.broadcast %broadcast_in_dim3A_942 : i32 to vector<16xi32>
      %gather3A_944 = tpu.vector_load_idx %arg11[%broadcast_in_dim3A_943] : memref<80xf32, #tpu.memory_space<vmem>>[vector<16xi32>], vector<16xf32>,
      %gather3A_945 = tpu.vector_load_idx %arg10[%broadcast_in_dim3A_943] : memref<80xf32, #tpu.memory_space<vmem>>[vector<16xi32>], vector<16xf32>,
      %get3A_946 = arith.constant 47 : i32
      %get3A_947 = arith.index_cast %get3A_946 : i32 to index
      %get3A_948 = arith.constant 0 : index
      %get3A_949 = tpu.vector_load %arg12[%get3A_947, %get3A_948] {strides = array<i32>} : memref<80x16xf32, #tpu.memory_space<vmem>>, vector<16xf32>,
      %mul3A_950 = arith.mulf %gather3A_944, %get3A_949 : vector<16xf32>
      %swap3A_951 = arith.constant 47 : i32
      %swap3A_952 = arith.index_cast %swap3A_951 : i32 to index
      %swap3A_953 = arith.constant 0 : index
      %swap3A_954 = tpu.vector_load %arg13[%swap3A_952, %swap3A_953] {strides = array<i32>} : memref<80x32xf32, #tpu.memory_space<vmem>>, vector<16xf32>,
      tpu.vector_store %arg13[%swap3A_952, %swap3A_953], %mul3A_950 {strides = array<i32>} : memref<80x32xf32, #tpu.memory_space<vmem>>, vector<16xf32>,
      %mul3A_955 = arith.mulf %gather3A_945, %get3A_949 : vector<16xf32>
      %swap3A_956 = arith.constant 47 : i32
      %swap3A_957 = arith.index_cast %swap3A_956 : i32 to index
      %swap3A_958 = arith.constant 16 : index
      %swap3A_959 = tpu.vector_load %arg13[%swap3A_957, %swap3A_958] {strides = array<i32>} : memref<80x32xf32, #tpu.memory_space<vmem>>, vector<16xf32>,
      tpu.vector_store %arg13[%swap3A_957, %swap3A_958], %mul3A_955 {strides = array<i32>} : memref<80x32xf32, #tpu.memory_space<vmem>>, vector<16xf32>,
      %broadcast_in_dim3A_960 = arith.constant 48 : i32
      %broadcast_in_dim3A_961 = vector.broadcast %broadcast_in_dim3A_960 : i32 to vector<16xi32>
      %gather3A_962 = tpu.vector_load_idx %arg11[%broadcast_in_dim3A_961] : memref<80xf32, #tpu.memory_space<vmem>>[vector<16xi32>], vector<16xf32>,
      %gather3A_963 = tpu.vector_load_idx %arg10[%broadcast_in_dim3A_961] : memref<80xf32, #tpu.memory_space<vmem>>[vector<16xi32>], vector<16xf32>,
      %get3A_964 = arith.constant 48 : i32
      %get3A_965 = arith.index_cast %get3A_964 : i32 to index
      %get3A_966 = arith.constant 0 : index
      %get3A_967 = tpu.vector_load %arg12[%get3A_965, %get3A_966] {strides = array<i32>} : memref<80x16xf32, #tpu.memory_space<vmem>>, vector<16xf32>,
      %mul3A_968 = arith.mulf %gather3A_962, %get3A_967 : vector<16xf32>
      %swap3A_969 = arith.constant 48 : i32
      %swap3A_970 = arith.index_cast %swap3A_969 : i32 to index
      %swap3A_971 = arith.constant 0 : index
      %swap3A_972 = tpu.vector_load %arg13[%swap3A_970, %swap3A_971] {strides = array<i32>} : memref<80x32xf32, #tpu.memory_space<vmem>>, vector<16xf32>,
      tpu.vector_store %arg13[%swap3A_970, %swap3A_971], %mul3A_968 {strides = array<i32>} : memref<80x32xf32, #tpu.memory_space<vmem>>, vector<16xf32>,
      %mul3A_973 = arith.mulf %gather3A_963, %get3A_967 : vector<16xf32>
      %swap3A_974 = arith.constant 48 : i32
      %swap3A_975 = arith.index_cast %swap3A_974 : i32 to index
      %swap3A_976 = arith.constant 16 : index
      %swap3A_977 = tpu.vector_load %arg13[%swap3A_975, %swap3A_976] {strides = array<i32>} : memref<80x32xf32, #tpu.memory_space<vmem>>, vector<16xf32>,
      tpu.vector_store %arg13[%swap3A_975, %swap3A_976], %mul3A_973 {strides = array<i32>} : memref<80x32xf32, #tpu.memory_space<vmem>>, vector<16xf32>,
      %broadcast_in_dim3A_978 = arith.constant 49 : i32
      %broadcast_in_dim3A_979 = vector.broadcast %broadcast_in_dim3A_978 : i32 to vector<16xi32>
      %gather3A_980 = tpu.vector_load_idx %arg11[%broadcast_in_dim3A_979] : memref<80xf32, #tpu.memory_space<vmem>>[vector<16xi32>], vector<16xf32>,
      %gather3A_981 = tpu.vector_load_idx %arg10[%broadcast_in_dim3A_979] : memref<80xf32, #tpu.memory_space<vmem>>[vector<16xi32>], vector<16xf32>,
      %get3A_982 = arith.constant 49 : i32
      %get3A_983 = arith.index_cast %get3A_982 : i32 to index
      %get3A_984 = arith.constant 0 : index
      %get3A_985 = tpu.vector_load %arg12[%get3A_983, %get3A_984] {strides = array<i32>} : memref<80x16xf32, #tpu.memory_space<vmem>>, vector<16xf32>,
      %mul3A_986 = arith.mulf %gather3A_980, %get3A_985 : vector<16xf32>
      %swap3A_987 = arith.constant 49 : i32
      %swap3A_988 = arith.index_cast %swap3A_987 : i32 to index
      %swap3A_989 = arith.constant 0 : index
      %swap3A_990 = tpu.vector_load %arg13[%swap3A_988, %swap3A_989] {strides = array<i32>} : memref<80x32xf32, #tpu.memory_space<vmem>>, vector<16xf32>,
      tpu.vector_store %arg13[%swap3A_988, %swap3A_989], %mul3A_986 {strides = array<i32>} : memref<80x32xf32, #tpu.memory_space<vmem>>, vector<16xf32>,
      %mul3A_991 = arith.mulf %gather3A_981, %get3A_985 : vector<16xf32>
      %swap3A_992 = arith.constant 49 : i32
      %swap3A_993 = arith.index_cast %swap3A_992 : i32 to index
      %swap3A_994 = arith.constant 16 : index
      %swap3A_995 = tpu.vector_load %arg13[%swap3A_993, %swap3A_994] {strides = array<i32>} : memref<80x32xf32, #tpu.memory_space<vmem>>, vector<16xf32>,
      tpu.vector_store %arg13[%swap3A_993, %swap3A_994], %mul3A_991 {strides = array<i32>} : memref<80x32xf32, #tpu.memory_space<vmem>>, vector<16xf32>,
      %broadcast_in_dim3A_996 = arith.constant 50 : i32
      %broadcast_in_dim3A_997 = vector.broadcast %broadcast_in_dim3A_996 : i32 to vector<16xi32>
      %gather3A_998 = tpu.vector_load_idx %arg11[%broadcast_in_dim3A_997] : memref<80xf32, #tpu.memory_space<vmem>>[vector<16xi32>], vector<16xf32>,
      %gather3A_999 = tpu.vector_load_idx %arg10[%broadcast_in_dim3A_997] : memref<80xf32, #tpu.memory_space<vmem>>[vector<16xi32>], vector<16xf32>,
      %get3A_1000 = arith.constant 50 : i32
      %get3A_1001 = arith.index_cast %get3A_1000 : i32 to index
      %get3A_1002 = arith.constant 0 : index
      %get3A_1003 = tpu.vector_load %arg12[%get3A_1001, %get3A_1002] {strides = array<i32>} : memref<80x16xf32, #tpu.memory_space<vmem>>, vector<16xf32>,
      %mul3A_1004 = arith.mulf %gather3A_998, %get3A_1003 : vector<16xf32>
      %swap3A_1005 = arith.constant 50 : i32
      %swap3A_1006 = arith.index_cast %swap3A_1005 : i32 to index
      %swap3A_1007 = arith.constant 0 : index
      %swap3A_1008 = tpu.vector_load %arg13[%swap3A_1006, %swap3A_1007] {strides = array<i32>} : memref<80x32xf32, #tpu.memory_space<vmem>>, vector<16xf32>,
      tpu.vector_store %arg13[%swap3A_1006, %swap3A_1007], %mul3A_1004 {strides = array<i32>} : memref<80x32xf32, #tpu.memory_space<vmem>>, vector<16xf32>,
      %mul3A_1009 = arith.mulf %gather3A_999, %get3A_1003 : vector<16xf32>
      %swap3A_1010 = arith.constant 50 : i32
      %swap3A_1011 = arith.index_cast %swap3A_1010 : i32 to index
      %swap3A_1012 = arith.constant 16 : index
      %swap3A_1013 = tpu.vector_load %arg13[%swap3A_1011, %swap3A_1012] {strides = array<i32>} : memref<80x32xf32, #tpu.memory_space<vmem>>, vector<16xf32>,
      tpu.vector_store %arg13[%swap3A_1011, %swap3A_1012], %mul3A_1009 {strides = array<i32>} : memref<80x32xf32, #tpu.memory_space<vmem>>, vector<16xf32>,
      %broadcast_in_dim3A_1014 = arith.constant 51 : i32
      %broadcast_in_dim3A_1015 = vector.broadcast %broadcast_in_dim3A_1014 : i32 to vector<16xi32>
      %gather3A_1016 = tpu.vector_load_idx %arg11[%broadcast_in_dim3A_1015] : memref<80xf32, #tpu.memory_space<vmem>>[vector<16xi32>], vector<16xf32>,
      %gather3A_1017 = tpu.vector_load_idx %arg10[%broadcast_in_dim3A_1015] : memref<80xf32, #tpu.memory_space<vmem>>[vector<16xi32>], vector<16xf32>,
      %get3A_1018 = arith.constant 51 : i32
      %get3A_1019 = arith.index_cast %get3A_1018 : i32 to index
      %get3A_1020 = arith.constant 0 : index
      %get3A_1021 = tpu.vector_load %arg12[%get3A_1019, %get3A_1020] {strides = array<i32>} : memref<80x16xf32, #tpu.memory_space<vmem>>, vector<16xf32>,
      %mul3A_1022 = arith.mulf %gather3A_1016, %get3A_1021 : vector<16xf32>
      %swap3A_1023 = arith.constant 51 : i32
      %swap3A_1024 = arith.index_cast %swap3A_1023 : i32 to index
      %swap3A_1025 = arith.constant 0 : index
      %swap3A_1026 = tpu.vector_load %arg13[%swap3A_1024, %swap3A_1025] {strides = array<i32>} : memref<80x32xf32, #tpu.memory_space<vmem>>, vector<16xf32>,
      tpu.vector_store %arg13[%swap3A_1024, %swap3A_1025], %mul3A_1022 {strides = array<i32>} : memref<80x32xf32, #tpu.memory_space<vmem>>, vector<16xf32>,
      %mul3A_1027 = arith.mulf %gather3A_1017, %get3A_1021 : vector<16xf32>
      %swap3A_1028 = arith.constant 51 : i32
      %swap3A_1029 = arith.index_cast %swap3A_1028 : i32 to index
      %swap3A_1030 = arith.constant 16 : index
      %swap3A_1031 = tpu.vector_load %arg13[%swap3A_1029, %swap3A_1030] {strides = array<i32>} : memref<80x32xf32, #tpu.memory_space<vmem>>, vector<16xf32>,
      tpu.vector_store %arg13[%swap3A_1029, %swap3A_1030], %mul3A_1027 {strides = array<i32>} : memref<80x32xf32, #tpu.memory_space<vmem>>, vector<16xf32>,
      %broadcast_in_dim3A_1032 = arith.constant 52 : i32
      %broadcast_in_dim3A_1033 = vector.broadcast %broadcast_in_dim3A_1032 : i32 to vector<16xi32>
      %gather3A_1034 = tpu.vector_load_idx %arg11[%broadcast_in_dim3A_1033] : memref<80xf32, #tpu.memory_space<vmem>>[vector<16xi32>], vector<16xf32>,
      %gather3A_1035 = tpu.vector_load_idx %arg10[%broadcast_in_dim3A_1033] : memref<80xf32, #tpu.memory_space<vmem>>[vector<16xi32>], vector<16xf32>,
      %get3A_1036 = arith.constant 52 : i32
      %get3A_1037 = arith.index_cast %get3A_1036 : i32 to index
      %get3A_1038 = arith.constant 0 : index
      %get3A_1039 = tpu.vector_load %arg12[%get3A_1037, %get3A_1038] {strides = array<i32>} : memref<80x16xf32, #tpu.memory_space<vmem>>, vector<16xf32>,
      %mul3A_1040 = arith.mulf %gather3A_1034, %get3A_1039 : vector<16xf32>
      %swap3A_1041 = arith.constant 52 : i32
      %swap3A_1042 = arith.index_cast %swap3A_1041 : i32 to index
      %swap3A_1043 = arith.constant 0 : index
      %swap3A_1044 = tpu.vector_load %arg13[%swap3A_1042, %swap3A_1043] {strides = array<i32>} : memref<80x32xf32, #tpu.memory_space<vmem>>, vector<16xf32>,
      tpu.vector_store %arg13[%swap3A_1042, %swap3A_1043], %mul3A_1040 {strides = array<i32>} : memref<80x32xf32, #tpu.memory_space<vmem>>, vector<16xf32>,
      %mul3A_1045 = arith.mulf %gather3A_1035, %get3A_1039 : vector<16xf32>
      %swap3A_1046 = arith.constant 52 : i32
      %swap3A_1047 = arith.index_cast %swap3A_1046 : i32 to index
      %swap3A_1048 = arith.constant 16 : index
      %swap3A_1049 = tpu.vector_load %arg13[%swap3A_1047, %swap3A_1048] {strides = array<i32>} : memref<80x32xf32, #tpu.memory_space<vmem>>, vector<16xf32>,
      tpu.vector_store %arg13[%swap3A_1047, %swap3A_1048], %mul3A_1045 {strides = array<i32>} : memref<80x32xf32, #tpu.memory_space<vmem>>, vector<16xf32>,
      %broadcast_in_dim3A_1050 = arith.constant 53 : i32
      %broadcast_in_dim3A_1051 = vector.broadcast %broadcast_in_dim3A_1050 : i32 to vector<16xi32>
      %gather3A_1052 = tpu.vector_load_idx %arg11[%broadcast_in_dim3A_1051] : memref<80xf32, #tpu.memory_space<vmem>>[vector<16xi32>], vector<16xf32>,
      %gather3A_1053 = tpu.vector_load_idx %arg10[%broadcast_in_dim3A_1051] : memref<80xf32, #tpu.memory_space<vmem>>[vector<16xi32>], vector<16xf32>,
      %get3A_1054 = arith.constant 53 : i32
      %get3A_1055 = arith.index_cast %get3A_1054 : i32 to index
      %get3A_1056 = arith.constant 0 : index
      %get3A_1057 = tpu.vector_load %arg12[%get3A_1055, %get3A_1056] {strides = array<i32>} : memref<80x16xf32, #tpu.memory_space<vmem>>, vector<16xf32>,
      %mul3A_1058 = arith.mulf %gather3A_1052, %get3A_1057 : vector<16xf32>
      %swap3A_1059 = arith.constant 53 : i32
      %swap3A_1060 = arith.index_cast %swap3A_1059 : i32 to index
      %swap3A_1061 = arith.constant 0 : index
      %swap3A_1062 = tpu.vector_load %arg13[%swap3A_1060, %swap3A_1061] {strides = array<i32>} : memref<80x32xf32, #tpu.memory_space<vmem>>, vector<16xf32>,
      tpu.vector_store %arg13[%swap3A_1060, %swap3A_1061], %mul3A_1058 {strides = array<i32>} : memref<80x32xf32, #tpu.memory_space<vmem>>, vector<16xf32>,
      %mul3A_1063 = arith.mulf %gather3A_1053, %get3A_1057 : vector<16xf32>
      %swap3A_1064 = arith.constant 53 : i32
      %swap3A_1065 = arith.index_cast %swap3A_1064 : i32 to index
      %swap3A_1066 = arith.constant 16 : index
      %swap3A_1067 = tpu.vector_load %arg13[%swap3A_1065, %swap3A_1066] {strides = array<i32>} : memref<80x32xf32, #tpu.memory_space<vmem>>, vector<16xf32>,
      tpu.vector_store %arg13[%swap3A_1065, %swap3A_1066], %mul3A_1063 {strides = array<i32>} : memref<80x32xf32, #tpu.memory_space<vmem>>, vector<16xf32>,
      %broadcast_in_dim3A_1068 = arith.constant 54 : i32
      %broadcast_in_dim3A_1069 = vector.broadcast %broadcast_in_dim3A_1068 : i32 to vector<16xi32>
      %gather3A_1070 = tpu.vector_load_idx %arg11[%broadcast_in_dim3A_1069] : memref<80xf32, #tpu.memory_space<vmem>>[vector<16xi32>], vector<16xf32>,
      %gather3A_1071 = tpu.vector_load_idx %arg10[%broadcast_in_dim3A_1069] : memref<80xf32, #tpu.memory_space<vmem>>[vector<16xi32>], vector<16xf32>,
      %get3A_1072 = arith.constant 54 : i32
      %get3A_1073 = arith.index_cast %get3A_1072 : i32 to index
      %get3A_1074 = arith.constant 0 : index
      %get3A_1075 = tpu.vector_load %arg12[%get3A_1073, %get3A_1074] {strides = array<i32>} : memref<80x16xf32, #tpu.memory_space<vmem>>, vector<16xf32>,
      %mul3A_1076 = arith.mulf %gather3A_1070, %get3A_1075 : vector<16xf32>
      %swap3A_1077 = arith.constant 54 : i32
      %swap3A_1078 = arith.index_cast %swap3A_1077 : i32 to index
      %swap3A_1079 = arith.constant 0 : index
      %swap3A_1080 = tpu.vector_load %arg13[%swap3A_1078, %swap3A_1079] {strides = array<i32>} : memref<80x32xf32, #tpu.memory_space<vmem>>, vector<16xf32>,
      tpu.vector_store %arg13[%swap3A_1078, %swap3A_1079], %mul3A_1076 {strides = array<i32>} : memref<80x32xf32, #tpu.memory_space<vmem>>, vector<16xf32>,
      %mul3A_1081 = arith.mulf %gather3A_1071, %get3A_1075 : vector<16xf32>
      %swap3A_1082 = arith.constant 54 : i32
      %swap3A_1083 = arith.index_cast %swap3A_1082 : i32 to index
      %swap3A_1084 = arith.constant 16 : index
      %swap3A_1085 = tpu.vector_load %arg13[%swap3A_1083, %swap3A_1084] {strides = array<i32>} : memref<80x32xf32, #tpu.memory_space<vmem>>, vector<16xf32>,
      tpu.vector_store %arg13[%swap3A_1083, %swap3A_1084], %mul3A_1081 {strides = array<i32>} : memref<80x32xf32, #tpu.memory_space<vmem>>, vector<16xf32>,
      %broadcast_in_dim3A_1086 = arith.constant 55 : i32
      %broadcast_in_dim3A_1087 = vector.broadcast %broadcast_in_dim3A_1086 : i32 to vector<16xi32>
      %gather3A_1088 = tpu.vector_load_idx %arg11[%broadcast_in_dim3A_1087] : memref<80xf32, #tpu.memory_space<vmem>>[vector<16xi32>], vector<16xf32>,
      %gather3A_1089 = tpu.vector_load_idx %arg10[%broadcast_in_dim3A_1087] : memref<80xf32, #tpu.memory_space<vmem>>[vector<16xi32>], vector<16xf32>,
      %get3A_1090 = arith.constant 55 : i32
      %get3A_1091 = arith.index_cast %get3A_1090 : i32 to index
      %get3A_1092 = arith.constant 0 : index
      %get3A_1093 = tpu.vector_load %arg12[%get3A_1091, %get3A_1092] {strides = array<i32>} : memref<80x16xf32, #tpu.memory_space<vmem>>, vector<16xf32>,
      %mul3A_1094 = arith.mulf %gather3A_1088, %get3A_1093 : vector<16xf32>
      %swap3A_1095 = arith.constant 55 : i32
      %swap3A_1096 = arith.index_cast %swap3A_1095 : i32 to index
      %swap3A_1097 = arith.constant 0 : index
      %swap3A_1098 = tpu.vector_load %arg13[%swap3A_1096, %swap3A_1097] {strides = array<i32>} : memref<80x32xf32, #tpu.memory_space<vmem>>, vector<16xf32>,
      tpu.vector_store %arg13[%swap3A_1096, %swap3A_1097], %mul3A_1094 {strides = array<i32>} : memref<80x32xf32, #tpu.memory_space<vmem>>, vector<16xf32>,
      %mul3A_1099 = arith.mulf %gather3A_1089, %get3A_1093 : vector<16xf32>
      %swap3A_1100 = arith.constant 55 : i32
      %swap3A_1101 = arith.index_cast %swap3A_1100 : i32 to index
      %swap3A_1102 = arith.constant 16 : index
      %swap3A_1103 = tpu.vector_load %arg13[%swap3A_1101, %swap3A_1102] {strides = array<i32>} : memref<80x32xf32, #tpu.memory_space<vmem>>, vector<16xf32>,
      tpu.vector_store %arg13[%swap3A_1101, %swap3A_1102], %mul3A_1099 {strides = array<i32>} : memref<80x32xf32, #tpu.memory_space<vmem>>, vector<16xf32>,
      %broadcast_in_dim3A_1104 = arith.constant 56 : i32
      %broadcast_in_dim3A_1105 = vector.broadcast %broadcast_in_dim3A_1104 : i32 to vector<16xi32>
      %gather3A_1106 = tpu.vector_load_idx %arg11[%broadcast_in_dim3A_1105] : memref<80xf32, #tpu.memory_space<vmem>>[vector<16xi32>], vector<16xf32>,
      %gather3A_1107 = tpu.vector_load_idx %arg10[%broadcast_in_dim3A_1105] : memref<80xf32, #tpu.memory_space<vmem>>[vector<16xi32>], vector<16xf32>,
      %get3A_1108 = arith.constant 56 : i32
      %get3A_1109 = arith.index_cast %get3A_1108 : i32 to index
      %get3A_1110 = arith.constant 0 : index
      %get3A_1111 = tpu.vector_load %arg12[%get3A_1109, %get3A_1110] {strides = array<i32>} : memref<80x16xf32, #tpu.memory_space<vmem>>, vector<16xf32>,
      %mul3A_1112 = arith.mulf %gather3A_1106, %get3A_1111 : vector<16xf32>
      %swap3A_1113 = arith.constant 56 : i32
      %swap3A_1114 = arith.index_cast %swap3A_1113 : i32 to index
      %swap3A_1115 = arith.constant 0 : index
      %swap3A_1116 = tpu.vector_load %arg13[%swap3A_1114, %swap3A_1115] {strides = array<i32>} : memref<80x32xf32, #tpu.memory_space<vmem>>, vector<16xf32>,
      tpu.vector_store %arg13[%swap3A_1114, %swap3A_1115], %mul3A_1112 {strides = array<i32>} : memref<80x32xf32, #tpu.memory_space<vmem>>, vector<16xf32>,
      %mul3A_1117 = arith.mulf %gather3A_1107, %get3A_1111 : vector<16xf32>
      %swap3A_1118 = arith.constant 56 : i32
      %swap3A_1119 = arith.index_cast %swap3A_1118 : i32 to index
      %swap3A_1120 = arith.constant 16 : index
      %swap3A_1121 = tpu.vector_load %arg13[%swap3A_1119, %swap3A_1120] {strides = array<i32>} : memref<80x32xf32, #tpu.memory_space<vmem>>, vector<16xf32>,
      tpu.vector_store %arg13[%swap3A_1119, %swap3A_1120], %mul3A_1117 {strides = array<i32>} : memref<80x32xf32, #tpu.memory_space<vmem>>, vector<16xf32>,
      %broadcast_in_dim3A_1122 = arith.constant 57 : i32
      %broadcast_in_dim3A_1123 = vector.broadcast %broadcast_in_dim3A_1122 : i32 to vector<16xi32>
      %gather3A_1124 = tpu.vector_load_idx %arg11[%broadcast_in_dim3A_1123] : memref<80xf32, #tpu.memory_space<vmem>>[vector<16xi32>], vector<16xf32>,
      %gather3A_1125 = tpu.vector_load_idx %arg10[%broadcast_in_dim3A_1123] : memref<80xf32, #tpu.memory_space<vmem>>[vector<16xi32>], vector<16xf32>,
      %get3A_1126 = arith.constant 57 : i32
      %get3A_1127 = arith.index_cast %get3A_1126 : i32 to index
      %get3A_1128 = arith.constant 0 : index
      %get3A_1129 = tpu.vector_load %arg12[%get3A_1127, %get3A_1128] {strides = array<i32>} : memref<80x16xf32, #tpu.memory_space<vmem>>, vector<16xf32>,
      %mul3A_1130 = arith.mulf %gather3A_1124, %get3A_1129 : vector<16xf32>
      %swap3A_1131 = arith.constant 57 : i32
      %swap3A_1132 = arith.index_cast %swap3A_1131 : i32 to index
      %swap3A_1133 = arith.constant 0 : index
      %swap3A_1134 = tpu.vector_load %arg13[%swap3A_1132, %swap3A_1133] {strides = array<i32>} : memref<80x32xf32, #tpu.memory_space<vmem>>, vector<16xf32>,
      tpu.vector_store %arg13[%swap3A_1132, %swap3A_1133], %mul3A_1130 {strides = array<i32>} : memref<80x32xf32, #tpu.memory_space<vmem>>, vector<16xf32>,
      %mul3A_1135 = arith.mulf %gather3A_1125, %get3A_1129 : vector<16xf32>
      %swap3A_1136 = arith.constant 57 : i32
      %swap3A_1137 = arith.index_cast %swap3A_1136 : i32 to index
      %swap3A_1138 = arith.constant 16 : index
      %swap3A_1139 = tpu.vector_load %arg13[%swap3A_1137, %swap3A_1138] {strides = array<i32>} : memref<80x32xf32, #tpu.memory_space<vmem>>, vector<16xf32>,
      tpu.vector_store %arg13[%swap3A_1137, %swap3A_1138], %mul3A_1135 {strides = array<i32>} : memref<80x32xf32, #tpu.memory_space<vmem>>, vector<16xf32>,
      %broadcast_in_dim3A_1140 = arith.constant 58 : i32
      %broadcast_in_dim3A_1141 = vector.broadcast %broadcast_in_dim3A_1140 : i32 to vector<16xi32>
      %gather3A_1142 = tpu.vector_load_idx %arg11[%broadcast_in_dim3A_1141] : memref<80xf32, #tpu.memory_space<vmem>>[vector<16xi32>], vector<16xf32>,
      %gather3A_1143 = tpu.vector_load_idx %arg10[%broadcast_in_dim3A_1141] : memref<80xf32, #tpu.memory_space<vmem>>[vector<16xi32>], vector<16xf32>,
      %get3A_1144 = arith.constant 58 : i32
      %get3A_1145 = arith.index_cast %get3A_1144 : i32 to index
      %get3A_1146 = arith.constant 0 : index
      %get3A_1147 = tpu.vector_load %arg12[%get3A_1145, %get3A_1146] {strides = array<i32>} : memref<80x16xf32, #tpu.memory_space<vmem>>, vector<16xf32>,
      %mul3A_1148 = arith.mulf %gather3A_1142, %get3A_1147 : vector<16xf32>
      %swap3A_1149 = arith.constant 58 : i32
      %swap3A_1150 = arith.index_cast %swap3A_1149 : i32 to index
      %swap3A_1151 = arith.constant 0 : index
      %swap3A_1152 = tpu.vector_load %arg13[%swap3A_1150, %swap3A_1151] {strides = array<i32>} : memref<80x32xf32, #tpu.memory_space<vmem>>, vector<16xf32>,
      tpu.vector_store %arg13[%swap3A_1150, %swap3A_1151], %mul3A_1148 {strides = array<i32>} : memref<80x32xf32, #tpu.memory_space<vmem>>, vector<16xf32>,
      %mul3A_1153 = arith.mulf %gather3A_1143, %get3A_1147 : vector<16xf32>
      %swap3A_1154 = arith.constant 58 : i32
      %swap3A_1155 = arith.index_cast %swap3A_1154 : i32 to index
      %swap3A_1156 = arith.constant 16 : index
      %swap3A_1157 = tpu.vector_load %arg13[%swap3A_1155, %swap3A_1156] {strides = array<i32>} : memref<80x32xf32, #tpu.memory_space<vmem>>, vector<16xf32>,
      tpu.vector_store %arg13[%swap3A_1155, %swap3A_1156], %mul3A_1153 {strides = array<i32>} : memref<80x32xf32, #tpu.memory_space<vmem>>, vector<16xf32>,
      %broadcast_in_dim3A_1158 = arith.constant 59 : i32
      %broadcast_in_dim3A_1159 = vector.broadcast %broadcast_in_dim3A_1158 : i32 to vector<16xi32>
      %gather3A_1160 = tpu.vector_load_idx %arg11[%broadcast_in_dim3A_1159] : memref<80xf32, #tpu.memory_space<vmem>>[vector<16xi32>], vector<16xf32>,
      %gather3A_1161 = tpu.vector_load_idx %arg10[%broadcast_in_dim3A_1159] : memref<80xf32, #tpu.memory_space<vmem>>[vector<16xi32>], vector<16xf32>,
      %get3A_1162 = arith.constant 59 : i32
      %get3A_1163 = arith.index_cast %get3A_1162 : i32 to index
      %get3A_1164 = arith.constant 0 : index
      %get3A_1165 = tpu.vector_load %arg12[%get3A_1163, %get3A_1164] {strides = array<i32>} : memref<80x16xf32, #tpu.memory_space<vmem>>, vector<16xf32>,
      %mul3A_1166 = arith.mulf %gather3A_1160, %get3A_1165 : vector<16xf32>
      %swap3A_1167 = arith.constant 59 : i32
      %swap3A_1168 = arith.index_cast %swap3A_1167 : i32 to index
      %swap3A_1169 = arith.constant 0 : index
      %swap3A_1170 = tpu.vector_load %arg13[%swap3A_1168, %swap3A_1169] {strides = array<i32>} : memref<80x32xf32, #tpu.memory_space<vmem>>, vector<16xf32>,
      tpu.vector_store %arg13[%swap3A_1168, %swap3A_1169], %mul3A_1166 {strides = array<i32>} : memref<80x32xf32, #tpu.memory_space<vmem>>, vector<16xf32>,
      %mul3A_1171 = arith.mulf %gather3A_1161, %get3A_1165 : vector<16xf32>
      %swap3A_1172 = arith.constant 59 : i32
      %swap3A_1173 = arith.index_cast %swap3A_1172 : i32 to index
      %swap3A_1174 = arith.constant 16 : index
      %swap3A_1175 = tpu.vector_load %arg13[%swap3A_1173, %swap3A_1174] {strides = array<i32>} : memref<80x32xf32, #tpu.memory_space<vmem>>, vector<16xf32>,
      tpu.vector_store %arg13[%swap3A_1173, %swap3A_1174], %mul3A_1171 {strides = array<i32>} : memref<80x32xf32, #tpu.memory_space<vmem>>, vector<16xf32>,
      %broadcast_in_dim3A_1176 = arith.constant 60 : i32
      %broadcast_in_dim3A_1177 = vector.broadcast %broadcast_in_dim3A_1176 : i32 to vector<16xi32>
      %gather3A_1178 = tpu.vector_load_idx %arg11[%broadcast_in_dim3A_1177] : memref<80xf32, #tpu.memory_space<vmem>>[vector<16xi32>], vector<16xf32>,
      %gather3A_1179 = tpu.vector_load_idx %arg10[%broadcast_in_dim3A_1177] : memref<80xf32, #tpu.memory_space<vmem>>[vector<16xi32>], vector<16xf32>,
      %get3A_1180 = arith.constant 60 : i32
      %get3A_1181 = arith.index_cast %get3A_1180 : i32 to index
      %get3A_1182 = arith.constant 0 : index
      %get3A_1183 = tpu.vector_load %arg12[%get3A_1181, %get3A_1182] {strides = array<i32>} : memref<80x16xf32, #tpu.memory_space<vmem>>, vector<16xf32>,
      %mul3A_1184 = arith.mulf %gather3A_1178, %get3A_1183 : vector<16xf32>
      %swap3A_1185 = arith.constant 60 : i32
      %swap3A_1186 = arith.index_cast %swap3A_1185 : i32 to index
      %swap3A_1187 = arith.constant 0 : index
      %swap3A_1188 = tpu.vector_load %arg13[%swap3A_1186, %swap3A_1187] {strides = array<i32>} : memref<80x32xf32, #tpu.memory_space<vmem>>, vector<16xf32>,
      tpu.vector_store %arg13[%swap3A_1186, %swap3A_1187], %mul3A_1184 {strides = array<i32>} : memref<80x32xf32, #tpu.memory_space<vmem>>, vector<16xf32>,
      %mul3A_1189 = arith.mulf %gather3A_1179, %get3A_1183 : vector<16xf32>
      %swap3A_1190 = arith.constant 60 : i32
      %swap3A_1191 = arith.index_cast %swap3A_1190 : i32 to index
      %swap3A_1192 = arith.constant 16 : index
      %swap3A_1193 = tpu.vector_load %arg13[%swap3A_1191, %swap3A_1192] {strides = array<i32>} : memref<80x32xf32, #tpu.memory_space<vmem>>, vector<16xf32>,
      tpu.vector_store %arg13[%swap3A_1191, %swap3A_1192], %mul3A_1189 {strides = array<i32>} : memref<80x32xf32, #tpu.memory_space<vmem>>, vector<16xf32>,
      %broadcast_in_dim3A_1194 = arith.constant 61 : i32
      %broadcast_in_dim3A_1195 = vector.broadcast %broadcast_in_dim3A_1194 : i32 to vector<16xi32>
      %gather3A_1196 = tpu.vector_load_idx %arg11[%broadcast_in_dim3A_1195] : memref<80xf32, #tpu.memory_space<vmem>>[vector<16xi32>], vector<16xf32>,
      %gather3A_1197 = tpu.vector_load_idx %arg10[%broadcast_in_dim3A_1195] : memref<80xf32, #tpu.memory_space<vmem>>[vector<16xi32>], vector<16xf32>,
      %get3A_1198 = arith.constant 61 : i32
      %get3A_1199 = arith.index_cast %get3A_1198 : i32 to index
      %get3A_1200 = arith.constant 0 : index
      %get3A_1201 = tpu.vector_load %arg12[%get3A_1199, %get3A_1200] {strides = array<i32>} : memref<80x16xf32, #tpu.memory_space<vmem>>, vector<16xf32>,
      %mul3A_1202 = arith.mulf %gather3A_1196, %get3A_1201 : vector<16xf32>
      %swap3A_1203 = arith.constant 61 : i32
      %swap3A_1204 = arith.index_cast %swap3A_1203 : i32 to index
      %swap3A_1205 = arith.constant 0 : index
      %swap3A_1206 = tpu.vector_load %arg13[%swap3A_1204, %swap3A_1205] {strides = array<i32>} : memref<80x32xf32, #tpu.memory_space<vmem>>, vector<16xf32>,
      tpu.vector_store %arg13[%swap3A_1204, %swap3A_1205], %mul3A_1202 {strides = array<i32>} : memref<80x32xf32, #tpu.memory_space<vmem>>, vector<16xf32>,
      %mul3A_1207 = arith.mulf %gather3A_1197, %get3A_1201 : vector<16xf32>
      %swap3A_1208 = arith.constant 61 : i32
      %swap3A_1209 = arith.index_cast %swap3A_1208 : i32 to index
      %swap3A_1210 = arith.constant 16 : index
      %swap3A_1211 = tpu.vector_load %arg13[%swap3A_1209, %swap3A_1210] {strides = array<i32>} : memref<80x32xf32, #tpu.memory_space<vmem>>, vector<16xf32>,
      tpu.vector_store %arg13[%swap3A_1209, %swap3A_1210], %mul3A_1207 {strides = array<i32>} : memref<80x32xf32, #tpu.memory_space<vmem>>, vector<16xf32>,
      %broadcast_in_dim3A_1212 = arith.constant 62 : i32
      %broadcast_in_dim3A_1213 = vector.broadcast %broadcast_in_dim3A_1212 : i32 to vector<16xi32>
      %gather3A_1214 = tpu.vector_load_idx %arg11[%broadcast_in_dim3A_1213] : memref<80xf32, #tpu.memory_space<vmem>>[vector<16xi32>], vector<16xf32>,
      %gather3A_1215 = tpu.vector_load_idx %arg10[%broadcast_in_dim3A_1213] : memref<80xf32, #tpu.memory_space<vmem>>[vector<16xi32>], vector<16xf32>,
      %get3A_1216 = arith.constant 62 : i32
      %get3A_1217 = arith.index_cast %get3A_1216 : i32 to index
      %get3A_1218 = arith.constant 0 : index
      %get3A_1219 = tpu.vector_load %arg12[%get3A_1217, %get3A_1218] {strides = array<i32>} : memref<80x16xf32, #tpu.memory_space<vmem>>, vector<16xf32>,
      %mul3A_1220 = arith.mulf %gather3A_1214, %get3A_1219 : vector<16xf32>
      %swap3A_1221 = arith.constant 62 : i32
      %swap3A_1222 = arith.index_cast %swap3A_1221 : i32 to index
      %swap3A_1223 = arith.constant 0 : index
      %swap3A_1224 = tpu.vector_load %arg13[%swap3A_1222, %swap3A_1223] {strides = array<i32>} : memref<80x32xf32, #tpu.memory_space<vmem>>, vector<16xf32>,
      tpu.vector_store %arg13[%swap3A_1222, %swap3A_1223], %mul3A_1220 {strides = array<i32>} : memref<80x32xf32, #tpu.memory_space<vmem>>, vector<16xf32>,
      %mul3A_1225 = arith.mulf %gather3A_1215, %get3A_1219 : vector<16xf32>
      %swap3A_1226 = arith.constant 62 : i32
      %swap3A_1227 = arith.index_cast %swap3A_1226 : i32 to index
      %swap3A_1228 = arith.constant 16 : index
      %swap3A_1229 = tpu.vector_load %arg13[%swap3A_1227, %swap3A_1228] {strides = array<i32>} : memref<80x32xf32, #tpu.memory_space<vmem>>, vector<16xf32>,
      tpu.vector_store %arg13[%swap3A_1227, %swap3A_1228], %mul3A_1225 {strides = array<i32>} : memref<80x32xf32, #tpu.memory_space<vmem>>, vector<16xf32>,
      %broadcast_in_dim3A_1230 = arith.constant 63 : i32
      %broadcast_in_dim3A_1231 = vector.broadcast %broadcast_in_dim3A_1230 : i32 to vector<16xi32>
      %gather3A_1232 = tpu.vector_load_idx %arg11[%broadcast_in_dim3A_1231] : memref<80xf32, #tpu.memory_space<vmem>>[vector<16xi32>], vector<16xf32>,
      %gather3A_1233 = tpu.vector_load_idx %arg10[%broadcast_in_dim3A_1231] : memref<80xf32, #tpu.memory_space<vmem>>[vector<16xi32>], vector<16xf32>,
      %get3A_1234 = arith.constant 63 : i32
      %get3A_1235 = arith.index_cast %get3A_1234 : i32 to index
      %get3A_1236 = arith.constant 0 : index
      %get3A_1237 = tpu.vector_load %arg12[%get3A_1235, %get3A_1236] {strides = array<i32>} : memref<80x16xf32, #tpu.memory_space<vmem>>, vector<16xf32>,
      %mul3A_1238 = arith.mulf %gather3A_1232, %get3A_1237 : vector<16xf32>
      %swap3A_1239 = arith.constant 63 : i32
      %swap3A_1240 = arith.index_cast %swap3A_1239 : i32 to index
      %swap3A_1241 = arith.constant 0 : index
      %swap3A_1242 = tpu.vector_load %arg13[%swap3A_1240, %swap3A_1241] {strides = array<i32>} : memref<80x32xf32, #tpu.memory_space<vmem>>, vector<16xf32>,
      tpu.vector_store %arg13[%swap3A_1240, %swap3A_1241], %mul3A_1238 {strides = array<i32>} : memref<80x32xf32, #tpu.memory_space<vmem>>, vector<16xf32>,
      %mul3A_1243 = arith.mulf %gather3A_1233, %get3A_1237 : vector<16xf32>
      %swap3A_1244 = arith.constant 63 : i32
      %swap3A_1245 = arith.index_cast %swap3A_1244 : i32 to index
      %swap3A_1246 = arith.constant 16 : index
      %swap3A_1247 = tpu.vector_load %arg13[%swap3A_1245, %swap3A_1246] {strides = array<i32>} : memref<80x32xf32, #tpu.memory_space<vmem>>, vector<16xf32>,
      tpu.vector_store %arg13[%swap3A_1245, %swap3A_1246], %mul3A_1243 {strides = array<i32>} : memref<80x32xf32, #tpu.memory_space<vmem>>, vector<16xf32>,
      %broadcast_in_dim3A_1248 = arith.constant 64 : i32
      %broadcast_in_dim3A_1249 = vector.broadcast %broadcast_in_dim3A_1248 : i32 to vector<16xi32>
      %gather3A_1250 = tpu.vector_load_idx %arg11[%broadcast_in_dim3A_1249] : memref<80xf32, #tpu.memory_space<vmem>>[vector<16xi32>], vector<16xf32>,
      %gather3A_1251 = tpu.vector_load_idx %arg10[%broadcast_in_dim3A_1249] : memref<80xf32, #tpu.memory_space<vmem>>[vector<16xi32>], vector<16xf32>,
      %get3A_1252 = arith.constant 64 : i32
      %get3A_1253 = arith.index_cast %get3A_1252 : i32 to index
      %get3A_1254 = arith.constant 0 : index
      %get3A_1255 = tpu.vector_load %arg12[%get3A_1253, %get3A_1254] {strides = array<i32>} : memref<80x16xf32, #tpu.memory_space<vmem>>, vector<16xf32>,
      %mul3A_1256 = arith.mulf %gather3A_1250, %get3A_1255 : vector<16xf32>
      %swap3A_1257 = arith.constant 64 : i32
      %swap3A_1258 = arith.index_cast %swap3A_1257 : i32 to index
      %swap3A_1259 = arith.constant 0 : index
      %swap3A_1260 = tpu.vector_load %arg13[%swap3A_1258, %swap3A_1259] {strides = array<i32>} : memref<80x32xf32, #tpu.memory_space<vmem>>, vector<16xf32>,
      tpu.vector_store %arg13[%swap3A_1258, %swap3A_1259], %mul3A_1256 {strides = array<i32>} : memref<80x32xf32, #tpu.memory_space<vmem>>, vector<16xf32>,
      %mul3A_1261 = arith.mulf %gather3A_1251, %get3A_1255 : vector<16xf32>
      %swap3A_1262 = arith.constant 64 : i32
      %swap3A_1263 = arith.index_cast %swap3A_1262 : i32 to index
      %swap3A_1264 = arith.constant 16 : index
      %swap3A_1265 = tpu.vector_load %arg13[%swap3A_1263, %swap3A_1264] {strides = array<i32>} : memref<80x32xf32, #tpu.memory_space<vmem>>, vector<16xf32>,
      tpu.vector_store %arg13[%swap3A_1263, %swap3A_1264], %mul3A_1261 {strides = array<i32>} : memref<80x32xf32, #tpu.memory_space<vmem>>, vector<16xf32>,
      %broadcast_in_dim3A_1266 = arith.constant 65 : i32
      %broadcast_in_dim3A_1267 = vector.broadcast %broadcast_in_dim3A_1266 : i32 to vector<16xi32>
      %gather3A_1268 = tpu.vector_load_idx %arg11[%broadcast_in_dim3A_1267] : memref<80xf32, #tpu.memory_space<vmem>>[vector<16xi32>], vector<16xf32>,
      %gather3A_1269 = tpu.vector_load_idx %arg10[%broadcast_in_dim3A_1267] : memref<80xf32, #tpu.memory_space<vmem>>[vector<16xi32>], vector<16xf32>,
      %get3A_1270 = arith.constant 65 : i32
      %get3A_1271 = arith.index_cast %get3A_1270 : i32 to index
      %get3A_1272 = arith.constant 0 : index
      %get3A_1273 = tpu.vector_load %arg12[%get3A_1271, %get3A_1272] {strides = array<i32>} : memref<80x16xf32, #tpu.memory_space<vmem>>, vector<16xf32>,
      %mul3A_1274 = arith.mulf %gather3A_1268, %get3A_1273 : vector<16xf32>
      %swap3A_1275 = arith.constant 65 : i32
      %swap3A_1276 = arith.index_cast %swap3A_1275 : i32 to index
      %swap3A_1277 = arith.constant 0 : index
      %swap3A_1278 = tpu.vector_load %arg13[%swap3A_1276, %swap3A_1277] {strides = array<i32>} : memref<80x32xf32, #tpu.memory_space<vmem>>, vector<16xf32>,
      tpu.vector_store %arg13[%swap3A_1276, %swap3A_1277], %mul3A_1274 {strides = array<i32>} : memref<80x32xf32, #tpu.memory_space<vmem>>, vector<16xf32>,
      %mul3A_1279 = arith.mulf %gather3A_1269, %get3A_1273 : vector<16xf32>
      %swap3A_1280 = arith.constant 65 : i32
      %swap3A_1281 = arith.index_cast %swap3A_1280 : i32 to index
      %swap3A_1282 = arith.constant 16 : index
      %swap3A_1283 = tpu.vector_load %arg13[%swap3A_1281, %swap3A_1282] {strides = array<i32>} : memref<80x32xf32, #tpu.memory_space<vmem>>, vector<16xf32>,
      tpu.vector_store %arg13[%swap3A_1281, %swap3A_1282], %mul3A_1279 {strides = array<i32>} : memref<80x32xf32, #tpu.memory_space<vmem>>, vector<16xf32>,
      %broadcast_in_dim3A_1284 = arith.constant 66 : i32
      %broadcast_in_dim3A_1285 = vector.broadcast %broadcast_in_dim3A_1284 : i32 to vector<16xi32>
      %gather3A_1286 = tpu.vector_load_idx %arg11[%broadcast_in_dim3A_1285] : memref<80xf32, #tpu.memory_space<vmem>>[vector<16xi32>], vector<16xf32>,
      %gather3A_1287 = tpu.vector_load_idx %arg10[%broadcast_in_dim3A_1285] : memref<80xf32, #tpu.memory_space<vmem>>[vector<16xi32>], vector<16xf32>,
      %get3A_1288 = arith.constant 66 : i32
      %get3A_1289 = arith.index_cast %get3A_1288 : i32 to index
      %get3A_1290 = arith.constant 0 : index
      %get3A_1291 = tpu.vector_load %arg12[%get3A_1289, %get3A_1290] {strides = array<i32>} : memref<80x16xf32, #tpu.memory_space<vmem>>, vector<16xf32>,
      %mul3A_1292 = arith.mulf %gather3A_1286, %get3A_1291 : vector<16xf32>
      %swap3A_1293 = arith.constant 66 : i32
      %swap3A_1294 = arith.index_cast %swap3A_1293 : i32 to index
      %swap3A_1295 = arith.constant 0 : index
      %swap3A_1296 = tpu.vector_load %arg13[%swap3A_1294, %swap3A_1295] {strides = array<i32>} : memref<80x32xf32, #tpu.memory_space<vmem>>, vector<16xf32>,
      tpu.vector_store %arg13[%swap3A_1294, %swap3A_1295], %mul3A_1292 {strides = array<i32>} : memref<80x32xf32, #tpu.memory_space<vmem>>, vector<16xf32>,
      %mul3A_1297 = arith.mulf %gather3A_1287, %get3A_1291 : vector<16xf32>
      %swap3A_1298 = arith.constant 66 : i32
      %swap3A_1299 = arith.index_cast %swap3A_1298 : i32 to index
      %swap3A_1300 = arith.constant 16 : index
      %swap3A_1301 = tpu.vector_load %arg13[%swap3A_1299, %swap3A_1300] {strides = array<i32>} : memref<80x32xf32, #tpu.memory_space<vmem>>, vector<16xf32>,
      tpu.vector_store %arg13[%swap3A_1299, %swap3A_1300], %mul3A_1297 {strides = array<i32>} : memref<80x32xf32, #tpu.memory_space<vmem>>, vector<16xf32>,
      %broadcast_in_dim3A_1302 = arith.constant 67 : i32
      %broadcast_in_dim3A_1303 = vector.broadcast %broadcast_in_dim3A_1302 : i32 to vector<16xi32>
      %gather3A_1304 = tpu.vector_load_idx %arg11[%broadcast_in_dim3A_1303] : memref<80xf32, #tpu.memory_space<vmem>>[vector<16xi32>], vector<16xf32>,
      %gather3A_1305 = tpu.vector_load_idx %arg10[%broadcast_in_dim3A_1303] : memref<80xf32, #tpu.memory_space<vmem>>[vector<16xi32>], vector<16xf32>,
      %get3A_1306 = arith.constant 67 : i32
      %get3A_1307 = arith.index_cast %get3A_1306 : i32 to index
      %get3A_1308 = arith.constant 0 : index
      %get3A_1309 = tpu.vector_load %arg12[%get3A_1307, %get3A_1308] {strides = array<i32>} : memref<80x16xf32, #tpu.memory_space<vmem>>, vector<16xf32>,
      %mul3A_1310 = arith.mulf %gather3A_1304, %get3A_1309 : vector<16xf32>
      %swap3A_1311 = arith.constant 67 : i32
      %swap3A_1312 = arith.index_cast %swap3A_1311 : i32 to index
      %swap3A_1313 = arith.constant 0 : index
      %swap3A_1314 = tpu.vector_load %arg13[%swap3A_1312, %swap3A_1313] {strides = array<i32>} : memref<80x32xf32, #tpu.memory_space<vmem>>, vector<16xf32>,
      tpu.vector_store %arg13[%swap3A_1312, %swap3A_1313], %mul3A_1310 {strides = array<i32>} : memref<80x32xf32, #tpu.memory_space<vmem>>, vector<16xf32>,
      %mul3A_1315 = arith.mulf %gather3A_1305, %get3A_1309 : vector<16xf32>
      %swap3A_1316 = arith.constant 67 : i32
      %swap3A_1317 = arith.index_cast %swap3A_1316 : i32 to index
      %swap3A_1318 = arith.constant 16 : index
      %swap3A_1319 = tpu.vector_load %arg13[%swap3A_1317, %swap3A_1318] {strides = array<i32>} : memref<80x32xf32, #tpu.memory_space<vmem>>, vector<16xf32>,
      tpu.vector_store %arg13[%swap3A_1317, %swap3A_1318], %mul3A_1315 {strides = array<i32>} : memref<80x32xf32, #tpu.memory_space<vmem>>, vector<16xf32>,
      %broadcast_in_dim3A_1320 = arith.constant 68 : i32
      %broadcast_in_dim3A_1321 = vector.broadcast %broadcast_in_dim3A_1320 : i32 to vector<16xi32>
      %gather3A_1322 = tpu.vector_load_idx %arg11[%broadcast_in_dim3A_1321] : memref<80xf32, #tpu.memory_space<vmem>>[vector<16xi32>], vector<16xf32>,
      %gather3A_1323 = tpu.vector_load_idx %arg10[%broadcast_in_dim3A_1321] : memref<80xf32, #tpu.memory_space<vmem>>[vector<16xi32>], vector<16xf32>,
      %get3A_1324 = arith.constant 68 : i32
      %get3A_1325 = arith.index_cast %get3A_1324 : i32 to index
      %get3A_1326 = arith.constant 0 : index
      %get3A_1327 = tpu.vector_load %arg12[%get3A_1325, %get3A_1326] {strides = array<i32>} : memref<80x16xf32, #tpu.memory_space<vmem>>, vector<16xf32>,
      %mul3A_1328 = arith.mulf %gather3A_1322, %get3A_1327 : vector<16xf32>
      %swap3A_1329 = arith.constant 68 : i32
      %swap3A_1330 = arith.index_cast %swap3A_1329 : i32 to index
      %swap3A_1331 = arith.constant 0 : index
      %swap3A_1332 = tpu.vector_load %arg13[%swap3A_1330, %swap3A_1331] {strides = array<i32>} : memref<80x32xf32, #tpu.memory_space<vmem>>, vector<16xf32>,
      tpu.vector_store %arg13[%swap3A_1330, %swap3A_1331], %mul3A_1328 {strides = array<i32>} : memref<80x32xf32, #tpu.memory_space<vmem>>, vector<16xf32>,
      %mul3A_1333 = arith.mulf %gather3A_1323, %get3A_1327 : vector<16xf32>
      %swap3A_1334 = arith.constant 68 : i32
      %swap3A_1335 = arith.index_cast %swap3A_1334 : i32 to index
      %swap3A_1336 = arith.constant 16 : index
      %swap3A_1337 = tpu.vector_load %arg13[%swap3A_1335, %swap3A_1336] {strides = array<i32>} : memref<80x32xf32, #tpu.memory_space<vmem>>, vector<16xf32>,
      tpu.vector_store %arg13[%swap3A_1335, %swap3A_1336], %mul3A_1333 {strides = array<i32>} : memref<80x32xf32, #tpu.memory_space<vmem>>, vector<16xf32>,
      %broadcast_in_dim3A_1338 = arith.constant 69 : i32
      %broadcast_in_dim3A_1339 = vector.broadcast %broadcast_in_dim3A_1338 : i32 to vector<16xi32>
      %gather3A_1340 = tpu.vector_load_idx %arg11[%broadcast_in_dim3A_1339] : memref<80xf32, #tpu.memory_space<vmem>>[vector<16xi32>], vector<16xf32>,
      %gather3A_1341 = tpu.vector_load_idx %arg10[%broadcast_in_dim3A_1339] : memref<80xf32, #tpu.memory_space<vmem>>[vector<16xi32>], vector<16xf32>,
      %get3A_1342 = arith.constant 69 : i32
      %get3A_1343 = arith.index_cast %get3A_1342 : i32 to index
      %get3A_1344 = arith.constant 0 : index
      %get3A_1345 = tpu.vector_load %arg12[%get3A_1343, %get3A_1344] {strides = array<i32>} : memref<80x16xf32, #tpu.memory_space<vmem>>, vector<16xf32>,
      %mul3A_1346 = arith.mulf %gather3A_1340, %get3A_1345 : vector<16xf32>
      %swap3A_1347 = arith.constant 69 : i32
      %swap3A_1348 = arith.index_cast %swap3A_1347 : i32 to index
      %swap3A_1349 = arith.constant 0 : index
      %swap3A_1350 = tpu.vector_load %arg13[%swap3A_1348, %swap3A_1349] {strides = array<i32>} : memref<80x32xf32, #tpu.memory_space<vmem>>, vector<16xf32>,
      tpu.vector_store %arg13[%swap3A_1348, %swap3A_1349], %mul3A_1346 {strides = array<i32>} : memref<80x32xf32, #tpu.memory_space<vmem>>, vector<16xf32>,
      %mul3A_1351 = arith.mulf %gather3A_1341, %get3A_1345 : vector<16xf32>
      %swap3A_1352 = arith.constant 69 : i32
      %swap3A_1353 = arith.index_cast %swap3A_1352 : i32 to index
      %swap3A_1354 = arith.constant 16 : index
      %swap3A_1355 = tpu.vector_load %arg13[%swap3A_1353, %swap3A_1354] {strides = array<i32>} : memref<80x32xf32, #tpu.memory_space<vmem>>, vector<16xf32>,
      tpu.vector_store %arg13[%swap3A_1353, %swap3A_1354], %mul3A_1351 {strides = array<i32>} : memref<80x32xf32, #tpu.memory_space<vmem>>, vector<16xf32>,
      %broadcast_in_dim3A_1356 = arith.constant 70 : i32
      %broadcast_in_dim3A_1357 = vector.broadcast %broadcast_in_dim3A_1356 : i32 to vector<16xi32>
      %gather3A_1358 = tpu.vector_load_idx %arg11[%broadcast_in_dim3A_1357] : memref<80xf32, #tpu.memory_space<vmem>>[vector<16xi32>], vector<16xf32>,
      %gather3A_1359 = tpu.vector_load_idx %arg10[%broadcast_in_dim3A_1357] : memref<80xf32, #tpu.memory_space<vmem>>[vector<16xi32>], vector<16xf32>,
      %get3A_1360 = arith.constant 70 : i32
      %get3A_1361 = arith.index_cast %get3A_1360 : i32 to index
      %get3A_1362 = arith.constant 0 : index
      %get3A_1363 = tpu.vector_load %arg12[%get3A_1361, %get3A_1362] {strides = array<i32>} : memref<80x16xf32, #tpu.memory_space<vmem>>, vector<16xf32>,
      %mul3A_1364 = arith.mulf %gather3A_1358, %get3A_1363 : vector<16xf32>
      %swap3A_1365 = arith.constant 70 : i32
      %swap3A_1366 = arith.index_cast %swap3A_1365 : i32 to index
      %swap3A_1367 = arith.constant 0 : index
      %swap3A_1368 = tpu.vector_load %arg13[%swap3A_1366, %swap3A_1367] {strides = array<i32>} : memref<80x32xf32, #tpu.memory_space<vmem>>, vector<16xf32>,
      tpu.vector_store %arg13[%swap3A_1366, %swap3A_1367], %mul3A_1364 {strides = array<i32>} : memref<80x32xf32, #tpu.memory_space<vmem>>, vector<16xf32>,
      %mul3A_1369 = arith.mulf %gather3A_1359, %get3A_1363 : vector<16xf32>
      %swap3A_1370 = arith.constant 70 : i32
      %swap3A_1371 = arith.index_cast %swap3A_1370 : i32 to index
      %swap3A_1372 = arith.constant 16 : index
      %swap3A_1373 = tpu.vector_load %arg13[%swap3A_1371, %swap3A_1372] {strides = array<i32>} : memref<80x32xf32, #tpu.memory_space<vmem>>, vector<16xf32>,
      tpu.vector_store %arg13[%swap3A_1371, %swap3A_1372], %mul3A_1369 {strides = array<i32>} : memref<80x32xf32, #tpu.memory_space<vmem>>, vector<16xf32>,
      %broadcast_in_dim3A_1374 = arith.constant 71 : i32
      %broadcast_in_dim3A_1375 = vector.broadcast %broadcast_in_dim3A_1374 : i32 to vector<16xi32>
      %gather3A_1376 = tpu.vector_load_idx %arg11[%broadcast_in_dim3A_1375] : memref<80xf32, #tpu.memory_space<vmem>>[vector<16xi32>], vector<16xf32>,
      %gather3A_1377 = tpu.vector_load_idx %arg10[%broadcast_in_dim3A_1375] : memref<80xf32, #tpu.memory_space<vmem>>[vector<16xi32>], vector<16xf32>,
      %get3A_1378 = arith.constant 71 : i32
      %get3A_1379 = arith.index_cast %get3A_1378 : i32 to index
      %get3A_1380 = arith.constant 0 : index
      %get3A_1381 = tpu.vector_load %arg12[%get3A_1379, %get3A_1380] {strides = array<i32>} : memref<80x16xf32, #tpu.memory_space<vmem>>, vector<16xf32>,
      %mul3A_1382 = arith.mulf %gather3A_1376, %get3A_1381 : vector<16xf32>
      %swap3A_1383 = arith.constant 71 : i32
      %swap3A_1384 = arith.index_cast %swap3A_1383 : i32 to index
      %swap3A_1385 = arith.constant 0 : index
      %swap3A_1386 = tpu.vector_load %arg13[%swap3A_1384, %swap3A_1385] {strides = array<i32>} : memref<80x32xf32, #tpu.memory_space<vmem>>, vector<16xf32>,
      tpu.vector_store %arg13[%swap3A_1384, %swap3A_1385], %mul3A_1382 {strides = array<i32>} : memref<80x32xf32, #tpu.memory_space<vmem>>, vector<16xf32>,
      %mul3A_1387 = arith.mulf %gather3A_1377, %get3A_1381 : vector<16xf32>
      %swap3A_1388 = arith.constant 71 : i32
      %swap3A_1389 = arith.index_cast %swap3A_1388 : i32 to index
      %swap3A_1390 = arith.constant 16 : index
      %swap3A_1391 = tpu.vector_load %arg13[%swap3A_1389, %swap3A_1390] {strides = array<i32>} : memref<80x32xf32, #tpu.memory_space<vmem>>, vector<16xf32>,
      tpu.vector_store %arg13[%swap3A_1389, %swap3A_1390], %mul3A_1387 {strides = array<i32>} : memref<80x32xf32, #tpu.memory_space<vmem>>, vector<16xf32>,
      %broadcast_in_dim3A_1392 = arith.constant 72 : i32
      %broadcast_in_dim3A_1393 = vector.broadcast %broadcast_in_dim3A_1392 : i32 to vector<16xi32>
      %gather3A_1394 = tpu.vector_load_idx %arg11[%broadcast_in_dim3A_1393] : memref<80xf32, #tpu.memory_space<vmem>>[vector<16xi32>], vector<16xf32>,
      %gather3A_1395 = tpu.vector_load_idx %arg10[%broadcast_in_dim3A_1393] : memref<80xf32, #tpu.memory_space<vmem>>[vector<16xi32>], vector<16xf32>,
      %get3A_1396 = arith.constant 72 : i32
      %get3A_1397 = arith.index_cast %get3A_1396 : i32 to index
      %get3A_1398 = arith.constant 0 : index
      %get3A_1399 = tpu.vector_load %arg12[%get3A_1397, %get3A_1398] {strides = array<i32>} : memref<80x16xf32, #tpu.memory_space<vmem>>, vector<16xf32>,
      %mul3A_1400 = arith.mulf %gather3A_1394, %get3A_1399 : vector<16xf32>
      %swap3A_1401 = arith.constant 72 : i32
      %swap3A_1402 = arith.index_cast %swap3A_1401 : i32 to index
      %swap3A_1403 = arith.constant 0 : index
      %swap3A_1404 = tpu.vector_load %arg13[%swap3A_1402, %swap3A_1403] {strides = array<i32>} : memref<80x32xf32, #tpu.memory_space<vmem>>, vector<16xf32>,
      tpu.vector_store %arg13[%swap3A_1402, %swap3A_1403], %mul3A_1400 {strides = array<i32>} : memref<80x32xf32, #tpu.memory_space<vmem>>, vector<16xf32>,
      %mul3A_1405 = arith.mulf %gather3A_1395, %get3A_1399 : vector<16xf32>
      %swap3A_1406 = arith.constant 72 : i32
      %swap3A_1407 = arith.index_cast %swap3A_1406 : i32 to index
      %swap3A_1408 = arith.constant 16 : index
      %swap3A_1409 = tpu.vector_load %arg13[%swap3A_1407, %swap3A_1408] {strides = array<i32>} : memref<80x32xf32, #tpu.memory_space<vmem>>, vector<16xf32>,
      tpu.vector_store %arg13[%swap3A_1407, %swap3A_1408], %mul3A_1405 {strides = array<i32>} : memref<80x32xf32, #tpu.memory_space<vmem>>, vector<16xf32>,
      %broadcast_in_dim3A_1410 = arith.constant 73 : i32
      %broadcast_in_dim3A_1411 = vector.broadcast %broadcast_in_dim3A_1410 : i32 to vector<16xi32>
      %gather3A_1412 = tpu.vector_load_idx %arg11[%broadcast_in_dim3A_1411] : memref<80xf32, #tpu.memory_space<vmem>>[vector<16xi32>], vector<16xf32>,
      %gather3A_1413 = tpu.vector_load_idx %arg10[%broadcast_in_dim3A_1411] : memref<80xf32, #tpu.memory_space<vmem>>[vector<16xi32>], vector<16xf32>,
      %get3A_1414 = arith.constant 73 : i32
      %get3A_1415 = arith.index_cast %get3A_1414 : i32 to index
      %get3A_1416 = arith.constant 0 : index
      %get3A_1417 = tpu.vector_load %arg12[%get3A_1415, %get3A_1416] {strides = array<i32>} : memref<80x16xf32, #tpu.memory_space<vmem>>, vector<16xf32>,
      %mul3A_1418 = arith.mulf %gather3A_1412, %get3A_1417 : vector<16xf32>
      %swap3A_1419 = arith.constant 73 : i32
      %swap3A_1420 = arith.index_cast %swap3A_1419 : i32 to index
      %swap3A_1421 = arith.constant 0 : index
      %swap3A_1422 = tpu.vector_load %arg13[%swap3A_1420, %swap3A_1421] {strides = array<i32>} : memref<80x32xf32, #tpu.memory_space<vmem>>, vector<16xf32>,
      tpu.vector_store %arg13[%swap3A_1420, %swap3A_1421], %mul3A_1418 {strides = array<i32>} : memref<80x32xf32, #tpu.memory_space<vmem>>, vector<16xf32>,
      %mul3A_1423 = arith.mulf %gather3A_1413, %get3A_1417 : vector<16xf32>
      %swap3A_1424 = arith.constant 73 : i32
      %swap3A_1425 = arith.index_cast %swap3A_1424 : i32 to index
      %swap3A_1426 = arith.constant 16 : index
      %swap3A_1427 = tpu.vector_load %arg13[%swap3A_1425, %swap3A_1426] {strides = array<i32>} : memref<80x32xf32, #tpu.memory_space<vmem>>, vector<16xf32>,
      tpu.vector_store %arg13[%swap3A_1425, %swap3A_1426], %mul3A_1423 {strides = array<i32>} : memref<80x32xf32, #tpu.memory_space<vmem>>, vector<16xf32>,
      %broadcast_in_dim3A_1428 = arith.constant 74 : i32
      %broadcast_in_dim3A_1429 = vector.broadcast %broadcast_in_dim3A_1428 : i32 to vector<16xi32>
      %gather3A_1430 = tpu.vector_load_idx %arg11[%broadcast_in_dim3A_1429] : memref<80xf32, #tpu.memory_space<vmem>>[vector<16xi32>], vector<16xf32>,
      %gather3A_1431 = tpu.vector_load_idx %arg10[%broadcast_in_dim3A_1429] : memref<80xf32, #tpu.memory_space<vmem>>[vector<16xi32>], vector<16xf32>,
      %get3A_1432 = arith.constant 74 : i32
      %get3A_1433 = arith.index_cast %get3A_1432 : i32 to index
      %get3A_1434 = arith.constant 0 : index
      %get3A_1435 = tpu.vector_load %arg12[%get3A_1433, %get3A_1434] {strides = array<i32>} : memref<80x16xf32, #tpu.memory_space<vmem>>, vector<16xf32>,
      %mul3A_1436 = arith.mulf %gather3A_1430, %get3A_1435 : vector<16xf32>
      %swap3A_1437 = arith.constant 74 : i32
      %swap3A_1438 = arith.index_cast %swap3A_1437 : i32 to index
      %swap3A_1439 = arith.constant 0 : index
      %swap3A_1440 = tpu.vector_load %arg13[%swap3A_1438, %swap3A_1439] {strides = array<i32>} : memref<80x32xf32, #tpu.memory_space<vmem>>, vector<16xf32>,
      tpu.vector_store %arg13[%swap3A_1438, %swap3A_1439], %mul3A_1436 {strides = array<i32>} : memref<80x32xf32, #tpu.memory_space<vmem>>, vector<16xf32>,
      %mul3A_1441 = arith.mulf %gather3A_1431, %get3A_1435 : vector<16xf32>
      %swap3A_1442 = arith.constant 74 : i32
      %swap3A_1443 = arith.index_cast %swap3A_1442 : i32 to index
      %swap3A_1444 = arith.constant 16 : index
      %swap3A_1445 = tpu.vector_load %arg13[%swap3A_1443, %swap3A_1444] {strides = array<i32>} : memref<80x32xf32, #tpu.memory_space<vmem>>, vector<16xf32>,
      tpu.vector_store %arg13[%swap3A_1443, %swap3A_1444], %mul3A_1441 {strides = array<i32>} : memref<80x32xf32, #tpu.memory_space<vmem>>, vector<16xf32>,
      %broadcast_in_dim3A_1446 = arith.constant 75 : i32
      %broadcast_in_dim3A_1447 = vector.broadcast %broadcast_in_dim3A_1446 : i32 to vector<16xi32>
      %gather3A_1448 = tpu.vector_load_idx %arg11[%broadcast_in_dim3A_1447] : memref<80xf32, #tpu.memory_space<vmem>>[vector<16xi32>], vector<16xf32>,
      %gather3A_1449 = tpu.vector_load_idx %arg10[%broadcast_in_dim3A_1447] : memref<80xf32, #tpu.memory_space<vmem>>[vector<16xi32>], vector<16xf32>,
      %get3A_1450 = arith.constant 75 : i32
      %get3A_1451 = arith.index_cast %get3A_1450 : i32 to index
      %get3A_1452 = arith.constant 0 : index
      %get3A_1453 = tpu.vector_load %arg12[%get3A_1451, %get3A_1452] {strides = array<i32>} : memref<80x16xf32, #tpu.memory_space<vmem>>, vector<16xf32>,
      %mul3A_1454 = arith.mulf %gather3A_1448, %get3A_1453 : vector<16xf32>
      %swap3A_1455 = arith.constant 75 : i32
      %swap3A_1456 = arith.index_cast %swap3A_1455 : i32 to index
      %swap3A_1457 = arith.constant 0 : index
      %swap3A_1458 = tpu.vector_load %arg13[%swap3A_1456, %swap3A_1457] {strides = array<i32>} : memref<80x32xf32, #tpu.memory_space<vmem>>, vector<16xf32>,
      tpu.vector_store %arg13[%swap3A_1456, %swap3A_1457], %mul3A_1454 {strides = array<i32>} : memref<80x32xf32, #tpu.memory_space<vmem>>, vector<16xf32>,
      %mul3A_1459 = arith.mulf %gather3A_1449, %get3A_1453 : vector<16xf32>
      %swap3A_1460 = arith.constant 75 : i32
      %swap3A_1461 = arith.index_cast %swap3A_1460 : i32 to index
      %swap3A_1462 = arith.constant 16 : index
      %swap3A_1463 = tpu.vector_load %arg13[%swap3A_1461, %swap3A_1462] {strides = array<i32>} : memref<80x32xf32, #tpu.memory_space<vmem>>, vector<16xf32>,
      tpu.vector_store %arg13[%swap3A_1461, %swap3A_1462], %mul3A_1459 {strides = array<i32>} : memref<80x32xf32, #tpu.memory_space<vmem>>, vector<16xf32>,
      %broadcast_in_dim3A_1464 = arith.constant 76 : i32
      %broadcast_in_dim3A_1465 = vector.broadcast %broadcast_in_dim3A_1464 : i32 to vector<16xi32>
      %gather3A_1466 = tpu.vector_load_idx %arg11[%broadcast_in_dim3A_1465] : memref<80xf32, #tpu.memory_space<vmem>>[vector<16xi32>], vector<16xf32>,
      %gather3A_1467 = tpu.vector_load_idx %arg10[%broadcast_in_dim3A_1465] : memref<80xf32, #tpu.memory_space<vmem>>[vector<16xi32>], vector<16xf32>,
      %get3A_1468 = arith.constant 76 : i32
      %get3A_1469 = arith.index_cast %get3A_1468 : i32 to index
      %get3A_1470 = arith.constant 0 : index
      %get3A_1471 = tpu.vector_load %arg12[%get3A_1469, %get3A_1470] {strides = array<i32>} : memref<80x16xf32, #tpu.memory_space<vmem>>, vector<16xf32>,
      %mul3A_1472 = arith.mulf %gather3A_1466, %get3A_1471 : vector<16xf32>
      %swap3A_1473 = arith.constant 76 : i32
      %swap3A_1474 = arith.index_cast %swap3A_1473 : i32 to index
      %swap3A_1475 = arith.constant 0 : index
      %swap3A_1476 = tpu.vector_load %arg13[%swap3A_1474, %swap3A_1475] {strides = array<i32>} : memref<80x32xf32, #tpu.memory_space<vmem>>, vector<16xf32>,
      tpu.vector_store %arg13[%swap3A_1474, %swap3A_1475], %mul3A_1472 {strides = array<i32>} : memref<80x32xf32, #tpu.memory_space<vmem>>, vector<16xf32>,
      %mul3A_1477 = arith.mulf %gather3A_1467, %get3A_1471 : vector<16xf32>
      %swap3A_1478 = arith.constant 76 : i32
      %swap3A_1479 = arith.index_cast %swap3A_1478 : i32 to index
      %swap3A_1480 = arith.constant 16 : index
      %swap3A_1481 = tpu.vector_load %arg13[%swap3A_1479, %swap3A_1480] {strides = array<i32>} : memref<80x32xf32, #tpu.memory_space<vmem>>, vector<16xf32>,
      tpu.vector_store %arg13[%swap3A_1479, %swap3A_1480], %mul3A_1477 {strides = array<i32>} : memref<80x32xf32, #tpu.memory_space<vmem>>, vector<16xf32>,
      %broadcast_in_dim3A_1482 = arith.constant 77 : i32
      %broadcast_in_dim3A_1483 = vector.broadcast %broadcast_in_dim3A_1482 : i32 to vector<16xi32>
      %gather3A_1484 = tpu.vector_load_idx %arg11[%broadcast_in_dim3A_1483] : memref<80xf32, #tpu.memory_space<vmem>>[vector<16xi32>], vector<16xf32>,
      %gather3A_1485 = tpu.vector_load_idx %arg10[%broadcast_in_dim3A_1483] : memref<80xf32, #tpu.memory_space<vmem>>[vector<16xi32>], vector<16xf32>,
      %get3A_1486 = arith.constant 77 : i32
      %get3A_1487 = arith.index_cast %get3A_1486 : i32 to index
      %get3A_1488 = arith.constant 0 : index
      %get3A_1489 = tpu.vector_load %arg12[%get3A_1487, %get3A_1488] {strides = array<i32>} : memref<80x16xf32, #tpu.memory_space<vmem>>, vector<16xf32>,
      %mul3A_1490 = arith.mulf %gather3A_1484, %get3A_1489 : vector<16xf32>
      %swap3A_1491 = arith.constant 77 : i32
      %swap3A_1492 = arith.index_cast %swap3A_1491 : i32 to index
      %swap3A_1493 = arith.constant 0 : index
      %swap3A_1494 = tpu.vector_load %arg13[%swap3A_1492, %swap3A_1493] {strides = array<i32>} : memref<80x32xf32, #tpu.memory_space<vmem>>, vector<16xf32>,
      tpu.vector_store %arg13[%swap3A_1492, %swap3A_1493], %mul3A_1490 {strides = array<i32>} : memref<80x32xf32, #tpu.memory_space<vmem>>, vector<16xf32>,
      %mul3A_1495 = arith.mulf %gather3A_1485, %get3A_1489 : vector<16xf32>
      %swap3A_1496 = arith.constant 77 : i32
      %swap3A_1497 = arith.index_cast %swap3A_1496 : i32 to index
      %swap3A_1498 = arith.constant 16 : index
      %swap3A_1499 = tpu.vector_load %arg13[%swap3A_1497, %swap3A_1498] {strides = array<i32>} : memref<80x32xf32, #tpu.memory_space<vmem>>, vector<16xf32>,
      tpu.vector_store %arg13[%swap3A_1497, %swap3A_1498], %mul3A_1495 {strides = array<i32>} : memref<80x32xf32, #tpu.memory_space<vmem>>, vector<16xf32>,
      %broadcast_in_dim3A_1500 = arith.constant 78 : i32
      %broadcast_in_dim3A_1501 = vector.broadcast %broadcast_in_dim3A_1500 : i32 to vector<16xi32>
      %gather3A_1502 = tpu.vector_load_idx %arg11[%broadcast_in_dim3A_1501] : memref<80xf32, #tpu.memory_space<vmem>>[vector<16xi32>], vector<16xf32>,
      %gather3A_1503 = tpu.vector_load_idx %arg10[%broadcast_in_dim3A_1501] : memref<80xf32, #tpu.memory_space<vmem>>[vector<16xi32>], vector<16xf32>,
      %get3A_1504 = arith.constant 78 : i32
      %get3A_1505 = arith.index_cast %get3A_1504 : i32 to index
      %get3A_1506 = arith.constant 0 : index
      %get3A_1507 = tpu.vector_load %arg12[%get3A_1505, %get3A_1506] {strides = array<i32>} : memref<80x16xf32, #tpu.memory_space<vmem>>, vector<16xf32>,
      %mul3A_1508 = arith.mulf %gather3A_1502, %get3A_1507 : vector<16xf32>
      %swap3A_1509 = arith.constant 78 : i32
      %swap3A_1510 = arith.index_cast %swap3A_1509 : i32 to index
      %swap3A_1511 = arith.constant 0 : index
      %swap3A_1512 = tpu.vector_load %arg13[%swap3A_1510, %swap3A_1511] {strides = array<i32>} : memref<80x32xf32, #tpu.memory_space<vmem>>, vector<16xf32>,
      tpu.vector_store %arg13[%swap3A_1510, %swap3A_1511], %mul3A_1508 {strides = array<i32>} : memref<80x32xf32, #tpu.memory_space<vmem>>, vector<16xf32>,
      %mul3A_1513 = arith.mulf %gather3A_1503, %get3A_1507 : vector<16xf32>
      %swap3A_1514 = arith.constant 78 : i32
      %swap3A_1515 = arith.index_cast %swap3A_1514 : i32 to index
      %swap3A_1516 = arith.constant 16 : index
      %swap3A_1517 = tpu.vector_load %arg13[%swap3A_1515, %swap3A_1516] {strides = array<i32>} : memref<80x32xf32, #tpu.memory_space<vmem>>, vector<16xf32>,
      tpu.vector_store %arg13[%swap3A_1515, %swap3A_1516], %mul3A_1513 {strides = array<i32>} : memref<80x32xf32, #tpu.memory_space<vmem>>, vector<16xf32>,
      %broadcast_in_dim3A_1518 = arith.constant 79 : i32
      %broadcast_in_dim3A_1519 = vector.broadcast %broadcast_in_dim3A_1518 : i32 to vector<16xi32>
      %gather3A_1520 = tpu.vector_load_idx %arg11[%broadcast_in_dim3A_1519] : memref<80xf32, #tpu.memory_space<vmem>>[vector<16xi32>], vector<16xf32>,
      %gather3A_1521 = tpu.vector_load_idx %arg10[%broadcast_in_dim3A_1519] : memref<80xf32, #tpu.memory_space<vmem>>[vector<16xi32>], vector<16xf32>,
      %get3A_1522 = arith.constant 79 : i32
      %get3A_1523 = arith.index_cast %get3A_1522 : i32 to index
      %get3A_1524 = arith.constant 0 : index
      %get3A_1525 = tpu.vector_load %arg12[%get3A_1523, %get3A_1524] {strides = array<i32>} : memref<80x16xf32, #tpu.memory_space<vmem>>, vector<16xf32>,
      %mul3A_1526 = arith.mulf %gather3A_1520, %get3A_1525 : vector<16xf32>
      %swap3A_1527 = arith.constant 79 : i32
      %swap3A_1528 = arith.index_cast %swap3A_1527 : i32 to index
      %swap3A_1529 = arith.constant 0 : index
      %swap3A_1530 = tpu.vector_load %arg13[%swap3A_1528, %swap3A_1529] {strides = array<i32>} : memref<80x32xf32, #tpu.memory_space<vmem>>, vector<16xf32>,
      tpu.vector_store %arg13[%swap3A_1528, %swap3A_1529], %mul3A_1526 {strides = array<i32>} : memref<80x32xf32, #tpu.memory_space<vmem>>, vector<16xf32>,
      %mul3A_1531 = arith.mulf %gather3A_1521, %get3A_1525 : vector<16xf32>
      %swap3A_1532 = arith.constant 79 : i32
      %swap3A_1533 = arith.index_cast %swap3A_1532 : i32 to index
      %swap3A_1534 = arith.constant 16 : index
      %swap3A_1535 = tpu.vector_load %arg13[%swap3A_1533, %swap3A_1534] {strides = array<i32>} : memref<80x32xf32, #tpu.memory_space<vmem>>, vector<16xf32>,
      tpu.vector_store %arg13[%swap3A_1533, %swap3A_1534], %mul3A_1531 {strides = array<i32>} : memref<80x32xf32, #tpu.memory_space<vmem>>, vector<16xf32>,
      "tpu.region"() ({
        %run_scoped3A = tpu.sem_alloc : memref<!tpu.dma_semaphore, #tpu.memory_space<semaphore_mem>>
        %dma_start3A_1536 = arith.constant 0 : i32
        %dma_start3A_1537 = arith.constant 0 : i32
        %dma_start3A_1538 = tpu.memref_slice %arg15[%dma_start3A_1536, %dma_start3A_1537] : memref<50176x32xf32, #tpu.memory_space<vmem_shared>> -> memref<50176x32xf32, #tpu.memory_space<vmem_shared>>
        tpu.enqueue_indirect_dma source(%arg13 : memref<80x32xf32, #tpu.memory_space<vmem>>) target(%dma_start3A_1538 : memref<50176x32xf32, #tpu.memory_space<vmem_shared>>) offsets(%arg9 : memref<80xi32, #tpu.memory_space<vmem>>) semaphore(%run_scoped3A : memref<!tpu.dma_semaphore, #tpu.memory_space<semaphore_mem>>) {add = true}
        %dma_wait3A_1539 = arith.constant 0 : i32
        %dma_wait3A_1540 = arith.constant 0 : i32
        %dma_wait3A_1541 = tpu.memref_slice %arg15[%dma_wait3A_1539, %dma_wait3A_1540] : memref<50176x32xf32, #tpu.memory_space<vmem_shared>> -> memref<50176x32xf32, #tpu.memory_space<vmem_shared>>
        tpu.wait_indirect_dma semaphore(%run_scoped3A : memref<!tpu.dma_semaphore, #tpu.memory_space<semaphore_mem>>) src(%arg13 : memref<80x32xf32, #tpu.memory_space<vmem>>) dst(%dma_wait3A_1541 : memref<50176x32xf32, #tpu.memory_space<vmem_shared>>)
        tpu.yield
      }) : () -> ()
    }
    %scan3A_23 = arith.constant 625 : i32
    %barrier3A_24 = arith.constant 0 : index
    tpu.barrier barrier_id(%barrier3A_24)
    %scan3A_25 = arith.constant 0 : i32
    %scan3A_26 = arith.constant 0 : i32
    %scan3A_27 = arith.constant 8 : i32
    %scan3A_28 = arith.addi %scan3A_26, %scan3A_27 : i32
    %scan3A_29 = arith.constant 1 : i32
    scf.for %scan3A_59 = %scan3A_26 to %scan3A_28 step %scan3A_29  : i32 {
      %mul3A_60 = arith.constant 392 : i32
      %mul3A_61 = arith.muli %scan3A_59, %mul3A_60 : i32
      %add3A_62 = arith.addi %mul3A_0, %mul3A_61 : i32
      "tpu.region"() ({
        %run_scoped3A = tpu.sem_alloc : memref<!tpu.dma_semaphore, #tpu.memory_space<semaphore_mem>>
        %dma_start3A = arith.constant 0 : i32
        %dma_start3A_63 = tpu.memref_slice %arg7[%add3A_9, %add3A_62, %dma_start3A] : memref<4x50176x32xf32, #tpu.memory_space<hbm>> -> memref<1x392x32xf32, #tpu.memory_space<hbm>>
        %dma_start3A_64 = tpu.memref_squeeze %dma_start3A_63 : memref<1x392x32xf32, #tpu.memory_space<hbm>> -> memref<392x32xf32, #tpu.memory_space<hbm>>
        %dma_start3A_65 = arith.constant 0 : i32
        %dma_start3A_66 = tpu.memref_slice %arg15[%add3A_62, %dma_start3A_65] : memref<50176x32xf32, #tpu.memory_space<vmem_shared>> -> memref<392x32xf32, #tpu.memory_space<vmem_shared>>
        tpu.enqueue_dma source(%dma_start3A_66 : memref<392x32xf32, #tpu.memory_space<vmem_shared>>) target(%dma_start3A_64 : memref<392x32xf32, #tpu.memory_space<hbm>>) target_semaphore(%run_scoped3A : memref<!tpu.dma_semaphore, #tpu.memory_space<semaphore_mem>>)
        %dma_wait3A = arith.constant 0 : i32
        %dma_wait3A_67 = tpu.memref_slice %arg7[%add3A_9, %add3A_62, %dma_wait3A] : memref<4x50176x32xf32, #tpu.memory_space<hbm>> -> memref<1x392x32xf32, #tpu.memory_space<hbm>>
        %dma_wait3A_68 = tpu.memref_squeeze %dma_wait3A_67 : memref<1x392x32xf32, #tpu.memory_space<hbm>> -> memref<392x32xf32, #tpu.memory_space<hbm>>
        %dma_wait3A_69 = arith.constant 0 : i32
        %dma_wait3A_70 = tpu.memref_slice %arg15[%add3A_62, %dma_wait3A_69] : memref<50176x32xf32, #tpu.memory_space<vmem_shared>> -> memref<392x32xf32, #tpu.memory_space<vmem_shared>>
        tpu.wait_dma2 semaphore(%run_scoped3A : memref<!tpu.dma_semaphore, #tpu.memory_space<semaphore_mem>>) src(%dma_wait3A_70 : memref<392x32xf32, #tpu.memory_space<vmem_shared>>) dst(%dma_wait3A_68 : memref<392x32xf32, #tpu.memory_space<hbm>>)
        tpu.yield
      }) : () -> ()
    }
    %scan3A_30 = arith.constant 8 : i32
    %barrier3A_31 = arith.constant 0 : index
    tpu.barrier barrier_id(%barrier3A_31)
    %mul3A_32 = arith.constant 2 : i32
    %mul3A_33 = arith.muli %mul3A_32, %arg0 : i32
    %add3A_34 = arith.constant 1 : i32
    %add3A_35 = arith.addi %mul3A_33, %add3A_34 : i32
    %scan3A_36 = arith.constant 0 : i32
    %scan3A_37 = arith.constant 0 : i32
    %scan3A_38 = arith.constant 8 : i32
    %scan3A_39 = arith.addi %scan3A_37, %scan3A_38 : i32
    %scan3A_40 = arith.constant 1 : i32
    scf.for %scan3A_59 = %scan3A_37 to %scan3A_39 step %scan3A_40  : i32 {
      %mul3A_60 = arith.constant 392 : i32
      %mul3A_61 = arith.muli %scan3A_59, %mul3A_60 : i32
      %add3A_62 = arith.addi %mul3A_0, %mul3A_61 : i32
      "tpu.region"() ({
        %run_scoped3A = tpu.sem_alloc : memref<!tpu.dma_semaphore, #tpu.memory_space<semaphore_mem>>
        %dma_start3A = arith.constant 0 : i32
        %dma_start3A_63 = tpu.memref_slice %arg15[%add3A_62, %dma_start3A] : memref<50176x32xf32, #tpu.memory_space<vmem_shared>> -> memref<392x32xf32, #tpu.memory_space<vmem_shared>>
        %dma_start3A_64 = arith.constant 0 : i32
        %dma_start3A_65 = tpu.memref_slice %arg15[%add3A_62, %dma_start3A_64] : memref<50176x32xf32, #tpu.memory_space<vmem_shared>> -> memref<392x32xf32, #tpu.memory_space<vmem_shared>>
        tpu.enqueue_dma source(%arg14 : memref<392x32xf32, #tpu.memory_space<vmem>>) target(%dma_start3A_65 : memref<392x32xf32, #tpu.memory_space<vmem_shared>>) target_semaphore(%run_scoped3A : memref<!tpu.dma_semaphore, #tpu.memory_space<semaphore_mem>>)
        %dma_wait3A = arith.constant 0 : i32
        %dma_wait3A_66 = tpu.memref_slice %arg15[%add3A_62, %dma_wait3A] : memref<50176x32xf32, #tpu.memory_space<vmem_shared>> -> memref<392x32xf32, #tpu.memory_space<vmem_shared>>
        %dma_wait3A_67 = arith.constant 0 : i32
        %dma_wait3A_68 = tpu.memref_slice %arg15[%add3A_62, %dma_wait3A_67] : memref<50176x32xf32, #tpu.memory_space<vmem_shared>> -> memref<392x32xf32, #tpu.memory_space<vmem_shared>>
        tpu.wait_dma2 semaphore(%run_scoped3A : memref<!tpu.dma_semaphore, #tpu.memory_space<semaphore_mem>>) src(%arg14 : memref<392x32xf32, #tpu.memory_space<vmem>>) dst(%dma_wait3A_68 : memref<392x32xf32, #tpu.memory_space<vmem_shared>>)
        tpu.yield
      }) : () -> ()
    }
    %scan3A_41 = arith.constant 8 : i32
    %barrier3A_42 = arith.constant 0 : index
    tpu.barrier barrier_id(%barrier3A_42)
    %mul3A_43 = arith.constant 50000 : i32
    %mul3A_44 = arith.muli %add3A_35, %mul3A_43 : i32
    %scan3A_45 = arith.constant 0 : i32
    %scan3A_46 = arith.constant 0 : i32
    %scan3A_47 = arith.constant 625 : i32
    %scan3A_48 = arith.addi %scan3A_46, %scan3A_47 : i32
    %scan3A_49 = arith.constant 1 : i32
    scf.for %scan3A_59 = %scan3A_46 to %scan3A_48 step %scan3A_49  : i32 {
      %mul3A_60 = arith.constant 50000 : i32
      %mul3A_61 = arith.muli %arg1, %mul3A_60 : i32
      %mul3A_62 = arith.constant 80 : i32
      %mul3A_63 = arith.muli %scan3A_59, %mul3A_62 : i32
      %add3A_64 = arith.addi %mul3A_61, %mul3A_63 : i32
      "tpu.region"() ({
        %run_scoped3A = tpu.sem_alloc : memref<!tpu.dma_semaphore, #tpu.memory_space<semaphore_mem>>
        %dma_start3A_1536 = tpu.memref_slice %arg4[%add3A_64] : memref<800000xi32, #tpu.memory_space<hbm>> -> memref<80xi32, #tpu.memory_space<hbm>>
        %dma_start3A_1537 = tpu.memref_slice %arg4[%add3A_64] : memref<800000xi32, #tpu.memory_space<hbm>> -> memref<80xi32, #tpu.memory_space<hbm>>
        tpu.enqueue_dma source(%dma_start3A_1537 : memref<80xi32, #tpu.memory_space<hbm>>) target(%arg8 : memref<80xi32, #tpu.memory_space<vmem>>) target_semaphore(%run_scoped3A : memref<!tpu.dma_semaphore, #tpu.memory_space<semaphore_mem>>)
        %dma_wait3A_1538 = tpu.memref_slice %arg4[%add3A_64] : memref<800000xi32, #tpu.memory_space<hbm>> -> memref<80xi32, #tpu.memory_space<hbm>>
        %dma_wait3A_1539 = tpu.memref_slice %arg4[%add3A_64] : memref<800000xi32, #tpu.memory_space<hbm>> -> memref<80xi32, #tpu.memory_space<hbm>>
        tpu.wait_dma2 semaphore(%run_scoped3A : memref<!tpu.dma_semaphore, #tpu.memory_space<semaphore_mem>>) src(%dma_wait3A_1539 : memref<80xi32, #tpu.memory_space<hbm>>) dst(%arg8 : memref<80xi32, #tpu.memory_space<vmem>>)
        tpu.yield
      }) : () -> ()
      "tpu.region"() ({
        %run_scoped3A = tpu.sem_alloc : memref<!tpu.dma_semaphore, #tpu.memory_space<semaphore_mem>>
        %dma_start3A_1536 = tpu.memref_slice %arg3[%add3A_64] : memref<800000xi32, #tpu.memory_space<hbm>> -> memref<80xi32, #tpu.memory_space<hbm>>
        %dma_start3A_1537 = tpu.memref_slice %arg3[%add3A_64] : memref<800000xi32, #tpu.memory_space<hbm>> -> memref<80xi32, #tpu.memory_space<hbm>>
        tpu.enqueue_dma source(%dma_start3A_1537 : memref<80xi32, #tpu.memory_space<hbm>>) target(%arg9 : memref<80xi32, #tpu.memory_space<vmem>>) target_semaphore(%run_scoped3A : memref<!tpu.dma_semaphore, #tpu.memory_space<semaphore_mem>>)
        %dma_wait3A_1538 = tpu.memref_slice %arg3[%add3A_64] : memref<800000xi32, #tpu.memory_space<hbm>> -> memref<80xi32, #tpu.memory_space<hbm>>
        %dma_wait3A_1539 = tpu.memref_slice %arg3[%add3A_64] : memref<800000xi32, #tpu.memory_space<hbm>> -> memref<80xi32, #tpu.memory_space<hbm>>
        tpu.wait_dma2 semaphore(%run_scoped3A : memref<!tpu.dma_semaphore, #tpu.memory_space<semaphore_mem>>) src(%dma_wait3A_1539 : memref<80xi32, #tpu.memory_space<hbm>>) dst(%arg9 : memref<80xi32, #tpu.memory_space<vmem>>)
        tpu.yield
      }) : () -> ()
      "tpu.region"() ({
        %run_scoped3A = tpu.sem_alloc : memref<!tpu.dma_semaphore, #tpu.memory_space<semaphore_mem>>
        %dma_start3A_1536 = tpu.memref_slice %arg5[%add3A_64] : memref<800000xf32, #tpu.memory_space<hbm>> -> memref<80xf32, #tpu.memory_space<hbm>>
        %dma_start3A_1537 = tpu.memref_slice %arg5[%add3A_64] : memref<800000xf32, #tpu.memory_space<hbm>> -> memref<80xf32, #tpu.memory_space<hbm>>
        tpu.enqueue_dma source(%dma_start3A_1537 : memref<80xf32, #tpu.memory_space<hbm>>) target(%arg10 : memref<80xf32, #tpu.memory_space<vmem>>) target_semaphore(%run_scoped3A : memref<!tpu.dma_semaphore, #tpu.memory_space<semaphore_mem>>)
        %dma_wait3A_1538 = tpu.memref_slice %arg5[%add3A_64] : memref<800000xf32, #tpu.memory_space<hbm>> -> memref<80xf32, #tpu.memory_space<hbm>>
        %dma_wait3A_1539 = tpu.memref_slice %arg5[%add3A_64] : memref<800000xf32, #tpu.memory_space<hbm>> -> memref<80xf32, #tpu.memory_space<hbm>>
        tpu.wait_dma2 semaphore(%run_scoped3A : memref<!tpu.dma_semaphore, #tpu.memory_space<semaphore_mem>>) src(%dma_wait3A_1539 : memref<80xf32, #tpu.memory_space<hbm>>) dst(%arg10 : memref<80xf32, #tpu.memory_space<vmem>>)
        tpu.yield
      }) : () -> ()
      "tpu.region"() ({
        %run_scoped3A = tpu.sem_alloc : memref<!tpu.dma_semaphore, #tpu.memory_space<semaphore_mem>>
        %dma_start3A_1536 = tpu.memref_slice %arg6[%add3A_64] : memref<800000xf32, #tpu.memory_space<hbm>> -> memref<80xf32, #tpu.memory_space<hbm>>
        %dma_start3A_1537 = tpu.memref_slice %arg6[%add3A_64] : memref<800000xf32, #tpu.memory_space<hbm>> -> memref<80xf32, #tpu.memory_space<hbm>>
        tpu.enqueue_dma source(%dma_start3A_1537 : memref<80xf32, #tpu.memory_space<hbm>>) target(%arg11 : memref<80xf32, #tpu.memory_space<vmem>>) target_semaphore(%run_scoped3A : memref<!tpu.dma_semaphore, #tpu.memory_space<semaphore_mem>>)
        %dma_wait3A_1538 = tpu.memref_slice %arg6[%add3A_64] : memref<800000xf32, #tpu.memory_space<hbm>> -> memref<80xf32, #tpu.memory_space<hbm>>
        %dma_wait3A_1539 = tpu.memref_slice %arg6[%add3A_64] : memref<800000xf32, #tpu.memory_space<hbm>> -> memref<80xf32, #tpu.memory_space<hbm>>
        tpu.wait_dma2 semaphore(%run_scoped3A : memref<!tpu.dma_semaphore, #tpu.memory_space<semaphore_mem>>) src(%dma_wait3A_1539 : memref<80xf32, #tpu.memory_space<hbm>>) dst(%arg11 : memref<80xf32, #tpu.memory_space<vmem>>)
        tpu.yield
      }) : () -> ()
      %get3A = arith.constant 0 : index
      %get3A_65 = tpu.vector_load %arg8[%get3A] {strides = array<i32>} : memref<80xi32, #tpu.memory_space<vmem>>, vector<16xi32>,
      %add3A_66 = vector.broadcast %mul3A_44 : i32 to vector<16xi32>
      %add3A_67 = arith.addi %get3A_65, %add3A_66 : vector<16xi32>
      %swap3A = arith.constant 0 : index
      %swap3A_68 = tpu.vector_load %arg8[%swap3A] {strides = array<i32>} : memref<80xi32, #tpu.memory_space<vmem>>, vector<16xi32>,
      tpu.vector_store %arg8[%swap3A], %add3A_67 {strides = array<i32>} : memref<80xi32, #tpu.memory_space<vmem>>, vector<16xi32>,
      %get3A_69 = arith.constant 16 : index
      %get3A_70 = tpu.vector_load %arg8[%get3A_69] {strides = array<i32>} : memref<80xi32, #tpu.memory_space<vmem>>, vector<16xi32>,
      %add3A_71 = vector.broadcast %mul3A_44 : i32 to vector<16xi32>
      %add3A_72 = arith.addi %get3A_70, %add3A_71 : vector<16xi32>
      %swap3A_73 = arith.constant 16 : index
      %swap3A_74 = tpu.vector_load %arg8[%swap3A_73] {strides = array<i32>} : memref<80xi32, #tpu.memory_space<vmem>>, vector<16xi32>,
      tpu.vector_store %arg8[%swap3A_73], %add3A_72 {strides = array<i32>} : memref<80xi32, #tpu.memory_space<vmem>>, vector<16xi32>,
      %get3A_75 = arith.constant 32 : index
      %get3A_76 = tpu.vector_load %arg8[%get3A_75] {strides = array<i32>} : memref<80xi32, #tpu.memory_space<vmem>>, vector<16xi32>,
      %add3A_77 = vector.broadcast %mul3A_44 : i32 to vector<16xi32>
      %add3A_78 = arith.addi %get3A_76, %add3A_77 : vector<16xi32>
      %swap3A_79 = arith.constant 32 : index
      %swap3A_80 = tpu.vector_load %arg8[%swap3A_79] {strides = array<i32>} : memref<80xi32, #tpu.memory_space<vmem>>, vector<16xi32>,
      tpu.vector_store %arg8[%swap3A_79], %add3A_78 {strides = array<i32>} : memref<80xi32, #tpu.memory_space<vmem>>, vector<16xi32>,
      %get3A_81 = arith.constant 48 : index
      %get3A_82 = tpu.vector_load %arg8[%get3A_81] {strides = array<i32>} : memref<80xi32, #tpu.memory_space<vmem>>, vector<16xi32>,
      %add3A_83 = vector.broadcast %mul3A_44 : i32 to vector<16xi32>
      %add3A_84 = arith.addi %get3A_82, %add3A_83 : vector<16xi32>
      %swap3A_85 = arith.constant 48 : index
      %swap3A_86 = tpu.vector_load %arg8[%swap3A_85] {strides = array<i32>} : memref<80xi32, #tpu.memory_space<vmem>>, vector<16xi32>,
      tpu.vector_store %arg8[%swap3A_85], %add3A_84 {strides = array<i32>} : memref<80xi32, #tpu.memory_space<vmem>>, vector<16xi32>,
      %get3A_87 = arith.constant 64 : index
      %get3A_88 = tpu.vector_load %arg8[%get3A_87] {strides = array<i32>} : memref<80xi32, #tpu.memory_space<vmem>>, vector<16xi32>,
      %add3A_89 = vector.broadcast %mul3A_44 : i32 to vector<16xi32>
      %add3A_90 = arith.addi %get3A_88, %add3A_89 : vector<16xi32>
      %swap3A_91 = arith.constant 64 : index
      %swap3A_92 = tpu.vector_load %arg8[%swap3A_91] {strides = array<i32>} : memref<80xi32, #tpu.memory_space<vmem>>, vector<16xi32>,
      tpu.vector_store %arg8[%swap3A_91], %add3A_90 {strides = array<i32>} : memref<80xi32, #tpu.memory_space<vmem>>, vector<16xi32>,
      %dma_start3A = arith.constant 0 : i32
      %dma_start3A_93 = arith.constant 0 : i32
      %dma_start3A_94 = tpu.memref_slice %arg2[%dma_start3A, %dma_start3A_93] : memref<200000x16xf32, #tpu.memory_space<hbm>> -> memref<200000x16xf32, #tpu.memory_space<hbm>>
      tpu.enqueue_indirect_dma source(%dma_start3A_94 : memref<200000x16xf32, #tpu.memory_space<hbm>>) target(%arg12 : memref<80x16xf32, #tpu.memory_space<vmem>>) offsets(%arg8 : memref<80xi32, #tpu.memory_space<vmem>>) semaphore(%arg16 : memref<!tpu.dma_semaphore, #tpu.memory_space<semaphore_mem>>)
      %dma_wait3A = arith.constant 0 : i32
      %dma_wait3A_95 = arith.constant 0 : i32
      %dma_wait3A_96 = tpu.memref_slice %arg2[%dma_wait3A, %dma_wait3A_95] : memref<200000x16xf32, #tpu.memory_space<hbm>> -> memref<200000x16xf32, #tpu.memory_space<hbm>>
      tpu.wait_indirect_dma semaphore(%arg16 : memref<!tpu.dma_semaphore, #tpu.memory_space<semaphore_mem>>) src(%dma_wait3A_96 : memref<200000x16xf32, #tpu.memory_space<hbm>>) dst(%arg12 : memref<80x16xf32, #tpu.memory_space<vmem>>)
      %broadcast_in_dim3A_97 = arith.constant 0 : i32
      %broadcast_in_dim3A_98 = vector.broadcast %broadcast_in_dim3A_97 : i32 to vector<16xi32>
      %gather3A = tpu.vector_load_idx %arg11[%broadcast_in_dim3A_98] : memref<80xf32, #tpu.memory_space<vmem>>[vector<16xi32>], vector<16xf32>,
      %gather3A_99 = tpu.vector_load_idx %arg10[%broadcast_in_dim3A_98] : memref<80xf32, #tpu.memory_space<vmem>>[vector<16xi32>], vector<16xf32>,
      %get3A_100 = arith.constant 0 : i32
      %get3A_101 = arith.index_cast %get3A_100 : i32 to index
      %get3A_102 = arith.constant 0 : index
      %get3A_103 = tpu.vector_load %arg12[%get3A_101, %get3A_102] {strides = array<i32>} : memref<80x16xf32, #tpu.memory_space<vmem>>, vector<16xf32>,
      %mul3A_104 = arith.mulf %gather3A, %get3A_103 : vector<16xf32>
      %swap3A_105 = arith.constant 0 : i32
      %swap3A_106 = arith.index_cast %swap3A_105 : i32 to index
      %swap3A_107 = arith.constant 0 : index
      %swap3A_108 = tpu.vector_load %arg13[%swap3A_106, %swap3A_107] {strides = array<i32>} : memref<80x32xf32, #tpu.memory_space<vmem>>, vector<16xf32>,
      tpu.vector_store %arg13[%swap3A_106, %swap3A_107], %mul3A_104 {strides = array<i32>} : memref<80x32xf32, #tpu.memory_space<vmem>>, vector<16xf32>,
      %mul3A_109 = arith.mulf %gather3A_99, %get3A_103 : vector<16xf32>
      %swap3A_110 = arith.constant 0 : i32
      %swap3A_111 = arith.index_cast %swap3A_110 : i32 to index
      %swap3A_112 = arith.constant 16 : index
      %swap3A_113 = tpu.vector_load %arg13[%swap3A_111, %swap3A_112] {strides = array<i32>} : memref<80x32xf32, #tpu.memory_space<vmem>>, vector<16xf32>,
      tpu.vector_store %arg13[%swap3A_111, %swap3A_112], %mul3A_109 {strides = array<i32>} : memref<80x32xf32, #tpu.memory_space<vmem>>, vector<16xf32>,
      %broadcast_in_dim3A_114 = arith.constant 1 : i32
      %broadcast_in_dim3A_115 = vector.broadcast %broadcast_in_dim3A_114 : i32 to vector<16xi32>
      %gather3A_116 = tpu.vector_load_idx %arg11[%broadcast_in_dim3A_115] : memref<80xf32, #tpu.memory_space<vmem>>[vector<16xi32>], vector<16xf32>,
      %gather3A_117 = tpu.vector_load_idx %arg10[%broadcast_in_dim3A_115] : memref<80xf32, #tpu.memory_space<vmem>>[vector<16xi32>], vector<16xf32>,
      %get3A_118 = arith.constant 1 : i32
      %get3A_119 = arith.index_cast %get3A_118 : i32 to index
      %get3A_120 = arith.constant 0 : index
      %get3A_121 = tpu.vector_load %arg12[%get3A_119, %get3A_120] {strides = array<i32>} : memref<80x16xf32, #tpu.memory_space<vmem>>, vector<16xf32>,
      %mul3A_122 = arith.mulf %gather3A_116, %get3A_121 : vector<16xf32>
      %swap3A_123 = arith.constant 1 : i32
      %swap3A_124 = arith.index_cast %swap3A_123 : i32 to index
      %swap3A_125 = arith.constant 0 : index
      %swap3A_126 = tpu.vector_load %arg13[%swap3A_124, %swap3A_125] {strides = array<i32>} : memref<80x32xf32, #tpu.memory_space<vmem>>, vector<16xf32>,
      tpu.vector_store %arg13[%swap3A_124, %swap3A_125], %mul3A_122 {strides = array<i32>} : memref<80x32xf32, #tpu.memory_space<vmem>>, vector<16xf32>,
      %mul3A_127 = arith.mulf %gather3A_117, %get3A_121 : vector<16xf32>
      %swap3A_128 = arith.constant 1 : i32
      %swap3A_129 = arith.index_cast %swap3A_128 : i32 to index
      %swap3A_130 = arith.constant 16 : index
      %swap3A_131 = tpu.vector_load %arg13[%swap3A_129, %swap3A_130] {strides = array<i32>} : memref<80x32xf32, #tpu.memory_space<vmem>>, vector<16xf32>,
      tpu.vector_store %arg13[%swap3A_129, %swap3A_130], %mul3A_127 {strides = array<i32>} : memref<80x32xf32, #tpu.memory_space<vmem>>, vector<16xf32>,
      %broadcast_in_dim3A_132 = arith.constant 2 : i32
      %broadcast_in_dim3A_133 = vector.broadcast %broadcast_in_dim3A_132 : i32 to vector<16xi32>
      %gather3A_134 = tpu.vector_load_idx %arg11[%broadcast_in_dim3A_133] : memref<80xf32, #tpu.memory_space<vmem>>[vector<16xi32>], vector<16xf32>,
      %gather3A_135 = tpu.vector_load_idx %arg10[%broadcast_in_dim3A_133] : memref<80xf32, #tpu.memory_space<vmem>>[vector<16xi32>], vector<16xf32>,
      %get3A_136 = arith.constant 2 : i32
      %get3A_137 = arith.index_cast %get3A_136 : i32 to index
      %get3A_138 = arith.constant 0 : index
      %get3A_139 = tpu.vector_load %arg12[%get3A_137, %get3A_138] {strides = array<i32>} : memref<80x16xf32, #tpu.memory_space<vmem>>, vector<16xf32>,
      %mul3A_140 = arith.mulf %gather3A_134, %get3A_139 : vector<16xf32>
      %swap3A_141 = arith.constant 2 : i32
      %swap3A_142 = arith.index_cast %swap3A_141 : i32 to index
      %swap3A_143 = arith.constant 0 : index
      %swap3A_144 = tpu.vector_load %arg13[%swap3A_142, %swap3A_143] {strides = array<i32>} : memref<80x32xf32, #tpu.memory_space<vmem>>, vector<16xf32>,
      tpu.vector_store %arg13[%swap3A_142, %swap3A_143], %mul3A_140 {strides = array<i32>} : memref<80x32xf32, #tpu.memory_space<vmem>>, vector<16xf32>,
      %mul3A_145 = arith.mulf %gather3A_135, %get3A_139 : vector<16xf32>
      %swap3A_146 = arith.constant 2 : i32
      %swap3A_147 = arith.index_cast %swap3A_146 : i32 to index
      %swap3A_148 = arith.constant 16 : index
      %swap3A_149 = tpu.vector_load %arg13[%swap3A_147, %swap3A_148] {strides = array<i32>} : memref<80x32xf32, #tpu.memory_space<vmem>>, vector<16xf32>,
      tpu.vector_store %arg13[%swap3A_147, %swap3A_148], %mul3A_145 {strides = array<i32>} : memref<80x32xf32, #tpu.memory_space<vmem>>, vector<16xf32>,
      %broadcast_in_dim3A_150 = arith.constant 3 : i32
      %broadcast_in_dim3A_151 = vector.broadcast %broadcast_in_dim3A_150 : i32 to vector<16xi32>
      %gather3A_152 = tpu.vector_load_idx %arg11[%broadcast_in_dim3A_151] : memref<80xf32, #tpu.memory_space<vmem>>[vector<16xi32>], vector<16xf32>,
      %gather3A_153 = tpu.vector_load_idx %arg10[%broadcast_in_dim3A_151] : memref<80xf32, #tpu.memory_space<vmem>>[vector<16xi32>], vector<16xf32>,
      %get3A_154 = arith.constant 3 : i32
      %get3A_155 = arith.index_cast %get3A_154 : i32 to index
      %get3A_156 = arith.constant 0 : index
      %get3A_157 = tpu.vector_load %arg12[%get3A_155, %get3A_156] {strides = array<i32>} : memref<80x16xf32, #tpu.memory_space<vmem>>, vector<16xf32>,
      %mul3A_158 = arith.mulf %gather3A_152, %get3A_157 : vector<16xf32>
      %swap3A_159 = arith.constant 3 : i32
      %swap3A_160 = arith.index_cast %swap3A_159 : i32 to index
      %swap3A_161 = arith.constant 0 : index
      %swap3A_162 = tpu.vector_load %arg13[%swap3A_160, %swap3A_161] {strides = array<i32>} : memref<80x32xf32, #tpu.memory_space<vmem>>, vector<16xf32>,
      tpu.vector_store %arg13[%swap3A_160, %swap3A_161], %mul3A_158 {strides = array<i32>} : memref<80x32xf32, #tpu.memory_space<vmem>>, vector<16xf32>,
      %mul3A_163 = arith.mulf %gather3A_153, %get3A_157 : vector<16xf32>
      %swap3A_164 = arith.constant 3 : i32
      %swap3A_165 = arith.index_cast %swap3A_164 : i32 to index
      %swap3A_166 = arith.constant 16 : index
      %swap3A_167 = tpu.vector_load %arg13[%swap3A_165, %swap3A_166] {strides = array<i32>} : memref<80x32xf32, #tpu.memory_space<vmem>>, vector<16xf32>,
      tpu.vector_store %arg13[%swap3A_165, %swap3A_166], %mul3A_163 {strides = array<i32>} : memref<80x32xf32, #tpu.memory_space<vmem>>, vector<16xf32>,
      %broadcast_in_dim3A_168 = arith.constant 4 : i32
      %broadcast_in_dim3A_169 = vector.broadcast %broadcast_in_dim3A_168 : i32 to vector<16xi32>
      %gather3A_170 = tpu.vector_load_idx %arg11[%broadcast_in_dim3A_169] : memref<80xf32, #tpu.memory_space<vmem>>[vector<16xi32>], vector<16xf32>,
      %gather3A_171 = tpu.vector_load_idx %arg10[%broadcast_in_dim3A_169] : memref<80xf32, #tpu.memory_space<vmem>>[vector<16xi32>], vector<16xf32>,
      %get3A_172 = arith.constant 4 : i32
      %get3A_173 = arith.index_cast %get3A_172 : i32 to index
      %get3A_174 = arith.constant 0 : index
      %get3A_175 = tpu.vector_load %arg12[%get3A_173, %get3A_174] {strides = array<i32>} : memref<80x16xf32, #tpu.memory_space<vmem>>, vector<16xf32>,
      %mul3A_176 = arith.mulf %gather3A_170, %get3A_175 : vector<16xf32>
      %swap3A_177 = arith.constant 4 : i32
      %swap3A_178 = arith.index_cast %swap3A_177 : i32 to index
      %swap3A_179 = arith.constant 0 : index
      %swap3A_180 = tpu.vector_load %arg13[%swap3A_178, %swap3A_179] {strides = array<i32>} : memref<80x32xf32, #tpu.memory_space<vmem>>, vector<16xf32>,
      tpu.vector_store %arg13[%swap3A_178, %swap3A_179], %mul3A_176 {strides = array<i32>} : memref<80x32xf32, #tpu.memory_space<vmem>>, vector<16xf32>,
      %mul3A_181 = arith.mulf %gather3A_171, %get3A_175 : vector<16xf32>
      %swap3A_182 = arith.constant 4 : i32
      %swap3A_183 = arith.index_cast %swap3A_182 : i32 to index
      %swap3A_184 = arith.constant 16 : index
      %swap3A_185 = tpu.vector_load %arg13[%swap3A_183, %swap3A_184] {strides = array<i32>} : memref<80x32xf32, #tpu.memory_space<vmem>>, vector<16xf32>,
      tpu.vector_store %arg13[%swap3A_183, %swap3A_184], %mul3A_181 {strides = array<i32>} : memref<80x32xf32, #tpu.memory_space<vmem>>, vector<16xf32>,
      %broadcast_in_dim3A_186 = arith.constant 5 : i32
      %broadcast_in_dim3A_187 = vector.broadcast %broadcast_in_dim3A_186 : i32 to vector<16xi32>
      %gather3A_188 = tpu.vector_load_idx %arg11[%broadcast_in_dim3A_187] : memref<80xf32, #tpu.memory_space<vmem>>[vector<16xi32>], vector<16xf32>,
      %gather3A_189 = tpu.vector_load_idx %arg10[%broadcast_in_dim3A_187] : memref<80xf32, #tpu.memory_space<vmem>>[vector<16xi32>], vector<16xf32>,
      %get3A_190 = arith.constant 5 : i32
      %get3A_191 = arith.index_cast %get3A_190 : i32 to index
      %get3A_192 = arith.constant 0 : index
      %get3A_193 = tpu.vector_load %arg12[%get3A_191, %get3A_192] {strides = array<i32>} : memref<80x16xf32, #tpu.memory_space<vmem>>, vector<16xf32>,
      %mul3A_194 = arith.mulf %gather3A_188, %get3A_193 : vector<16xf32>
      %swap3A_195 = arith.constant 5 : i32
      %swap3A_196 = arith.index_cast %swap3A_195 : i32 to index
      %swap3A_197 = arith.constant 0 : index
      %swap3A_198 = tpu.vector_load %arg13[%swap3A_196, %swap3A_197] {strides = array<i32>} : memref<80x32xf32, #tpu.memory_space<vmem>>, vector<16xf32>,
      tpu.vector_store %arg13[%swap3A_196, %swap3A_197], %mul3A_194 {strides = array<i32>} : memref<80x32xf32, #tpu.memory_space<vmem>>, vector<16xf32>,
      %mul3A_199 = arith.mulf %gather3A_189, %get3A_193 : vector<16xf32>
      %swap3A_200 = arith.constant 5 : i32
      %swap3A_201 = arith.index_cast %swap3A_200 : i32 to index
      %swap3A_202 = arith.constant 16 : index
      %swap3A_203 = tpu.vector_load %arg13[%swap3A_201, %swap3A_202] {strides = array<i32>} : memref<80x32xf32, #tpu.memory_space<vmem>>, vector<16xf32>,
      tpu.vector_store %arg13[%swap3A_201, %swap3A_202], %mul3A_199 {strides = array<i32>} : memref<80x32xf32, #tpu.memory_space<vmem>>, vector<16xf32>,
      %broadcast_in_dim3A_204 = arith.constant 6 : i32
      %broadcast_in_dim3A_205 = vector.broadcast %broadcast_in_dim3A_204 : i32 to vector<16xi32>
      %gather3A_206 = tpu.vector_load_idx %arg11[%broadcast_in_dim3A_205] : memref<80xf32, #tpu.memory_space<vmem>>[vector<16xi32>], vector<16xf32>,
      %gather3A_207 = tpu.vector_load_idx %arg10[%broadcast_in_dim3A_205] : memref<80xf32, #tpu.memory_space<vmem>>[vector<16xi32>], vector<16xf32>,
      %get3A_208 = arith.constant 6 : i32
      %get3A_209 = arith.index_cast %get3A_208 : i32 to index
      %get3A_210 = arith.constant 0 : index
      %get3A_211 = tpu.vector_load %arg12[%get3A_209, %get3A_210] {strides = array<i32>} : memref<80x16xf32, #tpu.memory_space<vmem>>, vector<16xf32>,
      %mul3A_212 = arith.mulf %gather3A_206, %get3A_211 : vector<16xf32>
      %swap3A_213 = arith.constant 6 : i32
      %swap3A_214 = arith.index_cast %swap3A_213 : i32 to index
      %swap3A_215 = arith.constant 0 : index
      %swap3A_216 = tpu.vector_load %arg13[%swap3A_214, %swap3A_215] {strides = array<i32>} : memref<80x32xf32, #tpu.memory_space<vmem>>, vector<16xf32>,
      tpu.vector_store %arg13[%swap3A_214, %swap3A_215], %mul3A_212 {strides = array<i32>} : memref<80x32xf32, #tpu.memory_space<vmem>>, vector<16xf32>,
      %mul3A_217 = arith.mulf %gather3A_207, %get3A_211 : vector<16xf32>
      %swap3A_218 = arith.constant 6 : i32
      %swap3A_219 = arith.index_cast %swap3A_218 : i32 to index
      %swap3A_220 = arith.constant 16 : index
      %swap3A_221 = tpu.vector_load %arg13[%swap3A_219, %swap3A_220] {strides = array<i32>} : memref<80x32xf32, #tpu.memory_space<vmem>>, vector<16xf32>,
      tpu.vector_store %arg13[%swap3A_219, %swap3A_220], %mul3A_217 {strides = array<i32>} : memref<80x32xf32, #tpu.memory_space<vmem>>, vector<16xf32>,
      %broadcast_in_dim3A_222 = arith.constant 7 : i32
      %broadcast_in_dim3A_223 = vector.broadcast %broadcast_in_dim3A_222 : i32 to vector<16xi32>
      %gather3A_224 = tpu.vector_load_idx %arg11[%broadcast_in_dim3A_223] : memref<80xf32, #tpu.memory_space<vmem>>[vector<16xi32>], vector<16xf32>,
      %gather3A_225 = tpu.vector_load_idx %arg10[%broadcast_in_dim3A_223] : memref<80xf32, #tpu.memory_space<vmem>>[vector<16xi32>], vector<16xf32>,
      %get3A_226 = arith.constant 7 : i32
      %get3A_227 = arith.index_cast %get3A_226 : i32 to index
      %get3A_228 = arith.constant 0 : index
      %get3A_229 = tpu.vector_load %arg12[%get3A_227, %get3A_228] {strides = array<i32>} : memref<80x16xf32, #tpu.memory_space<vmem>>, vector<16xf32>,
      %mul3A_230 = arith.mulf %gather3A_224, %get3A_229 : vector<16xf32>
      %swap3A_231 = arith.constant 7 : i32
      %swap3A_232 = arith.index_cast %swap3A_231 : i32 to index
      %swap3A_233 = arith.constant 0 : index
      %swap3A_234 = tpu.vector_load %arg13[%swap3A_232, %swap3A_233] {strides = array<i32>} : memref<80x32xf32, #tpu.memory_space<vmem>>, vector<16xf32>,
      tpu.vector_store %arg13[%swap3A_232, %swap3A_233], %mul3A_230 {strides = array<i32>} : memref<80x32xf32, #tpu.memory_space<vmem>>, vector<16xf32>,
      %mul3A_235 = arith.mulf %gather3A_225, %get3A_229 : vector<16xf32>
      %swap3A_236 = arith.constant 7 : i32
      %swap3A_237 = arith.index_cast %swap3A_236 : i32 to index
      %swap3A_238 = arith.constant 16 : index
      %swap3A_239 = tpu.vector_load %arg13[%swap3A_237, %swap3A_238] {strides = array<i32>} : memref<80x32xf32, #tpu.memory_space<vmem>>, vector<16xf32>,
      tpu.vector_store %arg13[%swap3A_237, %swap3A_238], %mul3A_235 {strides = array<i32>} : memref<80x32xf32, #tpu.memory_space<vmem>>, vector<16xf32>,
      %broadcast_in_dim3A_240 = arith.constant 8 : i32
      %broadcast_in_dim3A_241 = vector.broadcast %broadcast_in_dim3A_240 : i32 to vector<16xi32>
      %gather3A_242 = tpu.vector_load_idx %arg11[%broadcast_in_dim3A_241] : memref<80xf32, #tpu.memory_space<vmem>>[vector<16xi32>], vector<16xf32>,
      %gather3A_243 = tpu.vector_load_idx %arg10[%broadcast_in_dim3A_241] : memref<80xf32, #tpu.memory_space<vmem>>[vector<16xi32>], vector<16xf32>,
      %get3A_244 = arith.constant 8 : i32
      %get3A_245 = arith.index_cast %get3A_244 : i32 to index
      %get3A_246 = arith.constant 0 : index
      %get3A_247 = tpu.vector_load %arg12[%get3A_245, %get3A_246] {strides = array<i32>} : memref<80x16xf32, #tpu.memory_space<vmem>>, vector<16xf32>,
      %mul3A_248 = arith.mulf %gather3A_242, %get3A_247 : vector<16xf32>
      %swap3A_249 = arith.constant 8 : i32
      %swap3A_250 = arith.index_cast %swap3A_249 : i32 to index
      %swap3A_251 = arith.constant 0 : index
      %swap3A_252 = tpu.vector_load %arg13[%swap3A_250, %swap3A_251] {strides = array<i32>} : memref<80x32xf32, #tpu.memory_space<vmem>>, vector<16xf32>,
      tpu.vector_store %arg13[%swap3A_250, %swap3A_251], %mul3A_248 {strides = array<i32>} : memref<80x32xf32, #tpu.memory_space<vmem>>, vector<16xf32>,
      %mul3A_253 = arith.mulf %gather3A_243, %get3A_247 : vector<16xf32>
      %swap3A_254 = arith.constant 8 : i32
      %swap3A_255 = arith.index_cast %swap3A_254 : i32 to index
      %swap3A_256 = arith.constant 16 : index
      %swap3A_257 = tpu.vector_load %arg13[%swap3A_255, %swap3A_256] {strides = array<i32>} : memref<80x32xf32, #tpu.memory_space<vmem>>, vector<16xf32>,
      tpu.vector_store %arg13[%swap3A_255, %swap3A_256], %mul3A_253 {strides = array<i32>} : memref<80x32xf32, #tpu.memory_space<vmem>>, vector<16xf32>,
      %broadcast_in_dim3A_258 = arith.constant 9 : i32
      %broadcast_in_dim3A_259 = vector.broadcast %broadcast_in_dim3A_258 : i32 to vector<16xi32>
      %gather3A_260 = tpu.vector_load_idx %arg11[%broadcast_in_dim3A_259] : memref<80xf32, #tpu.memory_space<vmem>>[vector<16xi32>], vector<16xf32>,
      %gather3A_261 = tpu.vector_load_idx %arg10[%broadcast_in_dim3A_259] : memref<80xf32, #tpu.memory_space<vmem>>[vector<16xi32>], vector<16xf32>,
      %get3A_262 = arith.constant 9 : i32
      %get3A_263 = arith.index_cast %get3A_262 : i32 to index
      %get3A_264 = arith.constant 0 : index
      %get3A_265 = tpu.vector_load %arg12[%get3A_263, %get3A_264] {strides = array<i32>} : memref<80x16xf32, #tpu.memory_space<vmem>>, vector<16xf32>,
      %mul3A_266 = arith.mulf %gather3A_260, %get3A_265 : vector<16xf32>
      %swap3A_267 = arith.constant 9 : i32
      %swap3A_268 = arith.index_cast %swap3A_267 : i32 to index
      %swap3A_269 = arith.constant 0 : index
      %swap3A_270 = tpu.vector_load %arg13[%swap3A_268, %swap3A_269] {strides = array<i32>} : memref<80x32xf32, #tpu.memory_space<vmem>>, vector<16xf32>,
      tpu.vector_store %arg13[%swap3A_268, %swap3A_269], %mul3A_266 {strides = array<i32>} : memref<80x32xf32, #tpu.memory_space<vmem>>, vector<16xf32>,
      %mul3A_271 = arith.mulf %gather3A_261, %get3A_265 : vector<16xf32>
      %swap3A_272 = arith.constant 9 : i32
      %swap3A_273 = arith.index_cast %swap3A_272 : i32 to index
      %swap3A_274 = arith.constant 16 : index
      %swap3A_275 = tpu.vector_load %arg13[%swap3A_273, %swap3A_274] {strides = array<i32>} : memref<80x32xf32, #tpu.memory_space<vmem>>, vector<16xf32>,
      tpu.vector_store %arg13[%swap3A_273, %swap3A_274], %mul3A_271 {strides = array<i32>} : memref<80x32xf32, #tpu.memory_space<vmem>>, vector<16xf32>,
      %broadcast_in_dim3A_276 = arith.constant 10 : i32
      %broadcast_in_dim3A_277 = vector.broadcast %broadcast_in_dim3A_276 : i32 to vector<16xi32>
      %gather3A_278 = tpu.vector_load_idx %arg11[%broadcast_in_dim3A_277] : memref<80xf32, #tpu.memory_space<vmem>>[vector<16xi32>], vector<16xf32>,
      %gather3A_279 = tpu.vector_load_idx %arg10[%broadcast_in_dim3A_277] : memref<80xf32, #tpu.memory_space<vmem>>[vector<16xi32>], vector<16xf32>,
      %get3A_280 = arith.constant 10 : i32
      %get3A_281 = arith.index_cast %get3A_280 : i32 to index
      %get3A_282 = arith.constant 0 : index
      %get3A_283 = tpu.vector_load %arg12[%get3A_281, %get3A_282] {strides = array<i32>} : memref<80x16xf32, #tpu.memory_space<vmem>>, vector<16xf32>,
      %mul3A_284 = arith.mulf %gather3A_278, %get3A_283 : vector<16xf32>
      %swap3A_285 = arith.constant 10 : i32
      %swap3A_286 = arith.index_cast %swap3A_285 : i32 to index
      %swap3A_287 = arith.constant 0 : index
      %swap3A_288 = tpu.vector_load %arg13[%swap3A_286, %swap3A_287] {strides = array<i32>} : memref<80x32xf32, #tpu.memory_space<vmem>>, vector<16xf32>,
      tpu.vector_store %arg13[%swap3A_286, %swap3A_287], %mul3A_284 {strides = array<i32>} : memref<80x32xf32, #tpu.memory_space<vmem>>, vector<16xf32>,
      %mul3A_289 = arith.mulf %gather3A_279, %get3A_283 : vector<16xf32>
      %swap3A_290 = arith.constant 10 : i32
      %swap3A_291 = arith.index_cast %swap3A_290 : i32 to index
      %swap3A_292 = arith.constant 16 : index
      %swap3A_293 = tpu.vector_load %arg13[%swap3A_291, %swap3A_292] {strides = array<i32>} : memref<80x32xf32, #tpu.memory_space<vmem>>, vector<16xf32>,
      tpu.vector_store %arg13[%swap3A_291, %swap3A_292], %mul3A_289 {strides = array<i32>} : memref<80x32xf32, #tpu.memory_space<vmem>>, vector<16xf32>,
      %broadcast_in_dim3A_294 = arith.constant 11 : i32
      %broadcast_in_dim3A_295 = vector.broadcast %broadcast_in_dim3A_294 : i32 to vector<16xi32>
      %gather3A_296 = tpu.vector_load_idx %arg11[%broadcast_in_dim3A_295] : memref<80xf32, #tpu.memory_space<vmem>>[vector<16xi32>], vector<16xf32>,
      %gather3A_297 = tpu.vector_load_idx %arg10[%broadcast_in_dim3A_295] : memref<80xf32, #tpu.memory_space<vmem>>[vector<16xi32>], vector<16xf32>,
      %get3A_298 = arith.constant 11 : i32
      %get3A_299 = arith.index_cast %get3A_298 : i32 to index
      %get3A_300 = arith.constant 0 : index
      %get3A_301 = tpu.vector_load %arg12[%get3A_299, %get3A_300] {strides = array<i32>} : memref<80x16xf32, #tpu.memory_space<vmem>>, vector<16xf32>,
      %mul3A_302 = arith.mulf %gather3A_296, %get3A_301 : vector<16xf32>
      %swap3A_303 = arith.constant 11 : i32
      %swap3A_304 = arith.index_cast %swap3A_303 : i32 to index
      %swap3A_305 = arith.constant 0 : index
      %swap3A_306 = tpu.vector_load %arg13[%swap3A_304, %swap3A_305] {strides = array<i32>} : memref<80x32xf32, #tpu.memory_space<vmem>>, vector<16xf32>,
      tpu.vector_store %arg13[%swap3A_304, %swap3A_305], %mul3A_302 {strides = array<i32>} : memref<80x32xf32, #tpu.memory_space<vmem>>, vector<16xf32>,
      %mul3A_307 = arith.mulf %gather3A_297, %get3A_301 : vector<16xf32>
      %swap3A_308 = arith.constant 11 : i32
      %swap3A_309 = arith.index_cast %swap3A_308 : i32 to index
      %swap3A_310 = arith.constant 16 : index
      %swap3A_311 = tpu.vector_load %arg13[%swap3A_309, %swap3A_310] {strides = array<i32>} : memref<80x32xf32, #tpu.memory_space<vmem>>, vector<16xf32>,
      tpu.vector_store %arg13[%swap3A_309, %swap3A_310], %mul3A_307 {strides = array<i32>} : memref<80x32xf32, #tpu.memory_space<vmem>>, vector<16xf32>,
      %broadcast_in_dim3A_312 = arith.constant 12 : i32
      %broadcast_in_dim3A_313 = vector.broadcast %broadcast_in_dim3A_312 : i32 to vector<16xi32>
      %gather3A_314 = tpu.vector_load_idx %arg11[%broadcast_in_dim3A_313] : memref<80xf32, #tpu.memory_space<vmem>>[vector<16xi32>], vector<16xf32>,
      %gather3A_315 = tpu.vector_load_idx %arg10[%broadcast_in_dim3A_313] : memref<80xf32, #tpu.memory_space<vmem>>[vector<16xi32>], vector<16xf32>,
      %get3A_316 = arith.constant 12 : i32
      %get3A_317 = arith.index_cast %get3A_316 : i32 to index
      %get3A_318 = arith.constant 0 : index
      %get3A_319 = tpu.vector_load %arg12[%get3A_317, %get3A_318] {strides = array<i32>} : memref<80x16xf32, #tpu.memory_space<vmem>>, vector<16xf32>,
      %mul3A_320 = arith.mulf %gather3A_314, %get3A_319 : vector<16xf32>
      %swap3A_321 = arith.constant 12 : i32
      %swap3A_322 = arith.index_cast %swap3A_321 : i32 to index
      %swap3A_323 = arith.constant 0 : index
      %swap3A_324 = tpu.vector_load %arg13[%swap3A_322, %swap3A_323] {strides = array<i32>} : memref<80x32xf32, #tpu.memory_space<vmem>>, vector<16xf32>,
      tpu.vector_store %arg13[%swap3A_322, %swap3A_323], %mul3A_320 {strides = array<i32>} : memref<80x32xf32, #tpu.memory_space<vmem>>, vector<16xf32>,
      %mul3A_325 = arith.mulf %gather3A_315, %get3A_319 : vector<16xf32>
      %swap3A_326 = arith.constant 12 : i32
      %swap3A_327 = arith.index_cast %swap3A_326 : i32 to index
      %swap3A_328 = arith.constant 16 : index
      %swap3A_329 = tpu.vector_load %arg13[%swap3A_327, %swap3A_328] {strides = array<i32>} : memref<80x32xf32, #tpu.memory_space<vmem>>, vector<16xf32>,
      tpu.vector_store %arg13[%swap3A_327, %swap3A_328], %mul3A_325 {strides = array<i32>} : memref<80x32xf32, #tpu.memory_space<vmem>>, vector<16xf32>,
      %broadcast_in_dim3A_330 = arith.constant 13 : i32
      %broadcast_in_dim3A_331 = vector.broadcast %broadcast_in_dim3A_330 : i32 to vector<16xi32>
      %gather3A_332 = tpu.vector_load_idx %arg11[%broadcast_in_dim3A_331] : memref<80xf32, #tpu.memory_space<vmem>>[vector<16xi32>], vector<16xf32>,
      %gather3A_333 = tpu.vector_load_idx %arg10[%broadcast_in_dim3A_331] : memref<80xf32, #tpu.memory_space<vmem>>[vector<16xi32>], vector<16xf32>,
      %get3A_334 = arith.constant 13 : i32
      %get3A_335 = arith.index_cast %get3A_334 : i32 to index
      %get3A_336 = arith.constant 0 : index
      %get3A_337 = tpu.vector_load %arg12[%get3A_335, %get3A_336] {strides = array<i32>} : memref<80x16xf32, #tpu.memory_space<vmem>>, vector<16xf32>,
      %mul3A_338 = arith.mulf %gather3A_332, %get3A_337 : vector<16xf32>
      %swap3A_339 = arith.constant 13 : i32
      %swap3A_340 = arith.index_cast %swap3A_339 : i32 to index
      %swap3A_341 = arith.constant 0 : index
      %swap3A_342 = tpu.vector_load %arg13[%swap3A_340, %swap3A_341] {strides = array<i32>} : memref<80x32xf32, #tpu.memory_space<vmem>>, vector<16xf32>,
      tpu.vector_store %arg13[%swap3A_340, %swap3A_341], %mul3A_338 {strides = array<i32>} : memref<80x32xf32, #tpu.memory_space<vmem>>, vector<16xf32>,
      %mul3A_343 = arith.mulf %gather3A_333, %get3A_337 : vector<16xf32>
      %swap3A_344 = arith.constant 13 : i32
      %swap3A_345 = arith.index_cast %swap3A_344 : i32 to index
      %swap3A_346 = arith.constant 16 : index
      %swap3A_347 = tpu.vector_load %arg13[%swap3A_345, %swap3A_346] {strides = array<i32>} : memref<80x32xf32, #tpu.memory_space<vmem>>, vector<16xf32>,
      tpu.vector_store %arg13[%swap3A_345, %swap3A_346], %mul3A_343 {strides = array<i32>} : memref<80x32xf32, #tpu.memory_space<vmem>>, vector<16xf32>,
      %broadcast_in_dim3A_348 = arith.constant 14 : i32
      %broadcast_in_dim3A_349 = vector.broadcast %broadcast_in_dim3A_348 : i32 to vector<16xi32>
      %gather3A_350 = tpu.vector_load_idx %arg11[%broadcast_in_dim3A_349] : memref<80xf32, #tpu.memory_space<vmem>>[vector<16xi32>], vector<16xf32>,
      %gather3A_351 = tpu.vector_load_idx %arg10[%broadcast_in_dim3A_349] : memref<80xf32, #tpu.memory_space<vmem>>[vector<16xi32>], vector<16xf32>,
      %get3A_352 = arith.constant 14 : i32
      %get3A_353 = arith.index_cast %get3A_352 : i32 to index
      %get3A_354 = arith.constant 0 : index
      %get3A_355 = tpu.vector_load %arg12[%get3A_353, %get3A_354] {strides = array<i32>} : memref<80x16xf32, #tpu.memory_space<vmem>>, vector<16xf32>,
      %mul3A_356 = arith.mulf %gather3A_350, %get3A_355 : vector<16xf32>
      %swap3A_357 = arith.constant 14 : i32
      %swap3A_358 = arith.index_cast %swap3A_357 : i32 to index
      %swap3A_359 = arith.constant 0 : index
      %swap3A_360 = tpu.vector_load %arg13[%swap3A_358, %swap3A_359] {strides = array<i32>} : memref<80x32xf32, #tpu.memory_space<vmem>>, vector<16xf32>,
      tpu.vector_store %arg13[%swap3A_358, %swap3A_359], %mul3A_356 {strides = array<i32>} : memref<80x32xf32, #tpu.memory_space<vmem>>, vector<16xf32>,
      %mul3A_361 = arith.mulf %gather3A_351, %get3A_355 : vector<16xf32>
      %swap3A_362 = arith.constant 14 : i32
      %swap3A_363 = arith.index_cast %swap3A_362 : i32 to index
      %swap3A_364 = arith.constant 16 : index
      %swap3A_365 = tpu.vector_load %arg13[%swap3A_363, %swap3A_364] {strides = array<i32>} : memref<80x32xf32, #tpu.memory_space<vmem>>, vector<16xf32>,
      tpu.vector_store %arg13[%swap3A_363, %swap3A_364], %mul3A_361 {strides = array<i32>} : memref<80x32xf32, #tpu.memory_space<vmem>>, vector<16xf32>,
      %broadcast_in_dim3A_366 = arith.constant 15 : i32
      %broadcast_in_dim3A_367 = vector.broadcast %broadcast_in_dim3A_366 : i32 to vector<16xi32>
      %gather3A_368 = tpu.vector_load_idx %arg11[%broadcast_in_dim3A_367] : memref<80xf32, #tpu.memory_space<vmem>>[vector<16xi32>], vector<16xf32>,
      %gather3A_369 = tpu.vector_load_idx %arg10[%broadcast_in_dim3A_367] : memref<80xf32, #tpu.memory_space<vmem>>[vector<16xi32>], vector<16xf32>,
      %get3A_370 = arith.constant 15 : i32
      %get3A_371 = arith.index_cast %get3A_370 : i32 to index
      %get3A_372 = arith.constant 0 : index
      %get3A_373 = tpu.vector_load %arg12[%get3A_371, %get3A_372] {strides = array<i32>} : memref<80x16xf32, #tpu.memory_space<vmem>>, vector<16xf32>,
      %mul3A_374 = arith.mulf %gather3A_368, %get3A_373 : vector<16xf32>
      %swap3A_375 = arith.constant 15 : i32
      %swap3A_376 = arith.index_cast %swap3A_375 : i32 to index
      %swap3A_377 = arith.constant 0 : index
      %swap3A_378 = tpu.vector_load %arg13[%swap3A_376, %swap3A_377] {strides = array<i32>} : memref<80x32xf32, #tpu.memory_space<vmem>>, vector<16xf32>,
      tpu.vector_store %arg13[%swap3A_376, %swap3A_377], %mul3A_374 {strides = array<i32>} : memref<80x32xf32, #tpu.memory_space<vmem>>, vector<16xf32>,
      %mul3A_379 = arith.mulf %gather3A_369, %get3A_373 : vector<16xf32>
      %swap3A_380 = arith.constant 15 : i32
      %swap3A_381 = arith.index_cast %swap3A_380 : i32 to index
      %swap3A_382 = arith.constant 16 : index
      %swap3A_383 = tpu.vector_load %arg13[%swap3A_381, %swap3A_382] {strides = array<i32>} : memref<80x32xf32, #tpu.memory_space<vmem>>, vector<16xf32>,
      tpu.vector_store %arg13[%swap3A_381, %swap3A_382], %mul3A_379 {strides = array<i32>} : memref<80x32xf32, #tpu.memory_space<vmem>>, vector<16xf32>,
      %broadcast_in_dim3A_384 = arith.constant 16 : i32
      %broadcast_in_dim3A_385 = vector.broadcast %broadcast_in_dim3A_384 : i32 to vector<16xi32>
      %gather3A_386 = tpu.vector_load_idx %arg11[%broadcast_in_dim3A_385] : memref<80xf32, #tpu.memory_space<vmem>>[vector<16xi32>], vector<16xf32>,
      %gather3A_387 = tpu.vector_load_idx %arg10[%broadcast_in_dim3A_385] : memref<80xf32, #tpu.memory_space<vmem>>[vector<16xi32>], vector<16xf32>,
      %get3A_388 = arith.constant 16 : i32
      %get3A_389 = arith.index_cast %get3A_388 : i32 to index
      %get3A_390 = arith.constant 0 : index
      %get3A_391 = tpu.vector_load %arg12[%get3A_389, %get3A_390] {strides = array<i32>} : memref<80x16xf32, #tpu.memory_space<vmem>>, vector<16xf32>,
      %mul3A_392 = arith.mulf %gather3A_386, %get3A_391 : vector<16xf32>
      %swap3A_393 = arith.constant 16 : i32
      %swap3A_394 = arith.index_cast %swap3A_393 : i32 to index
      %swap3A_395 = arith.constant 0 : index
      %swap3A_396 = tpu.vector_load %arg13[%swap3A_394, %swap3A_395] {strides = array<i32>} : memref<80x32xf32, #tpu.memory_space<vmem>>, vector<16xf32>,
      tpu.vector_store %arg13[%swap3A_394, %swap3A_395], %mul3A_392 {strides = array<i32>} : memref<80x32xf32, #tpu.memory_space<vmem>>, vector<16xf32>,
      %mul3A_397 = arith.mulf %gather3A_387, %get3A_391 : vector<16xf32>
      %swap3A_398 = arith.constant 16 : i32
      %swap3A_399 = arith.index_cast %swap3A_398 : i32 to index
      %swap3A_400 = arith.constant 16 : index
      %swap3A_401 = tpu.vector_load %arg13[%swap3A_399, %swap3A_400] {strides = array<i32>} : memref<80x32xf32, #tpu.memory_space<vmem>>, vector<16xf32>,
      tpu.vector_store %arg13[%swap3A_399, %swap3A_400], %mul3A_397 {strides = array<i32>} : memref<80x32xf32, #tpu.memory_space<vmem>>, vector<16xf32>,
      %broadcast_in_dim3A_402 = arith.constant 17 : i32
      %broadcast_in_dim3A_403 = vector.broadcast %broadcast_in_dim3A_402 : i32 to vector<16xi32>
      %gather3A_404 = tpu.vector_load_idx %arg11[%broadcast_in_dim3A_403] : memref<80xf32, #tpu.memory_space<vmem>>[vector<16xi32>], vector<16xf32>,
      %gather3A_405 = tpu.vector_load_idx %arg10[%broadcast_in_dim3A_403] : memref<80xf32, #tpu.memory_space<vmem>>[vector<16xi32>], vector<16xf32>,
      %get3A_406 = arith.constant 17 : i32
      %get3A_407 = arith.index_cast %get3A_406 : i32 to index
      %get3A_408 = arith.constant 0 : index
      %get3A_409 = tpu.vector_load %arg12[%get3A_407, %get3A_408] {strides = array<i32>} : memref<80x16xf32, #tpu.memory_space<vmem>>, vector<16xf32>,
      %mul3A_410 = arith.mulf %gather3A_404, %get3A_409 : vector<16xf32>
      %swap3A_411 = arith.constant 17 : i32
      %swap3A_412 = arith.index_cast %swap3A_411 : i32 to index
      %swap3A_413 = arith.constant 0 : index
      %swap3A_414 = tpu.vector_load %arg13[%swap3A_412, %swap3A_413] {strides = array<i32>} : memref<80x32xf32, #tpu.memory_space<vmem>>, vector<16xf32>,
      tpu.vector_store %arg13[%swap3A_412, %swap3A_413], %mul3A_410 {strides = array<i32>} : memref<80x32xf32, #tpu.memory_space<vmem>>, vector<16xf32>,
      %mul3A_415 = arith.mulf %gather3A_405, %get3A_409 : vector<16xf32>
      %swap3A_416 = arith.constant 17 : i32
      %swap3A_417 = arith.index_cast %swap3A_416 : i32 to index
      %swap3A_418 = arith.constant 16 : index
      %swap3A_419 = tpu.vector_load %arg13[%swap3A_417, %swap3A_418] {strides = array<i32>} : memref<80x32xf32, #tpu.memory_space<vmem>>, vector<16xf32>,
      tpu.vector_store %arg13[%swap3A_417, %swap3A_418], %mul3A_415 {strides = array<i32>} : memref<80x32xf32, #tpu.memory_space<vmem>>, vector<16xf32>,
      %broadcast_in_dim3A_420 = arith.constant 18 : i32
      %broadcast_in_dim3A_421 = vector.broadcast %broadcast_in_dim3A_420 : i32 to vector<16xi32>
      %gather3A_422 = tpu.vector_load_idx %arg11[%broadcast_in_dim3A_421] : memref<80xf32, #tpu.memory_space<vmem>>[vector<16xi32>], vector<16xf32>,
      %gather3A_423 = tpu.vector_load_idx %arg10[%broadcast_in_dim3A_421] : memref<80xf32, #tpu.memory_space<vmem>>[vector<16xi32>], vector<16xf32>,
      %get3A_424 = arith.constant 18 : i32
      %get3A_425 = arith.index_cast %get3A_424 : i32 to index
      %get3A_426 = arith.constant 0 : index
      %get3A_427 = tpu.vector_load %arg12[%get3A_425, %get3A_426] {strides = array<i32>} : memref<80x16xf32, #tpu.memory_space<vmem>>, vector<16xf32>,
      %mul3A_428 = arith.mulf %gather3A_422, %get3A_427 : vector<16xf32>
      %swap3A_429 = arith.constant 18 : i32
      %swap3A_430 = arith.index_cast %swap3A_429 : i32 to index
      %swap3A_431 = arith.constant 0 : index
      %swap3A_432 = tpu.vector_load %arg13[%swap3A_430, %swap3A_431] {strides = array<i32>} : memref<80x32xf32, #tpu.memory_space<vmem>>, vector<16xf32>,
      tpu.vector_store %arg13[%swap3A_430, %swap3A_431], %mul3A_428 {strides = array<i32>} : memref<80x32xf32, #tpu.memory_space<vmem>>, vector<16xf32>,
      %mul3A_433 = arith.mulf %gather3A_423, %get3A_427 : vector<16xf32>
      %swap3A_434 = arith.constant 18 : i32
      %swap3A_435 = arith.index_cast %swap3A_434 : i32 to index
      %swap3A_436 = arith.constant 16 : index
      %swap3A_437 = tpu.vector_load %arg13[%swap3A_435, %swap3A_436] {strides = array<i32>} : memref<80x32xf32, #tpu.memory_space<vmem>>, vector<16xf32>,
      tpu.vector_store %arg13[%swap3A_435, %swap3A_436], %mul3A_433 {strides = array<i32>} : memref<80x32xf32, #tpu.memory_space<vmem>>, vector<16xf32>,
      %broadcast_in_dim3A_438 = arith.constant 19 : i32
      %broadcast_in_dim3A_439 = vector.broadcast %broadcast_in_dim3A_438 : i32 to vector<16xi32>
      %gather3A_440 = tpu.vector_load_idx %arg11[%broadcast_in_dim3A_439] : memref<80xf32, #tpu.memory_space<vmem>>[vector<16xi32>], vector<16xf32>,
      %gather3A_441 = tpu.vector_load_idx %arg10[%broadcast_in_dim3A_439] : memref<80xf32, #tpu.memory_space<vmem>>[vector<16xi32>], vector<16xf32>,
      %get3A_442 = arith.constant 19 : i32
      %get3A_443 = arith.index_cast %get3A_442 : i32 to index
      %get3A_444 = arith.constant 0 : index
      %get3A_445 = tpu.vector_load %arg12[%get3A_443, %get3A_444] {strides = array<i32>} : memref<80x16xf32, #tpu.memory_space<vmem>>, vector<16xf32>,
      %mul3A_446 = arith.mulf %gather3A_440, %get3A_445 : vector<16xf32>
      %swap3A_447 = arith.constant 19 : i32
      %swap3A_448 = arith.index_cast %swap3A_447 : i32 to index
      %swap3A_449 = arith.constant 0 : index
      %swap3A_450 = tpu.vector_load %arg13[%swap3A_448, %swap3A_449] {strides = array<i32>} : memref<80x32xf32, #tpu.memory_space<vmem>>, vector<16xf32>,
      tpu.vector_store %arg13[%swap3A_448, %swap3A_449], %mul3A_446 {strides = array<i32>} : memref<80x32xf32, #tpu.memory_space<vmem>>, vector<16xf32>,
      %mul3A_451 = arith.mulf %gather3A_441, %get3A_445 : vector<16xf32>
      %swap3A_452 = arith.constant 19 : i32
      %swap3A_453 = arith.index_cast %swap3A_452 : i32 to index
      %swap3A_454 = arith.constant 16 : index
      %swap3A_455 = tpu.vector_load %arg13[%swap3A_453, %swap3A_454] {strides = array<i32>} : memref<80x32xf32, #tpu.memory_space<vmem>>, vector<16xf32>,
      tpu.vector_store %arg13[%swap3A_453, %swap3A_454], %mul3A_451 {strides = array<i32>} : memref<80x32xf32, #tpu.memory_space<vmem>>, vector<16xf32>,
      %broadcast_in_dim3A_456 = arith.constant 20 : i32
      %broadcast_in_dim3A_457 = vector.broadcast %broadcast_in_dim3A_456 : i32 to vector<16xi32>
      %gather3A_458 = tpu.vector_load_idx %arg11[%broadcast_in_dim3A_457] : memref<80xf32, #tpu.memory_space<vmem>>[vector<16xi32>], vector<16xf32>,
      %gather3A_459 = tpu.vector_load_idx %arg10[%broadcast_in_dim3A_457] : memref<80xf32, #tpu.memory_space<vmem>>[vector<16xi32>], vector<16xf32>,
      %get3A_460 = arith.constant 20 : i32
      %get3A_461 = arith.index_cast %get3A_460 : i32 to index
      %get3A_462 = arith.constant 0 : index
      %get3A_463 = tpu.vector_load %arg12[%get3A_461, %get3A_462] {strides = array<i32>} : memref<80x16xf32, #tpu.memory_space<vmem>>, vector<16xf32>,
      %mul3A_464 = arith.mulf %gather3A_458, %get3A_463 : vector<16xf32>
      %swap3A_465 = arith.constant 20 : i32
      %swap3A_466 = arith.index_cast %swap3A_465 : i32 to index
      %swap3A_467 = arith.constant 0 : index
      %swap3A_468 = tpu.vector_load %arg13[%swap3A_466, %swap3A_467] {strides = array<i32>} : memref<80x32xf32, #tpu.memory_space<vmem>>, vector<16xf32>,
      tpu.vector_store %arg13[%swap3A_466, %swap3A_467], %mul3A_464 {strides = array<i32>} : memref<80x32xf32, #tpu.memory_space<vmem>>, vector<16xf32>,
      %mul3A_469 = arith.mulf %gather3A_459, %get3A_463 : vector<16xf32>
      %swap3A_470 = arith.constant 20 : i32
      %swap3A_471 = arith.index_cast %swap3A_470 : i32 to index
      %swap3A_472 = arith.constant 16 : index
      %swap3A_473 = tpu.vector_load %arg13[%swap3A_471, %swap3A_472] {strides = array<i32>} : memref<80x32xf32, #tpu.memory_space<vmem>>, vector<16xf32>,
      tpu.vector_store %arg13[%swap3A_471, %swap3A_472], %mul3A_469 {strides = array<i32>} : memref<80x32xf32, #tpu.memory_space<vmem>>, vector<16xf32>,
      %broadcast_in_dim3A_474 = arith.constant 21 : i32
      %broadcast_in_dim3A_475 = vector.broadcast %broadcast_in_dim3A_474 : i32 to vector<16xi32>
      %gather3A_476 = tpu.vector_load_idx %arg11[%broadcast_in_dim3A_475] : memref<80xf32, #tpu.memory_space<vmem>>[vector<16xi32>], vector<16xf32>,
      %gather3A_477 = tpu.vector_load_idx %arg10[%broadcast_in_dim3A_475] : memref<80xf32, #tpu.memory_space<vmem>>[vector<16xi32>], vector<16xf32>,
      %get3A_478 = arith.constant 21 : i32
      %get3A_479 = arith.index_cast %get3A_478 : i32 to index
      %get3A_480 = arith.constant 0 : index
      %get3A_481 = tpu.vector_load %arg12[%get3A_479, %get3A_480] {strides = array<i32>} : memref<80x16xf32, #tpu.memory_space<vmem>>, vector<16xf32>,
      %mul3A_482 = arith.mulf %gather3A_476, %get3A_481 : vector<16xf32>
      %swap3A_483 = arith.constant 21 : i32
      %swap3A_484 = arith.index_cast %swap3A_483 : i32 to index
      %swap3A_485 = arith.constant 0 : index
      %swap3A_486 = tpu.vector_load %arg13[%swap3A_484, %swap3A_485] {strides = array<i32>} : memref<80x32xf32, #tpu.memory_space<vmem>>, vector<16xf32>,
      tpu.vector_store %arg13[%swap3A_484, %swap3A_485], %mul3A_482 {strides = array<i32>} : memref<80x32xf32, #tpu.memory_space<vmem>>, vector<16xf32>,
      %mul3A_487 = arith.mulf %gather3A_477, %get3A_481 : vector<16xf32>
      %swap3A_488 = arith.constant 21 : i32
      %swap3A_489 = arith.index_cast %swap3A_488 : i32 to index
      %swap3A_490 = arith.constant 16 : index
      %swap3A_491 = tpu.vector_load %arg13[%swap3A_489, %swap3A_490] {strides = array<i32>} : memref<80x32xf32, #tpu.memory_space<vmem>>, vector<16xf32>,
      tpu.vector_store %arg13[%swap3A_489, %swap3A_490], %mul3A_487 {strides = array<i32>} : memref<80x32xf32, #tpu.memory_space<vmem>>, vector<16xf32>,
      %broadcast_in_dim3A_492 = arith.constant 22 : i32
      %broadcast_in_dim3A_493 = vector.broadcast %broadcast_in_dim3A_492 : i32 to vector<16xi32>
      %gather3A_494 = tpu.vector_load_idx %arg11[%broadcast_in_dim3A_493] : memref<80xf32, #tpu.memory_space<vmem>>[vector<16xi32>], vector<16xf32>,
      %gather3A_495 = tpu.vector_load_idx %arg10[%broadcast_in_dim3A_493] : memref<80xf32, #tpu.memory_space<vmem>>[vector<16xi32>], vector<16xf32>,
      %get3A_496 = arith.constant 22 : i32
      %get3A_497 = arith.index_cast %get3A_496 : i32 to index
      %get3A_498 = arith.constant 0 : index
      %get3A_499 = tpu.vector_load %arg12[%get3A_497, %get3A_498] {strides = array<i32>} : memref<80x16xf32, #tpu.memory_space<vmem>>, vector<16xf32>,
      %mul3A_500 = arith.mulf %gather3A_494, %get3A_499 : vector<16xf32>
      %swap3A_501 = arith.constant 22 : i32
      %swap3A_502 = arith.index_cast %swap3A_501 : i32 to index
      %swap3A_503 = arith.constant 0 : index
      %swap3A_504 = tpu.vector_load %arg13[%swap3A_502, %swap3A_503] {strides = array<i32>} : memref<80x32xf32, #tpu.memory_space<vmem>>, vector<16xf32>,
      tpu.vector_store %arg13[%swap3A_502, %swap3A_503], %mul3A_500 {strides = array<i32>} : memref<80x32xf32, #tpu.memory_space<vmem>>, vector<16xf32>,
      %mul3A_505 = arith.mulf %gather3A_495, %get3A_499 : vector<16xf32>
      %swap3A_506 = arith.constant 22 : i32
      %swap3A_507 = arith.index_cast %swap3A_506 : i32 to index
      %swap3A_508 = arith.constant 16 : index
      %swap3A_509 = tpu.vector_load %arg13[%swap3A_507, %swap3A_508] {strides = array<i32>} : memref<80x32xf32, #tpu.memory_space<vmem>>, vector<16xf32>,
      tpu.vector_store %arg13[%swap3A_507, %swap3A_508], %mul3A_505 {strides = array<i32>} : memref<80x32xf32, #tpu.memory_space<vmem>>, vector<16xf32>,
      %broadcast_in_dim3A_510 = arith.constant 23 : i32
      %broadcast_in_dim3A_511 = vector.broadcast %broadcast_in_dim3A_510 : i32 to vector<16xi32>
      %gather3A_512 = tpu.vector_load_idx %arg11[%broadcast_in_dim3A_511] : memref<80xf32, #tpu.memory_space<vmem>>[vector<16xi32>], vector<16xf32>,
      %gather3A_513 = tpu.vector_load_idx %arg10[%broadcast_in_dim3A_511] : memref<80xf32, #tpu.memory_space<vmem>>[vector<16xi32>], vector<16xf32>,
      %get3A_514 = arith.constant 23 : i32
      %get3A_515 = arith.index_cast %get3A_514 : i32 to index
      %get3A_516 = arith.constant 0 : index
      %get3A_517 = tpu.vector_load %arg12[%get3A_515, %get3A_516] {strides = array<i32>} : memref<80x16xf32, #tpu.memory_space<vmem>>, vector<16xf32>,
      %mul3A_518 = arith.mulf %gather3A_512, %get3A_517 : vector<16xf32>
      %swap3A_519 = arith.constant 23 : i32
      %swap3A_520 = arith.index_cast %swap3A_519 : i32 to index
      %swap3A_521 = arith.constant 0 : index
      %swap3A_522 = tpu.vector_load %arg13[%swap3A_520, %swap3A_521] {strides = array<i32>} : memref<80x32xf32, #tpu.memory_space<vmem>>, vector<16xf32>,
      tpu.vector_store %arg13[%swap3A_520, %swap3A_521], %mul3A_518 {strides = array<i32>} : memref<80x32xf32, #tpu.memory_space<vmem>>, vector<16xf32>,
      %mul3A_523 = arith.mulf %gather3A_513, %get3A_517 : vector<16xf32>
      %swap3A_524 = arith.constant 23 : i32
      %swap3A_525 = arith.index_cast %swap3A_524 : i32 to index
      %swap3A_526 = arith.constant 16 : index
      %swap3A_527 = tpu.vector_load %arg13[%swap3A_525, %swap3A_526] {strides = array<i32>} : memref<80x32xf32, #tpu.memory_space<vmem>>, vector<16xf32>,
      tpu.vector_store %arg13[%swap3A_525, %swap3A_526], %mul3A_523 {strides = array<i32>} : memref<80x32xf32, #tpu.memory_space<vmem>>, vector<16xf32>,
      %broadcast_in_dim3A_528 = arith.constant 24 : i32
      %broadcast_in_dim3A_529 = vector.broadcast %broadcast_in_dim3A_528 : i32 to vector<16xi32>
      %gather3A_530 = tpu.vector_load_idx %arg11[%broadcast_in_dim3A_529] : memref<80xf32, #tpu.memory_space<vmem>>[vector<16xi32>], vector<16xf32>,
      %gather3A_531 = tpu.vector_load_idx %arg10[%broadcast_in_dim3A_529] : memref<80xf32, #tpu.memory_space<vmem>>[vector<16xi32>], vector<16xf32>,
      %get3A_532 = arith.constant 24 : i32
      %get3A_533 = arith.index_cast %get3A_532 : i32 to index
      %get3A_534 = arith.constant 0 : index
      %get3A_535 = tpu.vector_load %arg12[%get3A_533, %get3A_534] {strides = array<i32>} : memref<80x16xf32, #tpu.memory_space<vmem>>, vector<16xf32>,
      %mul3A_536 = arith.mulf %gather3A_530, %get3A_535 : vector<16xf32>
      %swap3A_537 = arith.constant 24 : i32
      %swap3A_538 = arith.index_cast %swap3A_537 : i32 to index
      %swap3A_539 = arith.constant 0 : index
      %swap3A_540 = tpu.vector_load %arg13[%swap3A_538, %swap3A_539] {strides = array<i32>} : memref<80x32xf32, #tpu.memory_space<vmem>>, vector<16xf32>,
      tpu.vector_store %arg13[%swap3A_538, %swap3A_539], %mul3A_536 {strides = array<i32>} : memref<80x32xf32, #tpu.memory_space<vmem>>, vector<16xf32>,
      %mul3A_541 = arith.mulf %gather3A_531, %get3A_535 : vector<16xf32>
      %swap3A_542 = arith.constant 24 : i32
      %swap3A_543 = arith.index_cast %swap3A_542 : i32 to index
      %swap3A_544 = arith.constant 16 : index
      %swap3A_545 = tpu.vector_load %arg13[%swap3A_543, %swap3A_544] {strides = array<i32>} : memref<80x32xf32, #tpu.memory_space<vmem>>, vector<16xf32>,
      tpu.vector_store %arg13[%swap3A_543, %swap3A_544], %mul3A_541 {strides = array<i32>} : memref<80x32xf32, #tpu.memory_space<vmem>>, vector<16xf32>,
      %broadcast_in_dim3A_546 = arith.constant 25 : i32
      %broadcast_in_dim3A_547 = vector.broadcast %broadcast_in_dim3A_546 : i32 to vector<16xi32>
      %gather3A_548 = tpu.vector_load_idx %arg11[%broadcast_in_dim3A_547] : memref<80xf32, #tpu.memory_space<vmem>>[vector<16xi32>], vector<16xf32>,
      %gather3A_549 = tpu.vector_load_idx %arg10[%broadcast_in_dim3A_547] : memref<80xf32, #tpu.memory_space<vmem>>[vector<16xi32>], vector<16xf32>,
      %get3A_550 = arith.constant 25 : i32
      %get3A_551 = arith.index_cast %get3A_550 : i32 to index
      %get3A_552 = arith.constant 0 : index
      %get3A_553 = tpu.vector_load %arg12[%get3A_551, %get3A_552] {strides = array<i32>} : memref<80x16xf32, #tpu.memory_space<vmem>>, vector<16xf32>,
      %mul3A_554 = arith.mulf %gather3A_548, %get3A_553 : vector<16xf32>
      %swap3A_555 = arith.constant 25 : i32
      %swap3A_556 = arith.index_cast %swap3A_555 : i32 to index
      %swap3A_557 = arith.constant 0 : index
      %swap3A_558 = tpu.vector_load %arg13[%swap3A_556, %swap3A_557] {strides = array<i32>} : memref<80x32xf32, #tpu.memory_space<vmem>>, vector<16xf32>,
      tpu.vector_store %arg13[%swap3A_556, %swap3A_557], %mul3A_554 {strides = array<i32>} : memref<80x32xf32, #tpu.memory_space<vmem>>, vector<16xf32>,
      %mul3A_559 = arith.mulf %gather3A_549, %get3A_553 : vector<16xf32>
      %swap3A_560 = arith.constant 25 : i32
      %swap3A_561 = arith.index_cast %swap3A_560 : i32 to index
      %swap3A_562 = arith.constant 16 : index
      %swap3A_563 = tpu.vector_load %arg13[%swap3A_561, %swap3A_562] {strides = array<i32>} : memref<80x32xf32, #tpu.memory_space<vmem>>, vector<16xf32>,
      tpu.vector_store %arg13[%swap3A_561, %swap3A_562], %mul3A_559 {strides = array<i32>} : memref<80x32xf32, #tpu.memory_space<vmem>>, vector<16xf32>,
      %broadcast_in_dim3A_564 = arith.constant 26 : i32
      %broadcast_in_dim3A_565 = vector.broadcast %broadcast_in_dim3A_564 : i32 to vector<16xi32>
      %gather3A_566 = tpu.vector_load_idx %arg11[%broadcast_in_dim3A_565] : memref<80xf32, #tpu.memory_space<vmem>>[vector<16xi32>], vector<16xf32>,
      %gather3A_567 = tpu.vector_load_idx %arg10[%broadcast_in_dim3A_565] : memref<80xf32, #tpu.memory_space<vmem>>[vector<16xi32>], vector<16xf32>,
      %get3A_568 = arith.constant 26 : i32
      %get3A_569 = arith.index_cast %get3A_568 : i32 to index
      %get3A_570 = arith.constant 0 : index
      %get3A_571 = tpu.vector_load %arg12[%get3A_569, %get3A_570] {strides = array<i32>} : memref<80x16xf32, #tpu.memory_space<vmem>>, vector<16xf32>,
      %mul3A_572 = arith.mulf %gather3A_566, %get3A_571 : vector<16xf32>
      %swap3A_573 = arith.constant 26 : i32
      %swap3A_574 = arith.index_cast %swap3A_573 : i32 to index
      %swap3A_575 = arith.constant 0 : index
      %swap3A_576 = tpu.vector_load %arg13[%swap3A_574, %swap3A_575] {strides = array<i32>} : memref<80x32xf32, #tpu.memory_space<vmem>>, vector<16xf32>,
      tpu.vector_store %arg13[%swap3A_574, %swap3A_575], %mul3A_572 {strides = array<i32>} : memref<80x32xf32, #tpu.memory_space<vmem>>, vector<16xf32>,
      %mul3A_577 = arith.mulf %gather3A_567, %get3A_571 : vector<16xf32>
      %swap3A_578 = arith.constant 26 : i32
      %swap3A_579 = arith.index_cast %swap3A_578 : i32 to index
      %swap3A_580 = arith.constant 16 : index
      %swap3A_581 = tpu.vector_load %arg13[%swap3A_579, %swap3A_580] {strides = array<i32>} : memref<80x32xf32, #tpu.memory_space<vmem>>, vector<16xf32>,
      tpu.vector_store %arg13[%swap3A_579, %swap3A_580], %mul3A_577 {strides = array<i32>} : memref<80x32xf32, #tpu.memory_space<vmem>>, vector<16xf32>,
      %broadcast_in_dim3A_582 = arith.constant 27 : i32
      %broadcast_in_dim3A_583 = vector.broadcast %broadcast_in_dim3A_582 : i32 to vector<16xi32>
      %gather3A_584 = tpu.vector_load_idx %arg11[%broadcast_in_dim3A_583] : memref<80xf32, #tpu.memory_space<vmem>>[vector<16xi32>], vector<16xf32>,
      %gather3A_585 = tpu.vector_load_idx %arg10[%broadcast_in_dim3A_583] : memref<80xf32, #tpu.memory_space<vmem>>[vector<16xi32>], vector<16xf32>,
      %get3A_586 = arith.constant 27 : i32
      %get3A_587 = arith.index_cast %get3A_586 : i32 to index
      %get3A_588 = arith.constant 0 : index
      %get3A_589 = tpu.vector_load %arg12[%get3A_587, %get3A_588] {strides = array<i32>} : memref<80x16xf32, #tpu.memory_space<vmem>>, vector<16xf32>,
      %mul3A_590 = arith.mulf %gather3A_584, %get3A_589 : vector<16xf32>
      %swap3A_591 = arith.constant 27 : i32
      %swap3A_592 = arith.index_cast %swap3A_591 : i32 to index
      %swap3A_593 = arith.constant 0 : index
      %swap3A_594 = tpu.vector_load %arg13[%swap3A_592, %swap3A_593] {strides = array<i32>} : memref<80x32xf32, #tpu.memory_space<vmem>>, vector<16xf32>,
      tpu.vector_store %arg13[%swap3A_592, %swap3A_593], %mul3A_590 {strides = array<i32>} : memref<80x32xf32, #tpu.memory_space<vmem>>, vector<16xf32>,
      %mul3A_595 = arith.mulf %gather3A_585, %get3A_589 : vector<16xf32>
      %swap3A_596 = arith.constant 27 : i32
      %swap3A_597 = arith.index_cast %swap3A_596 : i32 to index
      %swap3A_598 = arith.constant 16 : index
      %swap3A_599 = tpu.vector_load %arg13[%swap3A_597, %swap3A_598] {strides = array<i32>} : memref<80x32xf32, #tpu.memory_space<vmem>>, vector<16xf32>,
      tpu.vector_store %arg13[%swap3A_597, %swap3A_598], %mul3A_595 {strides = array<i32>} : memref<80x32xf32, #tpu.memory_space<vmem>>, vector<16xf32>,
      %broadcast_in_dim3A_600 = arith.constant 28 : i32
      %broadcast_in_dim3A_601 = vector.broadcast %broadcast_in_dim3A_600 : i32 to vector<16xi32>
      %gather3A_602 = tpu.vector_load_idx %arg11[%broadcast_in_dim3A_601] : memref<80xf32, #tpu.memory_space<vmem>>[vector<16xi32>], vector<16xf32>,
      %gather3A_603 = tpu.vector_load_idx %arg10[%broadcast_in_dim3A_601] : memref<80xf32, #tpu.memory_space<vmem>>[vector<16xi32>], vector<16xf32>,
      %get3A_604 = arith.constant 28 : i32
      %get3A_605 = arith.index_cast %get3A_604 : i32 to index
      %get3A_606 = arith.constant 0 : index
      %get3A_607 = tpu.vector_load %arg12[%get3A_605, %get3A_606] {strides = array<i32>} : memref<80x16xf32, #tpu.memory_space<vmem>>, vector<16xf32>,
      %mul3A_608 = arith.mulf %gather3A_602, %get3A_607 : vector<16xf32>
      %swap3A_609 = arith.constant 28 : i32
      %swap3A_610 = arith.index_cast %swap3A_609 : i32 to index
      %swap3A_611 = arith.constant 0 : index
      %swap3A_612 = tpu.vector_load %arg13[%swap3A_610, %swap3A_611] {strides = array<i32>} : memref<80x32xf32, #tpu.memory_space<vmem>>, vector<16xf32>,
      tpu.vector_store %arg13[%swap3A_610, %swap3A_611], %mul3A_608 {strides = array<i32>} : memref<80x32xf32, #tpu.memory_space<vmem>>, vector<16xf32>,
      %mul3A_613 = arith.mulf %gather3A_603, %get3A_607 : vector<16xf32>
      %swap3A_614 = arith.constant 28 : i32
      %swap3A_615 = arith.index_cast %swap3A_614 : i32 to index
      %swap3A_616 = arith.constant 16 : index
      %swap3A_617 = tpu.vector_load %arg13[%swap3A_615, %swap3A_616] {strides = array<i32>} : memref<80x32xf32, #tpu.memory_space<vmem>>, vector<16xf32>,
      tpu.vector_store %arg13[%swap3A_615, %swap3A_616], %mul3A_613 {strides = array<i32>} : memref<80x32xf32, #tpu.memory_space<vmem>>, vector<16xf32>,
      %broadcast_in_dim3A_618 = arith.constant 29 : i32
      %broadcast_in_dim3A_619 = vector.broadcast %broadcast_in_dim3A_618 : i32 to vector<16xi32>
      %gather3A_620 = tpu.vector_load_idx %arg11[%broadcast_in_dim3A_619] : memref<80xf32, #tpu.memory_space<vmem>>[vector<16xi32>], vector<16xf32>,
      %gather3A_621 = tpu.vector_load_idx %arg10[%broadcast_in_dim3A_619] : memref<80xf32, #tpu.memory_space<vmem>>[vector<16xi32>], vector<16xf32>,
      %get3A_622 = arith.constant 29 : i32
      %get3A_623 = arith.index_cast %get3A_622 : i32 to index
      %get3A_624 = arith.constant 0 : index
      %get3A_625 = tpu.vector_load %arg12[%get3A_623, %get3A_624] {strides = array<i32>} : memref<80x16xf32, #tpu.memory_space<vmem>>, vector<16xf32>,
      %mul3A_626 = arith.mulf %gather3A_620, %get3A_625 : vector<16xf32>
      %swap3A_627 = arith.constant 29 : i32
      %swap3A_628 = arith.index_cast %swap3A_627 : i32 to index
      %swap3A_629 = arith.constant 0 : index
      %swap3A_630 = tpu.vector_load %arg13[%swap3A_628, %swap3A_629] {strides = array<i32>} : memref<80x32xf32, #tpu.memory_space<vmem>>, vector<16xf32>,
      tpu.vector_store %arg13[%swap3A_628, %swap3A_629], %mul3A_626 {strides = array<i32>} : memref<80x32xf32, #tpu.memory_space<vmem>>, vector<16xf32>,
      %mul3A_631 = arith.mulf %gather3A_621, %get3A_625 : vector<16xf32>
      %swap3A_632 = arith.constant 29 : i32
      %swap3A_633 = arith.index_cast %swap3A_632 : i32 to index
      %swap3A_634 = arith.constant 16 : index
      %swap3A_635 = tpu.vector_load %arg13[%swap3A_633, %swap3A_634] {strides = array<i32>} : memref<80x32xf32, #tpu.memory_space<vmem>>, vector<16xf32>,
      tpu.vector_store %arg13[%swap3A_633, %swap3A_634], %mul3A_631 {strides = array<i32>} : memref<80x32xf32, #tpu.memory_space<vmem>>, vector<16xf32>,
      %broadcast_in_dim3A_636 = arith.constant 30 : i32
      %broadcast_in_dim3A_637 = vector.broadcast %broadcast_in_dim3A_636 : i32 to vector<16xi32>
      %gather3A_638 = tpu.vector_load_idx %arg11[%broadcast_in_dim3A_637] : memref<80xf32, #tpu.memory_space<vmem>>[vector<16xi32>], vector<16xf32>,
      %gather3A_639 = tpu.vector_load_idx %arg10[%broadcast_in_dim3A_637] : memref<80xf32, #tpu.memory_space<vmem>>[vector<16xi32>], vector<16xf32>,
      %get3A_640 = arith.constant 30 : i32
      %get3A_641 = arith.index_cast %get3A_640 : i32 to index
      %get3A_642 = arith.constant 0 : index
      %get3A_643 = tpu.vector_load %arg12[%get3A_641, %get3A_642] {strides = array<i32>} : memref<80x16xf32, #tpu.memory_space<vmem>>, vector<16xf32>,
      %mul3A_644 = arith.mulf %gather3A_638, %get3A_643 : vector<16xf32>
      %swap3A_645 = arith.constant 30 : i32
      %swap3A_646 = arith.index_cast %swap3A_645 : i32 to index
      %swap3A_647 = arith.constant 0 : index
      %swap3A_648 = tpu.vector_load %arg13[%swap3A_646, %swap3A_647] {strides = array<i32>} : memref<80x32xf32, #tpu.memory_space<vmem>>, vector<16xf32>,
      tpu.vector_store %arg13[%swap3A_646, %swap3A_647], %mul3A_644 {strides = array<i32>} : memref<80x32xf32, #tpu.memory_space<vmem>>, vector<16xf32>,
      %mul3A_649 = arith.mulf %gather3A_639, %get3A_643 : vector<16xf32>
      %swap3A_650 = arith.constant 30 : i32
      %swap3A_651 = arith.index_cast %swap3A_650 : i32 to index
      %swap3A_652 = arith.constant 16 : index
      %swap3A_653 = tpu.vector_load %arg13[%swap3A_651, %swap3A_652] {strides = array<i32>} : memref<80x32xf32, #tpu.memory_space<vmem>>, vector<16xf32>,
      tpu.vector_store %arg13[%swap3A_651, %swap3A_652], %mul3A_649 {strides = array<i32>} : memref<80x32xf32, #tpu.memory_space<vmem>>, vector<16xf32>,
      %broadcast_in_dim3A_654 = arith.constant 31 : i32
      %broadcast_in_dim3A_655 = vector.broadcast %broadcast_in_dim3A_654 : i32 to vector<16xi32>
      %gather3A_656 = tpu.vector_load_idx %arg11[%broadcast_in_dim3A_655] : memref<80xf32, #tpu.memory_space<vmem>>[vector<16xi32>], vector<16xf32>,
      %gather3A_657 = tpu.vector_load_idx %arg10[%broadcast_in_dim3A_655] : memref<80xf32, #tpu.memory_space<vmem>>[vector<16xi32>], vector<16xf32>,
      %get3A_658 = arith.constant 31 : i32
      %get3A_659 = arith.index_cast %get3A_658 : i32 to index
      %get3A_660 = arith.constant 0 : index
      %get3A_661 = tpu.vector_load %arg12[%get3A_659, %get3A_660] {strides = array<i32>} : memref<80x16xf32, #tpu.memory_space<vmem>>, vector<16xf32>,
      %mul3A_662 = arith.mulf %gather3A_656, %get3A_661 : vector<16xf32>
      %swap3A_663 = arith.constant 31 : i32
      %swap3A_664 = arith.index_cast %swap3A_663 : i32 to index
      %swap3A_665 = arith.constant 0 : index
      %swap3A_666 = tpu.vector_load %arg13[%swap3A_664, %swap3A_665] {strides = array<i32>} : memref<80x32xf32, #tpu.memory_space<vmem>>, vector<16xf32>,
      tpu.vector_store %arg13[%swap3A_664, %swap3A_665], %mul3A_662 {strides = array<i32>} : memref<80x32xf32, #tpu.memory_space<vmem>>, vector<16xf32>,
      %mul3A_667 = arith.mulf %gather3A_657, %get3A_661 : vector<16xf32>
      %swap3A_668 = arith.constant 31 : i32
      %swap3A_669 = arith.index_cast %swap3A_668 : i32 to index
      %swap3A_670 = arith.constant 16 : index
      %swap3A_671 = tpu.vector_load %arg13[%swap3A_669, %swap3A_670] {strides = array<i32>} : memref<80x32xf32, #tpu.memory_space<vmem>>, vector<16xf32>,
      tpu.vector_store %arg13[%swap3A_669, %swap3A_670], %mul3A_667 {strides = array<i32>} : memref<80x32xf32, #tpu.memory_space<vmem>>, vector<16xf32>,
      %broadcast_in_dim3A_672 = arith.constant 32 : i32
      %broadcast_in_dim3A_673 = vector.broadcast %broadcast_in_dim3A_672 : i32 to vector<16xi32>
      %gather3A_674 = tpu.vector_load_idx %arg11[%broadcast_in_dim3A_673] : memref<80xf32, #tpu.memory_space<vmem>>[vector<16xi32>], vector<16xf32>,
      %gather3A_675 = tpu.vector_load_idx %arg10[%broadcast_in_dim3A_673] : memref<80xf32, #tpu.memory_space<vmem>>[vector<16xi32>], vector<16xf32>,
      %get3A_676 = arith.constant 32 : i32
      %get3A_677 = arith.index_cast %get3A_676 : i32 to index
      %get3A_678 = arith.constant 0 : index
      %get3A_679 = tpu.vector_load %arg12[%get3A_677, %get3A_678] {strides = array<i32>} : memref<80x16xf32, #tpu.memory_space<vmem>>, vector<16xf32>,
      %mul3A_680 = arith.mulf %gather3A_674, %get3A_679 : vector<16xf32>
      %swap3A_681 = arith.constant 32 : i32
      %swap3A_682 = arith.index_cast %swap3A_681 : i32 to index
      %swap3A_683 = arith.constant 0 : index
      %swap3A_684 = tpu.vector_load %arg13[%swap3A_682, %swap3A_683] {strides = array<i32>} : memref<80x32xf32, #tpu.memory_space<vmem>>, vector<16xf32>,
      tpu.vector_store %arg13[%swap3A_682, %swap3A_683], %mul3A_680 {strides = array<i32>} : memref<80x32xf32, #tpu.memory_space<vmem>>, vector<16xf32>,
      %mul3A_685 = arith.mulf %gather3A_675, %get3A_679 : vector<16xf32>
      %swap3A_686 = arith.constant 32 : i32
      %swap3A_687 = arith.index_cast %swap3A_686 : i32 to index
      %swap3A_688 = arith.constant 16 : index
      %swap3A_689 = tpu.vector_load %arg13[%swap3A_687, %swap3A_688] {strides = array<i32>} : memref<80x32xf32, #tpu.memory_space<vmem>>, vector<16xf32>,
      tpu.vector_store %arg13[%swap3A_687, %swap3A_688], %mul3A_685 {strides = array<i32>} : memref<80x32xf32, #tpu.memory_space<vmem>>, vector<16xf32>,
      %broadcast_in_dim3A_690 = arith.constant 33 : i32
      %broadcast_in_dim3A_691 = vector.broadcast %broadcast_in_dim3A_690 : i32 to vector<16xi32>
      %gather3A_692 = tpu.vector_load_idx %arg11[%broadcast_in_dim3A_691] : memref<80xf32, #tpu.memory_space<vmem>>[vector<16xi32>], vector<16xf32>,
      %gather3A_693 = tpu.vector_load_idx %arg10[%broadcast_in_dim3A_691] : memref<80xf32, #tpu.memory_space<vmem>>[vector<16xi32>], vector<16xf32>,
      %get3A_694 = arith.constant 33 : i32
      %get3A_695 = arith.index_cast %get3A_694 : i32 to index
      %get3A_696 = arith.constant 0 : index
      %get3A_697 = tpu.vector_load %arg12[%get3A_695, %get3A_696] {strides = array<i32>} : memref<80x16xf32, #tpu.memory_space<vmem>>, vector<16xf32>,
      %mul3A_698 = arith.mulf %gather3A_692, %get3A_697 : vector<16xf32>
      %swap3A_699 = arith.constant 33 : i32
      %swap3A_700 = arith.index_cast %swap3A_699 : i32 to index
      %swap3A_701 = arith.constant 0 : index
      %swap3A_702 = tpu.vector_load %arg13[%swap3A_700, %swap3A_701] {strides = array<i32>} : memref<80x32xf32, #tpu.memory_space<vmem>>, vector<16xf32>,
      tpu.vector_store %arg13[%swap3A_700, %swap3A_701], %mul3A_698 {strides = array<i32>} : memref<80x32xf32, #tpu.memory_space<vmem>>, vector<16xf32>,
      %mul3A_703 = arith.mulf %gather3A_693, %get3A_697 : vector<16xf32>
      %swap3A_704 = arith.constant 33 : i32
      %swap3A_705 = arith.index_cast %swap3A_704 : i32 to index
      %swap3A_706 = arith.constant 16 : index
      %swap3A_707 = tpu.vector_load %arg13[%swap3A_705, %swap3A_706] {strides = array<i32>} : memref<80x32xf32, #tpu.memory_space<vmem>>, vector<16xf32>,
      tpu.vector_store %arg13[%swap3A_705, %swap3A_706], %mul3A_703 {strides = array<i32>} : memref<80x32xf32, #tpu.memory_space<vmem>>, vector<16xf32>,
      %broadcast_in_dim3A_708 = arith.constant 34 : i32
      %broadcast_in_dim3A_709 = vector.broadcast %broadcast_in_dim3A_708 : i32 to vector<16xi32>
      %gather3A_710 = tpu.vector_load_idx %arg11[%broadcast_in_dim3A_709] : memref<80xf32, #tpu.memory_space<vmem>>[vector<16xi32>], vector<16xf32>,
      %gather3A_711 = tpu.vector_load_idx %arg10[%broadcast_in_dim3A_709] : memref<80xf32, #tpu.memory_space<vmem>>[vector<16xi32>], vector<16xf32>,
      %get3A_712 = arith.constant 34 : i32
      %get3A_713 = arith.index_cast %get3A_712 : i32 to index
      %get3A_714 = arith.constant 0 : index
      %get3A_715 = tpu.vector_load %arg12[%get3A_713, %get3A_714] {strides = array<i32>} : memref<80x16xf32, #tpu.memory_space<vmem>>, vector<16xf32>,
      %mul3A_716 = arith.mulf %gather3A_710, %get3A_715 : vector<16xf32>
      %swap3A_717 = arith.constant 34 : i32
      %swap3A_718 = arith.index_cast %swap3A_717 : i32 to index
      %swap3A_719 = arith.constant 0 : index
      %swap3A_720 = tpu.vector_load %arg13[%swap3A_718, %swap3A_719] {strides = array<i32>} : memref<80x32xf32, #tpu.memory_space<vmem>>, vector<16xf32>,
      tpu.vector_store %arg13[%swap3A_718, %swap3A_719], %mul3A_716 {strides = array<i32>} : memref<80x32xf32, #tpu.memory_space<vmem>>, vector<16xf32>,
      %mul3A_721 = arith.mulf %gather3A_711, %get3A_715 : vector<16xf32>
      %swap3A_722 = arith.constant 34 : i32
      %swap3A_723 = arith.index_cast %swap3A_722 : i32 to index
      %swap3A_724 = arith.constant 16 : index
      %swap3A_725 = tpu.vector_load %arg13[%swap3A_723, %swap3A_724] {strides = array<i32>} : memref<80x32xf32, #tpu.memory_space<vmem>>, vector<16xf32>,
      tpu.vector_store %arg13[%swap3A_723, %swap3A_724], %mul3A_721 {strides = array<i32>} : memref<80x32xf32, #tpu.memory_space<vmem>>, vector<16xf32>,
      %broadcast_in_dim3A_726 = arith.constant 35 : i32
      %broadcast_in_dim3A_727 = vector.broadcast %broadcast_in_dim3A_726 : i32 to vector<16xi32>
      %gather3A_728 = tpu.vector_load_idx %arg11[%broadcast_in_dim3A_727] : memref<80xf32, #tpu.memory_space<vmem>>[vector<16xi32>], vector<16xf32>,
      %gather3A_729 = tpu.vector_load_idx %arg10[%broadcast_in_dim3A_727] : memref<80xf32, #tpu.memory_space<vmem>>[vector<16xi32>], vector<16xf32>,
      %get3A_730 = arith.constant 35 : i32
      %get3A_731 = arith.index_cast %get3A_730 : i32 to index
      %get3A_732 = arith.constant 0 : index
      %get3A_733 = tpu.vector_load %arg12[%get3A_731, %get3A_732] {strides = array<i32>} : memref<80x16xf32, #tpu.memory_space<vmem>>, vector<16xf32>,
      %mul3A_734 = arith.mulf %gather3A_728, %get3A_733 : vector<16xf32>
      %swap3A_735 = arith.constant 35 : i32
      %swap3A_736 = arith.index_cast %swap3A_735 : i32 to index
      %swap3A_737 = arith.constant 0 : index
      %swap3A_738 = tpu.vector_load %arg13[%swap3A_736, %swap3A_737] {strides = array<i32>} : memref<80x32xf32, #tpu.memory_space<vmem>>, vector<16xf32>,
      tpu.vector_store %arg13[%swap3A_736, %swap3A_737], %mul3A_734 {strides = array<i32>} : memref<80x32xf32, #tpu.memory_space<vmem>>, vector<16xf32>,
      %mul3A_739 = arith.mulf %gather3A_729, %get3A_733 : vector<16xf32>
      %swap3A_740 = arith.constant 35 : i32
      %swap3A_741 = arith.index_cast %swap3A_740 : i32 to index
      %swap3A_742 = arith.constant 16 : index
      %swap3A_743 = tpu.vector_load %arg13[%swap3A_741, %swap3A_742] {strides = array<i32>} : memref<80x32xf32, #tpu.memory_space<vmem>>, vector<16xf32>,
      tpu.vector_store %arg13[%swap3A_741, %swap3A_742], %mul3A_739 {strides = array<i32>} : memref<80x32xf32, #tpu.memory_space<vmem>>, vector<16xf32>,
      %broadcast_in_dim3A_744 = arith.constant 36 : i32
      %broadcast_in_dim3A_745 = vector.broadcast %broadcast_in_dim3A_744 : i32 to vector<16xi32>
      %gather3A_746 = tpu.vector_load_idx %arg11[%broadcast_in_dim3A_745] : memref<80xf32, #tpu.memory_space<vmem>>[vector<16xi32>], vector<16xf32>,
      %gather3A_747 = tpu.vector_load_idx %arg10[%broadcast_in_dim3A_745] : memref<80xf32, #tpu.memory_space<vmem>>[vector<16xi32>], vector<16xf32>,
      %get3A_748 = arith.constant 36 : i32
      %get3A_749 = arith.index_cast %get3A_748 : i32 to index
      %get3A_750 = arith.constant 0 : index
      %get3A_751 = tpu.vector_load %arg12[%get3A_749, %get3A_750] {strides = array<i32>} : memref<80x16xf32, #tpu.memory_space<vmem>>, vector<16xf32>,
      %mul3A_752 = arith.mulf %gather3A_746, %get3A_751 : vector<16xf32>
      %swap3A_753 = arith.constant 36 : i32
      %swap3A_754 = arith.index_cast %swap3A_753 : i32 to index
      %swap3A_755 = arith.constant 0 : index
      %swap3A_756 = tpu.vector_load %arg13[%swap3A_754, %swap3A_755] {strides = array<i32>} : memref<80x32xf32, #tpu.memory_space<vmem>>, vector<16xf32>,
      tpu.vector_store %arg13[%swap3A_754, %swap3A_755], %mul3A_752 {strides = array<i32>} : memref<80x32xf32, #tpu.memory_space<vmem>>, vector<16xf32>,
      %mul3A_757 = arith.mulf %gather3A_747, %get3A_751 : vector<16xf32>
      %swap3A_758 = arith.constant 36 : i32
      %swap3A_759 = arith.index_cast %swap3A_758 : i32 to index
      %swap3A_760 = arith.constant 16 : index
      %swap3A_761 = tpu.vector_load %arg13[%swap3A_759, %swap3A_760] {strides = array<i32>} : memref<80x32xf32, #tpu.memory_space<vmem>>, vector<16xf32>,
      tpu.vector_store %arg13[%swap3A_759, %swap3A_760], %mul3A_757 {strides = array<i32>} : memref<80x32xf32, #tpu.memory_space<vmem>>, vector<16xf32>,
      %broadcast_in_dim3A_762 = arith.constant 37 : i32
      %broadcast_in_dim3A_763 = vector.broadcast %broadcast_in_dim3A_762 : i32 to vector<16xi32>
      %gather3A_764 = tpu.vector_load_idx %arg11[%broadcast_in_dim3A_763] : memref<80xf32, #tpu.memory_space<vmem>>[vector<16xi32>], vector<16xf32>,
      %gather3A_765 = tpu.vector_load_idx %arg10[%broadcast_in_dim3A_763] : memref<80xf32, #tpu.memory_space<vmem>>[vector<16xi32>], vector<16xf32>,
      %get3A_766 = arith.constant 37 : i32
      %get3A_767 = arith.index_cast %get3A_766 : i32 to index
      %get3A_768 = arith.constant 0 : index
      %get3A_769 = tpu.vector_load %arg12[%get3A_767, %get3A_768] {strides = array<i32>} : memref<80x16xf32, #tpu.memory_space<vmem>>, vector<16xf32>,
      %mul3A_770 = arith.mulf %gather3A_764, %get3A_769 : vector<16xf32>
      %swap3A_771 = arith.constant 37 : i32
      %swap3A_772 = arith.index_cast %swap3A_771 : i32 to index
      %swap3A_773 = arith.constant 0 : index
      %swap3A_774 = tpu.vector_load %arg13[%swap3A_772, %swap3A_773] {strides = array<i32>} : memref<80x32xf32, #tpu.memory_space<vmem>>, vector<16xf32>,
      tpu.vector_store %arg13[%swap3A_772, %swap3A_773], %mul3A_770 {strides = array<i32>} : memref<80x32xf32, #tpu.memory_space<vmem>>, vector<16xf32>,
      %mul3A_775 = arith.mulf %gather3A_765, %get3A_769 : vector<16xf32>
      %swap3A_776 = arith.constant 37 : i32
      %swap3A_777 = arith.index_cast %swap3A_776 : i32 to index
      %swap3A_778 = arith.constant 16 : index
      %swap3A_779 = tpu.vector_load %arg13[%swap3A_777, %swap3A_778] {strides = array<i32>} : memref<80x32xf32, #tpu.memory_space<vmem>>, vector<16xf32>,
      tpu.vector_store %arg13[%swap3A_777, %swap3A_778], %mul3A_775 {strides = array<i32>} : memref<80x32xf32, #tpu.memory_space<vmem>>, vector<16xf32>,
      %broadcast_in_dim3A_780 = arith.constant 38 : i32
      %broadcast_in_dim3A_781 = vector.broadcast %broadcast_in_dim3A_780 : i32 to vector<16xi32>
      %gather3A_782 = tpu.vector_load_idx %arg11[%broadcast_in_dim3A_781] : memref<80xf32, #tpu.memory_space<vmem>>[vector<16xi32>], vector<16xf32>,
      %gather3A_783 = tpu.vector_load_idx %arg10[%broadcast_in_dim3A_781] : memref<80xf32, #tpu.memory_space<vmem>>[vector<16xi32>], vector<16xf32>,
      %get3A_784 = arith.constant 38 : i32
      %get3A_785 = arith.index_cast %get3A_784 : i32 to index
      %get3A_786 = arith.constant 0 : index
      %get3A_787 = tpu.vector_load %arg12[%get3A_785, %get3A_786] {strides = array<i32>} : memref<80x16xf32, #tpu.memory_space<vmem>>, vector<16xf32>,
      %mul3A_788 = arith.mulf %gather3A_782, %get3A_787 : vector<16xf32>
      %swap3A_789 = arith.constant 38 : i32
      %swap3A_790 = arith.index_cast %swap3A_789 : i32 to index
      %swap3A_791 = arith.constant 0 : index
      %swap3A_792 = tpu.vector_load %arg13[%swap3A_790, %swap3A_791] {strides = array<i32>} : memref<80x32xf32, #tpu.memory_space<vmem>>, vector<16xf32>,
      tpu.vector_store %arg13[%swap3A_790, %swap3A_791], %mul3A_788 {strides = array<i32>} : memref<80x32xf32, #tpu.memory_space<vmem>>, vector<16xf32>,
      %mul3A_793 = arith.mulf %gather3A_783, %get3A_787 : vector<16xf32>
      %swap3A_794 = arith.constant 38 : i32
      %swap3A_795 = arith.index_cast %swap3A_794 : i32 to index
      %swap3A_796 = arith.constant 16 : index
      %swap3A_797 = tpu.vector_load %arg13[%swap3A_795, %swap3A_796] {strides = array<i32>} : memref<80x32xf32, #tpu.memory_space<vmem>>, vector<16xf32>,
      tpu.vector_store %arg13[%swap3A_795, %swap3A_796], %mul3A_793 {strides = array<i32>} : memref<80x32xf32, #tpu.memory_space<vmem>>, vector<16xf32>,
      %broadcast_in_dim3A_798 = arith.constant 39 : i32
      %broadcast_in_dim3A_799 = vector.broadcast %broadcast_in_dim3A_798 : i32 to vector<16xi32>
      %gather3A_800 = tpu.vector_load_idx %arg11[%broadcast_in_dim3A_799] : memref<80xf32, #tpu.memory_space<vmem>>[vector<16xi32>], vector<16xf32>,
      %gather3A_801 = tpu.vector_load_idx %arg10[%broadcast_in_dim3A_799] : memref<80xf32, #tpu.memory_space<vmem>>[vector<16xi32>], vector<16xf32>,
      %get3A_802 = arith.constant 39 : i32
      %get3A_803 = arith.index_cast %get3A_802 : i32 to index
      %get3A_804 = arith.constant 0 : index
      %get3A_805 = tpu.vector_load %arg12[%get3A_803, %get3A_804] {strides = array<i32>} : memref<80x16xf32, #tpu.memory_space<vmem>>, vector<16xf32>,
      %mul3A_806 = arith.mulf %gather3A_800, %get3A_805 : vector<16xf32>
      %swap3A_807 = arith.constant 39 : i32
      %swap3A_808 = arith.index_cast %swap3A_807 : i32 to index
      %swap3A_809 = arith.constant 0 : index
      %swap3A_810 = tpu.vector_load %arg13[%swap3A_808, %swap3A_809] {strides = array<i32>} : memref<80x32xf32, #tpu.memory_space<vmem>>, vector<16xf32>,
      tpu.vector_store %arg13[%swap3A_808, %swap3A_809], %mul3A_806 {strides = array<i32>} : memref<80x32xf32, #tpu.memory_space<vmem>>, vector<16xf32>,
      %mul3A_811 = arith.mulf %gather3A_801, %get3A_805 : vector<16xf32>
      %swap3A_812 = arith.constant 39 : i32
      %swap3A_813 = arith.index_cast %swap3A_812 : i32 to index
      %swap3A_814 = arith.constant 16 : index
      %swap3A_815 = tpu.vector_load %arg13[%swap3A_813, %swap3A_814] {strides = array<i32>} : memref<80x32xf32, #tpu.memory_space<vmem>>, vector<16xf32>,
      tpu.vector_store %arg13[%swap3A_813, %swap3A_814], %mul3A_811 {strides = array<i32>} : memref<80x32xf32, #tpu.memory_space<vmem>>, vector<16xf32>,
      %broadcast_in_dim3A_816 = arith.constant 40 : i32
      %broadcast_in_dim3A_817 = vector.broadcast %broadcast_in_dim3A_816 : i32 to vector<16xi32>
      %gather3A_818 = tpu.vector_load_idx %arg11[%broadcast_in_dim3A_817] : memref<80xf32, #tpu.memory_space<vmem>>[vector<16xi32>], vector<16xf32>,
      %gather3A_819 = tpu.vector_load_idx %arg10[%broadcast_in_dim3A_817] : memref<80xf32, #tpu.memory_space<vmem>>[vector<16xi32>], vector<16xf32>,
      %get3A_820 = arith.constant 40 : i32
      %get3A_821 = arith.index_cast %get3A_820 : i32 to index
      %get3A_822 = arith.constant 0 : index
      %get3A_823 = tpu.vector_load %arg12[%get3A_821, %get3A_822] {strides = array<i32>} : memref<80x16xf32, #tpu.memory_space<vmem>>, vector<16xf32>,
      %mul3A_824 = arith.mulf %gather3A_818, %get3A_823 : vector<16xf32>
      %swap3A_825 = arith.constant 40 : i32
      %swap3A_826 = arith.index_cast %swap3A_825 : i32 to index
      %swap3A_827 = arith.constant 0 : index
      %swap3A_828 = tpu.vector_load %arg13[%swap3A_826, %swap3A_827] {strides = array<i32>} : memref<80x32xf32, #tpu.memory_space<vmem>>, vector<16xf32>,
      tpu.vector_store %arg13[%swap3A_826, %swap3A_827], %mul3A_824 {strides = array<i32>} : memref<80x32xf32, #tpu.memory_space<vmem>>, vector<16xf32>,
      %mul3A_829 = arith.mulf %gather3A_819, %get3A_823 : vector<16xf32>
      %swap3A_830 = arith.constant 40 : i32
      %swap3A_831 = arith.index_cast %swap3A_830 : i32 to index
      %swap3A_832 = arith.constant 16 : index
      %swap3A_833 = tpu.vector_load %arg13[%swap3A_831, %swap3A_832] {strides = array<i32>} : memref<80x32xf32, #tpu.memory_space<vmem>>, vector<16xf32>,
      tpu.vector_store %arg13[%swap3A_831, %swap3A_832], %mul3A_829 {strides = array<i32>} : memref<80x32xf32, #tpu.memory_space<vmem>>, vector<16xf32>,
      %broadcast_in_dim3A_834 = arith.constant 41 : i32
      %broadcast_in_dim3A_835 = vector.broadcast %broadcast_in_dim3A_834 : i32 to vector<16xi32>
      %gather3A_836 = tpu.vector_load_idx %arg11[%broadcast_in_dim3A_835] : memref<80xf32, #tpu.memory_space<vmem>>[vector<16xi32>], vector<16xf32>,
      %gather3A_837 = tpu.vector_load_idx %arg10[%broadcast_in_dim3A_835] : memref<80xf32, #tpu.memory_space<vmem>>[vector<16xi32>], vector<16xf32>,
      %get3A_838 = arith.constant 41 : i32
      %get3A_839 = arith.index_cast %get3A_838 : i32 to index
      %get3A_840 = arith.constant 0 : index
      %get3A_841 = tpu.vector_load %arg12[%get3A_839, %get3A_840] {strides = array<i32>} : memref<80x16xf32, #tpu.memory_space<vmem>>, vector<16xf32>,
      %mul3A_842 = arith.mulf %gather3A_836, %get3A_841 : vector<16xf32>
      %swap3A_843 = arith.constant 41 : i32
      %swap3A_844 = arith.index_cast %swap3A_843 : i32 to index
      %swap3A_845 = arith.constant 0 : index
      %swap3A_846 = tpu.vector_load %arg13[%swap3A_844, %swap3A_845] {strides = array<i32>} : memref<80x32xf32, #tpu.memory_space<vmem>>, vector<16xf32>,
      tpu.vector_store %arg13[%swap3A_844, %swap3A_845], %mul3A_842 {strides = array<i32>} : memref<80x32xf32, #tpu.memory_space<vmem>>, vector<16xf32>,
      %mul3A_847 = arith.mulf %gather3A_837, %get3A_841 : vector<16xf32>
      %swap3A_848 = arith.constant 41 : i32
      %swap3A_849 = arith.index_cast %swap3A_848 : i32 to index
      %swap3A_850 = arith.constant 16 : index
      %swap3A_851 = tpu.vector_load %arg13[%swap3A_849, %swap3A_850] {strides = array<i32>} : memref<80x32xf32, #tpu.memory_space<vmem>>, vector<16xf32>,
      tpu.vector_store %arg13[%swap3A_849, %swap3A_850], %mul3A_847 {strides = array<i32>} : memref<80x32xf32, #tpu.memory_space<vmem>>, vector<16xf32>,
      %broadcast_in_dim3A_852 = arith.constant 42 : i32
      %broadcast_in_dim3A_853 = vector.broadcast %broadcast_in_dim3A_852 : i32 to vector<16xi32>
      %gather3A_854 = tpu.vector_load_idx %arg11[%broadcast_in_dim3A_853] : memref<80xf32, #tpu.memory_space<vmem>>[vector<16xi32>], vector<16xf32>,
      %gather3A_855 = tpu.vector_load_idx %arg10[%broadcast_in_dim3A_853] : memref<80xf32, #tpu.memory_space<vmem>>[vector<16xi32>], vector<16xf32>,
      %get3A_856 = arith.constant 42 : i32
      %get3A_857 = arith.index_cast %get3A_856 : i32 to index
      %get3A_858 = arith.constant 0 : index
      %get3A_859 = tpu.vector_load %arg12[%get3A_857, %get3A_858] {strides = array<i32>} : memref<80x16xf32, #tpu.memory_space<vmem>>, vector<16xf32>,
      %mul3A_860 = arith.mulf %gather3A_854, %get3A_859 : vector<16xf32>
      %swap3A_861 = arith.constant 42 : i32
      %swap3A_862 = arith.index_cast %swap3A_861 : i32 to index
      %swap3A_863 = arith.constant 0 : index
      %swap3A_864 = tpu.vector_load %arg13[%swap3A_862, %swap3A_863] {strides = array<i32>} : memref<80x32xf32, #tpu.memory_space<vmem>>, vector<16xf32>,
      tpu.vector_store %arg13[%swap3A_862, %swap3A_863], %mul3A_860 {strides = array<i32>} : memref<80x32xf32, #tpu.memory_space<vmem>>, vector<16xf32>,
      %mul3A_865 = arith.mulf %gather3A_855, %get3A_859 : vector<16xf32>
      %swap3A_866 = arith.constant 42 : i32
      %swap3A_867 = arith.index_cast %swap3A_866 : i32 to index
      %swap3A_868 = arith.constant 16 : index
      %swap3A_869 = tpu.vector_load %arg13[%swap3A_867, %swap3A_868] {strides = array<i32>} : memref<80x32xf32, #tpu.memory_space<vmem>>, vector<16xf32>,
      tpu.vector_store %arg13[%swap3A_867, %swap3A_868], %mul3A_865 {strides = array<i32>} : memref<80x32xf32, #tpu.memory_space<vmem>>, vector<16xf32>,
      %broadcast_in_dim3A_870 = arith.constant 43 : i32
      %broadcast_in_dim3A_871 = vector.broadcast %broadcast_in_dim3A_870 : i32 to vector<16xi32>
      %gather3A_872 = tpu.vector_load_idx %arg11[%broadcast_in_dim3A_871] : memref<80xf32, #tpu.memory_space<vmem>>[vector<16xi32>], vector<16xf32>,
      %gather3A_873 = tpu.vector_load_idx %arg10[%broadcast_in_dim3A_871] : memref<80xf32, #tpu.memory_space<vmem>>[vector<16xi32>], vector<16xf32>,
      %get3A_874 = arith.constant 43 : i32
      %get3A_875 = arith.index_cast %get3A_874 : i32 to index
      %get3A_876 = arith.constant 0 : index
      %get3A_877 = tpu.vector_load %arg12[%get3A_875, %get3A_876] {strides = array<i32>} : memref<80x16xf32, #tpu.memory_space<vmem>>, vector<16xf32>,
      %mul3A_878 = arith.mulf %gather3A_872, %get3A_877 : vector<16xf32>
      %swap3A_879 = arith.constant 43 : i32
      %swap3A_880 = arith.index_cast %swap3A_879 : i32 to index
      %swap3A_881 = arith.constant 0 : index
      %swap3A_882 = tpu.vector_load %arg13[%swap3A_880, %swap3A_881] {strides = array<i32>} : memref<80x32xf32, #tpu.memory_space<vmem>>, vector<16xf32>,
      tpu.vector_store %arg13[%swap3A_880, %swap3A_881], %mul3A_878 {strides = array<i32>} : memref<80x32xf32, #tpu.memory_space<vmem>>, vector<16xf32>,
      %mul3A_883 = arith.mulf %gather3A_873, %get3A_877 : vector<16xf32>
      %swap3A_884 = arith.constant 43 : i32
      %swap3A_885 = arith.index_cast %swap3A_884 : i32 to index
      %swap3A_886 = arith.constant 16 : index
      %swap3A_887 = tpu.vector_load %arg13[%swap3A_885, %swap3A_886] {strides = array<i32>} : memref<80x32xf32, #tpu.memory_space<vmem>>, vector<16xf32>,
      tpu.vector_store %arg13[%swap3A_885, %swap3A_886], %mul3A_883 {strides = array<i32>} : memref<80x32xf32, #tpu.memory_space<vmem>>, vector<16xf32>,
      %broadcast_in_dim3A_888 = arith.constant 44 : i32
      %broadcast_in_dim3A_889 = vector.broadcast %broadcast_in_dim3A_888 : i32 to vector<16xi32>
      %gather3A_890 = tpu.vector_load_idx %arg11[%broadcast_in_dim3A_889] : memref<80xf32, #tpu.memory_space<vmem>>[vector<16xi32>], vector<16xf32>,
      %gather3A_891 = tpu.vector_load_idx %arg10[%broadcast_in_dim3A_889] : memref<80xf32, #tpu.memory_space<vmem>>[vector<16xi32>], vector<16xf32>,
      %get3A_892 = arith.constant 44 : i32
      %get3A_893 = arith.index_cast %get3A_892 : i32 to index
      %get3A_894 = arith.constant 0 : index
      %get3A_895 = tpu.vector_load %arg12[%get3A_893, %get3A_894] {strides = array<i32>} : memref<80x16xf32, #tpu.memory_space<vmem>>, vector<16xf32>,
      %mul3A_896 = arith.mulf %gather3A_890, %get3A_895 : vector<16xf32>
      %swap3A_897 = arith.constant 44 : i32
      %swap3A_898 = arith.index_cast %swap3A_897 : i32 to index
      %swap3A_899 = arith.constant 0 : index
      %swap3A_900 = tpu.vector_load %arg13[%swap3A_898, %swap3A_899] {strides = array<i32>} : memref<80x32xf32, #tpu.memory_space<vmem>>, vector<16xf32>,
      tpu.vector_store %arg13[%swap3A_898, %swap3A_899], %mul3A_896 {strides = array<i32>} : memref<80x32xf32, #tpu.memory_space<vmem>>, vector<16xf32>,
      %mul3A_901 = arith.mulf %gather3A_891, %get3A_895 : vector<16xf32>
      %swap3A_902 = arith.constant 44 : i32
      %swap3A_903 = arith.index_cast %swap3A_902 : i32 to index
      %swap3A_904 = arith.constant 16 : index
      %swap3A_905 = tpu.vector_load %arg13[%swap3A_903, %swap3A_904] {strides = array<i32>} : memref<80x32xf32, #tpu.memory_space<vmem>>, vector<16xf32>,
      tpu.vector_store %arg13[%swap3A_903, %swap3A_904], %mul3A_901 {strides = array<i32>} : memref<80x32xf32, #tpu.memory_space<vmem>>, vector<16xf32>,
      %broadcast_in_dim3A_906 = arith.constant 45 : i32
      %broadcast_in_dim3A_907 = vector.broadcast %broadcast_in_dim3A_906 : i32 to vector<16xi32>
      %gather3A_908 = tpu.vector_load_idx %arg11[%broadcast_in_dim3A_907] : memref<80xf32, #tpu.memory_space<vmem>>[vector<16xi32>], vector<16xf32>,
      %gather3A_909 = tpu.vector_load_idx %arg10[%broadcast_in_dim3A_907] : memref<80xf32, #tpu.memory_space<vmem>>[vector<16xi32>], vector<16xf32>,
      %get3A_910 = arith.constant 45 : i32
      %get3A_911 = arith.index_cast %get3A_910 : i32 to index
      %get3A_912 = arith.constant 0 : index
      %get3A_913 = tpu.vector_load %arg12[%get3A_911, %get3A_912] {strides = array<i32>} : memref<80x16xf32, #tpu.memory_space<vmem>>, vector<16xf32>,
      %mul3A_914 = arith.mulf %gather3A_908, %get3A_913 : vector<16xf32>
      %swap3A_915 = arith.constant 45 : i32
      %swap3A_916 = arith.index_cast %swap3A_915 : i32 to index
      %swap3A_917 = arith.constant 0 : index
      %swap3A_918 = tpu.vector_load %arg13[%swap3A_916, %swap3A_917] {strides = array<i32>} : memref<80x32xf32, #tpu.memory_space<vmem>>, vector<16xf32>,
      tpu.vector_store %arg13[%swap3A_916, %swap3A_917], %mul3A_914 {strides = array<i32>} : memref<80x32xf32, #tpu.memory_space<vmem>>, vector<16xf32>,
      %mul3A_919 = arith.mulf %gather3A_909, %get3A_913 : vector<16xf32>
      %swap3A_920 = arith.constant 45 : i32
      %swap3A_921 = arith.index_cast %swap3A_920 : i32 to index
      %swap3A_922 = arith.constant 16 : index
      %swap3A_923 = tpu.vector_load %arg13[%swap3A_921, %swap3A_922] {strides = array<i32>} : memref<80x32xf32, #tpu.memory_space<vmem>>, vector<16xf32>,
      tpu.vector_store %arg13[%swap3A_921, %swap3A_922], %mul3A_919 {strides = array<i32>} : memref<80x32xf32, #tpu.memory_space<vmem>>, vector<16xf32>,
      %broadcast_in_dim3A_924 = arith.constant 46 : i32
      %broadcast_in_dim3A_925 = vector.broadcast %broadcast_in_dim3A_924 : i32 to vector<16xi32>
      %gather3A_926 = tpu.vector_load_idx %arg11[%broadcast_in_dim3A_925] : memref<80xf32, #tpu.memory_space<vmem>>[vector<16xi32>], vector<16xf32>,
      %gather3A_927 = tpu.vector_load_idx %arg10[%broadcast_in_dim3A_925] : memref<80xf32, #tpu.memory_space<vmem>>[vector<16xi32>], vector<16xf32>,
      %get3A_928 = arith.constant 46 : i32
      %get3A_929 = arith.index_cast %get3A_928 : i32 to index
      %get3A_930 = arith.constant 0 : index
      %get3A_931 = tpu.vector_load %arg12[%get3A_929, %get3A_930] {strides = array<i32>} : memref<80x16xf32, #tpu.memory_space<vmem>>, vector<16xf32>,
      %mul3A_932 = arith.mulf %gather3A_926, %get3A_931 : vector<16xf32>
      %swap3A_933 = arith.constant 46 : i32
      %swap3A_934 = arith.index_cast %swap3A_933 : i32 to index
      %swap3A_935 = arith.constant 0 : index
      %swap3A_936 = tpu.vector_load %arg13[%swap3A_934, %swap3A_935] {strides = array<i32>} : memref<80x32xf32, #tpu.memory_space<vmem>>, vector<16xf32>,
      tpu.vector_store %arg13[%swap3A_934, %swap3A_935], %mul3A_932 {strides = array<i32>} : memref<80x32xf32, #tpu.memory_space<vmem>>, vector<16xf32>,
      %mul3A_937 = arith.mulf %gather3A_927, %get3A_931 : vector<16xf32>
      %swap3A_938 = arith.constant 46 : i32
      %swap3A_939 = arith.index_cast %swap3A_938 : i32 to index
      %swap3A_940 = arith.constant 16 : index
      %swap3A_941 = tpu.vector_load %arg13[%swap3A_939, %swap3A_940] {strides = array<i32>} : memref<80x32xf32, #tpu.memory_space<vmem>>, vector<16xf32>,
      tpu.vector_store %arg13[%swap3A_939, %swap3A_940], %mul3A_937 {strides = array<i32>} : memref<80x32xf32, #tpu.memory_space<vmem>>, vector<16xf32>,
      %broadcast_in_dim3A_942 = arith.constant 47 : i32
      %broadcast_in_dim3A_943 = vector.broadcast %broadcast_in_dim3A_942 : i32 to vector<16xi32>
      %gather3A_944 = tpu.vector_load_idx %arg11[%broadcast_in_dim3A_943] : memref<80xf32, #tpu.memory_space<vmem>>[vector<16xi32>], vector<16xf32>,
      %gather3A_945 = tpu.vector_load_idx %arg10[%broadcast_in_dim3A_943] : memref<80xf32, #tpu.memory_space<vmem>>[vector<16xi32>], vector<16xf32>,
      %get3A_946 = arith.constant 47 : i32
      %get3A_947 = arith.index_cast %get3A_946 : i32 to index
      %get3A_948 = arith.constant 0 : index
      %get3A_949 = tpu.vector_load %arg12[%get3A_947, %get3A_948] {strides = array<i32>} : memref<80x16xf32, #tpu.memory_space<vmem>>, vector<16xf32>,
      %mul3A_950 = arith.mulf %gather3A_944, %get3A_949 : vector<16xf32>
      %swap3A_951 = arith.constant 47 : i32
      %swap3A_952 = arith.index_cast %swap3A_951 : i32 to index
      %swap3A_953 = arith.constant 0 : index
      %swap3A_954 = tpu.vector_load %arg13[%swap3A_952, %swap3A_953] {strides = array<i32>} : memref<80x32xf32, #tpu.memory_space<vmem>>, vector<16xf32>,
      tpu.vector_store %arg13[%swap3A_952, %swap3A_953], %mul3A_950 {strides = array<i32>} : memref<80x32xf32, #tpu.memory_space<vmem>>, vector<16xf32>,
      %mul3A_955 = arith.mulf %gather3A_945, %get3A_949 : vector<16xf32>
      %swap3A_956 = arith.constant 47 : i32
      %swap3A_957 = arith.index_cast %swap3A_956 : i32 to index
      %swap3A_958 = arith.constant 16 : index
      %swap3A_959 = tpu.vector_load %arg13[%swap3A_957, %swap3A_958] {strides = array<i32>} : memref<80x32xf32, #tpu.memory_space<vmem>>, vector<16xf32>,
      tpu.vector_store %arg13[%swap3A_957, %swap3A_958], %mul3A_955 {strides = array<i32>} : memref<80x32xf32, #tpu.memory_space<vmem>>, vector<16xf32>,
      %broadcast_in_dim3A_960 = arith.constant 48 : i32
      %broadcast_in_dim3A_961 = vector.broadcast %broadcast_in_dim3A_960 : i32 to vector<16xi32>
      %gather3A_962 = tpu.vector_load_idx %arg11[%broadcast_in_dim3A_961] : memref<80xf32, #tpu.memory_space<vmem>>[vector<16xi32>], vector<16xf32>,
      %gather3A_963 = tpu.vector_load_idx %arg10[%broadcast_in_dim3A_961] : memref<80xf32, #tpu.memory_space<vmem>>[vector<16xi32>], vector<16xf32>,
      %get3A_964 = arith.constant 48 : i32
      %get3A_965 = arith.index_cast %get3A_964 : i32 to index
      %get3A_966 = arith.constant 0 : index
      %get3A_967 = tpu.vector_load %arg12[%get3A_965, %get3A_966] {strides = array<i32>} : memref<80x16xf32, #tpu.memory_space<vmem>>, vector<16xf32>,
      %mul3A_968 = arith.mulf %gather3A_962, %get3A_967 : vector<16xf32>
      %swap3A_969 = arith.constant 48 : i32
      %swap3A_970 = arith.index_cast %swap3A_969 : i32 to index
      %swap3A_971 = arith.constant 0 : index
      %swap3A_972 = tpu.vector_load %arg13[%swap3A_970, %swap3A_971] {strides = array<i32>} : memref<80x32xf32, #tpu.memory_space<vmem>>, vector<16xf32>,
      tpu.vector_store %arg13[%swap3A_970, %swap3A_971], %mul3A_968 {strides = array<i32>} : memref<80x32xf32, #tpu.memory_space<vmem>>, vector<16xf32>,
      %mul3A_973 = arith.mulf %gather3A_963, %get3A_967 : vector<16xf32>
      %swap3A_974 = arith.constant 48 : i32
      %swap3A_975 = arith.index_cast %swap3A_974 : i32 to index
      %swap3A_976 = arith.constant 16 : index
      %swap3A_977 = tpu.vector_load %arg13[%swap3A_975, %swap3A_976] {strides = array<i32>} : memref<80x32xf32, #tpu.memory_space<vmem>>, vector<16xf32>,
      tpu.vector_store %arg13[%swap3A_975, %swap3A_976], %mul3A_973 {strides = array<i32>} : memref<80x32xf32, #tpu.memory_space<vmem>>, vector<16xf32>,
      %broadcast_in_dim3A_978 = arith.constant 49 : i32
      %broadcast_in_dim3A_979 = vector.broadcast %broadcast_in_dim3A_978 : i32 to vector<16xi32>
      %gather3A_980 = tpu.vector_load_idx %arg11[%broadcast_in_dim3A_979] : memref<80xf32, #tpu.memory_space<vmem>>[vector<16xi32>], vector<16xf32>,
      %gather3A_981 = tpu.vector_load_idx %arg10[%broadcast_in_dim3A_979] : memref<80xf32, #tpu.memory_space<vmem>>[vector<16xi32>], vector<16xf32>,
      %get3A_982 = arith.constant 49 : i32
      %get3A_983 = arith.index_cast %get3A_982 : i32 to index
      %get3A_984 = arith.constant 0 : index
      %get3A_985 = tpu.vector_load %arg12[%get3A_983, %get3A_984] {strides = array<i32>} : memref<80x16xf32, #tpu.memory_space<vmem>>, vector<16xf32>,
      %mul3A_986 = arith.mulf %gather3A_980, %get3A_985 : vector<16xf32>
      %swap3A_987 = arith.constant 49 : i32
      %swap3A_988 = arith.index_cast %swap3A_987 : i32 to index
      %swap3A_989 = arith.constant 0 : index
      %swap3A_990 = tpu.vector_load %arg13[%swap3A_988, %swap3A_989] {strides = array<i32>} : memref<80x32xf32, #tpu.memory_space<vmem>>, vector<16xf32>,
      tpu.vector_store %arg13[%swap3A_988, %swap3A_989], %mul3A_986 {strides = array<i32>} : memref<80x32xf32, #tpu.memory_space<vmem>>, vector<16xf32>,
      %mul3A_991 = arith.mulf %gather3A_981, %get3A_985 : vector<16xf32>
      %swap3A_992 = arith.constant 49 : i32
      %swap3A_993 = arith.index_cast %swap3A_992 : i32 to index
      %swap3A_994 = arith.constant 16 : index
      %swap3A_995 = tpu.vector_load %arg13[%swap3A_993, %swap3A_994] {strides = array<i32>} : memref<80x32xf32, #tpu.memory_space<vmem>>, vector<16xf32>,
      tpu.vector_store %arg13[%swap3A_993, %swap3A_994], %mul3A_991 {strides = array<i32>} : memref<80x32xf32, #tpu.memory_space<vmem>>, vector<16xf32>,
      %broadcast_in_dim3A_996 = arith.constant 50 : i32
      %broadcast_in_dim3A_997 = vector.broadcast %broadcast_in_dim3A_996 : i32 to vector<16xi32>
      %gather3A_998 = tpu.vector_load_idx %arg11[%broadcast_in_dim3A_997] : memref<80xf32, #tpu.memory_space<vmem>>[vector<16xi32>], vector<16xf32>,
      %gather3A_999 = tpu.vector_load_idx %arg10[%broadcast_in_dim3A_997] : memref<80xf32, #tpu.memory_space<vmem>>[vector<16xi32>], vector<16xf32>,
      %get3A_1000 = arith.constant 50 : i32
      %get3A_1001 = arith.index_cast %get3A_1000 : i32 to index
      %get3A_1002 = arith.constant 0 : index
      %get3A_1003 = tpu.vector_load %arg12[%get3A_1001, %get3A_1002] {strides = array<i32>} : memref<80x16xf32, #tpu.memory_space<vmem>>, vector<16xf32>,
      %mul3A_1004 = arith.mulf %gather3A_998, %get3A_1003 : vector<16xf32>
      %swap3A_1005 = arith.constant 50 : i32
      %swap3A_1006 = arith.index_cast %swap3A_1005 : i32 to index
      %swap3A_1007 = arith.constant 0 : index
      %swap3A_1008 = tpu.vector_load %arg13[%swap3A_1006, %swap3A_1007] {strides = array<i32>} : memref<80x32xf32, #tpu.memory_space<vmem>>, vector<16xf32>,
      tpu.vector_store %arg13[%swap3A_1006, %swap3A_1007], %mul3A_1004 {strides = array<i32>} : memref<80x32xf32, #tpu.memory_space<vmem>>, vector<16xf32>,
      %mul3A_1009 = arith.mulf %gather3A_999, %get3A_1003 : vector<16xf32>
      %swap3A_1010 = arith.constant 50 : i32
      %swap3A_1011 = arith.index_cast %swap3A_1010 : i32 to index
      %swap3A_1012 = arith.constant 16 : index
      %swap3A_1013 = tpu.vector_load %arg13[%swap3A_1011, %swap3A_1012] {strides = array<i32>} : memref<80x32xf32, #tpu.memory_space<vmem>>, vector<16xf32>,
      tpu.vector_store %arg13[%swap3A_1011, %swap3A_1012], %mul3A_1009 {strides = array<i32>} : memref<80x32xf32, #tpu.memory_space<vmem>>, vector<16xf32>,
      %broadcast_in_dim3A_1014 = arith.constant 51 : i32
      %broadcast_in_dim3A_1015 = vector.broadcast %broadcast_in_dim3A_1014 : i32 to vector<16xi32>
      %gather3A_1016 = tpu.vector_load_idx %arg11[%broadcast_in_dim3A_1015] : memref<80xf32, #tpu.memory_space<vmem>>[vector<16xi32>], vector<16xf32>,
      %gather3A_1017 = tpu.vector_load_idx %arg10[%broadcast_in_dim3A_1015] : memref<80xf32, #tpu.memory_space<vmem>>[vector<16xi32>], vector<16xf32>,
      %get3A_1018 = arith.constant 51 : i32
      %get3A_1019 = arith.index_cast %get3A_1018 : i32 to index
      %get3A_1020 = arith.constant 0 : index
      %get3A_1021 = tpu.vector_load %arg12[%get3A_1019, %get3A_1020] {strides = array<i32>} : memref<80x16xf32, #tpu.memory_space<vmem>>, vector<16xf32>,
      %mul3A_1022 = arith.mulf %gather3A_1016, %get3A_1021 : vector<16xf32>
      %swap3A_1023 = arith.constant 51 : i32
      %swap3A_1024 = arith.index_cast %swap3A_1023 : i32 to index
      %swap3A_1025 = arith.constant 0 : index
      %swap3A_1026 = tpu.vector_load %arg13[%swap3A_1024, %swap3A_1025] {strides = array<i32>} : memref<80x32xf32, #tpu.memory_space<vmem>>, vector<16xf32>,
      tpu.vector_store %arg13[%swap3A_1024, %swap3A_1025], %mul3A_1022 {strides = array<i32>} : memref<80x32xf32, #tpu.memory_space<vmem>>, vector<16xf32>,
      %mul3A_1027 = arith.mulf %gather3A_1017, %get3A_1021 : vector<16xf32>
      %swap3A_1028 = arith.constant 51 : i32
      %swap3A_1029 = arith.index_cast %swap3A_1028 : i32 to index
      %swap3A_1030 = arith.constant 16 : index
      %swap3A_1031 = tpu.vector_load %arg13[%swap3A_1029, %swap3A_1030] {strides = array<i32>} : memref<80x32xf32, #tpu.memory_space<vmem>>, vector<16xf32>,
      tpu.vector_store %arg13[%swap3A_1029, %swap3A_1030], %mul3A_1027 {strides = array<i32>} : memref<80x32xf32, #tpu.memory_space<vmem>>, vector<16xf32>,
      %broadcast_in_dim3A_1032 = arith.constant 52 : i32
      %broadcast_in_dim3A_1033 = vector.broadcast %broadcast_in_dim3A_1032 : i32 to vector<16xi32>
      %gather3A_1034 = tpu.vector_load_idx %arg11[%broadcast_in_dim3A_1033] : memref<80xf32, #tpu.memory_space<vmem>>[vector<16xi32>], vector<16xf32>,
      %gather3A_1035 = tpu.vector_load_idx %arg10[%broadcast_in_dim3A_1033] : memref<80xf32, #tpu.memory_space<vmem>>[vector<16xi32>], vector<16xf32>,
      %get3A_1036 = arith.constant 52 : i32
      %get3A_1037 = arith.index_cast %get3A_1036 : i32 to index
      %get3A_1038 = arith.constant 0 : index
      %get3A_1039 = tpu.vector_load %arg12[%get3A_1037, %get3A_1038] {strides = array<i32>} : memref<80x16xf32, #tpu.memory_space<vmem>>, vector<16xf32>,
      %mul3A_1040 = arith.mulf %gather3A_1034, %get3A_1039 : vector<16xf32>
      %swap3A_1041 = arith.constant 52 : i32
      %swap3A_1042 = arith.index_cast %swap3A_1041 : i32 to index
      %swap3A_1043 = arith.constant 0 : index
      %swap3A_1044 = tpu.vector_load %arg13[%swap3A_1042, %swap3A_1043] {strides = array<i32>} : memref<80x32xf32, #tpu.memory_space<vmem>>, vector<16xf32>,
      tpu.vector_store %arg13[%swap3A_1042, %swap3A_1043], %mul3A_1040 {strides = array<i32>} : memref<80x32xf32, #tpu.memory_space<vmem>>, vector<16xf32>,
      %mul3A_1045 = arith.mulf %gather3A_1035, %get3A_1039 : vector<16xf32>
      %swap3A_1046 = arith.constant 52 : i32
      %swap3A_1047 = arith.index_cast %swap3A_1046 : i32 to index
      %swap3A_1048 = arith.constant 16 : index
      %swap3A_1049 = tpu.vector_load %arg13[%swap3A_1047, %swap3A_1048] {strides = array<i32>} : memref<80x32xf32, #tpu.memory_space<vmem>>, vector<16xf32>,
      tpu.vector_store %arg13[%swap3A_1047, %swap3A_1048], %mul3A_1045 {strides = array<i32>} : memref<80x32xf32, #tpu.memory_space<vmem>>, vector<16xf32>,
      %broadcast_in_dim3A_1050 = arith.constant 53 : i32
      %broadcast_in_dim3A_1051 = vector.broadcast %broadcast_in_dim3A_1050 : i32 to vector<16xi32>
      %gather3A_1052 = tpu.vector_load_idx %arg11[%broadcast_in_dim3A_1051] : memref<80xf32, #tpu.memory_space<vmem>>[vector<16xi32>], vector<16xf32>,
      %gather3A_1053 = tpu.vector_load_idx %arg10[%broadcast_in_dim3A_1051] : memref<80xf32, #tpu.memory_space<vmem>>[vector<16xi32>], vector<16xf32>,
      %get3A_1054 = arith.constant 53 : i32
      %get3A_1055 = arith.index_cast %get3A_1054 : i32 to index
      %get3A_1056 = arith.constant 0 : index
      %get3A_1057 = tpu.vector_load %arg12[%get3A_1055, %get3A_1056] {strides = array<i32>} : memref<80x16xf32, #tpu.memory_space<vmem>>, vector<16xf32>,
      %mul3A_1058 = arith.mulf %gather3A_1052, %get3A_1057 : vector<16xf32>
      %swap3A_1059 = arith.constant 53 : i32
      %swap3A_1060 = arith.index_cast %swap3A_1059 : i32 to index
      %swap3A_1061 = arith.constant 0 : index
      %swap3A_1062 = tpu.vector_load %arg13[%swap3A_1060, %swap3A_1061] {strides = array<i32>} : memref<80x32xf32, #tpu.memory_space<vmem>>, vector<16xf32>,
      tpu.vector_store %arg13[%swap3A_1060, %swap3A_1061], %mul3A_1058 {strides = array<i32>} : memref<80x32xf32, #tpu.memory_space<vmem>>, vector<16xf32>,
      %mul3A_1063 = arith.mulf %gather3A_1053, %get3A_1057 : vector<16xf32>
      %swap3A_1064 = arith.constant 53 : i32
      %swap3A_1065 = arith.index_cast %swap3A_1064 : i32 to index
      %swap3A_1066 = arith.constant 16 : index
      %swap3A_1067 = tpu.vector_load %arg13[%swap3A_1065, %swap3A_1066] {strides = array<i32>} : memref<80x32xf32, #tpu.memory_space<vmem>>, vector<16xf32>,
      tpu.vector_store %arg13[%swap3A_1065, %swap3A_1066], %mul3A_1063 {strides = array<i32>} : memref<80x32xf32, #tpu.memory_space<vmem>>, vector<16xf32>,
      %broadcast_in_dim3A_1068 = arith.constant 54 : i32
      %broadcast_in_dim3A_1069 = vector.broadcast %broadcast_in_dim3A_1068 : i32 to vector<16xi32>
      %gather3A_1070 = tpu.vector_load_idx %arg11[%broadcast_in_dim3A_1069] : memref<80xf32, #tpu.memory_space<vmem>>[vector<16xi32>], vector<16xf32>,
      %gather3A_1071 = tpu.vector_load_idx %arg10[%broadcast_in_dim3A_1069] : memref<80xf32, #tpu.memory_space<vmem>>[vector<16xi32>], vector<16xf32>,
      %get3A_1072 = arith.constant 54 : i32
      %get3A_1073 = arith.index_cast %get3A_1072 : i32 to index
      %get3A_1074 = arith.constant 0 : index
      %get3A_1075 = tpu.vector_load %arg12[%get3A_1073, %get3A_1074] {strides = array<i32>} : memref<80x16xf32, #tpu.memory_space<vmem>>, vector<16xf32>,
      %mul3A_1076 = arith.mulf %gather3A_1070, %get3A_1075 : vector<16xf32>
      %swap3A_1077 = arith.constant 54 : i32
      %swap3A_1078 = arith.index_cast %swap3A_1077 : i32 to index
      %swap3A_1079 = arith.constant 0 : index
      %swap3A_1080 = tpu.vector_load %arg13[%swap3A_1078, %swap3A_1079] {strides = array<i32>} : memref<80x32xf32, #tpu.memory_space<vmem>>, vector<16xf32>,
      tpu.vector_store %arg13[%swap3A_1078, %swap3A_1079], %mul3A_1076 {strides = array<i32>} : memref<80x32xf32, #tpu.memory_space<vmem>>, vector<16xf32>,
      %mul3A_1081 = arith.mulf %gather3A_1071, %get3A_1075 : vector<16xf32>
      %swap3A_1082 = arith.constant 54 : i32
      %swap3A_1083 = arith.index_cast %swap3A_1082 : i32 to index
      %swap3A_1084 = arith.constant 16 : index
      %swap3A_1085 = tpu.vector_load %arg13[%swap3A_1083, %swap3A_1084] {strides = array<i32>} : memref<80x32xf32, #tpu.memory_space<vmem>>, vector<16xf32>,
      tpu.vector_store %arg13[%swap3A_1083, %swap3A_1084], %mul3A_1081 {strides = array<i32>} : memref<80x32xf32, #tpu.memory_space<vmem>>, vector<16xf32>,
      %broadcast_in_dim3A_1086 = arith.constant 55 : i32
      %broadcast_in_dim3A_1087 = vector.broadcast %broadcast_in_dim3A_1086 : i32 to vector<16xi32>
      %gather3A_1088 = tpu.vector_load_idx %arg11[%broadcast_in_dim3A_1087] : memref<80xf32, #tpu.memory_space<vmem>>[vector<16xi32>], vector<16xf32>,
      %gather3A_1089 = tpu.vector_load_idx %arg10[%broadcast_in_dim3A_1087] : memref<80xf32, #tpu.memory_space<vmem>>[vector<16xi32>], vector<16xf32>,
      %get3A_1090 = arith.constant 55 : i32
      %get3A_1091 = arith.index_cast %get3A_1090 : i32 to index
      %get3A_1092 = arith.constant 0 : index
      %get3A_1093 = tpu.vector_load %arg12[%get3A_1091, %get3A_1092] {strides = array<i32>} : memref<80x16xf32, #tpu.memory_space<vmem>>, vector<16xf32>,
      %mul3A_1094 = arith.mulf %gather3A_1088, %get3A_1093 : vector<16xf32>
      %swap3A_1095 = arith.constant 55 : i32
      %swap3A_1096 = arith.index_cast %swap3A_1095 : i32 to index
      %swap3A_1097 = arith.constant 0 : index
      %swap3A_1098 = tpu.vector_load %arg13[%swap3A_1096, %swap3A_1097] {strides = array<i32>} : memref<80x32xf32, #tpu.memory_space<vmem>>, vector<16xf32>,
      tpu.vector_store %arg13[%swap3A_1096, %swap3A_1097], %mul3A_1094 {strides = array<i32>} : memref<80x32xf32, #tpu.memory_space<vmem>>, vector<16xf32>,
      %mul3A_1099 = arith.mulf %gather3A_1089, %get3A_1093 : vector<16xf32>
      %swap3A_1100 = arith.constant 55 : i32
      %swap3A_1101 = arith.index_cast %swap3A_1100 : i32 to index
      %swap3A_1102 = arith.constant 16 : index
      %swap3A_1103 = tpu.vector_load %arg13[%swap3A_1101, %swap3A_1102] {strides = array<i32>} : memref<80x32xf32, #tpu.memory_space<vmem>>, vector<16xf32>,
      tpu.vector_store %arg13[%swap3A_1101, %swap3A_1102], %mul3A_1099 {strides = array<i32>} : memref<80x32xf32, #tpu.memory_space<vmem>>, vector<16xf32>,
      %broadcast_in_dim3A_1104 = arith.constant 56 : i32
      %broadcast_in_dim3A_1105 = vector.broadcast %broadcast_in_dim3A_1104 : i32 to vector<16xi32>
      %gather3A_1106 = tpu.vector_load_idx %arg11[%broadcast_in_dim3A_1105] : memref<80xf32, #tpu.memory_space<vmem>>[vector<16xi32>], vector<16xf32>,
      %gather3A_1107 = tpu.vector_load_idx %arg10[%broadcast_in_dim3A_1105] : memref<80xf32, #tpu.memory_space<vmem>>[vector<16xi32>], vector<16xf32>,
      %get3A_1108 = arith.constant 56 : i32
      %get3A_1109 = arith.index_cast %get3A_1108 : i32 to index
      %get3A_1110 = arith.constant 0 : index
      %get3A_1111 = tpu.vector_load %arg12[%get3A_1109, %get3A_1110] {strides = array<i32>} : memref<80x16xf32, #tpu.memory_space<vmem>>, vector<16xf32>,
      %mul3A_1112 = arith.mulf %gather3A_1106, %get3A_1111 : vector<16xf32>
      %swap3A_1113 = arith.constant 56 : i32
      %swap3A_1114 = arith.index_cast %swap3A_1113 : i32 to index
      %swap3A_1115 = arith.constant 0 : index
      %swap3A_1116 = tpu.vector_load %arg13[%swap3A_1114, %swap3A_1115] {strides = array<i32>} : memref<80x32xf32, #tpu.memory_space<vmem>>, vector<16xf32>,
      tpu.vector_store %arg13[%swap3A_1114, %swap3A_1115], %mul3A_1112 {strides = array<i32>} : memref<80x32xf32, #tpu.memory_space<vmem>>, vector<16xf32>,
      %mul3A_1117 = arith.mulf %gather3A_1107, %get3A_1111 : vector<16xf32>
      %swap3A_1118 = arith.constant 56 : i32
      %swap3A_1119 = arith.index_cast %swap3A_1118 : i32 to index
      %swap3A_1120 = arith.constant 16 : index
      %swap3A_1121 = tpu.vector_load %arg13[%swap3A_1119, %swap3A_1120] {strides = array<i32>} : memref<80x32xf32, #tpu.memory_space<vmem>>, vector<16xf32>,
      tpu.vector_store %arg13[%swap3A_1119, %swap3A_1120], %mul3A_1117 {strides = array<i32>} : memref<80x32xf32, #tpu.memory_space<vmem>>, vector<16xf32>,
      %broadcast_in_dim3A_1122 = arith.constant 57 : i32
      %broadcast_in_dim3A_1123 = vector.broadcast %broadcast_in_dim3A_1122 : i32 to vector<16xi32>
      %gather3A_1124 = tpu.vector_load_idx %arg11[%broadcast_in_dim3A_1123] : memref<80xf32, #tpu.memory_space<vmem>>[vector<16xi32>], vector<16xf32>,
      %gather3A_1125 = tpu.vector_load_idx %arg10[%broadcast_in_dim3A_1123] : memref<80xf32, #tpu.memory_space<vmem>>[vector<16xi32>], vector<16xf32>,
      %get3A_1126 = arith.constant 57 : i32
      %get3A_1127 = arith.index_cast %get3A_1126 : i32 to index
      %get3A_1128 = arith.constant 0 : index
      %get3A_1129 = tpu.vector_load %arg12[%get3A_1127, %get3A_1128] {strides = array<i32>} : memref<80x16xf32, #tpu.memory_space<vmem>>, vector<16xf32>,
      %mul3A_1130 = arith.mulf %gather3A_1124, %get3A_1129 : vector<16xf32>
      %swap3A_1131 = arith.constant 57 : i32
      %swap3A_1132 = arith.index_cast %swap3A_1131 : i32 to index
      %swap3A_1133 = arith.constant 0 : index
      %swap3A_1134 = tpu.vector_load %arg13[%swap3A_1132, %swap3A_1133] {strides = array<i32>} : memref<80x32xf32, #tpu.memory_space<vmem>>, vector<16xf32>,
      tpu.vector_store %arg13[%swap3A_1132, %swap3A_1133], %mul3A_1130 {strides = array<i32>} : memref<80x32xf32, #tpu.memory_space<vmem>>, vector<16xf32>,
      %mul3A_1135 = arith.mulf %gather3A_1125, %get3A_1129 : vector<16xf32>
      %swap3A_1136 = arith.constant 57 : i32
      %swap3A_1137 = arith.index_cast %swap3A_1136 : i32 to index
      %swap3A_1138 = arith.constant 16 : index
      %swap3A_1139 = tpu.vector_load %arg13[%swap3A_1137, %swap3A_1138] {strides = array<i32>} : memref<80x32xf32, #tpu.memory_space<vmem>>, vector<16xf32>,
      tpu.vector_store %arg13[%swap3A_1137, %swap3A_1138], %mul3A_1135 {strides = array<i32>} : memref<80x32xf32, #tpu.memory_space<vmem>>, vector<16xf32>,
      %broadcast_in_dim3A_1140 = arith.constant 58 : i32
      %broadcast_in_dim3A_1141 = vector.broadcast %broadcast_in_dim3A_1140 : i32 to vector<16xi32>
      %gather3A_1142 = tpu.vector_load_idx %arg11[%broadcast_in_dim3A_1141] : memref<80xf32, #tpu.memory_space<vmem>>[vector<16xi32>], vector<16xf32>,
      %gather3A_1143 = tpu.vector_load_idx %arg10[%broadcast_in_dim3A_1141] : memref<80xf32, #tpu.memory_space<vmem>>[vector<16xi32>], vector<16xf32>,
      %get3A_1144 = arith.constant 58 : i32
      %get3A_1145 = arith.index_cast %get3A_1144 : i32 to index
      %get3A_1146 = arith.constant 0 : index
      %get3A_1147 = tpu.vector_load %arg12[%get3A_1145, %get3A_1146] {strides = array<i32>} : memref<80x16xf32, #tpu.memory_space<vmem>>, vector<16xf32>,
      %mul3A_1148 = arith.mulf %gather3A_1142, %get3A_1147 : vector<16xf32>
      %swap3A_1149 = arith.constant 58 : i32
      %swap3A_1150 = arith.index_cast %swap3A_1149 : i32 to index
      %swap3A_1151 = arith.constant 0 : index
      %swap3A_1152 = tpu.vector_load %arg13[%swap3A_1150, %swap3A_1151] {strides = array<i32>} : memref<80x32xf32, #tpu.memory_space<vmem>>, vector<16xf32>,
      tpu.vector_store %arg13[%swap3A_1150, %swap3A_1151], %mul3A_1148 {strides = array<i32>} : memref<80x32xf32, #tpu.memory_space<vmem>>, vector<16xf32>,
      %mul3A_1153 = arith.mulf %gather3A_1143, %get3A_1147 : vector<16xf32>
      %swap3A_1154 = arith.constant 58 : i32
      %swap3A_1155 = arith.index_cast %swap3A_1154 : i32 to index
      %swap3A_1156 = arith.constant 16 : index
      %swap3A_1157 = tpu.vector_load %arg13[%swap3A_1155, %swap3A_1156] {strides = array<i32>} : memref<80x32xf32, #tpu.memory_space<vmem>>, vector<16xf32>,
      tpu.vector_store %arg13[%swap3A_1155, %swap3A_1156], %mul3A_1153 {strides = array<i32>} : memref<80x32xf32, #tpu.memory_space<vmem>>, vector<16xf32>,
      %broadcast_in_dim3A_1158 = arith.constant 59 : i32
      %broadcast_in_dim3A_1159 = vector.broadcast %broadcast_in_dim3A_1158 : i32 to vector<16xi32>
      %gather3A_1160 = tpu.vector_load_idx %arg11[%broadcast_in_dim3A_1159] : memref<80xf32, #tpu.memory_space<vmem>>[vector<16xi32>], vector<16xf32>,
      %gather3A_1161 = tpu.vector_load_idx %arg10[%broadcast_in_dim3A_1159] : memref<80xf32, #tpu.memory_space<vmem>>[vector<16xi32>], vector<16xf32>,
      %get3A_1162 = arith.constant 59 : i32
      %get3A_1163 = arith.index_cast %get3A_1162 : i32 to index
      %get3A_1164 = arith.constant 0 : index
      %get3A_1165 = tpu.vector_load %arg12[%get3A_1163, %get3A_1164] {strides = array<i32>} : memref<80x16xf32, #tpu.memory_space<vmem>>, vector<16xf32>,
      %mul3A_1166 = arith.mulf %gather3A_1160, %get3A_1165 : vector<16xf32>
      %swap3A_1167 = arith.constant 59 : i32
      %swap3A_1168 = arith.index_cast %swap3A_1167 : i32 to index
      %swap3A_1169 = arith.constant 0 : index
      %swap3A_1170 = tpu.vector_load %arg13[%swap3A_1168, %swap3A_1169] {strides = array<i32>} : memref<80x32xf32, #tpu.memory_space<vmem>>, vector<16xf32>,
      tpu.vector_store %arg13[%swap3A_1168, %swap3A_1169], %mul3A_1166 {strides = array<i32>} : memref<80x32xf32, #tpu.memory_space<vmem>>, vector<16xf32>,
      %mul3A_1171 = arith.mulf %gather3A_1161, %get3A_1165 : vector<16xf32>
      %swap3A_1172 = arith.constant 59 : i32
      %swap3A_1173 = arith.index_cast %swap3A_1172 : i32 to index
      %swap3A_1174 = arith.constant 16 : index
      %swap3A_1175 = tpu.vector_load %arg13[%swap3A_1173, %swap3A_1174] {strides = array<i32>} : memref<80x32xf32, #tpu.memory_space<vmem>>, vector<16xf32>,
      tpu.vector_store %arg13[%swap3A_1173, %swap3A_1174], %mul3A_1171 {strides = array<i32>} : memref<80x32xf32, #tpu.memory_space<vmem>>, vector<16xf32>,
      %broadcast_in_dim3A_1176 = arith.constant 60 : i32
      %broadcast_in_dim3A_1177 = vector.broadcast %broadcast_in_dim3A_1176 : i32 to vector<16xi32>
      %gather3A_1178 = tpu.vector_load_idx %arg11[%broadcast_in_dim3A_1177] : memref<80xf32, #tpu.memory_space<vmem>>[vector<16xi32>], vector<16xf32>,
      %gather3A_1179 = tpu.vector_load_idx %arg10[%broadcast_in_dim3A_1177] : memref<80xf32, #tpu.memory_space<vmem>>[vector<16xi32>], vector<16xf32>,
      %get3A_1180 = arith.constant 60 : i32
      %get3A_1181 = arith.index_cast %get3A_1180 : i32 to index
      %get3A_1182 = arith.constant 0 : index
      %get3A_1183 = tpu.vector_load %arg12[%get3A_1181, %get3A_1182] {strides = array<i32>} : memref<80x16xf32, #tpu.memory_space<vmem>>, vector<16xf32>,
      %mul3A_1184 = arith.mulf %gather3A_1178, %get3A_1183 : vector<16xf32>
      %swap3A_1185 = arith.constant 60 : i32
      %swap3A_1186 = arith.index_cast %swap3A_1185 : i32 to index
      %swap3A_1187 = arith.constant 0 : index
      %swap3A_1188 = tpu.vector_load %arg13[%swap3A_1186, %swap3A_1187] {strides = array<i32>} : memref<80x32xf32, #tpu.memory_space<vmem>>, vector<16xf32>,
      tpu.vector_store %arg13[%swap3A_1186, %swap3A_1187], %mul3A_1184 {strides = array<i32>} : memref<80x32xf32, #tpu.memory_space<vmem>>, vector<16xf32>,
      %mul3A_1189 = arith.mulf %gather3A_1179, %get3A_1183 : vector<16xf32>
      %swap3A_1190 = arith.constant 60 : i32
      %swap3A_1191 = arith.index_cast %swap3A_1190 : i32 to index
      %swap3A_1192 = arith.constant 16 : index
      %swap3A_1193 = tpu.vector_load %arg13[%swap3A_1191, %swap3A_1192] {strides = array<i32>} : memref<80x32xf32, #tpu.memory_space<vmem>>, vector<16xf32>,
      tpu.vector_store %arg13[%swap3A_1191, %swap3A_1192], %mul3A_1189 {strides = array<i32>} : memref<80x32xf32, #tpu.memory_space<vmem>>, vector<16xf32>,
      %broadcast_in_dim3A_1194 = arith.constant 61 : i32
      %broadcast_in_dim3A_1195 = vector.broadcast %broadcast_in_dim3A_1194 : i32 to vector<16xi32>
      %gather3A_1196 = tpu.vector_load_idx %arg11[%broadcast_in_dim3A_1195] : memref<80xf32, #tpu.memory_space<vmem>>[vector<16xi32>], vector<16xf32>,
      %gather3A_1197 = tpu.vector_load_idx %arg10[%broadcast_in_dim3A_1195] : memref<80xf32, #tpu.memory_space<vmem>>[vector<16xi32>], vector<16xf32>,
      %get3A_1198 = arith.constant 61 : i32
      %get3A_1199 = arith.index_cast %get3A_1198 : i32 to index
      %get3A_1200 = arith.constant 0 : index
      %get3A_1201 = tpu.vector_load %arg12[%get3A_1199, %get3A_1200] {strides = array<i32>} : memref<80x16xf32, #tpu.memory_space<vmem>>, vector<16xf32>,
      %mul3A_1202 = arith.mulf %gather3A_1196, %get3A_1201 : vector<16xf32>
      %swap3A_1203 = arith.constant 61 : i32
      %swap3A_1204 = arith.index_cast %swap3A_1203 : i32 to index
      %swap3A_1205 = arith.constant 0 : index
      %swap3A_1206 = tpu.vector_load %arg13[%swap3A_1204, %swap3A_1205] {strides = array<i32>} : memref<80x32xf32, #tpu.memory_space<vmem>>, vector<16xf32>,
      tpu.vector_store %arg13[%swap3A_1204, %swap3A_1205], %mul3A_1202 {strides = array<i32>} : memref<80x32xf32, #tpu.memory_space<vmem>>, vector<16xf32>,
      %mul3A_1207 = arith.mulf %gather3A_1197, %get3A_1201 : vector<16xf32>
      %swap3A_1208 = arith.constant 61 : i32
      %swap3A_1209 = arith.index_cast %swap3A_1208 : i32 to index
      %swap3A_1210 = arith.constant 16 : index
      %swap3A_1211 = tpu.vector_load %arg13[%swap3A_1209, %swap3A_1210] {strides = array<i32>} : memref<80x32xf32, #tpu.memory_space<vmem>>, vector<16xf32>,
      tpu.vector_store %arg13[%swap3A_1209, %swap3A_1210], %mul3A_1207 {strides = array<i32>} : memref<80x32xf32, #tpu.memory_space<vmem>>, vector<16xf32>,
      %broadcast_in_dim3A_1212 = arith.constant 62 : i32
      %broadcast_in_dim3A_1213 = vector.broadcast %broadcast_in_dim3A_1212 : i32 to vector<16xi32>
      %gather3A_1214 = tpu.vector_load_idx %arg11[%broadcast_in_dim3A_1213] : memref<80xf32, #tpu.memory_space<vmem>>[vector<16xi32>], vector<16xf32>,
      %gather3A_1215 = tpu.vector_load_idx %arg10[%broadcast_in_dim3A_1213] : memref<80xf32, #tpu.memory_space<vmem>>[vector<16xi32>], vector<16xf32>,
      %get3A_1216 = arith.constant 62 : i32
      %get3A_1217 = arith.index_cast %get3A_1216 : i32 to index
      %get3A_1218 = arith.constant 0 : index
      %get3A_1219 = tpu.vector_load %arg12[%get3A_1217, %get3A_1218] {strides = array<i32>} : memref<80x16xf32, #tpu.memory_space<vmem>>, vector<16xf32>,
      %mul3A_1220 = arith.mulf %gather3A_1214, %get3A_1219 : vector<16xf32>
      %swap3A_1221 = arith.constant 62 : i32
      %swap3A_1222 = arith.index_cast %swap3A_1221 : i32 to index
      %swap3A_1223 = arith.constant 0 : index
      %swap3A_1224 = tpu.vector_load %arg13[%swap3A_1222, %swap3A_1223] {strides = array<i32>} : memref<80x32xf32, #tpu.memory_space<vmem>>, vector<16xf32>,
      tpu.vector_store %arg13[%swap3A_1222, %swap3A_1223], %mul3A_1220 {strides = array<i32>} : memref<80x32xf32, #tpu.memory_space<vmem>>, vector<16xf32>,
      %mul3A_1225 = arith.mulf %gather3A_1215, %get3A_1219 : vector<16xf32>
      %swap3A_1226 = arith.constant 62 : i32
      %swap3A_1227 = arith.index_cast %swap3A_1226 : i32 to index
      %swap3A_1228 = arith.constant 16 : index
      %swap3A_1229 = tpu.vector_load %arg13[%swap3A_1227, %swap3A_1228] {strides = array<i32>} : memref<80x32xf32, #tpu.memory_space<vmem>>, vector<16xf32>,
      tpu.vector_store %arg13[%swap3A_1227, %swap3A_1228], %mul3A_1225 {strides = array<i32>} : memref<80x32xf32, #tpu.memory_space<vmem>>, vector<16xf32>,
      %broadcast_in_dim3A_1230 = arith.constant 63 : i32
      %broadcast_in_dim3A_1231 = vector.broadcast %broadcast_in_dim3A_1230 : i32 to vector<16xi32>
      %gather3A_1232 = tpu.vector_load_idx %arg11[%broadcast_in_dim3A_1231] : memref<80xf32, #tpu.memory_space<vmem>>[vector<16xi32>], vector<16xf32>,
      %gather3A_1233 = tpu.vector_load_idx %arg10[%broadcast_in_dim3A_1231] : memref<80xf32, #tpu.memory_space<vmem>>[vector<16xi32>], vector<16xf32>,
      %get3A_1234 = arith.constant 63 : i32
      %get3A_1235 = arith.index_cast %get3A_1234 : i32 to index
      %get3A_1236 = arith.constant 0 : index
      %get3A_1237 = tpu.vector_load %arg12[%get3A_1235, %get3A_1236] {strides = array<i32>} : memref<80x16xf32, #tpu.memory_space<vmem>>, vector<16xf32>,
      %mul3A_1238 = arith.mulf %gather3A_1232, %get3A_1237 : vector<16xf32>
      %swap3A_1239 = arith.constant 63 : i32
      %swap3A_1240 = arith.index_cast %swap3A_1239 : i32 to index
      %swap3A_1241 = arith.constant 0 : index
      %swap3A_1242 = tpu.vector_load %arg13[%swap3A_1240, %swap3A_1241] {strides = array<i32>} : memref<80x32xf32, #tpu.memory_space<vmem>>, vector<16xf32>,
      tpu.vector_store %arg13[%swap3A_1240, %swap3A_1241], %mul3A_1238 {strides = array<i32>} : memref<80x32xf32, #tpu.memory_space<vmem>>, vector<16xf32>,
      %mul3A_1243 = arith.mulf %gather3A_1233, %get3A_1237 : vector<16xf32>
      %swap3A_1244 = arith.constant 63 : i32
      %swap3A_1245 = arith.index_cast %swap3A_1244 : i32 to index
      %swap3A_1246 = arith.constant 16 : index
      %swap3A_1247 = tpu.vector_load %arg13[%swap3A_1245, %swap3A_1246] {strides = array<i32>} : memref<80x32xf32, #tpu.memory_space<vmem>>, vector<16xf32>,
      tpu.vector_store %arg13[%swap3A_1245, %swap3A_1246], %mul3A_1243 {strides = array<i32>} : memref<80x32xf32, #tpu.memory_space<vmem>>, vector<16xf32>,
      %broadcast_in_dim3A_1248 = arith.constant 64 : i32
      %broadcast_in_dim3A_1249 = vector.broadcast %broadcast_in_dim3A_1248 : i32 to vector<16xi32>
      %gather3A_1250 = tpu.vector_load_idx %arg11[%broadcast_in_dim3A_1249] : memref<80xf32, #tpu.memory_space<vmem>>[vector<16xi32>], vector<16xf32>,
      %gather3A_1251 = tpu.vector_load_idx %arg10[%broadcast_in_dim3A_1249] : memref<80xf32, #tpu.memory_space<vmem>>[vector<16xi32>], vector<16xf32>,
      %get3A_1252 = arith.constant 64 : i32
      %get3A_1253 = arith.index_cast %get3A_1252 : i32 to index
      %get3A_1254 = arith.constant 0 : index
      %get3A_1255 = tpu.vector_load %arg12[%get3A_1253, %get3A_1254] {strides = array<i32>} : memref<80x16xf32, #tpu.memory_space<vmem>>, vector<16xf32>,
      %mul3A_1256 = arith.mulf %gather3A_1250, %get3A_1255 : vector<16xf32>
      %swap3A_1257 = arith.constant 64 : i32
      %swap3A_1258 = arith.index_cast %swap3A_1257 : i32 to index
      %swap3A_1259 = arith.constant 0 : index
      %swap3A_1260 = tpu.vector_load %arg13[%swap3A_1258, %swap3A_1259] {strides = array<i32>} : memref<80x32xf32, #tpu.memory_space<vmem>>, vector<16xf32>,
      tpu.vector_store %arg13[%swap3A_1258, %swap3A_1259], %mul3A_1256 {strides = array<i32>} : memref<80x32xf32, #tpu.memory_space<vmem>>, vector<16xf32>,
      %mul3A_1261 = arith.mulf %gather3A_1251, %get3A_1255 : vector<16xf32>
      %swap3A_1262 = arith.constant 64 : i32
      %swap3A_1263 = arith.index_cast %swap3A_1262 : i32 to index
      %swap3A_1264 = arith.constant 16 : index
      %swap3A_1265 = tpu.vector_load %arg13[%swap3A_1263, %swap3A_1264] {strides = array<i32>} : memref<80x32xf32, #tpu.memory_space<vmem>>, vector<16xf32>,
      tpu.vector_store %arg13[%swap3A_1263, %swap3A_1264], %mul3A_1261 {strides = array<i32>} : memref<80x32xf32, #tpu.memory_space<vmem>>, vector<16xf32>,
      %broadcast_in_dim3A_1266 = arith.constant 65 : i32
      %broadcast_in_dim3A_1267 = vector.broadcast %broadcast_in_dim3A_1266 : i32 to vector<16xi32>
      %gather3A_1268 = tpu.vector_load_idx %arg11[%broadcast_in_dim3A_1267] : memref<80xf32, #tpu.memory_space<vmem>>[vector<16xi32>], vector<16xf32>,
      %gather3A_1269 = tpu.vector_load_idx %arg10[%broadcast_in_dim3A_1267] : memref<80xf32, #tpu.memory_space<vmem>>[vector<16xi32>], vector<16xf32>,
      %get3A_1270 = arith.constant 65 : i32
      %get3A_1271 = arith.index_cast %get3A_1270 : i32 to index
      %get3A_1272 = arith.constant 0 : index
      %get3A_1273 = tpu.vector_load %arg12[%get3A_1271, %get3A_1272] {strides = array<i32>} : memref<80x16xf32, #tpu.memory_space<vmem>>, vector<16xf32>,
      %mul3A_1274 = arith.mulf %gather3A_1268, %get3A_1273 : vector<16xf32>
      %swap3A_1275 = arith.constant 65 : i32
      %swap3A_1276 = arith.index_cast %swap3A_1275 : i32 to index
      %swap3A_1277 = arith.constant 0 : index
      %swap3A_1278 = tpu.vector_load %arg13[%swap3A_1276, %swap3A_1277] {strides = array<i32>} : memref<80x32xf32, #tpu.memory_space<vmem>>, vector<16xf32>,
      tpu.vector_store %arg13[%swap3A_1276, %swap3A_1277], %mul3A_1274 {strides = array<i32>} : memref<80x32xf32, #tpu.memory_space<vmem>>, vector<16xf32>,
      %mul3A_1279 = arith.mulf %gather3A_1269, %get3A_1273 : vector<16xf32>
      %swap3A_1280 = arith.constant 65 : i32
      %swap3A_1281 = arith.index_cast %swap3A_1280 : i32 to index
      %swap3A_1282 = arith.constant 16 : index
      %swap3A_1283 = tpu.vector_load %arg13[%swap3A_1281, %swap3A_1282] {strides = array<i32>} : memref<80x32xf32, #tpu.memory_space<vmem>>, vector<16xf32>,
      tpu.vector_store %arg13[%swap3A_1281, %swap3A_1282], %mul3A_1279 {strides = array<i32>} : memref<80x32xf32, #tpu.memory_space<vmem>>, vector<16xf32>,
      %broadcast_in_dim3A_1284 = arith.constant 66 : i32
      %broadcast_in_dim3A_1285 = vector.broadcast %broadcast_in_dim3A_1284 : i32 to vector<16xi32>
      %gather3A_1286 = tpu.vector_load_idx %arg11[%broadcast_in_dim3A_1285] : memref<80xf32, #tpu.memory_space<vmem>>[vector<16xi32>], vector<16xf32>,
      %gather3A_1287 = tpu.vector_load_idx %arg10[%broadcast_in_dim3A_1285] : memref<80xf32, #tpu.memory_space<vmem>>[vector<16xi32>], vector<16xf32>,
      %get3A_1288 = arith.constant 66 : i32
      %get3A_1289 = arith.index_cast %get3A_1288 : i32 to index
      %get3A_1290 = arith.constant 0 : index
      %get3A_1291 = tpu.vector_load %arg12[%get3A_1289, %get3A_1290] {strides = array<i32>} : memref<80x16xf32, #tpu.memory_space<vmem>>, vector<16xf32>,
      %mul3A_1292 = arith.mulf %gather3A_1286, %get3A_1291 : vector<16xf32>
      %swap3A_1293 = arith.constant 66 : i32
      %swap3A_1294 = arith.index_cast %swap3A_1293 : i32 to index
      %swap3A_1295 = arith.constant 0 : index
      %swap3A_1296 = tpu.vector_load %arg13[%swap3A_1294, %swap3A_1295] {strides = array<i32>} : memref<80x32xf32, #tpu.memory_space<vmem>>, vector<16xf32>,
      tpu.vector_store %arg13[%swap3A_1294, %swap3A_1295], %mul3A_1292 {strides = array<i32>} : memref<80x32xf32, #tpu.memory_space<vmem>>, vector<16xf32>,
      %mul3A_1297 = arith.mulf %gather3A_1287, %get3A_1291 : vector<16xf32>
      %swap3A_1298 = arith.constant 66 : i32
      %swap3A_1299 = arith.index_cast %swap3A_1298 : i32 to index
      %swap3A_1300 = arith.constant 16 : index
      %swap3A_1301 = tpu.vector_load %arg13[%swap3A_1299, %swap3A_1300] {strides = array<i32>} : memref<80x32xf32, #tpu.memory_space<vmem>>, vector<16xf32>,
      tpu.vector_store %arg13[%swap3A_1299, %swap3A_1300], %mul3A_1297 {strides = array<i32>} : memref<80x32xf32, #tpu.memory_space<vmem>>, vector<16xf32>,
      %broadcast_in_dim3A_1302 = arith.constant 67 : i32
      %broadcast_in_dim3A_1303 = vector.broadcast %broadcast_in_dim3A_1302 : i32 to vector<16xi32>
      %gather3A_1304 = tpu.vector_load_idx %arg11[%broadcast_in_dim3A_1303] : memref<80xf32, #tpu.memory_space<vmem>>[vector<16xi32>], vector<16xf32>,
      %gather3A_1305 = tpu.vector_load_idx %arg10[%broadcast_in_dim3A_1303] : memref<80xf32, #tpu.memory_space<vmem>>[vector<16xi32>], vector<16xf32>,
      %get3A_1306 = arith.constant 67 : i32
      %get3A_1307 = arith.index_cast %get3A_1306 : i32 to index
      %get3A_1308 = arith.constant 0 : index
      %get3A_1309 = tpu.vector_load %arg12[%get3A_1307, %get3A_1308] {strides = array<i32>} : memref<80x16xf32, #tpu.memory_space<vmem>>, vector<16xf32>,
      %mul3A_1310 = arith.mulf %gather3A_1304, %get3A_1309 : vector<16xf32>
      %swap3A_1311 = arith.constant 67 : i32
      %swap3A_1312 = arith.index_cast %swap3A_1311 : i32 to index
      %swap3A_1313 = arith.constant 0 : index
      %swap3A_1314 = tpu.vector_load %arg13[%swap3A_1312, %swap3A_1313] {strides = array<i32>} : memref<80x32xf32, #tpu.memory_space<vmem>>, vector<16xf32>,
      tpu.vector_store %arg13[%swap3A_1312, %swap3A_1313], %mul3A_1310 {strides = array<i32>} : memref<80x32xf32, #tpu.memory_space<vmem>>, vector<16xf32>,
      %mul3A_1315 = arith.mulf %gather3A_1305, %get3A_1309 : vector<16xf32>
      %swap3A_1316 = arith.constant 67 : i32
      %swap3A_1317 = arith.index_cast %swap3A_1316 : i32 to index
      %swap3A_1318 = arith.constant 16 : index
      %swap3A_1319 = tpu.vector_load %arg13[%swap3A_1317, %swap3A_1318] {strides = array<i32>} : memref<80x32xf32, #tpu.memory_space<vmem>>, vector<16xf32>,
      tpu.vector_store %arg13[%swap3A_1317, %swap3A_1318], %mul3A_1315 {strides = array<i32>} : memref<80x32xf32, #tpu.memory_space<vmem>>, vector<16xf32>,
      %broadcast_in_dim3A_1320 = arith.constant 68 : i32
      %broadcast_in_dim3A_1321 = vector.broadcast %broadcast_in_dim3A_1320 : i32 to vector<16xi32>
      %gather3A_1322 = tpu.vector_load_idx %arg11[%broadcast_in_dim3A_1321] : memref<80xf32, #tpu.memory_space<vmem>>[vector<16xi32>], vector<16xf32>,
      %gather3A_1323 = tpu.vector_load_idx %arg10[%broadcast_in_dim3A_1321] : memref<80xf32, #tpu.memory_space<vmem>>[vector<16xi32>], vector<16xf32>,
      %get3A_1324 = arith.constant 68 : i32
      %get3A_1325 = arith.index_cast %get3A_1324 : i32 to index
      %get3A_1326 = arith.constant 0 : index
      %get3A_1327 = tpu.vector_load %arg12[%get3A_1325, %get3A_1326] {strides = array<i32>} : memref<80x16xf32, #tpu.memory_space<vmem>>, vector<16xf32>,
      %mul3A_1328 = arith.mulf %gather3A_1322, %get3A_1327 : vector<16xf32>
      %swap3A_1329 = arith.constant 68 : i32
      %swap3A_1330 = arith.index_cast %swap3A_1329 : i32 to index
      %swap3A_1331 = arith.constant 0 : index
      %swap3A_1332 = tpu.vector_load %arg13[%swap3A_1330, %swap3A_1331] {strides = array<i32>} : memref<80x32xf32, #tpu.memory_space<vmem>>, vector<16xf32>,
      tpu.vector_store %arg13[%swap3A_1330, %swap3A_1331], %mul3A_1328 {strides = array<i32>} : memref<80x32xf32, #tpu.memory_space<vmem>>, vector<16xf32>,
      %mul3A_1333 = arith.mulf %gather3A_1323, %get3A_1327 : vector<16xf32>
      %swap3A_1334 = arith.constant 68 : i32
      %swap3A_1335 = arith.index_cast %swap3A_1334 : i32 to index
      %swap3A_1336 = arith.constant 16 : index
      %swap3A_1337 = tpu.vector_load %arg13[%swap3A_1335, %swap3A_1336] {strides = array<i32>} : memref<80x32xf32, #tpu.memory_space<vmem>>, vector<16xf32>,
      tpu.vector_store %arg13[%swap3A_1335, %swap3A_1336], %mul3A_1333 {strides = array<i32>} : memref<80x32xf32, #tpu.memory_space<vmem>>, vector<16xf32>,
      %broadcast_in_dim3A_1338 = arith.constant 69 : i32
      %broadcast_in_dim3A_1339 = vector.broadcast %broadcast_in_dim3A_1338 : i32 to vector<16xi32>
      %gather3A_1340 = tpu.vector_load_idx %arg11[%broadcast_in_dim3A_1339] : memref<80xf32, #tpu.memory_space<vmem>>[vector<16xi32>], vector<16xf32>,
      %gather3A_1341 = tpu.vector_load_idx %arg10[%broadcast_in_dim3A_1339] : memref<80xf32, #tpu.memory_space<vmem>>[vector<16xi32>], vector<16xf32>,
      %get3A_1342 = arith.constant 69 : i32
      %get3A_1343 = arith.index_cast %get3A_1342 : i32 to index
      %get3A_1344 = arith.constant 0 : index
      %get3A_1345 = tpu.vector_load %arg12[%get3A_1343, %get3A_1344] {strides = array<i32>} : memref<80x16xf32, #tpu.memory_space<vmem>>, vector<16xf32>,
      %mul3A_1346 = arith.mulf %gather3A_1340, %get3A_1345 : vector<16xf32>
      %swap3A_1347 = arith.constant 69 : i32
      %swap3A_1348 = arith.index_cast %swap3A_1347 : i32 to index
      %swap3A_1349 = arith.constant 0 : index
      %swap3A_1350 = tpu.vector_load %arg13[%swap3A_1348, %swap3A_1349] {strides = array<i32>} : memref<80x32xf32, #tpu.memory_space<vmem>>, vector<16xf32>,
      tpu.vector_store %arg13[%swap3A_1348, %swap3A_1349], %mul3A_1346 {strides = array<i32>} : memref<80x32xf32, #tpu.memory_space<vmem>>, vector<16xf32>,
      %mul3A_1351 = arith.mulf %gather3A_1341, %get3A_1345 : vector<16xf32>
      %swap3A_1352 = arith.constant 69 : i32
      %swap3A_1353 = arith.index_cast %swap3A_1352 : i32 to index
      %swap3A_1354 = arith.constant 16 : index
      %swap3A_1355 = tpu.vector_load %arg13[%swap3A_1353, %swap3A_1354] {strides = array<i32>} : memref<80x32xf32, #tpu.memory_space<vmem>>, vector<16xf32>,
      tpu.vector_store %arg13[%swap3A_1353, %swap3A_1354], %mul3A_1351 {strides = array<i32>} : memref<80x32xf32, #tpu.memory_space<vmem>>, vector<16xf32>,
      %broadcast_in_dim3A_1356 = arith.constant 70 : i32
      %broadcast_in_dim3A_1357 = vector.broadcast %broadcast_in_dim3A_1356 : i32 to vector<16xi32>
      %gather3A_1358 = tpu.vector_load_idx %arg11[%broadcast_in_dim3A_1357] : memref<80xf32, #tpu.memory_space<vmem>>[vector<16xi32>], vector<16xf32>,
      %gather3A_1359 = tpu.vector_load_idx %arg10[%broadcast_in_dim3A_1357] : memref<80xf32, #tpu.memory_space<vmem>>[vector<16xi32>], vector<16xf32>,
      %get3A_1360 = arith.constant 70 : i32
      %get3A_1361 = arith.index_cast %get3A_1360 : i32 to index
      %get3A_1362 = arith.constant 0 : index
      %get3A_1363 = tpu.vector_load %arg12[%get3A_1361, %get3A_1362] {strides = array<i32>} : memref<80x16xf32, #tpu.memory_space<vmem>>, vector<16xf32>,
      %mul3A_1364 = arith.mulf %gather3A_1358, %get3A_1363 : vector<16xf32>
      %swap3A_1365 = arith.constant 70 : i32
      %swap3A_1366 = arith.index_cast %swap3A_1365 : i32 to index
      %swap3A_1367 = arith.constant 0 : index
      %swap3A_1368 = tpu.vector_load %arg13[%swap3A_1366, %swap3A_1367] {strides = array<i32>} : memref<80x32xf32, #tpu.memory_space<vmem>>, vector<16xf32>,
      tpu.vector_store %arg13[%swap3A_1366, %swap3A_1367], %mul3A_1364 {strides = array<i32>} : memref<80x32xf32, #tpu.memory_space<vmem>>, vector<16xf32>,
      %mul3A_1369 = arith.mulf %gather3A_1359, %get3A_1363 : vector<16xf32>
      %swap3A_1370 = arith.constant 70 : i32
      %swap3A_1371 = arith.index_cast %swap3A_1370 : i32 to index
      %swap3A_1372 = arith.constant 16 : index
      %swap3A_1373 = tpu.vector_load %arg13[%swap3A_1371, %swap3A_1372] {strides = array<i32>} : memref<80x32xf32, #tpu.memory_space<vmem>>, vector<16xf32>,
      tpu.vector_store %arg13[%swap3A_1371, %swap3A_1372], %mul3A_1369 {strides = array<i32>} : memref<80x32xf32, #tpu.memory_space<vmem>>, vector<16xf32>,
      %broadcast_in_dim3A_1374 = arith.constant 71 : i32
      %broadcast_in_dim3A_1375 = vector.broadcast %broadcast_in_dim3A_1374 : i32 to vector<16xi32>
      %gather3A_1376 = tpu.vector_load_idx %arg11[%broadcast_in_dim3A_1375] : memref<80xf32, #tpu.memory_space<vmem>>[vector<16xi32>], vector<16xf32>,
      %gather3A_1377 = tpu.vector_load_idx %arg10[%broadcast_in_dim3A_1375] : memref<80xf32, #tpu.memory_space<vmem>>[vector<16xi32>], vector<16xf32>,
      %get3A_1378 = arith.constant 71 : i32
      %get3A_1379 = arith.index_cast %get3A_1378 : i32 to index
      %get3A_1380 = arith.constant 0 : index
      %get3A_1381 = tpu.vector_load %arg12[%get3A_1379, %get3A_1380] {strides = array<i32>} : memref<80x16xf32, #tpu.memory_space<vmem>>, vector<16xf32>,
      %mul3A_1382 = arith.mulf %gather3A_1376, %get3A_1381 : vector<16xf32>
      %swap3A_1383 = arith.constant 71 : i32
      %swap3A_1384 = arith.index_cast %swap3A_1383 : i32 to index
      %swap3A_1385 = arith.constant 0 : index
      %swap3A_1386 = tpu.vector_load %arg13[%swap3A_1384, %swap3A_1385] {strides = array<i32>} : memref<80x32xf32, #tpu.memory_space<vmem>>, vector<16xf32>,
      tpu.vector_store %arg13[%swap3A_1384, %swap3A_1385], %mul3A_1382 {strides = array<i32>} : memref<80x32xf32, #tpu.memory_space<vmem>>, vector<16xf32>,
      %mul3A_1387 = arith.mulf %gather3A_1377, %get3A_1381 : vector<16xf32>
      %swap3A_1388 = arith.constant 71 : i32
      %swap3A_1389 = arith.index_cast %swap3A_1388 : i32 to index
      %swap3A_1390 = arith.constant 16 : index
      %swap3A_1391 = tpu.vector_load %arg13[%swap3A_1389, %swap3A_1390] {strides = array<i32>} : memref<80x32xf32, #tpu.memory_space<vmem>>, vector<16xf32>,
      tpu.vector_store %arg13[%swap3A_1389, %swap3A_1390], %mul3A_1387 {strides = array<i32>} : memref<80x32xf32, #tpu.memory_space<vmem>>, vector<16xf32>,
      %broadcast_in_dim3A_1392 = arith.constant 72 : i32
      %broadcast_in_dim3A_1393 = vector.broadcast %broadcast_in_dim3A_1392 : i32 to vector<16xi32>
      %gather3A_1394 = tpu.vector_load_idx %arg11[%broadcast_in_dim3A_1393] : memref<80xf32, #tpu.memory_space<vmem>>[vector<16xi32>], vector<16xf32>,
      %gather3A_1395 = tpu.vector_load_idx %arg10[%broadcast_in_dim3A_1393] : memref<80xf32, #tpu.memory_space<vmem>>[vector<16xi32>], vector<16xf32>,
      %get3A_1396 = arith.constant 72 : i32
      %get3A_1397 = arith.index_cast %get3A_1396 : i32 to index
      %get3A_1398 = arith.constant 0 : index
      %get3A_1399 = tpu.vector_load %arg12[%get3A_1397, %get3A_1398] {strides = array<i32>} : memref<80x16xf32, #tpu.memory_space<vmem>>, vector<16xf32>,
      %mul3A_1400 = arith.mulf %gather3A_1394, %get3A_1399 : vector<16xf32>
      %swap3A_1401 = arith.constant 72 : i32
      %swap3A_1402 = arith.index_cast %swap3A_1401 : i32 to index
      %swap3A_1403 = arith.constant 0 : index
      %swap3A_1404 = tpu.vector_load %arg13[%swap3A_1402, %swap3A_1403] {strides = array<i32>} : memref<80x32xf32, #tpu.memory_space<vmem>>, vector<16xf32>,
      tpu.vector_store %arg13[%swap3A_1402, %swap3A_1403], %mul3A_1400 {strides = array<i32>} : memref<80x32xf32, #tpu.memory_space<vmem>>, vector<16xf32>,
      %mul3A_1405 = arith.mulf %gather3A_1395, %get3A_1399 : vector<16xf32>
      %swap3A_1406 = arith.constant 72 : i32
      %swap3A_1407 = arith.index_cast %swap3A_1406 : i32 to index
      %swap3A_1408 = arith.constant 16 : index
      %swap3A_1409 = tpu.vector_load %arg13[%swap3A_1407, %swap3A_1408] {strides = array<i32>} : memref<80x32xf32, #tpu.memory_space<vmem>>, vector<16xf32>,
      tpu.vector_store %arg13[%swap3A_1407, %swap3A_1408], %mul3A_1405 {strides = array<i32>} : memref<80x32xf32, #tpu.memory_space<vmem>>, vector<16xf32>,
      %broadcast_in_dim3A_1410 = arith.constant 73 : i32
      %broadcast_in_dim3A_1411 = vector.broadcast %broadcast_in_dim3A_1410 : i32 to vector<16xi32>
      %gather3A_1412 = tpu.vector_load_idx %arg11[%broadcast_in_dim3A_1411] : memref<80xf32, #tpu.memory_space<vmem>>[vector<16xi32>], vector<16xf32>,
      %gather3A_1413 = tpu.vector_load_idx %arg10[%broadcast_in_dim3A_1411] : memref<80xf32, #tpu.memory_space<vmem>>[vector<16xi32>], vector<16xf32>,
      %get3A_1414 = arith.constant 73 : i32
      %get3A_1415 = arith.index_cast %get3A_1414 : i32 to index
      %get3A_1416 = arith.constant 0 : index
      %get3A_1417 = tpu.vector_load %arg12[%get3A_1415, %get3A_1416] {strides = array<i32>} : memref<80x16xf32, #tpu.memory_space<vmem>>, vector<16xf32>,
      %mul3A_1418 = arith.mulf %gather3A_1412, %get3A_1417 : vector<16xf32>
      %swap3A_1419 = arith.constant 73 : i32
      %swap3A_1420 = arith.index_cast %swap3A_1419 : i32 to index
      %swap3A_1421 = arith.constant 0 : index
      %swap3A_1422 = tpu.vector_load %arg13[%swap3A_1420, %swap3A_1421] {strides = array<i32>} : memref<80x32xf32, #tpu.memory_space<vmem>>, vector<16xf32>,
      tpu.vector_store %arg13[%swap3A_1420, %swap3A_1421], %mul3A_1418 {strides = array<i32>} : memref<80x32xf32, #tpu.memory_space<vmem>>, vector<16xf32>,
      %mul3A_1423 = arith.mulf %gather3A_1413, %get3A_1417 : vector<16xf32>
      %swap3A_1424 = arith.constant 73 : i32
      %swap3A_1425 = arith.index_cast %swap3A_1424 : i32 to index
      %swap3A_1426 = arith.constant 16 : index
      %swap3A_1427 = tpu.vector_load %arg13[%swap3A_1425, %swap3A_1426] {strides = array<i32>} : memref<80x32xf32, #tpu.memory_space<vmem>>, vector<16xf32>,
      tpu.vector_store %arg13[%swap3A_1425, %swap3A_1426], %mul3A_1423 {strides = array<i32>} : memref<80x32xf32, #tpu.memory_space<vmem>>, vector<16xf32>,
      %broadcast_in_dim3A_1428 = arith.constant 74 : i32
      %broadcast_in_dim3A_1429 = vector.broadcast %broadcast_in_dim3A_1428 : i32 to vector<16xi32>
      %gather3A_1430 = tpu.vector_load_idx %arg11[%broadcast_in_dim3A_1429] : memref<80xf32, #tpu.memory_space<vmem>>[vector<16xi32>], vector<16xf32>,
      %gather3A_1431 = tpu.vector_load_idx %arg10[%broadcast_in_dim3A_1429] : memref<80xf32, #tpu.memory_space<vmem>>[vector<16xi32>], vector<16xf32>,
      %get3A_1432 = arith.constant 74 : i32
      %get3A_1433 = arith.index_cast %get3A_1432 : i32 to index
      %get3A_1434 = arith.constant 0 : index
      %get3A_1435 = tpu.vector_load %arg12[%get3A_1433, %get3A_1434] {strides = array<i32>} : memref<80x16xf32, #tpu.memory_space<vmem>>, vector<16xf32>,
      %mul3A_1436 = arith.mulf %gather3A_1430, %get3A_1435 : vector<16xf32>
      %swap3A_1437 = arith.constant 74 : i32
      %swap3A_1438 = arith.index_cast %swap3A_1437 : i32 to index
      %swap3A_1439 = arith.constant 0 : index
      %swap3A_1440 = tpu.vector_load %arg13[%swap3A_1438, %swap3A_1439] {strides = array<i32>} : memref<80x32xf32, #tpu.memory_space<vmem>>, vector<16xf32>,
      tpu.vector_store %arg13[%swap3A_1438, %swap3A_1439], %mul3A_1436 {strides = array<i32>} : memref<80x32xf32, #tpu.memory_space<vmem>>, vector<16xf32>,
      %mul3A_1441 = arith.mulf %gather3A_1431, %get3A_1435 : vector<16xf32>
      %swap3A_1442 = arith.constant 74 : i32
      %swap3A_1443 = arith.index_cast %swap3A_1442 : i32 to index
      %swap3A_1444 = arith.constant 16 : index
      %swap3A_1445 = tpu.vector_load %arg13[%swap3A_1443, %swap3A_1444] {strides = array<i32>} : memref<80x32xf32, #tpu.memory_space<vmem>>, vector<16xf32>,
      tpu.vector_store %arg13[%swap3A_1443, %swap3A_1444], %mul3A_1441 {strides = array<i32>} : memref<80x32xf32, #tpu.memory_space<vmem>>, vector<16xf32>,
      %broadcast_in_dim3A_1446 = arith.constant 75 : i32
      %broadcast_in_dim3A_1447 = vector.broadcast %broadcast_in_dim3A_1446 : i32 to vector<16xi32>
      %gather3A_1448 = tpu.vector_load_idx %arg11[%broadcast_in_dim3A_1447] : memref<80xf32, #tpu.memory_space<vmem>>[vector<16xi32>], vector<16xf32>,
      %gather3A_1449 = tpu.vector_load_idx %arg10[%broadcast_in_dim3A_1447] : memref<80xf32, #tpu.memory_space<vmem>>[vector<16xi32>], vector<16xf32>,
      %get3A_1450 = arith.constant 75 : i32
      %get3A_1451 = arith.index_cast %get3A_1450 : i32 to index
      %get3A_1452 = arith.constant 0 : index
      %get3A_1453 = tpu.vector_load %arg12[%get3A_1451, %get3A_1452] {strides = array<i32>} : memref<80x16xf32, #tpu.memory_space<vmem>>, vector<16xf32>,
      %mul3A_1454 = arith.mulf %gather3A_1448, %get3A_1453 : vector<16xf32>
      %swap3A_1455 = arith.constant 75 : i32
      %swap3A_1456 = arith.index_cast %swap3A_1455 : i32 to index
      %swap3A_1457 = arith.constant 0 : index
      %swap3A_1458 = tpu.vector_load %arg13[%swap3A_1456, %swap3A_1457] {strides = array<i32>} : memref<80x32xf32, #tpu.memory_space<vmem>>, vector<16xf32>,
      tpu.vector_store %arg13[%swap3A_1456, %swap3A_1457], %mul3A_1454 {strides = array<i32>} : memref<80x32xf32, #tpu.memory_space<vmem>>, vector<16xf32>,
      %mul3A_1459 = arith.mulf %gather3A_1449, %get3A_1453 : vector<16xf32>
      %swap3A_1460 = arith.constant 75 : i32
      %swap3A_1461 = arith.index_cast %swap3A_1460 : i32 to index
      %swap3A_1462 = arith.constant 16 : index
      %swap3A_1463 = tpu.vector_load %arg13[%swap3A_1461, %swap3A_1462] {strides = array<i32>} : memref<80x32xf32, #tpu.memory_space<vmem>>, vector<16xf32>,
      tpu.vector_store %arg13[%swap3A_1461, %swap3A_1462], %mul3A_1459 {strides = array<i32>} : memref<80x32xf32, #tpu.memory_space<vmem>>, vector<16xf32>,
      %broadcast_in_dim3A_1464 = arith.constant 76 : i32
      %broadcast_in_dim3A_1465 = vector.broadcast %broadcast_in_dim3A_1464 : i32 to vector<16xi32>
      %gather3A_1466 = tpu.vector_load_idx %arg11[%broadcast_in_dim3A_1465] : memref<80xf32, #tpu.memory_space<vmem>>[vector<16xi32>], vector<16xf32>,
      %gather3A_1467 = tpu.vector_load_idx %arg10[%broadcast_in_dim3A_1465] : memref<80xf32, #tpu.memory_space<vmem>>[vector<16xi32>], vector<16xf32>,
      %get3A_1468 = arith.constant 76 : i32
      %get3A_1469 = arith.index_cast %get3A_1468 : i32 to index
      %get3A_1470 = arith.constant 0 : index
      %get3A_1471 = tpu.vector_load %arg12[%get3A_1469, %get3A_1470] {strides = array<i32>} : memref<80x16xf32, #tpu.memory_space<vmem>>, vector<16xf32>,
      %mul3A_1472 = arith.mulf %gather3A_1466, %get3A_1471 : vector<16xf32>
      %swap3A_1473 = arith.constant 76 : i32
      %swap3A_1474 = arith.index_cast %swap3A_1473 : i32 to index
      %swap3A_1475 = arith.constant 0 : index
      %swap3A_1476 = tpu.vector_load %arg13[%swap3A_1474, %swap3A_1475] {strides = array<i32>} : memref<80x32xf32, #tpu.memory_space<vmem>>, vector<16xf32>,
      tpu.vector_store %arg13[%swap3A_1474, %swap3A_1475], %mul3A_1472 {strides = array<i32>} : memref<80x32xf32, #tpu.memory_space<vmem>>, vector<16xf32>,
      %mul3A_1477 = arith.mulf %gather3A_1467, %get3A_1471 : vector<16xf32>
      %swap3A_1478 = arith.constant 76 : i32
      %swap3A_1479 = arith.index_cast %swap3A_1478 : i32 to index
      %swap3A_1480 = arith.constant 16 : index
      %swap3A_1481 = tpu.vector_load %arg13[%swap3A_1479, %swap3A_1480] {strides = array<i32>} : memref<80x32xf32, #tpu.memory_space<vmem>>, vector<16xf32>,
      tpu.vector_store %arg13[%swap3A_1479, %swap3A_1480], %mul3A_1477 {strides = array<i32>} : memref<80x32xf32, #tpu.memory_space<vmem>>, vector<16xf32>,
      %broadcast_in_dim3A_1482 = arith.constant 77 : i32
      %broadcast_in_dim3A_1483 = vector.broadcast %broadcast_in_dim3A_1482 : i32 to vector<16xi32>
      %gather3A_1484 = tpu.vector_load_idx %arg11[%broadcast_in_dim3A_1483] : memref<80xf32, #tpu.memory_space<vmem>>[vector<16xi32>], vector<16xf32>,
      %gather3A_1485 = tpu.vector_load_idx %arg10[%broadcast_in_dim3A_1483] : memref<80xf32, #tpu.memory_space<vmem>>[vector<16xi32>], vector<16xf32>,
      %get3A_1486 = arith.constant 77 : i32
      %get3A_1487 = arith.index_cast %get3A_1486 : i32 to index
      %get3A_1488 = arith.constant 0 : index
      %get3A_1489 = tpu.vector_load %arg12[%get3A_1487, %get3A_1488] {strides = array<i32>} : memref<80x16xf32, #tpu.memory_space<vmem>>, vector<16xf32>,
      %mul3A_1490 = arith.mulf %gather3A_1484, %get3A_1489 : vector<16xf32>
      %swap3A_1491 = arith.constant 77 : i32
      %swap3A_1492 = arith.index_cast %swap3A_1491 : i32 to index
      %swap3A_1493 = arith.constant 0 : index
      %swap3A_1494 = tpu.vector_load %arg13[%swap3A_1492, %swap3A_1493] {strides = array<i32>} : memref<80x32xf32, #tpu.memory_space<vmem>>, vector<16xf32>,
      tpu.vector_store %arg13[%swap3A_1492, %swap3A_1493], %mul3A_1490 {strides = array<i32>} : memref<80x32xf32, #tpu.memory_space<vmem>>, vector<16xf32>,
      %mul3A_1495 = arith.mulf %gather3A_1485, %get3A_1489 : vector<16xf32>
      %swap3A_1496 = arith.constant 77 : i32
      %swap3A_1497 = arith.index_cast %swap3A_1496 : i32 to index
      %swap3A_1498 = arith.constant 16 : index
      %swap3A_1499 = tpu.vector_load %arg13[%swap3A_1497, %swap3A_1498] {strides = array<i32>} : memref<80x32xf32, #tpu.memory_space<vmem>>, vector<16xf32>,
      tpu.vector_store %arg13[%swap3A_1497, %swap3A_1498], %mul3A_1495 {strides = array<i32>} : memref<80x32xf32, #tpu.memory_space<vmem>>, vector<16xf32>,
      %broadcast_in_dim3A_1500 = arith.constant 78 : i32
      %broadcast_in_dim3A_1501 = vector.broadcast %broadcast_in_dim3A_1500 : i32 to vector<16xi32>
      %gather3A_1502 = tpu.vector_load_idx %arg11[%broadcast_in_dim3A_1501] : memref<80xf32, #tpu.memory_space<vmem>>[vector<16xi32>], vector<16xf32>,
      %gather3A_1503 = tpu.vector_load_idx %arg10[%broadcast_in_dim3A_1501] : memref<80xf32, #tpu.memory_space<vmem>>[vector<16xi32>], vector<16xf32>,
      %get3A_1504 = arith.constant 78 : i32
      %get3A_1505 = arith.index_cast %get3A_1504 : i32 to index
      %get3A_1506 = arith.constant 0 : index
      %get3A_1507 = tpu.vector_load %arg12[%get3A_1505, %get3A_1506] {strides = array<i32>} : memref<80x16xf32, #tpu.memory_space<vmem>>, vector<16xf32>,
      %mul3A_1508 = arith.mulf %gather3A_1502, %get3A_1507 : vector<16xf32>
      %swap3A_1509 = arith.constant 78 : i32
      %swap3A_1510 = arith.index_cast %swap3A_1509 : i32 to index
      %swap3A_1511 = arith.constant 0 : index
      %swap3A_1512 = tpu.vector_load %arg13[%swap3A_1510, %swap3A_1511] {strides = array<i32>} : memref<80x32xf32, #tpu.memory_space<vmem>>, vector<16xf32>,
      tpu.vector_store %arg13[%swap3A_1510, %swap3A_1511], %mul3A_1508 {strides = array<i32>} : memref<80x32xf32, #tpu.memory_space<vmem>>, vector<16xf32>,
      %mul3A_1513 = arith.mulf %gather3A_1503, %get3A_1507 : vector<16xf32>
      %swap3A_1514 = arith.constant 78 : i32
      %swap3A_1515 = arith.index_cast %swap3A_1514 : i32 to index
      %swap3A_1516 = arith.constant 16 : index
      %swap3A_1517 = tpu.vector_load %arg13[%swap3A_1515, %swap3A_1516] {strides = array<i32>} : memref<80x32xf32, #tpu.memory_space<vmem>>, vector<16xf32>,
      tpu.vector_store %arg13[%swap3A_1515, %swap3A_1516], %mul3A_1513 {strides = array<i32>} : memref<80x32xf32, #tpu.memory_space<vmem>>, vector<16xf32>,
      %broadcast_in_dim3A_1518 = arith.constant 79 : i32
      %broadcast_in_dim3A_1519 = vector.broadcast %broadcast_in_dim3A_1518 : i32 to vector<16xi32>
      %gather3A_1520 = tpu.vector_load_idx %arg11[%broadcast_in_dim3A_1519] : memref<80xf32, #tpu.memory_space<vmem>>[vector<16xi32>], vector<16xf32>,
      %gather3A_1521 = tpu.vector_load_idx %arg10[%broadcast_in_dim3A_1519] : memref<80xf32, #tpu.memory_space<vmem>>[vector<16xi32>], vector<16xf32>,
      %get3A_1522 = arith.constant 79 : i32
      %get3A_1523 = arith.index_cast %get3A_1522 : i32 to index
      %get3A_1524 = arith.constant 0 : index
      %get3A_1525 = tpu.vector_load %arg12[%get3A_1523, %get3A_1524] {strides = array<i32>} : memref<80x16xf32, #tpu.memory_space<vmem>>, vector<16xf32>,
      %mul3A_1526 = arith.mulf %gather3A_1520, %get3A_1525 : vector<16xf32>
      %swap3A_1527 = arith.constant 79 : i32
      %swap3A_1528 = arith.index_cast %swap3A_1527 : i32 to index
      %swap3A_1529 = arith.constant 0 : index
      %swap3A_1530 = tpu.vector_load %arg13[%swap3A_1528, %swap3A_1529] {strides = array<i32>} : memref<80x32xf32, #tpu.memory_space<vmem>>, vector<16xf32>,
      tpu.vector_store %arg13[%swap3A_1528, %swap3A_1529], %mul3A_1526 {strides = array<i32>} : memref<80x32xf32, #tpu.memory_space<vmem>>, vector<16xf32>,
      %mul3A_1531 = arith.mulf %gather3A_1521, %get3A_1525 : vector<16xf32>
      %swap3A_1532 = arith.constant 79 : i32
      %swap3A_1533 = arith.index_cast %swap3A_1532 : i32 to index
      %swap3A_1534 = arith.constant 16 : index
      %swap3A_1535 = tpu.vector_load %arg13[%swap3A_1533, %swap3A_1534] {strides = array<i32>} : memref<80x32xf32, #tpu.memory_space<vmem>>, vector<16xf32>,
      tpu.vector_store %arg13[%swap3A_1533, %swap3A_1534], %mul3A_1531 {strides = array<i32>} : memref<80x32xf32, #tpu.memory_space<vmem>>, vector<16xf32>,
      "tpu.region"() ({
        %run_scoped3A = tpu.sem_alloc : memref<!tpu.dma_semaphore, #tpu.memory_space<semaphore_mem>>
        %dma_start3A_1536 = arith.constant 0 : i32
        %dma_start3A_1537 = arith.constant 0 : i32
        %dma_start3A_1538 = tpu.memref_slice %arg15[%dma_start3A_1536, %dma_start3A_1537] : memref<50176x32xf32, #tpu.memory_space<vmem_shared>> -> memref<50176x32xf32, #tpu.memory_space<vmem_shared>>
        tpu.enqueue_indirect_dma source(%arg13 : memref<80x32xf32, #tpu.memory_space<vmem>>) target(%dma_start3A_1538 : memref<50176x32xf32, #tpu.memory_space<vmem_shared>>) offsets(%arg9 : memref<80xi32, #tpu.memory_space<vmem>>) semaphore(%run_scoped3A : memref<!tpu.dma_semaphore, #tpu.memory_space<semaphore_mem>>) {add = true}
        %dma_wait3A_1539 = arith.constant 0 : i32
        %dma_wait3A_1540 = arith.constant 0 : i32
        %dma_wait3A_1541 = tpu.memref_slice %arg15[%dma_wait3A_1539, %dma_wait3A_1540] : memref<50176x32xf32, #tpu.memory_space<vmem_shared>> -> memref<50176x32xf32, #tpu.memory_space<vmem_shared>>
        tpu.wait_indirect_dma semaphore(%run_scoped3A : memref<!tpu.dma_semaphore, #tpu.memory_space<semaphore_mem>>) src(%arg13 : memref<80x32xf32, #tpu.memory_space<vmem>>) dst(%dma_wait3A_1541 : memref<50176x32xf32, #tpu.memory_space<vmem_shared>>)
        tpu.yield
      }) : () -> ()
    }
    %scan3A_50 = arith.constant 625 : i32
    %barrier3A_51 = arith.constant 0 : index
    tpu.barrier barrier_id(%barrier3A_51)
    %scan3A_52 = arith.constant 0 : i32
    %scan3A_53 = arith.constant 0 : i32
    %scan3A_54 = arith.constant 8 : i32
    %scan3A_55 = arith.addi %scan3A_53, %scan3A_54 : i32
    %scan3A_56 = arith.constant 1 : i32
    scf.for %scan3A_59 = %scan3A_53 to %scan3A_55 step %scan3A_56  : i32 {
      %mul3A_60 = arith.constant 392 : i32
      %mul3A_61 = arith.muli %scan3A_59, %mul3A_60 : i32
      %add3A_62 = arith.addi %mul3A_0, %mul3A_61 : i32
      "tpu.region"() ({
        %run_scoped3A = tpu.sem_alloc : memref<!tpu.dma_semaphore, #tpu.memory_space<semaphore_mem>>
        %dma_start3A = arith.constant 0 : i32
        %dma_start3A_63 = tpu.memref_slice %arg7[%add3A_35, %add3A_62, %dma_start3A] : memref<4x50176x32xf32, #tpu.memory_space<hbm>> -> memref<1x392x32xf32, #tpu.memory_space<hbm>>
        %dma_start3A_64 = tpu.memref_squeeze %dma_start3A_63 : memref<1x392x32xf32, #tpu.memory_space<hbm>> -> memref<392x32xf32, #tpu.memory_space<hbm>>
        %dma_start3A_65 = arith.constant 0 : i32
        %dma_start3A_66 = tpu.memref_slice %arg15[%add3A_62, %dma_start3A_65] : memref<50176x32xf32, #tpu.memory_space<vmem_shared>> -> memref<392x32xf32, #tpu.memory_space<vmem_shared>>
        tpu.enqueue_dma source(%dma_start3A_66 : memref<392x32xf32, #tpu.memory_space<vmem_shared>>) target(%dma_start3A_64 : memref<392x32xf32, #tpu.memory_space<hbm>>) target_semaphore(%run_scoped3A : memref<!tpu.dma_semaphore, #tpu.memory_space<semaphore_mem>>)
        %dma_wait3A = arith.constant 0 : i32
        %dma_wait3A_67 = tpu.memref_slice %arg7[%add3A_35, %add3A_62, %dma_wait3A] : memref<4x50176x32xf32, #tpu.memory_space<hbm>> -> memref<1x392x32xf32, #tpu.memory_space<hbm>>
        %dma_wait3A_68 = tpu.memref_squeeze %dma_wait3A_67 : memref<1x392x32xf32, #tpu.memory_space<hbm>> -> memref<392x32xf32, #tpu.memory_space<hbm>>
        %dma_wait3A_69 = arith.constant 0 : i32
        %dma_wait3A_70 = tpu.memref_slice %arg15[%add3A_62, %dma_wait3A_69] : memref<50176x32xf32, #tpu.memory_space<vmem_shared>> -> memref<392x32xf32, #tpu.memory_space<vmem_shared>>
        tpu.wait_dma2 semaphore(%run_scoped3A : memref<!tpu.dma_semaphore, #tpu.memory_space<semaphore_mem>>) src(%dma_wait3A_70 : memref<392x32xf32, #tpu.memory_space<vmem_shared>>) dst(%dma_wait3A_68 : memref<392x32xf32, #tpu.memory_space<hbm>>)
        tpu.yield
      }) : () -> ()
    }
    %scan3A_57 = arith.constant 8 : i32
    %barrier3A_58 = arith.constant 0 : index
    tpu.barrier barrier_id(%barrier3A_58)
    return
  }
}

module attributes {stable_mosaic.version = 14 : i64} {
  func.func @_combine_kernel(%arg0: i32, %arg1: memref<4x400x32xf32, #tpu.memory_space<vmem>>, %arg2: memref<400x64xf32, #tpu.memory_space<vmem>>, %arg3: memref<64x64xf32, #tpu.memory_space<vmem>>, %arg4: memref<64x64xf32, #tpu.memory_space<vmem>>, %arg5: memref<400x64xf32, #tpu.memory_space<vmem>>) attributes {dimension_semantics = [#tpu.dimension_semantics<arbitrary>], iteration_bounds = array<i64: 125>, scalar_prefetch = 0 : i64, scratch_operands = 0 : i64, tpu.core_type = #tpu.core_type<tc>, window_params = [{transform_indices = @transform_0, window_bounds = array<i64: 4, 400, 32>}, {transform_indices = @transform_1, window_bounds = array<i64: 400, 64>}, {pipeline_mode = #tpu.pipeline_mode<synchronous>, transform_indices = @transform_2, window_bounds = array<i64: 64, 64>}, {pipeline_mode = #tpu.pipeline_mode<synchronous>, transform_indices = @transform_3, window_bounds = array<i64: 64, 64>}, {transform_indices = @transform_4, window_bounds = array<i64: 400, 64>}]} {
    %get3A = arith.constant 0 : index
    %get3A_0 = arith.constant 0 : index
    %get3A_1 = arith.constant 0 : index
    %get3A_2 = vector.load %arg1[%get3A, %get3A_0, %get3A_1] : memref<4x400x32xf32, #tpu.memory_space<vmem>>, vector<4x400x32xf32>
    %slice3A = vector.extract_strided_slice %get3A_2 {offsets = [0, 0, 0], sizes = [1, 400, 16], strides = [1, 1, 1]} : vector<4x400x32xf32> to vector<1x400x16xf32>
    %squeeze3A = vector.shape_cast %slice3A : vector<1x400x16xf32> to vector<400x16xf32>
    %slice3A_3 = vector.extract_strided_slice %get3A_2 {offsets = [1, 0, 0], sizes = [1, 400, 16], strides = [1, 1, 1]} : vector<4x400x32xf32> to vector<1x400x16xf32>
    %squeeze3A_4 = vector.shape_cast %slice3A_3 : vector<1x400x16xf32> to vector<400x16xf32>
    %slice3A_5 = vector.extract_strided_slice %get3A_2 {offsets = [2, 0, 0], sizes = [1, 400, 16], strides = [1, 1, 1]} : vector<4x400x32xf32> to vector<1x400x16xf32>
    %squeeze3A_6 = vector.shape_cast %slice3A_5 : vector<1x400x16xf32> to vector<400x16xf32>
    %slice3A_7 = vector.extract_strided_slice %get3A_2 {offsets = [3, 0, 0], sizes = [1, 400, 16], strides = [1, 1, 1]} : vector<4x400x32xf32> to vector<1x400x16xf32>
    %squeeze3A_8 = vector.shape_cast %slice3A_7 : vector<1x400x16xf32> to vector<400x16xf32>
    %concatenate3A = tpu.concatenate %squeeze3A, %squeeze3A_4, %squeeze3A_6, %squeeze3A_8 in 1 : vector<400x16xf32>, vector<400x16xf32>, vector<400x16xf32>, vector<400x16xf32> -> vector<400x64xf32>
    %slice3A_9 = vector.extract_strided_slice %get3A_2 {offsets = [0, 0, 16], sizes = [1, 400, 16], strides = [1, 1, 1]} : vector<4x400x32xf32> to vector<1x400x16xf32>
    %squeeze3A_10 = vector.shape_cast %slice3A_9 : vector<1x400x16xf32> to vector<400x16xf32>
    %slice3A_11 = vector.extract_strided_slice %get3A_2 {offsets = [1, 0, 16], sizes = [1, 400, 16], strides = [1, 1, 1]} : vector<4x400x32xf32> to vector<1x400x16xf32>
    %squeeze3A_12 = vector.shape_cast %slice3A_11 : vector<1x400x16xf32> to vector<400x16xf32>
    %slice3A_13 = vector.extract_strided_slice %get3A_2 {offsets = [2, 0, 16], sizes = [1, 400, 16], strides = [1, 1, 1]} : vector<4x400x32xf32> to vector<1x400x16xf32>
    %squeeze3A_14 = vector.shape_cast %slice3A_13 : vector<1x400x16xf32> to vector<400x16xf32>
    %slice3A_15 = vector.extract_strided_slice %get3A_2 {offsets = [3, 0, 16], sizes = [1, 400, 16], strides = [1, 1, 1]} : vector<4x400x32xf32> to vector<1x400x16xf32>
    %squeeze3A_16 = vector.shape_cast %slice3A_15 : vector<1x400x16xf32> to vector<400x16xf32>
    %concatenate3A_17 = tpu.concatenate %squeeze3A_10, %squeeze3A_12, %squeeze3A_14, %squeeze3A_16 in 1 : vector<400x16xf32>, vector<400x16xf32>, vector<400x16xf32>, vector<400x16xf32> -> vector<400x64xf32>
    %get3A_18 = arith.constant 0 : index
    %get3A_19 = arith.constant 0 : index
    %get3A_20 = vector.load %arg3[%get3A_18, %get3A_19] : memref<64x64xf32, #tpu.memory_space<vmem>>, vector<64x64xf32>
    %dot_general3A = arith.constant dense<0.000000e+00> : vector<400x64xf32>
    %dot_general3A_21 = tpu.matmul %concatenate3A, %get3A_20, %dot_general3A {dimension_numbers = #tpu.dot_dimension_numbers<[1], [0], [0], [1], [0, 0, 1, 1], [], []>, transpose_lhs_hint = false} : vector<400x64xf32>, vector<64x64xf32>, vector<400x64xf32> -> vector<400x64xf32>
    %get3A_22 = arith.constant 0 : index
    %get3A_23 = arith.constant 0 : index
    %get3A_24 = vector.load %arg2[%get3A_22, %get3A_23] : memref<400x64xf32, #tpu.memory_space<vmem>>, vector<400x64xf32>
    %mul3A = arith.mulf %concatenate3A_17, %get3A_24 : vector<400x64xf32>
    %get3A_25 = arith.constant 0 : index
    %get3A_26 = arith.constant 0 : index
    %get3A_27 = vector.load %arg4[%get3A_25, %get3A_26] : memref<64x64xf32, #tpu.memory_space<vmem>>, vector<64x64xf32>
    %dot_general3A_28 = arith.constant dense<0.000000e+00> : vector<400x64xf32>
    %dot_general3A_29 = tpu.matmul %mul3A, %get3A_27, %dot_general3A_28 {dimension_numbers = #tpu.dot_dimension_numbers<[1], [0], [0], [1], [0, 0, 1, 1], [], []>, transpose_lhs_hint = false} : vector<400x64xf32>, vector<64x64xf32>, vector<400x64xf32> -> vector<400x64xf32>
    %add3A = arith.addf %dot_general3A_21, %dot_general3A_29 : vector<400x64xf32>
    %ge3A = arith.constant 0.000000e+00 : f32
    %ge3A_30 = vector.broadcast %ge3A : f32 to vector<400x64xf32>
    %ge3A_31 = arith.cmpf oge, %add3A, %ge3A_30 : vector<400x64xf32>
    %mul3A_32 = arith.constant 2.000000e-01 : f32
    %mul3A_33 = vector.broadcast %mul3A_32 : f32 to vector<400x64xf32>
    %mul3A_34 = arith.mulf %mul3A_33, %add3A : vector<400x64xf32>
    %select_n3A = arith.select %ge3A_31, %add3A, %mul3A_34 : vector<400x64xi1>, vector<400x64xf32>
    %swap3A = arith.constant 0 : index
    %swap3A_35 = arith.constant 0 : index
    %swap3A_36 = vector.load %arg5[%swap3A, %swap3A_35] : memref<400x64xf32, #tpu.memory_space<vmem>>, vector<400x64xf32>
    tpu.vector_store %arg5[%swap3A, %swap3A_35], %select_n3A {strides = array<i32>} : memref<400x64xf32, #tpu.memory_space<vmem>>, vector<400x64xf32>,
    return
  }
  func.func @transform_0(%arg0: i32) -> (i32, i32, i32) {
    %c0_i32 = arith.constant 0 : i32
    %c0_i32_0 = arith.constant 0 : i32
    %c0_i32_1 = arith.constant 0 : i32
    return %c0_i32, %arg0, %c0_i32_0 : i32, i32, i32
  }
  func.func @transform_1(%arg0: i32) -> (i32, i32) {
    %c0_i32 = arith.constant 0 : i32
    %c0_i32_0 = arith.constant 0 : i32
    return %arg0, %c0_i32 : i32, i32
  }
  func.func @transform_2(%arg0: i32) -> (i32, i32) {
    %c0_i32 = arith.constant 0 : i32
    %c0_i32_0 = arith.constant 0 : i32
    %c0_i32_1 = arith.constant 0 : i32
    return %c0_i32, %c0_i32_0 : i32, i32
  }
  func.func @transform_3(%arg0: i32) -> (i32, i32) {
    %c0_i32 = arith.constant 0 : i32
    %c0_i32_0 = arith.constant 0 : i32
    %c0_i32_1 = arith.constant 0 : i32
    return %c0_i32, %c0_i32_0 : i32, i32
  }
  func.func @transform_4(%arg0: i32) -> (i32, i32) {
    %c0_i32 = arith.constant 0 : i32
    %c0_i32_0 = arith.constant 0 : i32
    return %arg0, %c0_i32 : i32, i32
  }
}

</mosaic_0001>

<sc_bundles>
// kernel: kernel.4.cloned.1.call-start
scs
__scs_entry_jumppad:
0x0: {  	(pc) =	sbr.rel $0x88, $3  }
0x1: {  	(tag) =	ssettag $0x0;
	lr =	simm.s32 $0x1  }
0x2: {  	[smem:$0x3F9A] =	sst lr;
	_ =	strace $0xD0000000  }
0x3: {  	_ = 	snop  }
0x4: {  	_ = 	snop  }
0x5: {  	_ = 	snop  }
0x6: {  	_ = 	snop  }
0x7: {  	_ = 	snop  }
__scs_overlays_trampoline_lowered:
0x8: {  	[smem:$0x3FA9] =	sst s0  }
0x9: {  	[smem:$0x3FAA] =	sst s1  }
0xa: {  	[smem:$0x3FAB] =	sst s2  }
0xb: {  	[smem:$0x3FAC] =	sst s3  }
0xc: {  	[smem:$0x3FAD] =	sst s4  }
0xd: {  	[smem:$0x3FAE] =	sst s5  }
0xe: {  	[smem:$0x3FAF] =	sst s6  }
0xf: {  	[smem:$0x3FB0] =	sst s7  }
0x10: {  	[smem:$0x3FB1] =	sst s8  }
0x11: {  	[smem:$0x3FB2] =	sst s9;
	s0 =	simm.s32 @!p0 $0x0  }
0x12: {  	s1 =	sld [smem:$0x3F98];
	s0 =	simm.s32 @p0 $0x1  }
0x13: {  	[smem:$0x3FB3] =	sst s0;
	s0 =	simm.s32 @!p1 $0x0  }
0x14: {  	s2 =	sld [smem:$0x3F97];
	s0 =	simm.s32 @p1 $0x1  }
0x15: {  	[smem:$0x3FB4] =	sst s0;
	s0 =	simm.s32 @!p2 $0x0  }
0x16: {  	s3 =	sld [smem:$0x3FDB];
	s0 =	simm.s32 @p2 $0x1  }
0x17: {  	s4 =	simm.s32 $0x1BF5;
	[smem:$0x3FB6] =	sst s0  }
0x18: {  	s0 =	sld [smem:$0x3F99];
	_ =	swait.ge [sflag:s4], $0x0  }
0x19: {  	s7 =	sld [smem:$0x3F9A]  }
0x1a: {  	s8 =	sadd.s32 $0xFFFFE003, lr  }
0x1b: {  	s9 =	sadd.s32 $0xFFFFFEF7, lr;
	s5 =	simm.s32 $0xFFFFFFFF;
	p2 =	slt.u32 s8, $0xFFFFF086  }
0x1c: {  	p1 =	slt.u32 s9, $0xF7A;
	s5 =	simm.s32 @!p2 $0x0  }
0x1d: {  	s5 =	simm.s32 @p1 $0x1;
	p0 =	seq.s32 s7, s2  }
0x1e: {  	s7 =	smul.u32 @!p0 $0xF7A, s2;
	p2 =	seq.s32 @!p0 s5, $0x0  }
0x1f: {  	s9 =	smul.u32 $0xF7A, s1;
	s8 =	simm.s32 @!p0 $0x1BF5;
	p2 =	por !p2, p0  }
0x20: {  	[sflag:s8] =	ssyncset.s32 @!p0 $0xFFFFF086;
	s6 =	sadd.s32 @!p0 s3, s7;
	s7 =	simm.s32 @!p0 $0x108  }
0x21: {  	s3 =	sadd.s32 s3, s9;
	s6 =	sadd.s32 @!p0 $0x88, s6;
	s7 =	simm.s32 @p2 $0x1082  }
0x22: {  	[simem:s7], [sflag:s8] =	dma.local @!p0 [hbm:s6], $0xF7A  }
0x23: {  	s9 =	sor.u32 $0xD0000000, s2;
	s6 =	simm.s32 $0x108;
	_ =	swait.ge @!p0 [sflag:s8], $0x0  }
0x24: {  	s3 =	sadd.s32 $0x88, s3;
	s6 =	simm.s32 @!p1 $0x1082;
	[sflag:s4] =	ssyncset.s32 $0xFFFFF086  }
0x25: {  	[simem:s6], [sflag:s4] =	dma.local [hbm:s3], $0xF7A  }
0x26: {  	[smem:$0x3F9A] =	sst s1;
	(tag) =	ssettag s2;
	_ =	strace s9  }
0x27: {  	s1 =	sld [smem:$0x3FAA]  }
0x28: {  	s2 =	sld [smem:$0x3FAB]  }
0x29: {  	s4 =	sld [smem:$0x3FAD]  }
0x2a: {  	p0 =	seq.s32 s5, $0x0;
	s5 =	sld [smem:$0x3FAE]  }
0x2b: {  	s6 =	sld [smem:$0x3FAF]  }
0x2c: {  	s7 =	sld [smem:$0x3FB0]  }
0x2d: {  	s3 =	simm.s32 $0x108;
	s8 =	sld [smem:$0x3FB1]  }
0x2e: {  	s3 =	simm.s32 @!p0 $0x1082;
	s9 =	sld [smem:$0x3FB2]  }
0x2f: {  	lr =	sadd.s32 s0, s3;
	s0 =	sld [smem:$0x3FA9]  }
0x30: {  	s3 =	sld [smem:$0x3FAC]  }
0x31: {  	[smem:$0x3FB5] =	sst s10  }
0x32: {  	s10 =	sld [smem:$0x3FB3];
	_ =	sdelay $0x3  }
0x33: {  	p0 =	seq.s32 s10, $0x1;
	s10 =	sld [smem:$0x3FB5];
	_ =	sdelay $0x3  }
0x34: {  	[smem:$0x3FB5] =	sst s10  }
0x35: {  	s10 =	sld [smem:$0x3FB4];
	_ =	sdelay $0x3  }
0x36: {  	p1 =	seq.s32 s10, $0x1;
	s10 =	sld [smem:$0x3FB5];
	_ =	sdelay $0x3  }
0x37: {  	[smem:$0x3FB5] =	sst s10  }
0x38: {  	s10 =	sld [smem:$0x3FB6]  }
0x39: {  	_ = 	snop;
	(pc) =	sbr.ind lr, $3  }
0x3a: {  	_ = 	snop  }
0x3b: {  	_ = 	snop  }
0x3c: {  	p2 =	seq.s32 s10, $0x1;
	s10 =	sld [smem:$0x3FB5]  }
0x3d: {  	_ =	shalt  }
0x3e: {  	_ =	shalt  }
0x3f: {  	_ =	shalt  }
0x40: {  	_ =	shalt  }
0x41: {  	_ =	shalt  }
0x42: {  	_ =	shalt  }
0x43: {  	_ =	shalt  }
0x44: {  	_ =	shalt  }
0x45: {  	_ =	shalt  }
0x46: {  	_ =	shalt  }
0x47: {  	_ =	shalt  }
0x48: {  	_ =	shalt  }
0x49: {  	_ =	shalt  }
0x4a: {  	_ =	shalt  }
0x4b: {  	_ =	shalt  }
0x4c: {  	_ =	shalt  }
0x4d: {  	_ =	shalt  }
0x4e: {  	_ =	shalt  }
0x4f: {  	_ =	shalt  }
0x50: {  	_ =	shalt  }
0x51: {  	_ =	shalt  }
0x52: {  	_ =	shalt  }
0x53: {  	_ =	shalt  }
0x54: {  	_ =	shalt  }
0x55: {  	_ =	shalt  }
0x56: {  	_ =	shalt  }
0x57: {  	_ =	shalt  }
0x58: {  	_ =	shalt  }
0x59: {  	_ =	shalt  }
0x5a: {  	_ =	shalt  }
0x5b: {  	_ =	shalt  }
0x5c: {  	_ =	shalt  }
0x5d: {  	_ =	shalt  }
0x5e: {  	_ =	shalt  }
0x5f: {  	_ =	shalt  }
0x60: {  	_ =	shalt  }
0x61: {  	_ =	shalt  }
0x62: {  	_ =	shalt  }
0x63: {  	_ =	shalt  }
0x64: {  	_ =	shalt  }
0x65: {  	_ =	shalt  }
0x66: {  	_ =	shalt  }
0x67: {  	_ =	shalt  }
0x68: {  	_ =	shalt  }
0x69: {  	_ =	shalt  }
0x6a: {  	_ =	shalt  }
0x6b: {  	_ =	shalt  }
0x6c: {  	_ =	shalt  }
0x6d: {  	_ =	shalt  }
0x6e: {  	_ =	shalt  }
0x6f: {  	_ =	shalt  }
0x70: {  	_ =	shalt  }
0x71: {  	_ =	shalt  }
0x72: {  	_ =	shalt  }
0x73: {  	_ =	shalt  }
0x74: {  	_ =	shalt  }
0x75: {  	_ =	shalt  }
0x76: {  	_ =	shalt  }
0x77: {  	_ =	shalt  }
0x78: {  	_ =	shalt  }
0x79: {  	_ =	shalt  }
0x7a: {  	_ =	shalt  }
0x7b: {  	_ =	shalt  }
0x7c: {  	_ =	shalt  }
0x7d: {  	_ =	shalt  }
0x7e: {  	_ =	shalt  }
0x7f: {  	_ =	shalt  }
0x80: {  	_ =	shalt  }
0x81: {  	_ =	shalt  }
0x82: {  	_ =	shalt  }
0x83: {  	_ =	shalt  }
0x84: {  	_ =	shalt  }
0x85: {  	_ =	shalt  }
0x86: {  	_ =	shalt  }
0x87: {  	_ =	shalt  }
.Lfunc_end0:
.L_simem_size_0:
called_computation_lowered:
.L_overlay_start_0:
0x88: {  	s2 =	sld [smem:$0x3FD9]  }
0x89: {  	s3 =	sld [smem:$0x3FFE];
	_ =	sdelay $0x1  }
0x8a: {  	s1 =	srdreg.scid  }
0x8b: {  	s0 =	sand.u32 $0x1, s1  }
0x8c: {  	s17 =	sshll.u32 s0, $0xA;
	s2 =	sadd.s32 s3, s2  }
0x8d: {  	s2 =	sadd.s32 s2, s17  }
0x8e: {  	[smem:$0x3FC1] =	sst s2  }
0x8f: {  	_ = 	snop  }
0x90: {  	s2 =	sld [smem:$0x3FC7]  }
0x91: {  	s18 =	sld [smem:$0x3FC6]  }
0x92: {  	s4 =	sld [smem:$0x3FD0];
	(tm) =	ssettm $0x1  }
0x93: {  	s5 =	sld [smem:$0x3FFB];
	_ =	sdelay $0x3  }
0x94: {  	_ =	strace s5  }
0x95: {  	s5 =	sld [smem:$0x3FFC];
	_ =	sdelay $0x3  }
0x96: {  	_ =	strace s5  }
0x97: {  	s5 =	sld [smem:$0x3FFD];
	_ =	sdelay $0x3  }
0x98: {  	_ =	strace s5  }
0x99: {  	_ =	strace $0x8FFFFFFF  }
0x9a: {  	s19 =	sld [smem:$0x3FDB];
	_ =	sdelay $0x1  }
0x9b: {  	s6 =	simm.s32 $_scs_section_size  }
0x9c: {  	s7 =	simm.s32 $_size__tile_overlayer_lowered;
	s8 =	simm.s32 $_tile_overlayer_lowered  }
0x9d: {  	s22 =	simm.s32 $0x1BFF;
	s21 =	sshll.u32 s8, $0x1;
	s5 =	sadd.s32 s6, s19  }
0x9e: {  	s9 =	simm.s32 $0x0;
	s20 =	sshll.u32 s7, $0x1;
	s7 =	sadd.s32 s21, s5  }
0x9f: {  	[timem:s9], [sflag:s22] =	dma.local [hbm:s7], s20  }
0xa0: {  	_ =	swait.ge [sflag:s22], s20  }
0xa1: {  	s6 =	ssub.s32 $0x0, s20;
	[sflag:s22] =	ssyncset.done $0x0  }
0xa2: {  	[sflag:s22] =	ssyncadd.s32 s6;
	_ =	sdelay $0x1  }
0xa3: {  	s23 =	simm.s32 $0x1B8B  }
0xa4: {  	_ =	swait.ge [sflag:s23], $0x1  }
0xa5: {  	[sflag:s23] =	ssyncset.done $0x0  }
0xa6: {  	s25 =	simm.s32 $0x1B8E;
	s24 =	sld [smem:$0x3FFE];
	[sflag:s23] =	ssyncadd.s32 $0xFFFFFFFF  }
0xa7: {  	s26 =	simm.s32 $execute0_lowered;
	[smem:$0x3FD2] =	sst s25  }
0xa8: {  	s7 =	sshll.u32 s26, $0x1;
	_ =	strace $0x80000046;
	[dreg:$0x1] =	wrdreg $0xFFFFFFFF  }
0xa9: {  	s28 =	simm.s32 $_size_execute0_lowered;
	s5 =	sadd.s32 s5, s7;
	[dreg:$0x0] =	wrdreg $0x0  }
0xaa: {  	s7 =	sshll.u32 s28, $0x1;
	[dreg:$0x2] =	wrdreg s5  }
0xab: {  	[dreg:$0x3] =	wrdreg s7  }
0xac: {  	[dreg:$0x4] =	wrdreg $0xC0  }
0xad: {  	_ =	task [dreg:s9], $0x5FFFF  }
0xae: {  	[dreg:$0x1] =	wrdreg $0xFFFFFFFF  }
0xaf: {  	[dreg:$0x0] =	wrdreg $0x60  }
0xb0: {  	[dreg:$0x2] =	wrdreg s4  }
0xb1: {  	[dreg:$0x3] =	wrdreg s24  }
0xb2: {  	[dreg:$0x4] =	wrdreg s2  }
0xb3: {  	[dreg:$0x5] =	wrdreg s18  }
0xb4: {  	[dreg:$0x6] =	wrdreg $0x41400  }
0xb5: {  	[dreg:$0x7] =	wrdreg $0x9  }
0xb6: {  	_ =	task.clear_ibuf [dreg:s9], $0x8FFFF;
	_ =	strace $0x90000046  }
0xb7: {  	s29 =	simm.s32 $0x9;
	_ =	strace $0x80000048  }
0xb8: {  	_ =	swait.ge [sflag:s29], $0x1  }
0xb9: {  	[sflag:s29] =	ssyncadd.s32 $0xFFFFFFFF  }
0xba: {  	_ =	strace $0x90000048  }
0xbb: {  	_ =	sfence  }
0xbc: {  	s30 =	sld [smem:$0x0];
	_ =	sdelay $0x2  }
0xbd: {  	s31 =	sshll.u32 s1, $0xD;
	s1 =	sshrl.u32 s1, $0x2  }
0xbe: {  	s3 =	sand.u32 $0x4000, s31;
	s1 =	sadd.s32 s1, s30  }
0xbf: {  	s0 =	sor.u32 s3, s0;
	s1 =	sshll.u32 s1, $0x11  }
0xc0: {  	s0 =	sor.u32 s1, s0  }
0xc1: {  	s0 =	sadd.s32 $0x8F2B, s0  }
0xc2: {  	[sflag:s0] =	ssyncadd.remote.s32 $0x1  }
0xc3: {  	_ =	sfence.sel $0xFFFF  }
0xc4: {  	[dreg:$0x0] =	wrdreg $0xFFFFFFFF;
	(pc) =	sbr.abs _section_cstart, $3  }
0xc5: {  	[dreg:$0x1] =	wrdreg $0xFFFFFFFF  }
0xc6: {  	_ =	task.clear_ibuf [dreg:s9], $0x2FFFF;
	_ =	strace $0x9FFFFFFF  }
0xc7: {  	(tm) =	ssettm $0x7FFFFFFF  }
tec
execute0_lowered:
.L_overlay_start_1:
0x0: {  	(tag) =	ssettag $0x1  }
0x1: {  	s0 =	srdreg.scid;
	s17 =	stileid.u32  }
0x2: {  	s2 =	sand.u32 $0x1, s0;
	s0 =	smul.u32 $0x18800, s17  }
0x3: {  	s9 =	rddreg [dreg:$0x1];
	s6 =	smul.u32 $0x186A0, s2  }
0x4: {  	s1 =	simm.s32 $0x0;
	s3 =	sshllo.u32 s2, $0x1;
	s13 =	smul.u32 $0x310000, s2  }
0x5: {  	[smem:$0x7FF] =	sst s1;
	s4 =	ssub.s32 $0x2, s2;
	s12 =	smul.u32 $0x188000, s3  }
0x6: {  	s11 =	sadd.s32 $0x32A00, s9;
	s5 =	sshrl.u32 s4, $0x1;
	s3 =	smul.u32 $0xC350, s3  }
0x7: {  	s10 =	sadd.s32 $0x3100, s0;
	s8 =	sadd.s32 $0x15700, s0;
	s4 =	ssub.s32 s4, s5  }
0x8: {  	v0 =	vmov s6;
	s5 =	sadd.s32 $0x6200, s0;
	s6 =	sadd.s32 $0x9300, s0;
	s14 =	sadd.s32 s13, s0  }
0x9: {  	s15 =	sadd.s32 s13, s10;
	s7 =	sadd.s32 s12, s0;
	v1 =	vmov s3;
	s3 =	sadd.s32 $0x12600, s0  }
0xa: {  	s14 =	sshrl.u32 s14, $0x3;
	s26 =	sshrl.u32 s15, $0x3;
	s29 =	sadd.s32 s13, s5  }
0xb: {  	s31 =	sadd.s32 s13, s6;
	s23 =	sadd.s32 s12, s10;
	s4 =	smax.u32 s4, $0x1  }
0xc: {  	s25 =	sshrl.u32 s7, $0x3;
	s7 =	sadd.s32 $0xC400, s0;
	s14 =	sadd.s32 s11, s14  }
0xd: {  	s30 =	sshrl.u32 s29, $0x3;
	s15 =	sshrl.u32 s31, $0x3;
	s21 =	sadd.s32 s13, s3  }
0xe: {  	s24 =	sshrl.u32 s23, $0x3;
	s29 =	sadd.s32 s12, s6;
	s23 =	smul.u32 $0x62000, s17  }
0xf: {  	s2 =	sadd.s32 s11, s25;
	[dreg:$0x7] =	wrdreg s14;
	s14 =	sadd.s32 s11, s26  }
0x10: {  	s16 =	sadd.s32 s13, s7;
	s22 =	sshrl.u32 s21, $0x3;
	s21 =	rddreg [dreg:$0x3]  }
0x11: {  	s25 =	sadd.s32 s12, s5;
	s31 =	sadd.s32 s12, s7;
	[dreg:$0x6] =	wrdreg s2  }
0x12: {  	s2 =	sadd.s32 $0xF500, s0;
	[dreg:$0x8] =	wrdreg s14;
	s14 =	sadd.s32 s11, s30  }
0x13: {  	s18 =	sshrl.u32 s16, $0x3;
	[dreg:$0x9] =	wrdreg s14;
	s14 =	sadd.s32 s11, s15  }
0x14: {  	s19 =	sadd.s32 s13, s2;
	[dreg:$0xa] =	wrdreg s14;
	s14 =	sadd.s32 s11, s18  }
0x15: {  	s13 =	sadd.s32 s13, s8;
	s20 =	sshrl.u32 s19, $0x3;
	[dreg:$0xb] =	wrdreg s14  }
0x16: {  	s13 =	sshrl.u32 s13, $0x3;
	s14 =	sadd.s32 s11, s20;
	s20 =	rddreg [dreg:$0x2]  }
0x17: {  	s26 =	sshrl.u32 s25, $0x3;
	s13 =	sadd.s32 s11, s13;
	[dreg:$0xc] =	wrdreg s14  }
0x18: {  	s30 =	sshrl.u32 s29, $0x3;
	s14 =	sadd.s32 s11, s22;
	[dreg:$0xe] =	wrdreg s13  }
0x19: {  	s15 =	sadd.s32 s12, s2;
	s13 =	sadd.s32 s11, s24;
	[dreg:$0xd] =	wrdreg s14  }
0x1a: {  	v2 =	vimm.f32 $0.0e+00;
	v26 =	vimm.s32 $0x18;
	v27 =	vimm.s32 $0x19;
	s16 =	sshrl.u32 s15, $0x3;
	[dreg:$0xf] =	wrdreg s13;
	s13 =	sadd.s32 s11, s26  }
0x1b: {  	v28 =	vimm.s32 $0x1A;
	v29 =	vimm.s32 $0x1B;
	v30 =	vimm.s32 $0x1C;
	s14 =	sshrl.u32 s31, $0x3;
	[dreg:$0x10] =	wrdreg s13;
	s13 =	sadd.s32 s11, s30  }
0x1c: {  	v31 =	vimm.s32 $0x1D;
	v32 =	vimm.s32 $0x1E;
	v33 =	vimm.s32 $0x1F;
	s18 =	sadd.s32 s12, s3;
	[dreg:$0x11] =	wrdreg s13;
	s13 =	sadd.s32 s11, s14  }
0x1d: {  	v34 =	vimm.s32 $0x20;
	v35 =	vimm.s32 $0x21;
	v36 =	vimm.s32 $0x22;
	s12 =	sadd.s32 s12, s8;
	s22 =	smul.u32 $0x186A, s17;
	[dreg:$0x12] =	wrdreg s13  }
0x1e: {  	v37 =	vimm.s32 $0x23;
	v38 =	vimm.s32 $0x24;
	v39 =	vimm.s32 $0x25;
	s19 =	sshrl.u32 s18, $0x3;
	s13 =	sadd.s32 s11, s16;
	s16 =	rddreg [dreg:$0x0]  }
0x1f: {  	v40 =	vimm.s32 $0x26;
	v41 =	vimm.s32 $0x27;
	v42 =	vimm.s32 $0x28;
	s12 =	sshrl.u32 s12, $0x3;
	s9 =	sadd.s32 s22, s9;
	[dreg:$0x13] =	wrdreg s13  }
0x20: {  	v43 =	vimm.s32 $0x29;
	v44 =	vimm.s32 $0x2A;
	v45 =	vimm.s32 $0x2B;
	s21 =	sadd.s32 s22, s21;
	s13 =	sadd.s32 s11, s19;
	s19 =	rddreg [dreg:$0x4]  }
0x21: {  	v46 =	vimm.s32 $0x2C;
	v47 =	vimm.s32 $0x2D;
	v48 =	vimm.s32 $0x2E;
	s22 =	sadd.s32 s22, s20;
	s11 =	sadd.s32 s11, s12;
	[dreg:$0x14] =	wrdreg s13  }
0x22: {  	v49 =	vimm.s32 $0x2F;
	v50 =	vimm.s32 $0x30;
	v51 =	vimm.s32 $0x31;
	s12 =	simm.s32 $0x0;
	[dreg:$0x15] =	wrdreg s11;
	s11 =	sshrl.u32 s23, $0x2  }
0x23: {  	v52 =	vimm.s32 $0x32;
	v53 =	vimm.s32 $0x33;
	v54 =	vimm.s32 $0x34;
	s24 =	sadd.s32 s10, s19;
	_ =	strace $0x80000047;
	[dreg:$0x16] =	wrdreg s4  }
0x24: {  	v55 =	vimm.s32 $0x35;
	v56 =	vimm.s32 $0x36;
	v57 =	vimm.s32 $0x37;
	s25 =	sadd.s32 s5, s19;
	s26 =	sadd.s32 s6, s19;
	[dreg:$0x17] =	wrdreg s24  }
0x25: {  	v58 =	vimm.s32 $0x38;
	v59 =	vimm.s32 $0x39;
	v60 =	vimm.s32 $0x3A;
	s29 =	sadd.s32 s7, s19;
	s2 =	sadd.s32 s2, s19;
	[dreg:$0x18] =	wrdreg s25  }
0x26: {  	v61 =	vimm.s32 $0x3B;
	v62 =	vimm.s32 $0x3C;
	v63 =	vimm.s32 $0x3D;
	s30 =	sadd.s32 s3, s19;
	s31 =	sadd.s32 s8, s19;
	[dreg:$0x19] =	wrdreg s26  }
0x27: {  	v3 =	vimm.s32 $0x3E;
	v4 =	vimm.s32 $0x3F;
	v5 =	vimm.s32 $0x40;
	s0 =	sadd.s32 s0, s19;
	s3 =	sadd.s32 $0x1A00, s9;
	[dreg:$0x1a] =	wrdreg s29  }
0x28: {  	v6 =	vimm.s32 $0x41;
	v7 =	vimm.s32 $0x42;
	v8 =	vimm.s32 $0x43;
	s5 =	simm.s32 $0x2;
	s6 =	simm.s32 $0x50;
	[dreg:$0x1c] =	wrdreg s2  }
0x29: {  	v9 =	vimm.s32 $0x44;
	v10 =	vimm.s32 $0x45;
	v11 =	vimm.s32 $0x46;
	s7 =	simm.s32 $0xA0;
	s8 =	simm.s32 $0xF0;
	[dreg:$0x1d] =	wrdreg s30  }
0x2a: {  	v12 =	vimm.s32 $0x47;
	v13 =	vimm.s32 $0x48;
	v14 =	vimm.s32 $0x49;
	s10 =	simm.s32 $0x1;
	s28 =	sadd.s32 s11, s19;
	[dreg:$0x1e] =	wrdreg s31  }
0x2b: {  	v15 =	vimm.s32 $0x4A;
	v16 =	vimm.s32 $0x4B;
	v17 =	vimm.s32 $0x4C;
	[dreg:$0x1f] =	wrdreg s0;
	s2 =	sadd.s32 $0x1A200, s9;
	s4 =	simm.s32 $0x1040  }
0x2c: {  	v18 =	vimm.s32 $0x4D;
	v19 =	vimm.s32 $0x4E;
	v20 =	vimm.s32 $0x4F;
	s9 =	simm.s32 $0x140;
	s11 =	simm.s32 $0x640;
	[dreg:$0x1b] =	wrdreg s28  }
.LBB2_1:
0x2d: {  	s0 =	simm.s32 $0x80;
	s13 =	simm.s32 $0x0  }
.LBB2_2:
0x2e: {  	p0 =	sne.s32 s0, $0xC380;
	[tilespmem:s13+$0x1040] =	vst v2;
	s14 =	smov.u32 s0;
	s0 =	sadd.s32 $0x80, s0  }
.Ltmp0:
0x2f: {  	[tilespmem:s13+$0x1050] =	vst v2;
	(pc) =	sbr.rel @p0 .LBB2_2-.Ltmp0, $2  }
0x30: {  	_ =	sdelay $0x2  }
0x31: {  	s13 =	sshra.s32 s14, $0x2  }
0x32: {  	[tilespmem:s13+$0x1040] =	vst v2  }
0x33: {  	[tilespmem:s13+$0x1050] =	vst v2  }
0x34: {  	[spmem:s28] =	stream.linear.scatter [tilespmem:s4], [sflag:$0x2], $0x3100, $0x38;
	[tilespmem:$0x1C940] =	vst v63  }
0x35: {  	_ =	swait.ge [sflag:s5], $0x3100  }
0x36: {  	[sflag:s5] =	ssyncset.done $0x0  }
0x37: {  	s0 =	rddreg [dreg:$0x17];
	[sflag:s5] =	ssyncadd.s32 $0xFFFFCF00  }
0x38: {  	[spmem:s0] =	stream.linear.scatter [tilespmem:s4], [sflag:$0x2], $0x3100, $0x38;
	[tilespmem:$0x1C940] =	vst v63  }
0x39: {  	_ =	swait.ge [sflag:s5], $0x3100  }
0x3a: {  	[sflag:s5] =	ssyncset.done $0x0  }
0x3b: {  	s24 =	rddreg [dreg:$0x18];
	[sflag:s5] =	ssyncadd.s32 $0xFFFFCF00  }
0x3c: {  	[spmem:s24] =	stream.linear.scatter [tilespmem:s4], [sflag:$0x2], $0x3100, $0x38;
	[tilespmem:$0x1C940] =	vst v63  }
0x3d: {  	_ =	swait.ge [sflag:s5], $0x3100  }
0x3e: {  	[sflag:s5] =	ssyncset.done $0x0  }
0x3f: {  	s25 =	rddreg [dreg:$0x19];
	[sflag:s5] =	ssyncadd.s32 $0xFFFFCF00  }
0x40: {  	[spmem:s25] =	stream.linear.scatter [tilespmem:s4], [sflag:$0x2], $0x3100, $0x38;
	[tilespmem:$0x1C940] =	vst v63  }
0x41: {  	_ =	swait.ge [sflag:s5], $0x3100  }
0x42: {  	[sflag:s5] =	ssyncset.done $0x0  }
0x43: {  	s26 =	rddreg [dreg:$0x1a];
	[sflag:s5] =	ssyncadd.s32 $0xFFFFCF00  }
0x44: {  	[spmem:s26] =	stream.linear.scatter [tilespmem:s4], [sflag:$0x2], $0x3100, $0x38;
	[tilespmem:$0x1C940] =	vst v63  }
0x45: {  	_ =	swait.ge [sflag:s5], $0x3100  }
0x46: {  	[sflag:s5] =	ssyncset.done $0x0  }
0x47: {  	s29 =	rddreg [dreg:$0x1c];
	[sflag:s5] =	ssyncadd.s32 $0xFFFFCF00  }
0x48: {  	[spmem:s29] =	stream.linear.scatter [tilespmem:s4], [sflag:$0x2], $0x3100, $0x38;
	[tilespmem:$0x1C940] =	vst v63  }
0x49: {  	_ =	swait.ge [sflag:s5], $0x3100  }
0x4a: {  	[sflag:s5] =	ssyncset.done $0x0  }
0x4b: {  	s30 =	rddreg [dreg:$0x1d];
	[sflag:s5] =	ssyncadd.s32 $0xFFFFCF00  }
0x4c: {  	[spmem:s30] =	stream.linear.scatter [tilespmem:s4], [sflag:$0x2], $0x3100, $0x38;
	[tilespmem:$0x1C940] =	vst v63  }
0x4d: {  	_ =	swait.ge [sflag:s5], $0x3100  }
0x4e: {  	[sflag:s5] =	ssyncset.done $0x0  }
0x4f: {  	s31 =	rddreg [dreg:$0x1e];
	[sflag:s5] =	ssyncadd.s32 $0xFFFFCF00  }
0x50: {  	[spmem:s31] =	stream.linear.scatter [tilespmem:s4], [sflag:$0x2], $0x3100, $0x38;
	[tilespmem:$0x1C940] =	vst v63  }
0x51: {  	_ =	swait.ge [sflag:s5], $0x3100  }
0x52: {  	[sflag:s5] =	ssyncset.done $0x0  }
0x53: {  	[sflag:s5] =	ssyncadd.s32 $0xFFFFCF00  }
0x54: {  	s0 =	simm.s32 $0x0;
	[bflag:$0x0] =	sbarrier.arrive $0xFFFF  }
.LBB2_4:
0x55: {  	s13 =	sadd.s32 s0, s3  }
0x56: {  	[tilespmem:s1], [sflag:$0x2] =	stream.linear.gather [hbm4b:s13+s1], $0x50, $0x38;
	[tilespmem:$0x1C940] =	vst v63  }
0x57: {  	_ =	swait.ge [sflag:s5], $0x50  }
0x58: {  	[sflag:s5] =	ssyncset.done $0x0  }
0x59: {  	s29 =	sadd.s32 s0, s2;
	[sflag:s5] =	ssyncadd.s32 $0xFFFFFFB0  }
0x5a: {  	[tilespmem:s6], [sflag:$0x2] =	stream.linear.gather [hbm4b:s29+s1], $0x50, $0x38;
	[tilespmem:$0x1C940] =	vst v63  }
0x5b: {  	_ =	swait.ge [sflag:s5], $0x50  }
0x5c: {  	[sflag:s5] =	ssyncset.done $0x0  }
0x5d: {  	s30 =	sadd.s32 s0, s22;
	[sflag:s5] =	ssyncadd.s32 $0xFFFFFFB0  }
0x5e: {  	[tilespmem:s7], [sflag:$0x2] =	stream.linear.gather [hbm4b:s30+s1], $0x50, $0x38;
	[tilespmem:$0x1C940] =	vst v63  }
0x5f: {  	_ =	swait.ge [sflag:s5], $0x50  }
0x60: {  	[sflag:s5] =	ssyncset.done $0x0  }
0x61: {  	s31 =	sadd.s32 s0, s21;
	[sflag:s5] =	ssyncadd.s32 $0xFFFFFFB0  }
0x62: {  	[tilespmem:s8], [sflag:$0x2] =	stream.linear.gather [hbm4b:s31+s1], $0x50, $0x38;
	[tilespmem:$0x1C940] =	vst v63  }
0x63: {  	_ =	swait.ge [sflag:s5], $0x50  }
0x64: {  	[sflag:s5] =	ssyncset.done $0x0  }
0x65: {  	[sflag:s5] =	ssyncadd.s32 $0xFFFFFFB0  }
0x66: {  	v21 =	vld [tilespmem:$0x0]  }
0x67: {  	v22 =	vld [tilespmem:$0x10]  }
0x68: {  	v23 =	vld [tilespmem:$0x20]  }
0x69: {  	v24 =	vld [tilespmem:$0x30]  }
0x6a: {  	v25 =	vld [tilespmem:$0x40]  }
0x6b: {  	v21 =	vadd.s32 v0, v21  }
0x6c: {  	[tilespmem:$0x0] =	vst v21;
	v21 =	vadd.s32 v0, v22  }
0x6d: {  	[tilespmem:$0x10] =	vst v21;
	v21 =	vadd.s32 v0, v23  }
0x6e: {  	[tilespmem:$0x20] =	vst v21;
	v21 =	vadd.s32 v0, v24  }
0x6f: {  	[tilespmem:$0x30] =	vst v21;
	v21 =	vadd.s32 v0, v25  }
0x70: {  	[tilespmem:$0x40] =	vst v21  }
0x71: {  	[tilespmem:s9], [sflag:$0x1] =	stream.indirect.gather [hbm4b:s16+s6], $0x10, s1, s6, $0xb8;
	[tilespmem:$0x1C940] =	vst v63  }
0x72: {  	_ =	swait.ge [sflag:s10], $0x500  }
0x73: {  	[sflag:s10] =	ssyncset.done $0x0  }
0x74: {  	[sflag:s10] =	ssyncadd.s32 $0xFFFFFB00  }
0x75: {  	v21 =	vld.msk [tilespmem:s8+$0x0], $0xffff  }
0x76: {  	v22 =	vld [tilespmem:$0x140]  }
0x77: {  	v23 =	vld.msk [tilespmem:s7+$0x0], $0xffff;
	_ =	sdelay $0x2  }
0x78: {  	v24 =	vimm.s32 $0x1  }
0x79: {  	v21 =	vmul.f32 v22, v21  }
0x7a: {  	v22 =	vmul.f32 v22, v23  }
0x7b: {  	[tilespmem:$0x640] =	vst v21  }
0x7c: {  	[tilespmem:$0x650] =	vst v22;
	v22 =	vld [tilespmem:$0x150]  }
0x7d: {  	v21 =	vld.idx.msk [tilespmem:v24+s8+$0x0], $0xffff  }
0x7e: {  	v23 =	vld.idx.msk [tilespmem:v24+s7+$0x0], $0xffff;
	_ =	sdelay $0x2  }
0x7f: {  	v24 =	vimm.s32 $0x2  }
0x80: {  	v21 =	vmul.f32 v22, v21  }
0x81: {  	v22 =	vmul.f32 v22, v23  }
0x82: {  	[tilespmem:$0x660] =	vst v21  }
0x83: {  	[tilespmem:$0x670] =	vst v22;
	v22 =	vld [tilespmem:$0x160]  }
0x84: {  	v21 =	vld.idx.msk [tilespmem:v24+s8+$0x0], $0xffff  }
0x85: {  	v23 =	vld.idx.msk [tilespmem:v24+s7+$0x0], $0xffff;
	_ =	sdelay $0x2  }
0x86: {  	v24 =	vimm.s32 $0x3  }
0x87: {  	v21 =	vmul.f32 v22, v21  }
0x88: {  	v22 =	vmul.f32 v22, v23  }
0x89: {  	[tilespmem:$0x680] =	vst v21  }
0x8a: {  	[tilespmem:$0x690] =	vst v22;
	v22 =	vld [tilespmem:$0x170]  }
0x8b: {  	v21 =	vld.idx.msk [tilespmem:v24+s8+$0x0], $0xffff  }
0x8c: {  	v23 =	vld.idx.msk [tilespmem:v24+s7+$0x0], $0xffff;
	_ =	sdelay $0x2  }
0x8d: {  	v24 =	vimm.s32 $0x4  }
0x8e: {  	v21 =	vmul.f32 v22, v21  }
0x8f: {  	v22 =	vmul.f32 v22, v23  }
0x90: {  	[tilespmem:$0x6A0] =	vst v21  }
0x91: {  	[tilespmem:$0x6B0] =	vst v22;
	v22 =	vld [tilespmem:$0x180]  }
0x92: {  	v21 =	vld.idx.msk [tilespmem:v24+s8+$0x0], $0xffff  }
0x93: {  	v23 =	vld.idx.msk [tilespmem:v24+s7+$0x0], $0xffff;
	_ =	sdelay $0x2  }
0x94: {  	v24 =	vimm.s32 $0x5  }
0x95: {  	v21 =	vmul.f32 v22, v21  }
0x96: {  	v22 =	vmul.f32 v22, v23  }
0x97: {  	[tilespmem:$0x6C0] =	vst v21  }
0x98: {  	[tilespmem:$0x6D0] =	vst v22;
	v22 =	vld [tilespmem:$0x190]  }
0x99: {  	v21 =	vld.idx.msk [tilespmem:v24+s8+$0x0], $0xffff  }
0x9a: {  	v23 =	vld.idx.msk [tilespmem:v24+s7+$0x0], $0xffff;
	_ =	sdelay $0x2  }
0x9b: {  	v24 =	vimm.s32 $0x6  }
0x9c: {  	v21 =	vmul.f32 v22, v21  }
0x9d: {  	v22 =	vmul.f32 v22, v23  }
0x9e: {  	[tilespmem:$0x6E0] =	vst v21  }
0x9f: {  	[tilespmem:$0x6F0] =	vst v22;
	v22 =	vld [tilespmem:$0x1A0]  }
0xa0: {  	v21 =	vld.idx.msk [tilespmem:v24+s8+$0x0], $0xffff  }
0xa1: {  	v23 =	vld.idx.msk [tilespmem:v24+s7+$0x0], $0xffff;
	_ =	sdelay $0x2  }
0xa2: {  	v24 =	vimm.s32 $0x7  }
0xa3: {  	v21 =	vmul.f32 v22, v21  }
0xa4: {  	v22 =	vmul.f32 v22, v23  }
0xa5: {  	[tilespmem:$0x700] =	vst v21  }
0xa6: {  	[tilespmem:$0x710] =	vst v22;
	v22 =	vld [tilespmem:$0x1B0]  }
0xa7: {  	v21 =	vld.idx.msk [tilespmem:v24+s8+$0x0], $0xffff  }
0xa8: {  	v23 =	vld.idx.msk [tilespmem:v24+s7+$0x0], $0xffff;
	_ =	sdelay $0x2  }
0xa9: {  	v24 =	vimm.s32 $0x8  }
0xaa: {  	v21 =	vmul.f32 v22, v21  }
0xab: {  	v22 =	vmul.f32 v22, v23  }
0xac: {  	[tilespmem:$0x720] =	vst v21  }
0xad: {  	[tilespmem:$0x730] =	vst v22;
	v22 =	vld [tilespmem:$0x1C0]  }
0xae: {  	v21 =	vld.idx.msk [tilespmem:v24+s8+$0x0], $0xffff  }
0xaf: {  	v23 =	vld.idx.msk [tilespmem:v24+s7+$0x0], $0xffff;
	_ =	sdelay $0x2  }
0xb0: {  	v24 =	vimm.s32 $0x9  }
0xb1: {  	v21 =	vmul.f32 v22, v21  }
0xb2: {  	v22 =	vmul.f32 v22, v23  }
0xb3: {  	[tilespmem:$0x740] =	vst v21  }
0xb4: {  	[tilespmem:$0x750] =	vst v22;
	v22 =	vld [tilespmem:$0x1D0]  }
0xb5: {  	v21 =	vld.idx.msk [tilespmem:v24+s8+$0x0], $0xffff  }
0xb6: {  	v23 =	vld.idx.msk [tilespmem:v24+s7+$0x0], $0xffff;
	_ =	sdelay $0x2  }
0xb7: {  	v24 =	vimm.s32 $0xA  }
0xb8: {  	v21 =	vmul.f32 v22, v21  }
0xb9: {  	v22 =	vmul.f32 v22, v23  }
0xba: {  	[tilespmem:$0x760] =	vst v21  }
0xbb: {  	[tilespmem:$0x770] =	vst v22;
	v22 =	vld [tilespmem:$0x1E0]  }
0xbc: {  	v21 =	vld.idx.msk [tilespmem:v24+s8+$0x0], $0xffff  }
0xbd: {  	v23 =	vld.idx.msk [tilespmem:v24+s7+$0x0], $0xffff;
	_ =	sdelay $0x2  }
0xbe: {  	v24 =	vimm.s32 $0xB  }
0xbf: {  	v21 =	vmul.f32 v22, v21  }
0xc0: {  	v22 =	vmul.f32 v22, v23  }
0xc1: {  	[tilespmem:$0x780] =	vst v21  }
0xc2: {  	[tilespmem:$0x790] =	vst v22;
	v22 =	vld [tilespmem:$0x1F0]  }
0xc3: {  	v21 =	vld.idx.msk [tilespmem:v24+s8+$0x0], $0xffff  }
0xc4: {  	v23 =	vld.idx.msk [tilespmem:v24+s7+$0x0], $0xffff;
	_ =	sdelay $0x2  }
0xc5: {  	v24 =	vimm.s32 $0xC  }
0xc6: {  	v21 =	vmul.f32 v22, v21  }
0xc7: {  	v22 =	vmul.f32 v22, v23  }
0xc8: {  	[tilespmem:$0x7A0] =	vst v21  }
0xc9: {  	[tilespmem:$0x7B0] =	vst v22;
	v22 =	vld [tilespmem:$0x200]  }
0xca: {  	v21 =	vld.idx.msk [tilespmem:v24+s8+$0x0], $0xffff  }
0xcb: {  	v23 =	vld.idx.msk [tilespmem:v24+s7+$0x0], $0xffff;
	_ =	sdelay $0x2  }
0xcc: {  	v24 =	vimm.s32 $0xD  }
0xcd: {  	v21 =	vmul.f32 v22, v21  }
0xce: {  	v22 =	vmul.f32 v22, v23  }
0xcf: {  	[tilespmem:$0x7C0] =	vst v21  }
0xd0: {  	[tilespmem:$0x7D0] =	vst v22;
	v22 =	vld [tilespmem:$0x210]  }
0xd1: {  	v21 =	vld.idx.msk [tilespmem:v24+s8+$0x0], $0xffff  }
0xd2: {  	v23 =	vld.idx.msk [tilespmem:v24+s7+$0x0], $0xffff;
	_ =	sdelay $0x2  }
0xd3: {  	v24 =	vimm.s32 $0xE  }
0xd4: {  	v21 =	vmul.f32 v22, v21  }
0xd5: {  	v22 =	vmul.f32 v22, v23  }
0xd6: {  	[tilespmem:$0x7E0] =	vst v21  }
0xd7: {  	[tilespmem:$0x7F0] =	vst v22;
	v22 =	vld [tilespmem:$0x220]  }
0xd8: {  	v21 =	vld.idx.msk [tilespmem:v24+s8+$0x0], $0xffff  }
0xd9: {  	v23 =	vld.idx.msk [tilespmem:v24+s7+$0x0], $0xffff;
	_ =	sdelay $0x2  }
0xda: {  	v24 =	vimm.s32 $0xF  }
0xdb: {  	v21 =	vmul.f32 v22, v21  }
0xdc: {  	v22 =	vmul.f32 v22, v23  }
0xdd: {  	[tilespmem:$0x800] =	vst v21  }
0xde: {  	[tilespmem:$0x810] =	vst v22;
	v22 =	vld [tilespmem:$0x230]  }
0xdf: {  	v21 =	vld.idx.msk [tilespmem:v24+s8+$0x0], $0xffff  }
0xe0: {  	v23 =	vld.idx.msk [tilespmem:v24+s7+$0x0], $0xffff;
	_ =	sdelay $0x2  }
0xe1: {  	v24 =	vimm.s32 $0x10  }
0xe2: {  	v21 =	vmul.f32 v22, v21  }
0xe3: {  	v22 =	vmul.f32 v22, v23  }
0xe4: {  	[tilespmem:$0x820] =	vst v21  }
0xe5: {  	[tilespmem:$0x830] =	vst v22;
	v22 =	vld [tilespmem:$0x240]  }
0xe6: {  	v21 =	vld.idx.msk [tilespmem:v24+s8+$0x0], $0xffff  }
0xe7: {  	v23 =	vld.idx.msk [tilespmem:v24+s7+$0x0], $0xffff;
	_ =	sdelay $0x2  }
0xe8: {  	v24 =	vimm.s32 $0x11  }
0xe9: {  	v21 =	vmul.f32 v22, v21  }
0xea: {  	v22 =	vmul.f32 v22, v23  }
0xeb: {  	[tilespmem:$0x840] =	vst v21  }
0xec: {  	[tilespmem:$0x850] =	vst v22;
	v22 =	vld [tilespmem:$0x250]  }
0xed: {  	v21 =	vld.idx.msk [tilespmem:v24+s8+$0x0], $0xffff  }
0xee: {  	v23 =	vld.idx.msk [tilespmem:v24+s7+$0x0], $0xffff;
	_ =	sdelay $0x2  }
0xef: {  	v24 =	vimm.s32 $0x12  }
0xf0: {  	v21 =	vmul.f32 v22, v21  }
0xf1: {  	v22 =	vmul.f32 v22, v23  }
0xf2: {  	[tilespmem:$0x860] =	vst v21  }
0xf3: {  	[tilespmem:$0x870] =	vst v22;
	v22 =	vld [tilespmem:$0x260]  }
0xf4: {  	v21 =	vld.idx.msk [tilespmem:v24+s8+$0x0], $0xffff  }
0xf5: {  	v23 =	vld.idx.msk [tilespmem:v24+s7+$0x0], $0xffff;
	_ =	sdelay $0x2  }
0xf6: {  	v24 =	vimm.s32 $0x13  }
0xf7: {  	v21 =	vmul.f32 v22, v21  }
0xf8: {  	v22 =	vmul.f32 v22, v23  }
0xf9: {  	[tilespmem:$0x880] =	vst v21  }
0xfa: {  	[tilespmem:$0x890] =	vst v22;
	v22 =	vld [tilespmem:$0x270]  }
0xfb: {  	v21 =	vld.idx.msk [tilespmem:v24+s8+$0x0], $0xffff  }
0xfc: {  	v23 =	vld.idx.msk [tilespmem:v24+s7+$0x0], $0xffff;
	_ =	sdelay $0x2  }
0xfd: {  	v24 =	vimm.s32 $0x14  }
0xfe: {  	v21 =	vmul.f32 v22, v21  }
0xff: {  	v22 =	vmul.f32 v22, v23  }
0x100: {  	[tilespmem:$0x8A0] =	vst v21  }
0x101: {  	[tilespmem:$0x8B0] =	vst v22;
	v22 =	vld [tilespmem:$0x280]  }
0x102: {  	v21 =	vld.idx.msk [tilespmem:v24+s8+$0x0], $0xffff  }
0x103: {  	v23 =	vld.idx.msk [tilespmem:v24+s7+$0x0], $0xffff;
	_ =	sdelay $0x2  }
0x104: {  	v24 =	vimm.s32 $0x15  }
0x105: {  	v21 =	vmul.f32 v22, v21  }
0x106: {  	v22 =	vmul.f32 v22, v23  }
0x107: {  	[tilespmem:$0x8C0] =	vst v21  }
0x108: {  	[tilespmem:$0x8D0] =	vst v22;
	v22 =	vld [tilespmem:$0x290]  }
0x109: {  	v21 =	vld.idx.msk [tilespmem:v24+s8+$0x0], $0xffff  }
0x10a: {  	v23 =	vld.idx.msk [tilespmem:v24+s7+$0x0], $0xffff;
	_ =	sdelay $0x2  }
0x10b: {  	v24 =	vimm.s32 $0x16  }
0x10c: {  	v21 =	vmul.f32 v22, v21  }
0x10d: {  	v22 =	vmul.f32 v22, v23  }
0x10e: {  	[tilespmem:$0x8E0] =	vst v21  }
0x10f: {  	[tilespmem:$0x8F0] =	vst v22;
	v22 =	vld [tilespmem:$0x2A0]  }
0x110: {  	v21 =	vld.idx.msk [tilespmem:v24+s8+$0x0], $0xffff  }
0x111: {  	v23 =	vld.idx.msk [tilespmem:v24+s7+$0x0], $0xffff;
	_ =	sdelay $0x2  }
0x112: {  	v24 =	vimm.s32 $0x17  }
0x113: {  	v21 =	vmul.f32 v22, v21  }
0x114: {  	v22 =	vmul.f32 v22, v23  }
0x115: {  	[tilespmem:$0x900] =	vst v21  }
0x116: {  	[tilespmem:$0x910] =	vst v22;
	v22 =	vld [tilespmem:$0x2B0]  }
0x117: {  	v21 =	vld.idx.msk [tilespmem:v24+s8+$0x0], $0xffff  }
0x118: {  	v23 =	vld.idx.msk [tilespmem:v24+s7+$0x0], $0xffff;
	_ =	sdelay $0x3  }
0x119: {  	v21 =	vmul.f32 v22, v21  }
0x11a: {  	v22 =	vmul.f32 v22, v23  }
0x11b: {  	[tilespmem:$0x920] =	vst v21  }
0x11c: {  	[tilespmem:$0x930] =	vst v22;
	v22 =	vld [tilespmem:$0x2C0]  }
0x11d: {  	v21 =	vld.idx.msk [tilespmem:v26+s8+$0x0], $0xffff  }
0x11e: {  	v23 =	vld.idx.msk [tilespmem:v26+s7+$0x0], $0xffff;
	_ =	sdelay $0x3  }
0x11f: {  	v21 =	vmul.f32 v22, v21  }
0x120: {  	v22 =	vmul.f32 v22, v23  }
0x121: {  	[tilespmem:$0x940] =	vst v21  }
0x122: {  	[tilespmem:$0x950] =	vst v22;
	v22 =	vld [tilespmem:$0x2D0]  }
0x123: {  	v21 =	vld.idx.msk [tilespmem:v27+s8+$0x0], $0xffff  }
0x124: {  	v23 =	vld.idx.msk [tilespmem:v27+s7+$0x0], $0xffff;
	_ =	sdelay $0x3  }
0x125: {  	v21 =	vmul.f32 v22, v21  }
0x126: {  	v22 =	vmul.f32 v22, v23  }
0x127: {  	[tilespmem:$0x960] =	vst v21  }
0x128: {  	[tilespmem:$0x970] =	vst v22;
	v22 =	vld [tilespmem:$0x2E0]  }
0x129: {  	v21 =	vld.idx.msk [tilespmem:v28+s8+$0x0], $0xffff  }
0x12a: {  	v23 =	vld.idx.msk [tilespmem:v28+s7+$0x0], $0xffff;
	_ =	sdelay $0x3  }
0x12b: {  	v21 =	vmul.f32 v22, v21  }
0x12c: {  	v22 =	vmul.f32 v22, v23  }
0x12d: {  	[tilespmem:$0x980] =	vst v21  }
0x12e: {  	[tilespmem:$0x990] =	vst v22;
	v22 =	vld [tilespmem:$0x2F0]  }
0x12f: {  	v21 =	vld.idx.msk [tilespmem:v29+s8+$0x0], $0xffff  }
0x130: {  	v23 =	vld.idx.msk [tilespmem:v29+s7+$0x0], $0xffff;
	_ =	sdelay $0x3  }
0x131: {  	v21 =	vmul.f32 v22, v21  }
0x132: {  	v22 =	vmul.f32 v22, v23  }
0x133: {  	[tilespmem:$0x9A0] =	vst v21  }
0x134: {  	[tilespmem:$0x9B0] =	vst v22;
	v22 =	vld [tilespmem:$0x300]  }
0x135: {  	v21 =	vld.idx.msk [tilespmem:v30+s8+$0x0], $0xffff  }
0x136: {  	v23 =	vld.idx.msk [tilespmem:v30+s7+$0x0], $0xffff;
	_ =	sdelay $0x3  }
0x137: {  	v21 =	vmul.f32 v22, v21  }
0x138: {  	v22 =	vmul.f32 v22, v23  }
0x139: {  	[tilespmem:$0x9C0] =	vst v21  }
0x13a: {  	[tilespmem:$0x9D0] =	vst v22;
	v22 =	vld [tilespmem:$0x310]  }
0x13b: {  	v21 =	vld.idx.msk [tilespmem:v31+s8+$0x0], $0xffff  }
0x13c: {  	v23 =	vld.idx.msk [tilespmem:v31+s7+$0x0], $0xffff;
	_ =	sdelay $0x3  }
0x13d: {  	v21 =	vmul.f32 v22, v21  }
0x13e: {  	v22 =	vmul.f32 v22, v23  }
0x13f: {  	[tilespmem:$0x9E0] =	vst v21  }
0x140: {  	[tilespmem:$0x9F0] =	vst v22;
	v22 =	vld [tilespmem:$0x320]  }
0x141: {  	v21 =	vld.idx.msk [tilespmem:v32+s8+$0x0], $0xffff  }
0x142: {  	v23 =	vld.idx.msk [tilespmem:v32+s7+$0x0], $0xffff;
	_ =	sdelay $0x3  }
0x143: {  	v21 =	vmul.f32 v22, v21  }
0x144: {  	v22 =	vmul.f32 v22, v23  }
0x145: {  	[tilespmem:$0xA00] =	vst v21  }
0x146: {  	[tilespmem:$0xA10] =	vst v22;
	v22 =	vld [tilespmem:$0x330]  }
0x147: {  	v21 =	vld.idx.msk [tilespmem:v33+s8+$0x0], $0xffff  }
0x148: {  	v23 =	vld.idx.msk [tilespmem:v33+s7+$0x0], $0xffff;
	_ =	sdelay $0x3  }
0x149: {  	v21 =	vmul.f32 v22, v21  }
0x14a: {  	v22 =	vmul.f32 v22, v23  }
0x14b: {  	[tilespmem:$0xA20] =	vst v21  }
0x14c: {  	[tilespmem:$0xA30] =	vst v22;
	v22 =	vld [tilespmem:$0x340]  }
0x14d: {  	v21 =	vld.idx.msk [tilespmem:v34+s8+$0x0], $0xffff  }
0x14e: {  	v23 =	vld.idx.msk [tilespmem:v34+s7+$0x0], $0xffff;
	_ =	sdelay $0x3  }
0x14f: {  	v21 =	vmul.f32 v22, v21  }
0x150: {  	v22 =	vmul.f32 v22, v23  }
0x151: {  	[tilespmem:$0xA40] =	vst v21  }
0x152: {  	[tilespmem:$0xA50] =	vst v22;
	v22 =	vld [tilespmem:$0x350]  }
0x153: {  	v21 =	vld.idx.msk [tilespmem:v35+s8+$0x0], $0xffff  }
0x154: {  	v23 =	vld.idx.msk [tilespmem:v35+s7+$0x0], $0xffff;
	_ =	sdelay $0x3  }
0x155: {  	v21 =	vmul.f32 v22, v21  }
0x156: {  	v22 =	vmul.f32 v22, v23  }
0x157: {  	[tilespmem:$0xA60] =	vst v21  }
0x158: {  	[tilespmem:$0xA70] =	vst v22;
	v22 =	vld [tilespmem:$0x360]  }
0x159: {  	v21 =	vld.idx.msk [tilespmem:v36+s8+$0x0], $0xffff  }
0x15a: {  	v23 =	vld.idx.msk [tilespmem:v36+s7+$0x0], $0xffff;
	_ =	sdelay $0x3  }
0x15b: {  	v21 =	vmul.f32 v22, v21  }
0x15c: {  	v22 =	vmul.f32 v22, v23  }
0x15d: {  	[tilespmem:$0xA80] =	vst v21  }
0x15e: {  	[tilespmem:$0xA90] =	vst v22;
	v22 =	vld [tilespmem:$0x370]  }
0x15f: {  	v21 =	vld.idx.msk [tilespmem:v37+s8+$0x0], $0xffff  }
0x160: {  	v23 =	vld.idx.msk [tilespmem:v37+s7+$0x0], $0xffff;
	_ =	sdelay $0x3  }
0x161: {  	v21 =	vmul.f32 v22, v21  }
0x162: {  	v22 =	vmul.f32 v22, v23  }
0x163: {  	[tilespmem:$0xAA0] =	vst v21  }
0x164: {  	[tilespmem:$0xAB0] =	vst v22;
	v22 =	vld [tilespmem:$0x380]  }
0x165: {  	v21 =	vld.idx.msk [tilespmem:v38+s8+$0x0], $0xffff  }
0x166: {  	v23 =	vld.idx.msk [tilespmem:v38+s7+$0x0], $0xffff;
	_ =	sdelay $0x3  }
0x167: {  	v21 =	vmul.f32 v22, v21  }
0x168: {  	v22 =	vmul.f32 v22, v23  }
0x169: {  	[tilespmem:$0xAC0] =	vst v21  }
0x16a: {  	[tilespmem:$0xAD0] =	vst v22;
	v22 =	vld [tilespmem:$0x390]  }
0x16b: {  	v21 =	vld.idx.msk [tilespmem:v39+s8+$0x0], $0xffff  }
0x16c: {  	v23 =	vld.idx.msk [tilespmem:v39+s7+$0x0], $0xffff;
	_ =	sdelay $0x3  }
0x16d: {  	v21 =	vmul.f32 v22, v21  }
0x16e: {  	v22 =	vmul.f32 v22, v23  }
0x16f: {  	[tilespmem:$0xAE0] =	vst v21  }
0x170: {  	[tilespmem:$0xAF0] =	vst v22;
	v22 =	vld [tilespmem:$0x3A0]  }
0x171: {  	v21 =	vld.idx.msk [tilespmem:v40+s8+$0x0], $0xffff  }
0x172: {  	v23 =	vld.idx.msk [tilespmem:v40+s7+$0x0], $0xffff;
	_ =	sdelay $0x3  }
0x173: {  	v21 =	vmul.f32 v22, v21  }
0x174: {  	v22 =	vmul.f32 v22, v23  }
0x175: {  	[tilespmem:$0xB00] =	vst v21  }
0x176: {  	[tilespmem:$0xB10] =	vst v22;
	v22 =	vld [tilespmem:$0x3B0]  }
0x177: {  	v21 =	vld.idx.msk [tilespmem:v41+s8+$0x0], $0xffff  }
0x178: {  	v23 =	vld.idx.msk [tilespmem:v41+s7+$0x0], $0xffff;
	_ =	sdelay $0x3  }
0x179: {  	v21 =	vmul.f32 v22, v21  }
0x17a: {  	v22 =	vmul.f32 v22, v23  }
0x17b: {  	[tilespmem:$0xB20] =	vst v21  }
0x17c: {  	[tilespmem:$0xB30] =	vst v22;
	v22 =	vld [tilespmem:$0x3C0]  }
0x17d: {  	v21 =	vld.idx.msk [tilespmem:v42+s8+$0x0], $0xffff  }
0x17e: {  	v23 =	vld.idx.msk [tilespmem:v42+s7+$0x0], $0xffff;
	_ =	sdelay $0x3  }
0x17f: {  	v21 =	vmul.f32 v22, v21  }
0x180: {  	v22 =	vmul.f32 v22, v23  }
0x181: {  	[tilespmem:$0xB40] =	vst v21  }
0x182: {  	[tilespmem:$0xB50] =	vst v22;
	v22 =	vld [tilespmem:$0x3D0]  }
0x183: {  	v21 =	vld.idx.msk [tilespmem:v43+s8+$0x0], $0xffff  }
0x184: {  	v23 =	vld.idx.msk [tilespmem:v43+s7+$0x0], $0xffff;
	_ =	sdelay $0x3  }
0x185: {  	v21 =	vmul.f32 v22, v21  }
0x186: {  	v22 =	vmul.f32 v22, v23  }
0x187: {  	[tilespmem:$0xB60] =	vst v21  }
0x188: {  	[tilespmem:$0xB70] =	vst v22;
	v22 =	vld [tilespmem:$0x3E0]  }
0x189: {  	v21 =	vld.idx.msk [tilespmem:v44+s8+$0x0], $0xffff  }
0x18a: {  	v23 =	vld.idx.msk [tilespmem:v44+s7+$0x0], $0xffff;
	_ =	sdelay $0x3  }
0x18b: {  	v21 =	vmul.f32 v22, v21  }
0x18c: {  	v22 =	vmul.f32 v22, v23  }
0x18d: {  	[tilespmem:$0xB80] =	vst v21  }
0x18e: {  	[tilespmem:$0xB90] =	vst v22;
	v22 =	vld [tilespmem:$0x3F0]  }
0x18f: {  	v21 =	vld.idx.msk [tilespmem:v45+s8+$0x0], $0xffff  }
0x190: {  	v23 =	vld.idx.msk [tilespmem:v45+s7+$0x0], $0xffff;
	_ =	sdelay $0x3  }
0x191: {  	v21 =	vmul.f32 v22, v21  }
0x192: {  	v22 =	vmul.f32 v22, v23  }
0x193: {  	[tilespmem:$0xBA0] =	vst v21  }
0x194: {  	[tilespmem:$0xBB0] =	vst v22;
	v22 =	vld [tilespmem:$0x400]  }
0x195: {  	v21 =	vld.idx.msk [tilespmem:v46+s8+$0x0], $0xffff  }
0x196: {  	v23 =	vld.idx.msk [tilespmem:v46+s7+$0x0], $0xffff;
	_ =	sdelay $0x3  }
0x197: {  	v21 =	vmul.f32 v22, v21  }
0x198: {  	v22 =	vmul.f32 v22, v23  }
0x199: {  	[tilespmem:$0xBC0] =	vst v21  }
0x19a: {  	[tilespmem:$0xBD0] =	vst v22;
	v22 =	vld [tilespmem:$0x410]  }
0x19b: {  	v21 =	vld.idx.msk [tilespmem:v47+s8+$0x0], $0xffff  }
0x19c: {  	v23 =	vld.idx.msk [tilespmem:v47+s7+$0x0], $0xffff;
	_ =	sdelay $0x3  }
0x19d: {  	v21 =	vmul.f32 v22, v21  }
0x19e: {  	v22 =	vmul.f32 v22, v23  }
0x19f: {  	[tilespmem:$0xBE0] =	vst v21  }
0x1a0: {  	[tilespmem:$0xBF0] =	vst v22;
	v22 =	vld [tilespmem:$0x420]  }
0x1a1: {  	v21 =	vld.idx.msk [tilespmem:v48+s8+$0x0], $0xffff  }
0x1a2: {  	v23 =	vld.idx.msk [tilespmem:v48+s7+$0x0], $0xffff;
	_ =	sdelay $0x3  }
0x1a3: {  	v21 =	vmul.f32 v22, v21  }
0x1a4: {  	v22 =	vmul.f32 v22, v23  }
0x1a5: {  	[tilespmem:$0xC00] =	vst v21  }
0x1a6: {  	[tilespmem:$0xC10] =	vst v22;
	v22 =	vld [tilespmem:$0x430]  }
0x1a7: {  	v21 =	vld.idx.msk [tilespmem:v49+s8+$0x0], $0xffff  }
0x1a8: {  	v23 =	vld.idx.msk [tilespmem:v49+s7+$0x0], $0xffff;
	_ =	sdelay $0x3  }
0x1a9: {  	v21 =	vmul.f32 v22, v21  }
0x1aa: {  	v22 =	vmul.f32 v22, v23  }
0x1ab: {  	[tilespmem:$0xC20] =	vst v21  }
0x1ac: {  	[tilespmem:$0xC30] =	vst v22;
	v22 =	vld [tilespmem:$0x440]  }
0x1ad: {  	v21 =	vld.idx.msk [tilespmem:v50+s8+$0x0], $0xffff  }
0x1ae: {  	v23 =	vld.idx.msk [tilespmem:v50+s7+$0x0], $0xffff;
	_ =	sdelay $0x3  }
0x1af: {  	v21 =	vmul.f32 v22, v21  }
0x1b0: {  	v22 =	vmul.f32 v22, v23  }
0x1b1: {  	[tilespmem:$0xC40] =	vst v21  }
0x1b2: {  	[tilespmem:$0xC50] =	vst v22;
	v22 =	vld [tilespmem:$0x450]  }
0x1b3: {  	v21 =	vld.idx.msk [tilespmem:v51+s8+$0x0], $0xffff  }
0x1b4: {  	v23 =	vld.idx.msk [tilespmem:v51+s7+$0x0], $0xffff;
	_ =	sdelay $0x3  }
0x1b5: {  	v21 =	vmul.f32 v22, v21  }
0x1b6: {  	v22 =	vmul.f32 v22, v23  }
0x1b7: {  	[tilespmem:$0xC60] =	vst v21  }
0x1b8: {  	[tilespmem:$0xC70] =	vst v22;
	v22 =	vld [tilespmem:$0x460]  }
0x1b9: {  	v21 =	vld.idx.msk [tilespmem:v52+s8+$0x0], $0xffff  }
0x1ba: {  	v23 =	vld.idx.msk [tilespmem:v52+s7+$0x0], $0xffff;
	_ =	sdelay $0x3  }
0x1bb: {  	v21 =	vmul.f32 v22, v21  }
0x1bc: {  	v22 =	vmul.f32 v22, v23  }
0x1bd: {  	[tilespmem:$0xC80] =	vst v21  }
0x1be: {  	[tilespmem:$0xC90] =	vst v22;
	v22 =	vld [tilespmem:$0x470]  }
0x1bf: {  	v21 =	vld.idx.msk [tilespmem:v53+s8+$0x0], $0xffff  }
0x1c0: {  	v23 =	vld.idx.msk [tilespmem:v53+s7+$0x0], $0xffff;
	_ =	sdelay $0x3  }
0x1c1: {  	v21 =	vmul.f32 v22, v21  }
0x1c2: {  	v22 =	vmul.f32 v22, v23  }
0x1c3: {  	[tilespmem:$0xCA0] =	vst v21  }
0x1c4: {  	[tilespmem:$0xCB0] =	vst v22;
	v22 =	vld [tilespmem:$0x480]  }
0x1c5: {  	v21 =	vld.idx.msk [tilespmem:v54+s8+$0x0], $0xffff  }
0x1c6: {  	v23 =	vld.idx.msk [tilespmem:v54+s7+$0x0], $0xffff;
	_ =	sdelay $0x3  }
0x1c7: {  	v21 =	vmul.f32 v22, v21  }
0x1c8: {  	v22 =	vmul.f32 v22, v23  }
0x1c9: {  	[tilespmem:$0xCC0] =	vst v21  }
0x1ca: {  	[tilespmem:$0xCD0] =	vst v22;
	v22 =	vld [tilespmem:$0x490]  }
0x1cb: {  	v21 =	vld.idx.msk [tilespmem:v55+s8+$0x0], $0xffff  }
0x1cc: {  	v23 =	vld.idx.msk [tilespmem:v55+s7+$0x0], $0xffff;
	_ =	sdelay $0x3  }
0x1cd: {  	v21 =	vmul.f32 v22, v21  }
0x1ce: {  	v22 =	vmul.f32 v22, v23  }
0x1cf: {  	[tilespmem:$0xCE0] =	vst v21  }
0x1d0: {  	[tilespmem:$0xCF0] =	vst v22;
	v22 =	vld [tilespmem:$0x4A0]  }
0x1d1: {  	v21 =	vld.idx.msk [tilespmem:v56+s8+$0x0], $0xffff  }
0x1d2: {  	v23 =	vld.idx.msk [tilespmem:v56+s7+$0x0], $0xffff;
	_ =	sdelay $0x3  }
0x1d3: {  	v21 =	vmul.f32 v22, v21  }
0x1d4: {  	v22 =	vmul.f32 v22, v23  }
0x1d5: {  	[tilespmem:$0xD00] =	vst v21  }
0x1d6: {  	[tilespmem:$0xD10] =	vst v22;
	v22 =	vld [tilespmem:$0x4B0]  }
0x1d7: {  	v21 =	vld.idx.msk [tilespmem:v57+s8+$0x0], $0xffff  }
0x1d8: {  	v23 =	vld.idx.msk [tilespmem:v57+s7+$0x0], $0xffff;
	_ =	sdelay $0x3  }
0x1d9: {  	v21 =	vmul.f32 v22, v21  }
0x1da: {  	v22 =	vmul.f32 v22, v23  }
0x1db: {  	[tilespmem:$0xD20] =	vst v21  }
0x1dc: {  	[tilespmem:$0xD30] =	vst v22;
	v22 =	vld [tilespmem:$0x4C0]  }
0x1dd: {  	v21 =	vld.idx.msk [tilespmem:v58+s8+$0x0], $0xffff  }
0x1de: {  	v23 =	vld.idx.msk [tilespmem:v58+s7+$0x0], $0xffff;
	_ =	sdelay $0x3  }
0x1df: {  	v21 =	vmul.f32 v22, v21  }
0x1e0: {  	v22 =	vmul.f32 v22, v23  }
0x1e1: {  	[tilespmem:$0xD40] =	vst v21  }
0x1e2: {  	[tilespmem:$0xD50] =	vst v22;
	v22 =	vld [tilespmem:$0x4D0]  }
0x1e3: {  	v21 =	vld.idx.msk [tilespmem:v59+s8+$0x0], $0xffff  }
0x1e4: {  	v23 =	vld.idx.msk [tilespmem:v59+s7+$0x0], $0xffff;
	_ =	sdelay $0x3  }
0x1e5: {  	v21 =	vmul.f32 v22, v21  }
0x1e6: {  	v22 =	vmul.f32 v22, v23  }
0x1e7: {  	[tilespmem:$0xD60] =	vst v21  }
0x1e8: {  	[tilespmem:$0xD70] =	vst v22;
	v22 =	vld [tilespmem:$0x4E0]  }
0x1e9: {  	v21 =	vld.idx.msk [tilespmem:v60+s8+$0x0], $0xffff  }
0x1ea: {  	v23 =	vld.idx.msk [tilespmem:v60+s7+$0x0], $0xffff;
	_ =	sdelay $0x3  }
0x1eb: {  	v21 =	vmul.f32 v22, v21  }
0x1ec: {  	v22 =	vmul.f32 v22, v23  }
0x1ed: {  	[tilespmem:$0xD80] =	vst v21  }
0x1ee: {  	[tilespmem:$0xD90] =	vst v22;
	v22 =	vld [tilespmem:$0x4F0]  }
0x1ef: {  	v21 =	vld.idx.msk [tilespmem:v61+s8+$0x0], $0xffff  }
0x1f0: {  	v23 =	vld.idx.msk [tilespmem:v61+s7+$0x0], $0xffff;
	_ =	sdelay $0x3  }
0x1f1: {  	v21 =	vmul.f32 v22, v21  }
0x1f2: {  	v22 =	vmul.f32 v22, v23  }
0x1f3: {  	[tilespmem:$0xDA0] =	vst v21  }
0x1f4: {  	[tilespmem:$0xDB0] =	vst v22;
	v22 =	vld [tilespmem:$0x500]  }
0x1f5: {  	v21 =	vld.idx.msk [tilespmem:v62+s8+$0x0], $0xffff  }
0x1f6: {  	v23 =	vld.idx.msk [tilespmem:v62+s7+$0x0], $0xffff;
	_ =	sdelay $0x3  }
0x1f7: {  	v21 =	vmul.f32 v22, v21  }
0x1f8: {  	v22 =	vmul.f32 v22, v23  }
0x1f9: {  	[tilespmem:$0xDC0] =	vst v21  }
0x1fa: {  	[tilespmem:$0xDD0] =	vst v22;
	v22 =	vld [tilespmem:$0x510]  }
0x1fb: {  	v21 =	vld.idx.msk [tilespmem:v63+s8+$0x0], $0xffff  }
0x1fc: {  	v23 =	vld.idx.msk [tilespmem:v63+s7+$0x0], $0xffff;
	_ =	sdelay $0x3  }
0x1fd: {  	v21 =	vmul.f32 v22, v21  }
0x1fe: {  	v22 =	vmul.f32 v22, v23  }
0x1ff: {  	[tilespmem:$0xDE0] =	vst v21  }
0x200: {  	[tilespmem:$0xDF0] =	vst v22;
	v22 =	vld [tilespmem:$0x520]  }
0x201: {  	v21 =	vld.idx.msk [tilespmem:v3+s8+$0x0], $0xffff  }
0x202: {  	v23 =	vld.idx.msk [tilespmem:v3+s7+$0x0], $0xffff;
	_ =	sdelay $0x3  }
0x203: {  	v21 =	vmul.f32 v22, v21  }
0x204: {  	v22 =	vmul.f32 v22, v23  }
0x205: {  	[tilespmem:$0xE00] =	vst v21  }
0x206: {  	[tilespmem:$0xE10] =	vst v22;
	v22 =	vld [tilespmem:$0x530]  }
0x207: {  	v21 =	vld.idx.msk [tilespmem:v4+s8+$0x0], $0xffff  }
0x208: {  	v23 =	vld.idx.msk [tilespmem:v4+s7+$0x0], $0xffff;
	_ =	sdelay $0x3  }
0x209: {  	v21 =	vmul.f32 v22, v21  }
0x20a: {  	v22 =	vmul.f32 v22, v23  }
0x20b: {  	[tilespmem:$0xE20] =	vst v21  }
0x20c: {  	[tilespmem:$0xE30] =	vst v22;
	v22 =	vld [tilespmem:$0x540]  }
0x20d: {  	v21 =	vld.idx.msk [tilespmem:v5+s8+$0x0], $0xffff  }
0x20e: {  	v23 =	vld.idx.msk [tilespmem:v5+s7+$0x0], $0xffff;
	_ =	sdelay $0x3  }
0x20f: {  	v21 =	vmul.f32 v22, v21  }
0x210: {  	v22 =	vmul.f32 v22, v23  }
0x211: {  	[tilespmem:$0xE40] =	vst v21  }
0x212: {  	[tilespmem:$0xE50] =	vst v22;
	v22 =	vld [tilespmem:$0x550]  }
0x213: {  	v21 =	vld.idx.msk [tilespmem:v6+s8+$0x0], $0xffff  }
0x214: {  	v23 =	vld.idx.msk [tilespmem:v6+s7+$0x0], $0xffff;
	_ =	sdelay $0x3  }
0x215: {  	v21 =	vmul.f32 v22, v21  }
0x216: {  	v22 =	vmul.f32 v22, v23  }
0x217: {  	[tilespmem:$0xE60] =	vst v21  }
0x218: {  	[tilespmem:$0xE70] =	vst v22;
	v22 =	vld [tilespmem:$0x560]  }
0x219: {  	v21 =	vld.idx.msk [tilespmem:v7+s8+$0x0], $0xffff  }
0x21a: {  	v23 =	vld.idx.msk [tilespmem:v7+s7+$0x0], $0xffff;
	_ =	sdelay $0x3  }
0x21b: {  	v21 =	vmul.f32 v22, v21  }
0x21c: {  	v22 =	vmul.f32 v22, v23  }
0x21d: {  	[tilespmem:$0xE80] =	vst v21  }
0x21e: {  	[tilespmem:$0xE90] =	vst v22;
	v22 =	vld [tilespmem:$0x570]  }
0x21f: {  	v21 =	vld.idx.msk [tilespmem:v8+s8+$0x0], $0xffff  }
0x220: {  	v23 =	vld.idx.msk [tilespmem:v8+s7+$0x0], $0xffff;
	_ =	sdelay $0x3  }
0x221: {  	v21 =	vmul.f32 v22, v21  }
0x222: {  	v22 =	vmul.f32 v22, v23  }
0x223: {  	[tilespmem:$0xEA0] =	vst v21  }
0x224: {  	[tilespmem:$0xEB0] =	vst v22;
	v22 =	vld [tilespmem:$0x580]  }
0x225: {  	v21 =	vld.idx.msk [tilespmem:v9+s8+$0x0], $0xffff  }
0x226: {  	v23 =	vld.idx.msk [tilespmem:v9+s7+$0x0], $0xffff;
	_ =	sdelay $0x3  }
0x227: {  	v21 =	vmul.f32 v22, v21  }
0x228: {  	v22 =	vmul.f32 v22, v23  }
0x229: {  	[tilespmem:$0xEC0] =	vst v21  }
0x22a: {  	[tilespmem:$0xED0] =	vst v22;
	v22 =	vld [tilespmem:$0x590]  }
0x22b: {  	v21 =	vld.idx.msk [tilespmem:v10+s8+$0x0], $0xffff  }
0x22c: {  	v23 =	vld.idx.msk [tilespmem:v10+s7+$0x0], $0xffff;
	_ =	sdelay $0x3  }
0x22d: {  	v21 =	vmul.f32 v22, v21  }
0x22e: {  	v22 =	vmul.f32 v22, v23  }
0x22f: {  	[tilespmem:$0xEE0] =	vst v21  }
0x230: {  	[tilespmem:$0xEF0] =	vst v22;
	v22 =	vld [tilespmem:$0x5A0]  }
0x231: {  	v21 =	vld.idx.msk [tilespmem:v11+s8+$0x0], $0xffff  }
0x232: {  	v23 =	vld.idx.msk [tilespmem:v11+s7+$0x0], $0xffff;
	_ =	sdelay $0x3  }
0x233: {  	v21 =	vmul.f32 v22, v21  }
0x234: {  	v22 =	vmul.f32 v22, v23  }
0x235: {  	[tilespmem:$0xF00] =	vst v21  }
0x236: {  	[tilespmem:$0xF10] =	vst v22;
	v22 =	vld [tilespmem:$0x5B0]  }
0x237: {  	v21 =	vld.idx.msk [tilespmem:v12+s8+$0x0], $0xffff  }
0x238: {  	v23 =	vld.idx.msk [tilespmem:v12+s7+$0x0], $0xffff;
	_ =	sdelay $0x3  }
0x239: {  	v21 =	vmul.f32 v22, v21  }
0x23a: {  	v22 =	vmul.f32 v22, v23  }
0x23b: {  	[tilespmem:$0xF20] =	vst v21  }
0x23c: {  	[tilespmem:$0xF30] =	vst v22;
	v22 =	vld [tilespmem:$0x5C0]  }
0x23d: {  	v21 =	vld.idx.msk [tilespmem:v13+s8+$0x0], $0xffff  }
0x23e: {  	v23 =	vld.idx.msk [tilespmem:v13+s7+$0x0], $0xffff;
	_ =	sdelay $0x3  }
0x23f: {  	v21 =	vmul.f32 v22, v21  }
0x240: {  	v22 =	vmul.f32 v22, v23  }
0x241: {  	[tilespmem:$0xF40] =	vst v21  }
0x242: {  	[tilespmem:$0xF50] =	vst v22;
	v22 =	vld [tilespmem:$0x5D0]  }
0x243: {  	v21 =	vld.idx.msk [tilespmem:v14+s8+$0x0], $0xffff  }
0x244: {  	v23 =	vld.idx.msk [tilespmem:v14+s7+$0x0], $0xffff;
	_ =	sdelay $0x3  }
0x245: {  	v21 =	vmul.f32 v22, v21  }
0x246: {  	v22 =	vmul.f32 v22, v23  }
0x247: {  	[tilespmem:$0xF60] =	vst v21  }
0x248: {  	[tilespmem:$0xF70] =	vst v22;
	v22 =	vld [tilespmem:$0x5E0]  }
0x249: {  	v21 =	vld.idx.msk [tilespmem:v15+s8+$0x0], $0xffff  }
0x24a: {  	v23 =	vld.idx.msk [tilespmem:v15+s7+$0x0], $0xffff;
	_ =	sdelay $0x3  }
0x24b: {  	v21 =	vmul.f32 v22, v21  }
0x24c: {  	v22 =	vmul.f32 v22, v23  }
0x24d: {  	[tilespmem:$0xF80] =	vst v21  }
0x24e: {  	[tilespmem:$0xF90] =	vst v22;
	v22 =	vld [tilespmem:$0x5F0]  }
0x24f: {  	v21 =	vld.idx.msk [tilespmem:v16+s8+$0x0], $0xffff  }
0x250: {  	v23 =	vld.idx.msk [tilespmem:v16+s7+$0x0], $0xffff;
	_ =	sdelay $0x3  }
0x251: {  	v21 =	vmul.f32 v22, v21  }
0x252: {  	v22 =	vmul.f32 v22, v23  }
0x253: {  	[tilespmem:$0xFA0] =	vst v21  }
0x254: {  	[tilespmem:$0xFB0] =	vst v22;
	v22 =	vld [tilespmem:$0x600]  }
0x255: {  	v21 =	vld.idx.msk [tilespmem:v17+s8+$0x0], $0xffff  }
0x256: {  	v23 =	vld.idx.msk [tilespmem:v17+s7+$0x0], $0xffff;
	_ =	sdelay $0x3  }
0x257: {  	v21 =	vmul.f32 v22, v21  }
0x258: {  	v22 =	vmul.f32 v22, v23  }
0x259: {  	[tilespmem:$0xFC0] =	vst v21  }
0x25a: {  	[tilespmem:$0xFD0] =	vst v22;
	v22 =	vld [tilespmem:$0x610]  }
0x25b: {  	v21 =	vld.idx.msk [tilespmem:v18+s8+$0x0], $0xffff  }
0x25c: {  	v23 =	vld.idx.msk [tilespmem:v18+s7+$0x0], $0xffff;
	_ =	sdelay $0x3  }
0x25d: {  	v21 =	vmul.f32 v22, v21  }
0x25e: {  	v22 =	vmul.f32 v22, v23  }
0x25f: {  	[tilespmem:$0xFE0] =	vst v21  }
0x260: {  	[tilespmem:$0xFF0] =	vst v22;
	v22 =	vld [tilespmem:$0x620]  }
0x261: {  	v21 =	vld.idx.msk [tilespmem:v19+s8+$0x0], $0xffff  }
0x262: {  	v23 =	vld.idx.msk [tilespmem:v19+s7+$0x0], $0xffff;
	_ =	sdelay $0x3  }
0x263: {  	v21 =	vmul.f32 v22, v21  }
0x264: {  	v22 =	vmul.f32 v22, v23  }
0x265: {  	[tilespmem:$0x1000] =	vst v21  }
0x266: {  	[tilespmem:$0x1010] =	vst v22;
	v22 =	vld [tilespmem:$0x630]  }
0x267: {  	v21 =	vld.idx.msk [tilespmem:v20+s8+$0x0], $0xffff  }
0x268: {  	v23 =	vld.idx.msk [tilespmem:v20+s7+$0x0], $0xffff;
	_ =	sdelay $0x3  }
0x269: {  	v21 =	vmul.f32 v22, v21  }
0x26a: {  	v22 =	vmul.f32 v22, v23  }
0x26b: {  	p0 =	sne.s32 s0, $0x1860;
	[tilespmem:$0x1020] =	vst v21  }
.Ltmp1:
0x26c: {  	[tilespmem:$0x1030] =	vst v22;
	(pc) =	sbr.rel @p0 .LBB2_4-.Ltmp1, $4  }
0x26d: {  	[spmem:s19] =	stream.indirect.scatter.add.f32 [tilespmem:s11], [sflag:$0x2], $0x20, s6, s6, $0xb8;
	[tilespmem:$0x1C940] =	vst v63  }
0x26e: {  	_ =	swait.ge [sflag:s5], $0xA00  }
0x26f: {  	[sflag:s5] =	ssyncset.done $0x0  }
0x270: {  	s0 =	sadd.s32 $0xA, s0;
	[sflag:s5] =	ssyncadd.s32 $0xFFFFF600  }
0x271: {  	[bflag:$0x0] =	sbarrier.arrive $0xFFFF  }
0x272: {  	s0 =	stileid.u32;
	s15 =	rddreg [dreg:$0x1f]  }
0x273: {  	s0 =	sshll.u32 s0, $0x6;
	s17 =	rddreg [dreg:$0x7];
	s14 =	sshrl.u32 s15, $0x3  }
0x274: {  	s13 =	sor.u32 $0x1C02, s0;
	[smem:$0x7FB] =	sst s14  }
0x275: {  	[hbm:s17], [sflag:s13] =	dma.local [spmem:s14], $0x620  }
0x276: {  	_ =	swait.ge [sflag:s5], $0x620  }
0x277: {  	s30 =	rddreg [dreg:$0x17]  }
0x278: {  	[sflag:s5] =	ssyncset.done $0x0;
	s20 =	rddreg [dreg:$0x8];
	s18 =	sshrl.u32 s30, $0x3  }
0x279: {  	[sflag:s5] =	ssyncadd.s32 $0xFFFFF9E0;
	[smem:$0x7FC] =	sst s18  }
0x27a: {  	[hbm:s20], [sflag:s13] =	dma.local [spmem:s18], $0x620  }
0x27b: {  	_ =	swait.ge [sflag:s5], $0x620  }
0x27c: {  	s31 =	rddreg [dreg:$0x18]  }
0x27d: {  	[sflag:s5] =	ssyncset.done $0x0;
	s24 =	rddreg [dreg:$0x9];
	s23 =	sshrl.u32 s31, $0x3  }
0x27e: {  	[sflag:s5] =	ssyncadd.s32 $0xFFFFF9E0;
	[smem:$0x7FD] =	sst s23  }
0x27f: {  	[hbm:s24], [sflag:s13] =	dma.local [spmem:s23], $0x620  }
0x280: {  	_ =	swait.ge [sflag:s5], $0x620  }
0x281: {  	[sflag:s5] =	ssyncset.done $0x0;
	s20 =	rddreg [dreg:$0x19]  }
0x282: {  	s25 =	rddreg [dreg:$0xa];
	[sflag:s5] =	ssyncadd.s32 $0xFFFFF9E0;
	s18 =	sshrl.u32 s20, $0x3  }
0x283: {  	[hbm:s25], [sflag:s13] =	dma.local [spmem:s18], $0x620  }
0x284: {  	_ =	swait.ge [sflag:s5], $0x620  }
0x285: {  	[sflag:s5] =	ssyncset.done $0x0;
	s29 =	rddreg [dreg:$0x1a]  }
0x286: {  	s26 =	rddreg [dreg:$0xb];
	[sflag:s5] =	ssyncadd.s32 $0xFFFFF9E0;
	s23 =	sshrl.u32 s29, $0x3  }
0x287: {  	[hbm:s26], [sflag:s13] =	dma.local [spmem:s23], $0x620  }
0x288: {  	_ =	swait.ge [sflag:s5], $0x620  }
0x289: {  	[sflag:s5] =	ssyncset.done $0x0;
	s14 =	rddreg [dreg:$0x1c]  }
0x28a: {  	s24 =	rddreg [dreg:$0xc];
	[sflag:s5] =	ssyncadd.s32 $0xFFFFF9E0;
	s0 =	sshrl.u32 s14, $0x3  }
0x28b: {  	[hbm:s24], [sflag:s13] =	dma.local [spmem:s0], $0x620  }
0x28c: {  	_ =	swait.ge [sflag:s5], $0x620  }
0x28d: {  	[sflag:s5] =	ssyncset.done $0x0;
	s15 =	rddreg [dreg:$0x1d]  }
0x28e: {  	s25 =	rddreg [dreg:$0xd];
	[sflag:s5] =	ssyncadd.s32 $0xFFFFF9E0;
	s24 =	sshrl.u32 s15, $0x3  }
0x28f: {  	[hbm:s25], [sflag:s13] =	dma.local [spmem:s24], $0x620  }
0x290: {  	_ =	swait.ge [sflag:s5], $0x620  }
0x291: {  	[sflag:s5] =	ssyncset.done $0x0;
	s17 =	rddreg [dreg:$0x1e]  }
0x292: {  	s26 =	rddreg [dreg:$0xe];
	[sflag:s5] =	ssyncadd.s32 $0xFFFFF9E0;
	s25 =	sshrl.u32 s17, $0x3  }
0x293: {  	[hbm:s26], [sflag:s13] =	dma.local [spmem:s25], $0x620  }
0x294: {  	_ =	swait.ge [sflag:s5], $0x620  }
0x295: {  	[sflag:s5] =	ssyncset.done $0x0  }
0x296: {  	[sflag:s5] =	ssyncadd.s32 $0xFFFFF9E0  }
0x297: {  	[bflag:$0x0] =	sbarrier.arrive $0xFFFF  }
0x298: {  	[spmem:s28] =	stream.linear.scatter [tilespmem:s4], [sflag:$0x2], $0x3100, $0x38;
	[tilespmem:$0x1C940] =	vst v63  }
0x299: {  	_ =	swait.ge [sflag:s5], $0x3100  }
0x29a: {  	[sflag:s5] =	ssyncset.done $0x0  }
0x29b: {  	[sflag:s5] =	ssyncadd.s32 $0xFFFFCF00  }
0x29c: {  	[spmem:s30] =	stream.linear.scatter [tilespmem:s4], [sflag:$0x2], $0x3100, $0x38;
	[tilespmem:$0x1C940] =	vst v63  }
0x29d: {  	_ =	swait.ge [sflag:s5], $0x3100  }
0x29e: {  	[sflag:s5] =	ssyncset.done $0x0  }
0x29f: {  	[sflag:s5] =	ssyncadd.s32 $0xFFFFCF00  }
0x2a0: {  	[spmem:s31] =	stream.linear.scatter [tilespmem:s4], [sflag:$0x2], $0x3100, $0x38;
	[tilespmem:$0x1C940] =	vst v63  }
0x2a1: {  	_ =	swait.ge [sflag:s5], $0x3100  }
0x2a2: {  	[sflag:s5] =	ssyncset.done $0x0  }
0x2a3: {  	[sflag:s5] =	ssyncadd.s32 $0xFFFFCF00  }
0x2a4: {  	[spmem:s20] =	stream.linear.scatter [tilespmem:s4], [sflag:$0x2], $0x3100, $0x38;
	[tilespmem:$0x1C940] =	vst v63  }
0x2a5: {  	_ =	swait.ge [sflag:s5], $0x3100  }
0x2a6: {  	[sflag:s5] =	ssyncset.done $0x0  }
0x2a7: {  	[sflag:s5] =	ssyncadd.s32 $0xFFFFCF00  }
0x2a8: {  	[spmem:s29] =	stream.linear.scatter [tilespmem:s4], [sflag:$0x2], $0x3100, $0x38;
	[tilespmem:$0x1C940] =	vst v63  }
0x2a9: {  	_ =	swait.ge [sflag:s5], $0x3100  }
0x2aa: {  	[sflag:s5] =	ssyncset.done $0x0  }
0x2ab: {  	[sflag:s5] =	ssyncadd.s32 $0xFFFFCF00  }
0x2ac: {  	[spmem:s14] =	stream.linear.scatter [tilespmem:s4], [sflag:$0x2], $0x3100, $0x38;
	[tilespmem:$0x1C940] =	vst v63  }
0x2ad: {  	_ =	swait.ge [sflag:s5], $0x3100  }
0x2ae: {  	[sflag:s5] =	ssyncset.done $0x0  }
0x2af: {  	[sflag:s5] =	ssyncadd.s32 $0xFFFFCF00  }
0x2b0: {  	[spmem:s15] =	stream.linear.scatter [tilespmem:s4], [sflag:$0x2], $0x3100, $0x38;
	[tilespmem:$0x1C940] =	vst v63  }
0x2b1: {  	_ =	swait.ge [sflag:s5], $0x3100  }
0x2b2: {  	[sflag:s5] =	ssyncset.done $0x0  }
0x2b3: {  	[sflag:s5] =	ssyncadd.s32 $0xFFFFCF00  }
0x2b4: {  	[spmem:s17] =	stream.linear.scatter [tilespmem:s4], [sflag:$0x2], $0x3100, $0x38;
	[tilespmem:$0x1C940] =	vst v63  }
0x2b5: {  	_ =	swait.ge [sflag:s5], $0x3100  }
0x2b6: {  	[sflag:s5] =	ssyncset.done $0x0  }
0x2b7: {  	[sflag:s5] =	ssyncadd.s32 $0xFFFFCF00  }
0x2b8: {  	s26 =	simm.s32 $0x0;
	[bflag:$0x0] =	sbarrier.arrive $0xFFFF  }
.LBB2_6:
0x2b9: {  	s28 =	sadd.s32 s26, s3  }
0x2ba: {  	[tilespmem:s1], [sflag:$0x2] =	stream.linear.gather [hbm4b:s28+s1], $0x50, $0x38;
	[tilespmem:$0x1C940] =	vst v63  }
0x2bb: {  	_ =	swait.ge [sflag:s5], $0x50  }
0x2bc: {  	[sflag:s5] =	ssyncset.done $0x0  }
0x2bd: {  	s29 =	sadd.s32 s26, s2;
	[sflag:s5] =	ssyncadd.s32 $0xFFFFFFB0  }
0x2be: {  	[tilespmem:s6], [sflag:$0x2] =	stream.linear.gather [hbm4b:s29+s1], $0x50, $0x38;
	[tilespmem:$0x1C940] =	vst v63  }
0x2bf: {  	_ =	swait.ge [sflag:s5], $0x50  }
0x2c0: {  	[sflag:s5] =	ssyncset.done $0x0  }
0x2c1: {  	s30 =	sadd.s32 s26, s22;
	[sflag:s5] =	ssyncadd.s32 $0xFFFFFFB0  }
0x2c2: {  	[tilespmem:s7], [sflag:$0x2] =	stream.linear.gather [hbm4b:s30+s1], $0x50, $0x38;
	[tilespmem:$0x1C940] =	vst v63  }
0x2c3: {  	_ =	swait.ge [sflag:s5], $0x50  }
0x2c4: {  	[sflag:s5] =	ssyncset.done $0x0  }
0x2c5: {  	s31 =	sadd.s32 s26, s21;
	[sflag:s5] =	ssyncadd.s32 $0xFFFFFFB0  }
0x2c6: {  	[tilespmem:s8], [sflag:$0x2] =	stream.linear.gather [hbm4b:s31+s1], $0x50, $0x38;
	[tilespmem:$0x1C940] =	vst v63  }
0x2c7: {  	_ =	swait.ge [sflag:s5], $0x50  }
0x2c8: {  	[sflag:s5] =	ssyncset.done $0x0  }
0x2c9: {  	[sflag:s5] =	ssyncadd.s32 $0xFFFFFFB0  }
0x2ca: {  	v21 =	vld [tilespmem:$0x0]  }
0x2cb: {  	v22 =	vld [tilespmem:$0x10]  }
0x2cc: {  	v23 =	vld [tilespmem:$0x20]  }
0x2cd: {  	v24 =	vld [tilespmem:$0x30]  }
0x2ce: {  	v25 =	vld [tilespmem:$0x40]  }
0x2cf: {  	v21 =	vadd.s32 v1, v21  }
0x2d0: {  	[tilespmem:$0x0] =	vst v21;
	v21 =	vadd.s32 v1, v22  }
0x2d1: {  	[tilespmem:$0x10] =	vst v21;
	v21 =	vadd.s32 v1, v23  }
0x2d2: {  	[tilespmem:$0x20] =	vst v21;
	v21 =	vadd.s32 v1, v24  }
0x2d3: {  	[tilespmem:$0x30] =	vst v21;
	v21 =	vadd.s32 v1, v25  }
0x2d4: {  	[tilespmem:$0x40] =	vst v21  }
0x2d5: {  	[tilespmem:s9], [sflag:$0x1] =	stream.indirect.gather [hbm4b:s16+s6], $0x10, s1, s6, $0xb8;
	[tilespmem:$0x1C940] =	vst v63  }
0x2d6: {  	_ =	swait.ge [sflag:s10], $0x500  }
0x2d7: {  	[sflag:s10] =	ssyncset.done $0x0  }
0x2d8: {  	[sflag:s10] =	ssyncadd.s32 $0xFFFFFB00  }
0x2d9: {  	v21 =	vld.msk [tilespmem:s8+$0x0], $0xffff  }
0x2da: {  	v22 =	vld [tilespmem:$0x140]  }
0x2db: {  	v23 =	vld.msk [tilespmem:s7+$0x0], $0xffff;
	_ =	sdelay $0x2  }
0x2dc: {  	v24 =	vimm.s32 $0x1  }
0x2dd: {  	v21 =	vmul.f32 v22, v21  }
0x2de: {  	v22 =	vmul.f32 v22, v23  }
0x2df: {  	[tilespmem:$0x640] =	vst v21  }
0x2e0: {  	[tilespmem:$0x650] =	vst v22;
	v22 =	vld [tilespmem:$0x150]  }
0x2e1: {  	v21 =	vld.idx.msk [tilespmem:v24+s8+$0x0], $0xffff  }
0x2e2: {  	v23 =	vld.idx.msk [tilespmem:v24+s7+$0x0], $0xffff;
	_ =	sdelay $0x2  }
0x2e3: {  	v24 =	vimm.s32 $0x2  }
0x2e4: {  	v21 =	vmul.f32 v22, v21  }
0x2e5: {  	v22 =	vmul.f32 v22, v23  }
0x2e6: {  	[tilespmem:$0x660] =	vst v21  }
0x2e7: {  	[tilespmem:$0x670] =	vst v22;
	v22 =	vld [tilespmem:$0x160]  }
0x2e8: {  	v21 =	vld.idx.msk [tilespmem:v24+s8+$0x0], $0xffff  }
0x2e9: {  	v23 =	vld.idx.msk [tilespmem:v24+s7+$0x0], $0xffff;
	_ =	sdelay $0x2  }
0x2ea: {  	v24 =	vimm.s32 $0x3  }
0x2eb: {  	v21 =	vmul.f32 v22, v21  }
0x2ec: {  	v22 =	vmul.f32 v22, v23  }
0x2ed: {  	[tilespmem:$0x680] =	vst v21  }
0x2ee: {  	[tilespmem:$0x690] =	vst v22;
	v22 =	vld [tilespmem:$0x170]  }
0x2ef: {  	v21 =	vld.idx.msk [tilespmem:v24+s8+$0x0], $0xffff  }
0x2f0: {  	v23 =	vld.idx.msk [tilespmem:v24+s7+$0x0], $0xffff;
	_ =	sdelay $0x2  }
0x2f1: {  	v24 =	vimm.s32 $0x4  }
0x2f2: {  	v21 =	vmul.f32 v22, v21  }
0x2f3: {  	v22 =	vmul.f32 v22, v23  }
0x2f4: {  	[tilespmem:$0x6A0] =	vst v21  }
0x2f5: {  	[tilespmem:$0x6B0] =	vst v22;
	v22 =	vld [tilespmem:$0x180]  }
0x2f6: {  	v21 =	vld.idx.msk [tilespmem:v24+s8+$0x0], $0xffff  }
0x2f7: {  	v23 =	vld.idx.msk [tilespmem:v24+s7+$0x0], $0xffff;
	_ =	sdelay $0x2  }
0x2f8: {  	v24 =	vimm.s32 $0x5  }
0x2f9: {  	v21 =	vmul.f32 v22, v21  }
0x2fa: {  	v22 =	vmul.f32 v22, v23  }
0x2fb: {  	[tilespmem:$0x6C0] =	vst v21  }
0x2fc: {  	[tilespmem:$0x6D0] =	vst v22;
	v22 =	vld [tilespmem:$0x190]  }
0x2fd: {  	v21 =	vld.idx.msk [tilespmem:v24+s8+$0x0], $0xffff  }
0x2fe: {  	v23 =	vld.idx.msk [tilespmem:v24+s7+$0x0], $0xffff;
	_ =	sdelay $0x2  }
0x2ff: {  	v24 =	vimm.s32 $0x6  }
0x300: {  	v21 =	vmul.f32 v22, v21  }
0x301: {  	v22 =	vmul.f32 v22, v23  }
0x302: {  	[tilespmem:$0x6E0] =	vst v21  }
0x303: {  	[tilespmem:$0x6F0] =	vst v22;
	v22 =	vld [tilespmem:$0x1A0]  }
0x304: {  	v21 =	vld.idx.msk [tilespmem:v24+s8+$0x0], $0xffff  }
0x305: {  	v23 =	vld.idx.msk [tilespmem:v24+s7+$0x0], $0xffff;
	_ =	sdelay $0x2  }
0x306: {  	v24 =	vimm.s32 $0x7  }
0x307: {  	v21 =	vmul.f32 v22, v21  }
0x308: {  	v22 =	vmul.f32 v22, v23  }
0x309: {  	[tilespmem:$0x700] =	vst v21  }
0x30a: {  	[tilespmem:$0x710] =	vst v22;
	v22 =	vld [tilespmem:$0x1B0]  }
0x30b: {  	v21 =	vld.idx.msk [tilespmem:v24+s8+$0x0], $0xffff  }
0x30c: {  	v23 =	vld.idx.msk [tilespmem:v24+s7+$0x0], $0xffff;
	_ =	sdelay $0x2  }
0x30d: {  	v24 =	vimm.s32 $0x8  }
0x30e: {  	v21 =	vmul.f32 v22, v21  }
0x30f: {  	v22 =	vmul.f32 v22, v23  }
0x310: {  	[tilespmem:$0x720] =	vst v21  }
0x311: {  	[tilespmem:$0x730] =	vst v22;
	v22 =	vld [tilespmem:$0x1C0]  }
0x312: {  	v21 =	vld.idx.msk [tilespmem:v24+s8+$0x0], $0xffff  }
0x313: {  	v23 =	vld.idx.msk [tilespmem:v24+s7+$0x0], $0xffff;
	_ =	sdelay $0x2  }
0x314: {  	v24 =	vimm.s32 $0x9  }
0x315: {  	v21 =	vmul.f32 v22, v21  }
0x316: {  	v22 =	vmul.f32 v22, v23  }
0x317: {  	[tilespmem:$0x740] =	vst v21  }
0x318: {  	[tilespmem:$0x750] =	vst v22;
	v22 =	vld [tilespmem:$0x1D0]  }
0x319: {  	v21 =	vld.idx.msk [tilespmem:v24+s8+$0x0], $0xffff  }
0x31a: {  	v23 =	vld.idx.msk [tilespmem:v24+s7+$0x0], $0xffff;
	_ =	sdelay $0x2  }
0x31b: {  	v24 =	vimm.s32 $0xA  }
0x31c: {  	v21 =	vmul.f32 v22, v21  }
0x31d: {  	v22 =	vmul.f32 v22, v23  }
0x31e: {  	[tilespmem:$0x760] =	vst v21  }
0x31f: {  	[tilespmem:$0x770] =	vst v22;
	v22 =	vld [tilespmem:$0x1E0]  }
0x320: {  	v21 =	vld.idx.msk [tilespmem:v24+s8+$0x0], $0xffff  }
0x321: {  	v23 =	vld.idx.msk [tilespmem:v24+s7+$0x0], $0xffff;
	_ =	sdelay $0x2  }
0x322: {  	v24 =	vimm.s32 $0xB  }
0x323: {  	v21 =	vmul.f32 v22, v21  }
0x324: {  	v22 =	vmul.f32 v22, v23  }
0x325: {  	[tilespmem:$0x780] =	vst v21  }
0x326: {  	[tilespmem:$0x790] =	vst v22;
	v22 =	vld [tilespmem:$0x1F0]  }
0x327: {  	v21 =	vld.idx.msk [tilespmem:v24+s8+$0x0], $0xffff  }
0x328: {  	v23 =	vld.idx.msk [tilespmem:v24+s7+$0x0], $0xffff;
	_ =	sdelay $0x2  }
0x329: {  	v24 =	vimm.s32 $0xC  }
0x32a: {  	v21 =	vmul.f32 v22, v21  }
0x32b: {  	v22 =	vmul.f32 v22, v23  }
0x32c: {  	[tilespmem:$0x7A0] =	vst v21  }
0x32d: {  	[tilespmem:$0x7B0] =	vst v22;
	v22 =	vld [tilespmem:$0x200]  }
0x32e: {  	v21 =	vld.idx.msk [tilespmem:v24+s8+$0x0], $0xffff  }
0x32f: {  	v23 =	vld.idx.msk [tilespmem:v24+s7+$0x0], $0xffff;
	_ =	sdelay $0x2  }
0x330: {  	v24 =	vimm.s32 $0xD  }
0x331: {  	v21 =	vmul.f32 v22, v21  }
0x332: {  	v22 =	vmul.f32 v22, v23  }
0x333: {  	[tilespmem:$0x7C0] =	vst v21  }
0x334: {  	[tilespmem:$0x7D0] =	vst v22;
	v22 =	vld [tilespmem:$0x210]  }
0x335: {  	v21 =	vld.idx.msk [tilespmem:v24+s8+$0x0], $0xffff  }
0x336: {  	v23 =	vld.idx.msk [tilespmem:v24+s7+$0x0], $0xffff;
	_ =	sdelay $0x2  }
0x337: {  	v24 =	vimm.s32 $0xE  }
0x338: {  	v21 =	vmul.f32 v22, v21  }
0x339: {  	v22 =	vmul.f32 v22, v23  }
0x33a: {  	[tilespmem:$0x7E0] =	vst v21  }
0x33b: {  	[tilespmem:$0x7F0] =	vst v22;
	v22 =	vld [tilespmem:$0x220]  }
0x33c: {  	v21 =	vld.idx.msk [tilespmem:v24+s8+$0x0], $0xffff  }
0x33d: {  	v23 =	vld.idx.msk [tilespmem:v24+s7+$0x0], $0xffff;
	_ =	sdelay $0x2  }
0x33e: {  	v24 =	vimm.s32 $0xF  }
0x33f: {  	v21 =	vmul.f32 v22, v21  }
0x340: {  	v22 =	vmul.f32 v22, v23  }
0x341: {  	[tilespmem:$0x800] =	vst v21  }
0x342: {  	[tilespmem:$0x810] =	vst v22;
	v22 =	vld [tilespmem:$0x230]  }
0x343: {  	v21 =	vld.idx.msk [tilespmem:v24+s8+$0x0], $0xffff  }
0x344: {  	v23 =	vld.idx.msk [tilespmem:v24+s7+$0x0], $0xffff;
	_ =	sdelay $0x2  }
0x345: {  	v24 =	vimm.s32 $0x10  }
0x346: {  	v21 =	vmul.f32 v22, v21  }
0x347: {  	v22 =	vmul.f32 v22, v23  }
0x348: {  	[tilespmem:$0x820] =	vst v21  }
0x349: {  	[tilespmem:$0x830] =	vst v22;
	v22 =	vld [tilespmem:$0x240]  }
0x34a: {  	v21 =	vld.idx.msk [tilespmem:v24+s8+$0x0], $0xffff  }
0x34b: {  	v23 =	vld.idx.msk [tilespmem:v24+s7+$0x0], $0xffff;
	_ =	sdelay $0x2  }
0x34c: {  	v24 =	vimm.s32 $0x11  }
0x34d: {  	v21 =	vmul.f32 v22, v21  }
0x34e: {  	v22 =	vmul.f32 v22, v23  }
0x34f: {  	[tilespmem:$0x840] =	vst v21  }
0x350: {  	[tilespmem:$0x850] =	vst v22;
	v22 =	vld [tilespmem:$0x250]  }
0x351: {  	v21 =	vld.idx.msk [tilespmem:v24+s8+$0x0], $0xffff  }
0x352: {  	v23 =	vld.idx.msk [tilespmem:v24+s7+$0x0], $0xffff;
	_ =	sdelay $0x2  }
0x353: {  	v24 =	vimm.s32 $0x12  }
0x354: {  	v21 =	vmul.f32 v22, v21  }
0x355: {  	v22 =	vmul.f32 v22, v23  }
0x356: {  	[tilespmem:$0x860] =	vst v21  }
0x357: {  	[tilespmem:$0x870] =	vst v22;
	v22 =	vld [tilespmem:$0x260]  }
0x358: {  	v21 =	vld.idx.msk [tilespmem:v24+s8+$0x0], $0xffff  }
0x359: {  	v23 =	vld.idx.msk [tilespmem:v24+s7+$0x0], $0xffff;
	_ =	sdelay $0x2  }
0x35a: {  	v24 =	vimm.s32 $0x13  }
0x35b: {  	v21 =	vmul.f32 v22, v21  }
0x35c: {  	v22 =	vmul.f32 v22, v23  }
0x35d: {  	[tilespmem:$0x880] =	vst v21  }
0x35e: {  	[tilespmem:$0x890] =	vst v22;
	v22 =	vld [tilespmem:$0x270]  }
0x35f: {  	v21 =	vld.idx.msk [tilespmem:v24+s8+$0x0], $0xffff  }
0x360: {  	v23 =	vld.idx.msk [tilespmem:v24+s7+$0x0], $0xffff;
	_ =	sdelay $0x2  }
0x361: {  	v24 =	vimm.s32 $0x14  }
0x362: {  	v21 =	vmul.f32 v22, v21  }
0x363: {  	v22 =	vmul.f32 v22, v23  }
0x364: {  	[tilespmem:$0x8A0] =	vst v21  }
0x365: {  	[tilespmem:$0x8B0] =	vst v22;
	v22 =	vld [tilespmem:$0x280]  }
0x366: {  	v21 =	vld.idx.msk [tilespmem:v24+s8+$0x0], $0xffff  }
0x367: {  	v23 =	vld.idx.msk [tilespmem:v24+s7+$0x0], $0xffff;
	_ =	sdelay $0x2  }
0x368: {  	v24 =	vimm.s32 $0x15  }
0x369: {  	v21 =	vmul.f32 v22, v21  }
0x36a: {  	v22 =	vmul.f32 v22, v23  }
0x36b: {  	[tilespmem:$0x8C0] =	vst v21  }
0x36c: {  	[tilespmem:$0x8D0] =	vst v22;
	v22 =	vld [tilespmem:$0x290]  }
0x36d: {  	v21 =	vld.idx.msk [tilespmem:v24+s8+$0x0], $0xffff  }
0x36e: {  	v23 =	vld.idx.msk [tilespmem:v24+s7+$0x0], $0xffff;
	_ =	sdelay $0x2  }
0x36f: {  	v24 =	vimm.s32 $0x16  }
0x370: {  	v21 =	vmul.f32 v22, v21  }
0x371: {  	v22 =	vmul.f32 v22, v23  }
0x372: {  	[tilespmem:$0x8E0] =	vst v21  }
0x373: {  	[tilespmem:$0x8F0] =	vst v22;
	v22 =	vld [tilespmem:$0x2A0]  }
0x374: {  	v21 =	vld.idx.msk [tilespmem:v24+s8+$0x0], $0xffff  }
0x375: {  	v23 =	vld.idx.msk [tilespmem:v24+s7+$0x0], $0xffff;
	_ =	sdelay $0x2  }
0x376: {  	v24 =	vimm.s32 $0x17  }
0x377: {  	v21 =	vmul.f32 v22, v21  }
0x378: {  	v22 =	vmul.f32 v22, v23  }
0x379: {  	[tilespmem:$0x900] =	vst v21  }
0x37a: {  	[tilespmem:$0x910] =	vst v22;
	v22 =	vld [tilespmem:$0x2B0]  }
0x37b: {  	v21 =	vld.idx.msk [tilespmem:v24+s8+$0x0], $0xffff  }
0x37c: {  	v23 =	vld.idx.msk [tilespmem:v24+s7+$0x0], $0xffff;
	_ =	sdelay $0x3  }
0x37d: {  	v21 =	vmul.f32 v22, v21  }
0x37e: {  	v22 =	vmul.f32 v22, v23  }
0x37f: {  	[tilespmem:$0x920] =	vst v21  }
0x380: {  	[tilespmem:$0x930] =	vst v22;
	v22 =	vld [tilespmem:$0x2C0]  }
0x381: {  	v21 =	vld.idx.msk [tilespmem:v26+s8+$0x0], $0xffff  }
0x382: {  	v23 =	vld.idx.msk [tilespmem:v26+s7+$0x0], $0xffff;
	_ =	sdelay $0x3  }
0x383: {  	v21 =	vmul.f32 v22, v21  }
0x384: {  	v22 =	vmul.f32 v22, v23  }
0x385: {  	[tilespmem:$0x940] =	vst v21  }
0x386: {  	[tilespmem:$0x950] =	vst v22;
	v22 =	vld [tilespmem:$0x2D0]  }
0x387: {  	v21 =	vld.idx.msk [tilespmem:v27+s8+$0x0], $0xffff  }
0x388: {  	v23 =	vld.idx.msk [tilespmem:v27+s7+$0x0], $0xffff;
	_ =	sdelay $0x3  }
0x389: {  	v21 =	vmul.f32 v22, v21  }
0x38a: {  	v22 =	vmul.f32 v22, v23  }
0x38b: {  	[tilespmem:$0x960] =	vst v21  }
0x38c: {  	[tilespmem:$0x970] =	vst v22;
	v22 =	vld [tilespmem:$0x2E0]  }
0x38d: {  	v21 =	vld.idx.msk [tilespmem:v28+s8+$0x0], $0xffff  }
0x38e: {  	v23 =	vld.idx.msk [tilespmem:v28+s7+$0x0], $0xffff;
	_ =	sdelay $0x3  }
0x38f: {  	v21 =	vmul.f32 v22, v21  }
0x390: {  	v22 =	vmul.f32 v22, v23  }
0x391: {  	[tilespmem:$0x980] =	vst v21  }
0x392: {  	[tilespmem:$0x990] =	vst v22;
	v22 =	vld [tilespmem:$0x2F0]  }
0x393: {  	v21 =	vld.idx.msk [tilespmem:v29+s8+$0x0], $0xffff  }
0x394: {  	v23 =	vld.idx.msk [tilespmem:v29+s7+$0x0], $0xffff;
	_ =	sdelay $0x3  }
0x395: {  	v21 =	vmul.f32 v22, v21  }
0x396: {  	v22 =	vmul.f32 v22, v23  }
0x397: {  	[tilespmem:$0x9A0] =	vst v21  }
0x398: {  	[tilespmem:$0x9B0] =	vst v22;
	v22 =	vld [tilespmem:$0x300]  }
0x399: {  	v21 =	vld.idx.msk [tilespmem:v30+s8+$0x0], $0xffff  }
0x39a: {  	v23 =	vld.idx.msk [tilespmem:v30+s7+$0x0], $0xffff;
	_ =	sdelay $0x3  }
0x39b: {  	v21 =	vmul.f32 v22, v21  }
0x39c: {  	v22 =	vmul.f32 v22, v23  }
0x39d: {  	[tilespmem:$0x9C0] =	vst v21  }
0x39e: {  	[tilespmem:$0x9D0] =	vst v22;
	v22 =	vld [tilespmem:$0x310]  }
0x39f: {  	v21 =	vld.idx.msk [tilespmem:v31+s8+$0x0], $0xffff  }
0x3a0: {  	v23 =	vld.idx.msk [tilespmem:v31+s7+$0x0], $0xffff;
	_ =	sdelay $0x3  }
0x3a1: {  	v21 =	vmul.f32 v22, v21  }
0x3a2: {  	v22 =	vmul.f32 v22, v23  }
0x3a3: {  	[tilespmem:$0x9E0] =	vst v21  }
0x3a4: {  	[tilespmem:$0x9F0] =	vst v22;
	v22 =	vld [tilespmem:$0x320]  }
0x3a5: {  	v21 =	vld.idx.msk [tilespmem:v32+s8+$0x0], $0xffff  }
0x3a6: {  	v23 =	vld.idx.msk [tilespmem:v32+s7+$0x0], $0xffff;
	_ =	sdelay $0x3  }
0x3a7: {  	v21 =	vmul.f32 v22, v21  }
0x3a8: {  	v22 =	vmul.f32 v22, v23  }
0x3a9: {  	[tilespmem:$0xA00] =	vst v21  }
0x3aa: {  	[tilespmem:$0xA10] =	vst v22;
	v22 =	vld [tilespmem:$0x330]  }
0x3ab: {  	v21 =	vld.idx.msk [tilespmem:v33+s8+$0x0], $0xffff  }
0x3ac: {  	v23 =	vld.idx.msk [tilespmem:v33+s7+$0x0], $0xffff;
	_ =	sdelay $0x3  }
0x3ad: {  	v21 =	vmul.f32 v22, v21  }
0x3ae: {  	v22 =	vmul.f32 v22, v23  }
0x3af: {  	[tilespmem:$0xA20] =	vst v21  }
0x3b0: {  	[tilespmem:$0xA30] =	vst v22;
	v22 =	vld [tilespmem:$0x340]  }
0x3b1: {  	v21 =	vld.idx.msk [tilespmem:v34+s8+$0x0], $0xffff  }
0x3b2: {  	v23 =	vld.idx.msk [tilespmem:v34+s7+$0x0], $0xffff;
	_ =	sdelay $0x3  }
0x3b3: {  	v21 =	vmul.f32 v22, v21  }
0x3b4: {  	v22 =	vmul.f32 v22, v23  }
0x3b5: {  	[tilespmem:$0xA40] =	vst v21  }
0x3b6: {  	[tilespmem:$0xA50] =	vst v22;
	v22 =	vld [tilespmem:$0x350]  }
0x3b7: {  	v21 =	vld.idx.msk [tilespmem:v35+s8+$0x0], $0xffff  }
0x3b8: {  	v23 =	vld.idx.msk [tilespmem:v35+s7+$0x0], $0xffff;
	_ =	sdelay $0x3  }
0x3b9: {  	v21 =	vmul.f32 v22, v21  }
0x3ba: {  	v22 =	vmul.f32 v22, v23  }
0x3bb: {  	[tilespmem:$0xA60] =	vst v21  }
0x3bc: {  	[tilespmem:$0xA70] =	vst v22;
	v22 =	vld [tilespmem:$0x360]  }
0x3bd: {  	v21 =	vld.idx.msk [tilespmem:v36+s8+$0x0], $0xffff  }
0x3be: {  	v23 =	vld.idx.msk [tilespmem:v36+s7+$0x0], $0xffff;
	_ =	sdelay $0x3  }
0x3bf: {  	v21 =	vmul.f32 v22, v21  }
0x3c0: {  	v22 =	vmul.f32 v22, v23  }
0x3c1: {  	[tilespmem:$0xA80] =	vst v21  }
0x3c2: {  	[tilespmem:$0xA90] =	vst v22;
	v22 =	vld [tilespmem:$0x370]  }
0x3c3: {  	v21 =	vld.idx.msk [tilespmem:v37+s8+$0x0], $0xffff  }
0x3c4: {  	v23 =	vld.idx.msk [tilespmem:v37+s7+$0x0], $0xffff;
	_ =	sdelay $0x3  }
0x3c5: {  	v21 =	vmul.f32 v22, v21  }
0x3c6: {  	v22 =	vmul.f32 v22, v23  }
0x3c7: {  	[tilespmem:$0xAA0] =	vst v21  }
0x3c8: {  	[tilespmem:$0xAB0] =	vst v22;
	v22 =	vld [tilespmem:$0x380]  }
0x3c9: {  	v21 =	vld.idx.msk [tilespmem:v38+s8+$0x0], $0xffff  }
0x3ca: {  	v23 =	vld.idx.msk [tilespmem:v38+s7+$0x0], $0xffff;
	_ =	sdelay $0x3  }
0x3cb: {  	v21 =	vmul.f32 v22, v21  }
0x3cc: {  	v22 =	vmul.f32 v22, v23  }
0x3cd: {  	[tilespmem:$0xAC0] =	vst v21  }
0x3ce: {  	[tilespmem:$0xAD0] =	vst v22;
	v22 =	vld [tilespmem:$0x390]  }
0x3cf: {  	v21 =	vld.idx.msk [tilespmem:v39+s8+$0x0], $0xffff  }
0x3d0: {  	v23 =	vld.idx.msk [tilespmem:v39+s7+$0x0], $0xffff;
	_ =	sdelay $0x3  }
0x3d1: {  	v21 =	vmul.f32 v22, v21  }
0x3d2: {  	v22 =	vmul.f32 v22, v23  }
0x3d3: {  	[tilespmem:$0xAE0] =	vst v21  }
0x3d4: {  	[tilespmem:$0xAF0] =	vst v22;
	v22 =	vld [tilespmem:$0x3A0]  }
0x3d5: {  	v21 =	vld.idx.msk [tilespmem:v40+s8+$0x0], $0xffff  }
0x3d6: {  	v23 =	vld.idx.msk [tilespmem:v40+s7+$0x0], $0xffff;
	_ =	sdelay $0x3  }
0x3d7: {  	v21 =	vmul.f32 v22, v21  }
0x3d8: {  	v22 =	vmul.f32 v22, v23  }
0x3d9: {  	[tilespmem:$0xB00] =	vst v21  }
0x3da: {  	[tilespmem:$0xB10] =	vst v22;
	v22 =	vld [tilespmem:$0x3B0]  }
0x3db: {  	v21 =	vld.idx.msk [tilespmem:v41+s8+$0x0], $0xffff  }
0x3dc: {  	v23 =	vld.idx.msk [tilespmem:v41+s7+$0x0], $0xffff;
	_ =	sdelay $0x3  }
0x3dd: {  	v21 =	vmul.f32 v22, v21  }
0x3de: {  	v22 =	vmul.f32 v22, v23  }
0x3df: {  	[tilespmem:$0xB20] =	vst v21  }
0x3e0: {  	[tilespmem:$0xB30] =	vst v22;
	v22 =	vld [tilespmem:$0x3C0]  }
0x3e1: {  	v21 =	vld.idx.msk [tilespmem:v42+s8+$0x0], $0xffff  }
0x3e2: {  	v23 =	vld.idx.msk [tilespmem:v42+s7+$0x0], $0xffff;
	_ =	sdelay $0x3  }
0x3e3: {  	v21 =	vmul.f32 v22, v21  }
0x3e4: {  	v22 =	vmul.f32 v22, v23  }
0x3e5: {  	[tilespmem:$0xB40] =	vst v21  }
0x3e6: {  	[tilespmem:$0xB50] =	vst v22;
	v22 =	vld [tilespmem:$0x3D0]  }
0x3e7: {  	v21 =	vld.idx.msk [tilespmem:v43+s8+$0x0], $0xffff  }
0x3e8: {  	v23 =	vld.idx.msk [tilespmem:v43+s7+$0x0], $0xffff;
	_ =	sdelay $0x3  }
0x3e9: {  	v21 =	vmul.f32 v22, v21  }
0x3ea: {  	v22 =	vmul.f32 v22, v23  }
0x3eb: {  	[tilespmem:$0xB60] =	vst v21  }
0x3ec: {  	[tilespmem:$0xB70] =	vst v22;
	v22 =	vld [tilespmem:$0x3E0]  }
0x3ed: {  	v21 =	vld.idx.msk [tilespmem:v44+s8+$0x0], $0xffff  }
0x3ee: {  	v23 =	vld.idx.msk [tilespmem:v44+s7+$0x0], $0xffff;
	_ =	sdelay $0x3  }
0x3ef: {  	v21 =	vmul.f32 v22, v21  }
0x3f0: {  	v22 =	vmul.f32 v22, v23  }
0x3f1: {  	[tilespmem:$0xB80] =	vst v21  }
0x3f2: {  	[tilespmem:$0xB90] =	vst v22;
	v22 =	vld [tilespmem:$0x3F0]  }
0x3f3: {  	v21 =	vld.idx.msk [tilespmem:v45+s8+$0x0], $0xffff  }
0x3f4: {  	v23 =	vld.idx.msk [tilespmem:v45+s7+$0x0], $0xffff;
	_ =	sdelay $0x3  }
0x3f5: {  	v21 =	vmul.f32 v22, v21  }
0x3f6: {  	v22 =	vmul.f32 v22, v23  }
0x3f7: {  	[tilespmem:$0xBA0] =	vst v21  }
0x3f8: {  	[tilespmem:$0xBB0] =	vst v22;
	v22 =	vld [tilespmem:$0x400]  }
0x3f9: {  	v21 =	vld.idx.msk [tilespmem:v46+s8+$0x0], $0xffff  }
0x3fa: {  	v23 =	vld.idx.msk [tilespmem:v46+s7+$0x0], $0xffff;
	_ =	sdelay $0x3  }
0x3fb: {  	v21 =	vmul.f32 v22, v21  }
0x3fc: {  	v22 =	vmul.f32 v22, v23  }
0x3fd: {  	[tilespmem:$0xBC0] =	vst v21  }
0x3fe: {  	[tilespmem:$0xBD0] =	vst v22;
	v22 =	vld [tilespmem:$0x410]  }
0x3ff: {  	v21 =	vld.idx.msk [tilespmem:v47+s8+$0x0], $0xffff  }
0x400: {  	v23 =	vld.idx.msk [tilespmem:v47+s7+$0x0], $0xffff;
	_ =	sdelay $0x3  }
0x401: {  	v21 =	vmul.f32 v22, v21  }
0x402: {  	v22 =	vmul.f32 v22, v23  }
0x403: {  	[tilespmem:$0xBE0] =	vst v21  }
0x404: {  	[tilespmem:$0xBF0] =	vst v22;
	v22 =	vld [tilespmem:$0x420]  }
0x405: {  	v21 =	vld.idx.msk [tilespmem:v48+s8+$0x0], $0xffff  }
0x406: {  	v23 =	vld.idx.msk [tilespmem:v48+s7+$0x0], $0xffff;
	_ =	sdelay $0x3  }
0x407: {  	v21 =	vmul.f32 v22, v21  }
0x408: {  	v22 =	vmul.f32 v22, v23  }
0x409: {  	[tilespmem:$0xC00] =	vst v21  }
0x40a: {  	[tilespmem:$0xC10] =	vst v22;
	v22 =	vld [tilespmem:$0x430]  }
0x40b: {  	v21 =	vld.idx.msk [tilespmem:v49+s8+$0x0], $0xffff  }
0x40c: {  	v23 =	vld.idx.msk [tilespmem:v49+s7+$0x0], $0xffff;
	_ =	sdelay $0x3  }
0x40d: {  	v21 =	vmul.f32 v22, v21  }
0x40e: {  	v22 =	vmul.f32 v22, v23  }
0x40f: {  	[tilespmem:$0xC20] =	vst v21  }
0x410: {  	[tilespmem:$0xC30] =	vst v22;
	v22 =	vld [tilespmem:$0x440]  }
0x411: {  	v21 =	vld.idx.msk [tilespmem:v50+s8+$0x0], $0xffff  }
0x412: {  	v23 =	vld.idx.msk [tilespmem:v50+s7+$0x0], $0xffff;
	_ =	sdelay $0x3  }
0x413: {  	v21 =	vmul.f32 v22, v21  }
0x414: {  	v22 =	vmul.f32 v22, v23  }
0x415: {  	[tilespmem:$0xC40] =	vst v21  }
0x416: {  	[tilespmem:$0xC50] =	vst v22;
	v22 =	vld [tilespmem:$0x450]  }
0x417: {  	v21 =	vld.idx.msk [tilespmem:v51+s8+$0x0], $0xffff  }
0x418: {  	v23 =	vld.idx.msk [tilespmem:v51+s7+$0x0], $0xffff;
	_ =	sdelay $0x3  }
0x419: {  	v21 =	vmul.f32 v22, v21  }
0x41a: {  	v22 =	vmul.f32 v22, v23  }
0x41b: {  	[tilespmem:$0xC60] =	vst v21  }
0x41c: {  	[tilespmem:$0xC70] =	vst v22;
	v22 =	vld [tilespmem:$0x460]  }
0x41d: {  	v21 =	vld.idx.msk [tilespmem:v52+s8+$0x0], $0xffff  }
0x41e: {  	v23 =	vld.idx.msk [tilespmem:v52+s7+$0x0], $0xffff;
	_ =	sdelay $0x3  }
0x41f: {  	v21 =	vmul.f32 v22, v21  }
0x420: {  	v22 =	vmul.f32 v22, v23  }
0x421: {  	[tilespmem:$0xC80] =	vst v21  }
0x422: {  	[tilespmem:$0xC90] =	vst v22;
	v22 =	vld [tilespmem:$0x470]  }
0x423: {  	v21 =	vld.idx.msk [tilespmem:v53+s8+$0x0], $0xffff  }
0x424: {  	v23 =	vld.idx.msk [tilespmem:v53+s7+$0x0], $0xffff;
	_ =	sdelay $0x3  }
0x425: {  	v21 =	vmul.f32 v22, v21  }
0x426: {  	v22 =	vmul.f32 v22, v23  }
0x427: {  	[tilespmem:$0xCA0] =	vst v21  }
0x428: {  	[tilespmem:$0xCB0] =	vst v22;
	v22 =	vld [tilespmem:$0x480]  }
0x429: {  	v21 =	vld.idx.msk [tilespmem:v54+s8+$0x0], $0xffff  }
0x42a: {  	v23 =	vld.idx.msk [tilespmem:v54+s7+$0x0], $0xffff;
	_ =	sdelay $0x3  }
0x42b: {  	v21 =	vmul.f32 v22, v21  }
0x42c: {  	v22 =	vmul.f32 v22, v23  }
0x42d: {  	[tilespmem:$0xCC0] =	vst v21  }
0x42e: {  	[tilespmem:$0xCD0] =	vst v22;
	v22 =	vld [tilespmem:$0x490]  }
0x42f: {  	v21 =	vld.idx.msk [tilespmem:v55+s8+$0x0], $0xffff  }
0x430: {  	v23 =	vld.idx.msk [tilespmem:v55+s7+$0x0], $0xffff;
	_ =	sdelay $0x3  }
0x431: {  	v21 =	vmul.f32 v22, v21  }
0x432: {  	v22 =	vmul.f32 v22, v23  }
0x433: {  	[tilespmem:$0xCE0] =	vst v21  }
0x434: {  	[tilespmem:$0xCF0] =	vst v22;
	v22 =	vld [tilespmem:$0x4A0]  }
0x435: {  	v21 =	vld.idx.msk [tilespmem:v56+s8+$0x0], $0xffff  }
0x436: {  	v23 =	vld.idx.msk [tilespmem:v56+s7+$0x0], $0xffff;
	_ =	sdelay $0x3  }
0x437: {  	v21 =	vmul.f32 v22, v21  }
0x438: {  	v22 =	vmul.f32 v22, v23  }
0x439: {  	[tilespmem:$0xD00] =	vst v21  }
0x43a: {  	[tilespmem:$0xD10] =	vst v22;
	v22 =	vld [tilespmem:$0x4B0]  }
0x43b: {  	v21 =	vld.idx.msk [tilespmem:v57+s8+$0x0], $0xffff  }
0x43c: {  	v23 =	vld.idx.msk [tilespmem:v57+s7+$0x0], $0xffff;
	_ =	sdelay $0x3  }
0x43d: {  	v21 =	vmul.f32 v22, v21  }
0x43e: {  	v22 =	vmul.f32 v22, v23  }
0x43f: {  	[tilespmem:$0xD20] =	vst v21  }
0x440: {  	[tilespmem:$0xD30] =	vst v22;
	v22 =	vld [tilespmem:$0x4C0]  }
0x441: {  	v21 =	vld.idx.msk [tilespmem:v58+s8+$0x0], $0xffff  }
0x442: {  	v23 =	vld.idx.msk [tilespmem:v58+s7+$0x0], $0xffff;
	_ =	sdelay $0x3  }
0x443: {  	v21 =	vmul.f32 v22, v21  }
0x444: {  	v22 =	vmul.f32 v22, v23  }
0x445: {  	[tilespmem:$0xD40] =	vst v21  }
0x446: {  	[tilespmem:$0xD50] =	vst v22;
	v22 =	vld [tilespmem:$0x4D0]  }
0x447: {  	v21 =	vld.idx.msk [tilespmem:v59+s8+$0x0], $0xffff  }
0x448: {  	v23 =	vld.idx.msk [tilespmem:v59+s7+$0x0], $0xffff;
	_ =	sdelay $0x3  }
0x449: {  	v21 =	vmul.f32 v22, v21  }
0x44a: {  	v22 =	vmul.f32 v22, v23  }
0x44b: {  	[tilespmem:$0xD60] =	vst v21  }
0x44c: {  	[tilespmem:$0xD70] =	vst v22;
	v22 =	vld [tilespmem:$0x4E0]  }
0x44d: {  	v21 =	vld.idx.msk [tilespmem:v60+s8+$0x0], $0xffff  }
0x44e: {  	v23 =	vld.idx.msk [tilespmem:v60+s7+$0x0], $0xffff;
	_ =	sdelay $0x3  }
0x44f: {  	v21 =	vmul.f32 v22, v21  }
0x450: {  	v22 =	vmul.f32 v22, v23  }
0x451: {  	[tilespmem:$0xD80] =	vst v21  }
0x452: {  	[tilespmem:$0xD90] =	vst v22;
	v22 =	vld [tilespmem:$0x4F0]  }
0x453: {  	v21 =	vld.idx.msk [tilespmem:v61+s8+$0x0], $0xffff  }
0x454: {  	v23 =	vld.idx.msk [tilespmem:v61+s7+$0x0], $0xffff;
	_ =	sdelay $0x3  }
0x455: {  	v21 =	vmul.f32 v22, v21  }
0x456: {  	v22 =	vmul.f32 v22, v23  }
0x457: {  	[tilespmem:$0xDA0] =	vst v21  }
0x458: {  	[tilespmem:$0xDB0] =	vst v22;
	v22 =	vld [tilespmem:$0x500]  }
0x459: {  	v21 =	vld.idx.msk [tilespmem:v62+s8+$0x0], $0xffff  }
0x45a: {  	v23 =	vld.idx.msk [tilespmem:v62+s7+$0x0], $0xffff;
	_ =	sdelay $0x3  }
0x45b: {  	v21 =	vmul.f32 v22, v21  }
0x45c: {  	v22 =	vmul.f32 v22, v23  }
0x45d: {  	[tilespmem:$0xDC0] =	vst v21  }
0x45e: {  	[tilespmem:$0xDD0] =	vst v22;
	v22 =	vld [tilespmem:$0x510]  }
0x45f: {  	v21 =	vld.idx.msk [tilespmem:v63+s8+$0x0], $0xffff  }
0x460: {  	v23 =	vld.idx.msk [tilespmem:v63+s7+$0x0], $0xffff;
	_ =	sdelay $0x3  }
0x461: {  	v21 =	vmul.f32 v22, v21  }
0x462: {  	v22 =	vmul.f32 v22, v23  }
0x463: {  	[tilespmem:$0xDE0] =	vst v21  }
0x464: {  	[tilespmem:$0xDF0] =	vst v22;
	v22 =	vld [tilespmem:$0x520]  }
0x465: {  	v21 =	vld.idx.msk [tilespmem:v3+s8+$0x0], $0xffff  }
0x466: {  	v23 =	vld.idx.msk [tilespmem:v3+s7+$0x0], $0xffff;
	_ =	sdelay $0x3  }
0x467: {  	v21 =	vmul.f32 v22, v21  }
0x468: {  	v22 =	vmul.f32 v22, v23  }
0x469: {  	[tilespmem:$0xE00] =	vst v21  }
0x46a: {  	[tilespmem:$0xE10] =	vst v22;
	v22 =	vld [tilespmem:$0x530]  }
0x46b: {  	v21 =	vld.idx.msk [tilespmem:v4+s8+$0x0], $0xffff  }
0x46c: {  	v23 =	vld.idx.msk [tilespmem:v4+s7+$0x0], $0xffff;
	_ =	sdelay $0x3  }
0x46d: {  	v21 =	vmul.f32 v22, v21  }
0x46e: {  	v22 =	vmul.f32 v22, v23  }
0x46f: {  	[tilespmem:$0xE20] =	vst v21  }
0x470: {  	[tilespmem:$0xE30] =	vst v22;
	v22 =	vld [tilespmem:$0x540]  }
0x471: {  	v21 =	vld.idx.msk [tilespmem:v5+s8+$0x0], $0xffff  }
0x472: {  	v23 =	vld.idx.msk [tilespmem:v5+s7+$0x0], $0xffff;
	_ =	sdelay $0x3  }
0x473: {  	v21 =	vmul.f32 v22, v21  }
0x474: {  	v22 =	vmul.f32 v22, v23  }
0x475: {  	[tilespmem:$0xE40] =	vst v21  }
0x476: {  	[tilespmem:$0xE50] =	vst v22;
	v22 =	vld [tilespmem:$0x550]  }
0x477: {  	v21 =	vld.idx.msk [tilespmem:v6+s8+$0x0], $0xffff  }
0x478: {  	v23 =	vld.idx.msk [tilespmem:v6+s7+$0x0], $0xffff;
	_ =	sdelay $0x3  }
0x479: {  	v21 =	vmul.f32 v22, v21  }
0x47a: {  	v22 =	vmul.f32 v22, v23  }
0x47b: {  	[tilespmem:$0xE60] =	vst v21  }
0x47c: {  	[tilespmem:$0xE70] =	vst v22;
	v22 =	vld [tilespmem:$0x560]  }
0x47d: {  	v21 =	vld.idx.msk [tilespmem:v7+s8+$0x0], $0xffff  }
0x47e: {  	v23 =	vld.idx.msk [tilespmem:v7+s7+$0x0], $0xffff;
	_ =	sdelay $0x3  }
0x47f: {  	v21 =	vmul.f32 v22, v21  }
0x480: {  	v22 =	vmul.f32 v22, v23  }
0x481: {  	[tilespmem:$0xE80] =	vst v21  }
0x482: {  	[tilespmem:$0xE90] =	vst v22;
	v22 =	vld [tilespmem:$0x570]  }
0x483: {  	v21 =	vld.idx.msk [tilespmem:v8+s8+$0x0], $0xffff  }
0x484: {  	v23 =	vld.idx.msk [tilespmem:v8+s7+$0x0], $0xffff;
	_ =	sdelay $0x3  }
0x485: {  	v21 =	vmul.f32 v22, v21  }
0x486: {  	v22 =	vmul.f32 v22, v23  }
0x487: {  	[tilespmem:$0xEA0] =	vst v21  }
0x488: {  	[tilespmem:$0xEB0] =	vst v22;
	v22 =	vld [tilespmem:$0x580]  }
0x489: {  	v21 =	vld.idx.msk [tilespmem:v9+s8+$0x0], $0xffff  }
0x48a: {  	v23 =	vld.idx.msk [tilespmem:v9+s7+$0x0], $0xffff;
	_ =	sdelay $0x3  }
0x48b: {  	v21 =	vmul.f32 v22, v21  }
0x48c: {  	v22 =	vmul.f32 v22, v23  }
0x48d: {  	[tilespmem:$0xEC0] =	vst v21  }
0x48e: {  	[tilespmem:$0xED0] =	vst v22;
	v22 =	vld [tilespmem:$0x590]  }
0x48f: {  	v21 =	vld.idx.msk [tilespmem:v10+s8+$0x0], $0xffff  }
0x490: {  	v23 =	vld.idx.msk [tilespmem:v10+s7+$0x0], $0xffff;
	_ =	sdelay $0x3  }
0x491: {  	v21 =	vmul.f32 v22, v21  }
0x492: {  	v22 =	vmul.f32 v22, v23  }
0x493: {  	[tilespmem:$0xEE0] =	vst v21  }
0x494: {  	[tilespmem:$0xEF0] =	vst v22;
	v22 =	vld [tilespmem:$0x5A0]  }
0x495: {  	v21 =	vld.idx.msk [tilespmem:v11+s8+$0x0], $0xffff  }
0x496: {  	v23 =	vld.idx.msk [tilespmem:v11+s7+$0x0], $0xffff;
	_ =	sdelay $0x3  }
0x497: {  	v21 =	vmul.f32 v22, v21  }
0x498: {  	v22 =	vmul.f32 v22, v23  }
0x499: {  	[tilespmem:$0xF00] =	vst v21  }
0x49a: {  	[tilespmem:$0xF10] =	vst v22;
	v22 =	vld [tilespmem:$0x5B0]  }
0x49b: {  	v21 =	vld.idx.msk [tilespmem:v12+s8+$0x0], $0xffff  }
0x49c: {  	v23 =	vld.idx.msk [tilespmem:v12+s7+$0x0], $0xffff;
	_ =	sdelay $0x3  }
0x49d: {  	v21 =	vmul.f32 v22, v21  }
0x49e: {  	v22 =	vmul.f32 v22, v23  }
0x49f: {  	[tilespmem:$0xF20] =	vst v21  }
0x4a0: {  	[tilespmem:$0xF30] =	vst v22;
	v22 =	vld [tilespmem:$0x5C0]  }
0x4a1: {  	v21 =	vld.idx.msk [tilespmem:v13+s8+$0x0], $0xffff  }
0x4a2: {  	v23 =	vld.idx.msk [tilespmem:v13+s7+$0x0], $0xffff;
	_ =	sdelay $0x3  }
0x4a3: {  	v21 =	vmul.f32 v22, v21  }
0x4a4: {  	v22 =	vmul.f32 v22, v23  }
0x4a5: {  	[tilespmem:$0xF40] =	vst v21  }
0x4a6: {  	[tilespmem:$0xF50] =	vst v22;
	v22 =	vld [tilespmem:$0x5D0]  }
0x4a7: {  	v21 =	vld.idx.msk [tilespmem:v14+s8+$0x0], $0xffff  }
0x4a8: {  	v23 =	vld.idx.msk [tilespmem:v14+s7+$0x0], $0xffff;
	_ =	sdelay $0x3  }
0x4a9: {  	v21 =	vmul.f32 v22, v21  }
0x4aa: {  	v22 =	vmul.f32 v22, v23  }
0x4ab: {  	[tilespmem:$0xF60] =	vst v21  }
0x4ac: {  	[tilespmem:$0xF70] =	vst v22;
	v22 =	vld [tilespmem:$0x5E0]  }
0x4ad: {  	v21 =	vld.idx.msk [tilespmem:v15+s8+$0x0], $0xffff  }
0x4ae: {  	v23 =	vld.idx.msk [tilespmem:v15+s7+$0x0], $0xffff;
	_ =	sdelay $0x3  }
0x4af: {  	v21 =	vmul.f32 v22, v21  }
0x4b0: {  	v22 =	vmul.f32 v22, v23  }
0x4b1: {  	[tilespmem:$0xF80] =	vst v21  }
0x4b2: {  	[tilespmem:$0xF90] =	vst v22;
	v22 =	vld [tilespmem:$0x5F0]  }
0x4b3: {  	v21 =	vld.idx.msk [tilespmem:v16+s8+$0x0], $0xffff  }
0x4b4: {  	v23 =	vld.idx.msk [tilespmem:v16+s7+$0x0], $0xffff;
	_ =	sdelay $0x3  }
0x4b5: {  	v21 =	vmul.f32 v22, v21  }
0x4b6: {  	v22 =	vmul.f32 v22, v23  }
0x4b7: {  	[tilespmem:$0xFA0] =	vst v21  }
0x4b8: {  	[tilespmem:$0xFB0] =	vst v22;
	v22 =	vld [tilespmem:$0x600]  }
0x4b9: {  	v21 =	vld.idx.msk [tilespmem:v17+s8+$0x0], $0xffff  }
0x4ba: {  	v23 =	vld.idx.msk [tilespmem:v17+s7+$0x0], $0xffff;
	_ =	sdelay $0x3  }
0x4bb: {  	v21 =	vmul.f32 v22, v21  }
0x4bc: {  	v22 =	vmul.f32 v22, v23  }
0x4bd: {  	[tilespmem:$0xFC0] =	vst v21  }
0x4be: {  	[tilespmem:$0xFD0] =	vst v22;
	v22 =	vld [tilespmem:$0x610]  }
0x4bf: {  	v21 =	vld.idx.msk [tilespmem:v18+s8+$0x0], $0xffff  }
0x4c0: {  	v23 =	vld.idx.msk [tilespmem:v18+s7+$0x0], $0xffff;
	_ =	sdelay $0x3  }
0x4c1: {  	v21 =	vmul.f32 v22, v21  }
0x4c2: {  	v22 =	vmul.f32 v22, v23  }
0x4c3: {  	[tilespmem:$0xFE0] =	vst v21  }
0x4c4: {  	[tilespmem:$0xFF0] =	vst v22;
	v22 =	vld [tilespmem:$0x620]  }
0x4c5: {  	v21 =	vld.idx.msk [tilespmem:v19+s8+$0x0], $0xffff  }
0x4c6: {  	v23 =	vld.idx.msk [tilespmem:v19+s7+$0x0], $0xffff;
	_ =	sdelay $0x3  }
0x4c7: {  	v21 =	vmul.f32 v22, v21  }
0x4c8: {  	v22 =	vmul.f32 v22, v23  }
0x4c9: {  	[tilespmem:$0x1000] =	vst v21  }
0x4ca: {  	[tilespmem:$0x1010] =	vst v22;
	v22 =	vld [tilespmem:$0x630]  }
0x4cb: {  	v21 =	vld.idx.msk [tilespmem:v20+s8+$0x0], $0xffff  }
0x4cc: {  	v23 =	vld.idx.msk [tilespmem:v20+s7+$0x0], $0xffff;
	_ =	sdelay $0x3  }
0x4cd: {  	v21 =	vmul.f32 v22, v21  }
0x4ce: {  	v22 =	vmul.f32 v22, v23  }
0x4cf: {  	p0 =	sne.s32 s26, $0x1860;
	[tilespmem:$0x1020] =	vst v21  }
.Ltmp2:
0x4d0: {  	[tilespmem:$0x1030] =	vst v22;
	(pc) =	sbr.rel @p0 .LBB2_6-.Ltmp2, $4  }
0x4d1: {  	[spmem:s19] =	stream.indirect.scatter.add.f32 [tilespmem:s11], [sflag:$0x2], $0x20, s6, s6, $0xb8;
	[tilespmem:$0x1C940] =	vst v63  }
0x4d2: {  	_ =	swait.ge [sflag:s5], $0xA00  }
0x4d3: {  	[sflag:s5] =	ssyncset.done $0x0  }
0x4d4: {  	s26 =	sadd.s32 $0xA, s26;
	[sflag:s5] =	ssyncadd.s32 $0xFFFFF600  }
0x4d5: {  	[bflag:$0x0] =	sbarrier.arrive $0xFFFF  }
0x4d6: {  	s14 =	sld [smem:$0x7FB];
	_ =	sdelay $0x1  }
0x4d7: {  	s26 =	rddreg [dreg:$0x6]  }
0x4d8: {  	[hbm:s26], [sflag:s13] =	dma.local [spmem:s14], $0x620  }
0x4d9: {  	_ =	swait.ge [sflag:s5], $0x620  }
0x4da: {  	s15 =	sld [smem:$0x7FC]  }
0x4db: {  	[sflag:s5] =	ssyncset.done $0x0  }
0x4dc: {  	s29 =	rddreg [dreg:$0xf];
	[sflag:s5] =	ssyncadd.s32 $0xFFFFF9E0  }
0x4dd: {  	[hbm:s29], [sflag:s13] =	dma.local [spmem:s15], $0x620  }
0x4de: {  	_ =	swait.ge [sflag:s5], $0x620  }
0x4df: {  	s31 =	sld [smem:$0x7FD]  }
0x4e0: {  	[sflag:s5] =	ssyncset.done $0x0  }
0x4e1: {  	s30 =	rddreg [dreg:$0x10];
	[sflag:s5] =	ssyncadd.s32 $0xFFFFF9E0  }
0x4e2: {  	[hbm:s30], [sflag:s13] =	dma.local [spmem:s31], $0x620  }
0x4e3: {  	_ =	swait.ge [sflag:s5], $0x620  }
0x4e4: {  	[sflag:s5] =	ssyncset.done $0x0  }
0x4e5: {  	s17 =	rddreg [dreg:$0x11];
	[sflag:s5] =	ssyncadd.s32 $0xFFFFF9E0  }
0x4e6: {  	[hbm:s17], [sflag:s13] =	dma.local [spmem:s18], $0x620  }
0x4e7: {  	_ =	swait.ge [sflag:s5], $0x620  }
0x4e8: {  	[sflag:s5] =	ssyncset.done $0x0  }
0x4e9: {  	s20 =	rddreg [dreg:$0x12];
	[sflag:s5] =	ssyncadd.s32 $0xFFFFF9E0  }
0x4ea: {  	[hbm:s20], [sflag:s13] =	dma.local [spmem:s23], $0x620  }
0x4eb: {  	_ =	swait.ge [sflag:s5], $0x620  }
0x4ec: {  	[sflag:s5] =	ssyncset.done $0x0  }
0x4ed: {  	s26 =	rddreg [dreg:$0x13];
	[sflag:s5] =	ssyncadd.s32 $0xFFFFF9E0  }
0x4ee: {  	[hbm:s26], [sflag:s13] =	dma.local [spmem:s0], $0x620  }
0x4ef: {  	_ =	swait.ge [sflag:s5], $0x620  }
0x4f0: {  	[sflag:s5] =	ssyncset.done $0x0  }
0x4f1: {  	s29 =	rddreg [dreg:$0x14];
	[sflag:s5] =	ssyncadd.s32 $0xFFFFF9E0  }
0x4f2: {  	[hbm:s29], [sflag:s13] =	dma.local [spmem:s24], $0x620  }
0x4f3: {  	_ =	swait.ge [sflag:s5], $0x620  }
0x4f4: {  	[sflag:s5] =	ssyncset.done $0x0  }
0x4f5: {  	s30 =	rddreg [dreg:$0x15];
	[sflag:s5] =	ssyncadd.s32 $0xFFFFF9E0  }
0x4f6: {  	[hbm:s30], [sflag:s13] =	dma.local [spmem:s25], $0x620  }
0x4f7: {  	_ =	swait.ge [sflag:s5], $0x620  }
0x4f8: {  	s12 =	sadd.s32 $0x1, s12;
	s31 =	rddreg [dreg:$0x16]  }
0x4f9: {  	p0 =	sne.s32 s12, s31  }
.Ltmp3:
0x4fa: {  	_ = 	snop;
	(pc) =	sbr.rel @p0 .LBB2_1-.Ltmp3, $4  }
0x4fb: {  	[sflag:s5] =	ssyncset.done $0x0  }
0x4fc: {  	[sflag:s5] =	ssyncadd.s32 $0xFFFFF9E0  }
0x4fd: {  	[bflag:$0x0] =	sbarrier.arrive $0xFFFF  }
0x4fe: {  	s28 =	rddreg [dreg:$0x1b]  }
0x4ff: {  	_ =	sfence.sel $0x180000  }
0x500: {  	[bflag:$0x0] =	sbarrier.arrive $0xFFFF  }
0x501: {  	_ =	strace $0x90000047  }
0x502: {  	s0 =	stileid.u32;
	[bflag:$0x2] =	sbarrier.arrive $0xFFFF  }
0x503: {  	p0 =	sne.s32 s0, $0x0;
	s0 =	rddreg [dreg:$0x5]  }
0x504: {  	s0 =	sadd.s32 @!p0 $0x100000, s0  }
0x505: {  	[sflag:s0] =	ssyncadd.tile.s32 @!p0 $0x1;
	_ =	shalt  }
.Lfunc_end2:
_tile_overlayer_lowered:
.L_overlay_start_2:
0x506: {  	(tag) =	ssettag $0x2  }
0x507: {  	s0 =	rddreg [dreg:$0x0];
	s2 =	stileid.u32  }
0x508: {  	s1 =	rddreg [dreg:$0x1];
	p0 =	sne.s32 s2, $0x0  }
0x509: {  	s3 =	rddreg [dreg:$0x2];
	[bflag:$0x3] =	sbarrier.arrive $0xFFFF;
	s2 =	simm.s32 @!p0 $0x1C02  }
0x50a: {  	[timem:s3], [sflag:s2] =	dma.local @!p0 [hbm:s0], s1  }
0x50b: {  	s0 =	simm.s32 @!p0 $0x2  }
0x50c: {  	_ =	swait.ge @!p0 [sflag:s0], s1  }
0x50d: {  	s1 =	ssub.s32 @!p0 $0x0, s1;
	[sflag:s0] =	ssyncset.done @!p0 $0x0  }
0x50e: {  	[sflag:s0] =	ssyncadd.s32 @!p0 s1  }
0x50f: {  	[bflag:$0x3] =	sbarrier.arrive $0xFFFF  }
0x510: {  	_ =	shalt  }

</sc_bundles>
